<compile_context>
chip_gen: v7x
topology: tpu7x:2x2x1
jax: 0.10.2.dev20260603
libtpu: 0.0.44.dev20260713+nightly
codegen_flags: <defaults>
</compile_context>

<pallas_src>
import functools

import jax
import jax.numpy as jnp
from jax import lax
from jax.experimental import pallas as pl
from jax.experimental.pallas import tpu as pltpu
from jax.experimental.pallas import tpu_sc as plsc

N = 10000
E = 320000
NWORK = 32
EPW = E // NWORK
EB = 128
NB = EPW // EB
TAIL = EPW - NB * EB
DC = 128
RQ = 624
EX = N - 16 * RQ
ZR = 208

_f32 = jnp.float32


def _mesh():
    return plsc.VectorSubcoreMesh(core_axis_name="c", subcore_axis_name="s")


def _make_agg(nc):
    @functools.partial(
        pl.kernel,
        out_type=jax.ShapeDtypeStruct((2, nc, N, DC), _f32),
        mesh=_mesh(),
        scratch_types=[
            pltpu.VMEM((EB,), jnp.int32),
            pltpu.VMEM((EB,), jnp.int32),
            pltpu.VMEM((EB, DC), _f32),
            pltpu.VMEM((TAIL,), jnp.int32),
            pltpu.VMEM((TAIL,), jnp.int32),
            pltpu.VMEM((TAIL, DC), _f32),
            pltpu.VMEM((ZR, DC), _f32),
            pltpu.VMEM_SHARED((N, DC), _f32),
            pltpu.SemaphoreType.DMA,
        ],
    )
    def agg(*refs):
        tables = refs[:nc]
        src_hbm, dst_hbm, out_hbm = refs[nc], refs[nc + 1], refs[nc + 2]
        (src_v, dst_v, rows_v, src_t, dst_t, rows_t, zb, acc, sem) = refs[nc + 3:]
        cid = lax.axis_index("c")
        sid = lax.axis_index("s")
        wid = cid * 16 + sid
        ebase = wid * EPW
        zeros = jnp.zeros((16,), _f32)

        def zrow(i, _):
            def zcol(j, __):
                zb[i, pl.ds(j * 16, 16)] = zeros
                return 0

            return lax.fori_loop(0, DC // 16, zcol, 0)

        lax.fori_loop(0, ZR, zrow, 0)

        for c in range(nc):
            tab = tables[c]

            for r in range(RQ // ZR):
                pltpu.sync_copy(zb, acc.at[pl.ds(sid * RQ + r * ZR, ZR), :])

            @pl.when(sid == 15)
            def _():
                pltpu.sync_copy(zb.at[pl.ds(0, EX), :],
                                acc.at[pl.ds(16 * RQ, EX), :])

            plsc.subcore_barrier()

            def blk(b, _):
                e0 = ebase + b * EB
                pltpu.sync_copy(src_hbm.at[pl.ds(e0, EB)], src_v)
                pltpu.sync_copy(dst_hbm.at[pl.ds(e0, EB)], dst_v)
                pltpu.async_copy(tab.at[src_v], rows_v, sem).wait()
                pltpu.sync_copy(rows_v, acc.at[dst_v], add=True)
                return 0

            lax.fori_loop(0, NB, blk, 0)
            e0 = ebase + NB * EB
            pltpu.sync_copy(src_hbm.at[pl.ds(e0, TAIL)], src_t)
            pltpu.sync_copy(dst_hbm.at[pl.ds(e0, TAIL)], dst_t)
            pltpu.async_copy(tab.at[src_t], rows_t, sem).wait()
            pltpu.sync_copy(rows_t, acc.at[dst_t], add=True)
            plsc.subcore_barrier()
            pltpu.sync_copy(
                acc.at[pl.ds(sid * RQ, RQ), :],
                out_hbm.at[cid, c, pl.ds(sid * RQ, RQ), :],
            )

            @pl.when(sid == 15)
            def _():
                pltpu.sync_copy(acc.at[pl.ds(16 * RQ, EX), :],
                                out_hbm.at[cid, c, pl.ds(16 * RQ, EX), :])

    return agg


BN = 1000


def _relu(x):
    return jnp.maximum(x, 0.0)


def _leaky(x):
    return jnp.where(x >= 0.0, x, 0.1 * x)


def _mm(h, w):
    return lax.dot_general(h, w, (((1,), (1,)), ((), ())),
                           preferred_element_type=_f32)


def _pad_tables(z, bn):
    d = z.shape[1]
    out = []
    for c0 in range(0, d, DC):
        w = min(DC, d - c0)
        t = z[:, c0:c0 + w]
        if w < DC:
            t = jnp.concatenate([t, jnp.zeros((bn, DC - w), _f32)], axis=1)
        out.append(t)
    return out


def _premm_ones_op(h, w):
    din = h.shape[1]
    dout = w.shape[0]

    def body(h_ref, w_ref, o_ref):
        z = _mm(h_ref[...], w_ref[...])
        o_ref[...] = jnp.concatenate(
            [z, jnp.ones((BN, DC - dout), _f32)], axis=1)

    return pl.pallas_call(
        body,
        grid=(N // BN,),
        in_specs=[
            pl.BlockSpec((BN, din), lambda i: (i, 0)),
            pl.BlockSpec((dout, din), lambda i: (0, 0)),
        ],
        out_specs=pl.BlockSpec((BN, DC), lambda i: (i, 0)),
        out_shape=jax.ShapeDtypeStruct((N, DC), _f32),
    )(h, w)


def _invdeg_op(P1):
    def body(p_ref, o_ref):
        s = p_ref[0, 0, :, 64] + p_ref[1, 0, :, 64]
        o_ref[...] = (1.0 / jnp.maximum(s, 1.0))[:, None]

    return pl.pallas_call(
        body,
        grid=(N // BN,),
        in_specs=[pl.BlockSpec((2, 1, BN, DC), lambda i: (0, 0, i, 0))],
        out_specs=pl.BlockSpec((BN, 1), lambda i: (i, 0)),
        out_shape=jax.ShapeDtypeStruct((N, 1), _f32),
    )(P1)


def _combine_op(P, invdeg, h, act, *, d_agg, pre, bl, Wr, Wl=None, emits=()):
    _, nc_in, _, _ = P.shape
    din = h.shape[1]
    dout = Wr.shape[0]
    widths = [min(DC, d_agg - c * DC) for c in range(nc_in)]

    def body(p_ref, iv_ref, h_ref, bl_ref, wr_ref, *rest):
        refs = list(rest)
        wl_ref = None if pre else refs.pop(0)
        emit_w = [refs.pop(0) for e in emits if e[0] == "mm"]
        o_refs = refs
        iv = iv_ref[...]
        hv = h_ref[...]
        acc = _mm(hv, wr_ref[...]) + bl_ref[...]
        if pre:
            cols = []
            for c in range(nc_in):
                mc = (p_ref[0, c, :, :widths[c]]
                      + p_ref[1, c, :, :widths[c]]) * iv
                cols.append(acc[:, c * DC:c * DC + widths[c]] + mc)
            acc = jnp.concatenate(cols, axis=1) if nc_in > 1 else cols[0]
        else:
            wl = wl_ref[...]
            for c in range(nc_in):
                mc = (p_ref[0, c, :, :widths[c]]
                      + p_ref[1, c, :, :widths[c]]) * iv
                acc = acc + _mm(mc, wl[:, c * DC:c * DC + widths[c]])
        out = act(acc)
        o_refs[0][...] = out
        oi = 1
        wi = 0
        for e in emits:
            if e[0] == "mm":
                z = _mm(out, emit_w[wi][...])
                wi += 1
            else:
                z = out
            for t in _pad_tables(z, BN):
                o_refs[oi][...] = t
                oi += 1

    in_specs = [
        pl.BlockSpec((2, nc_in, BN, DC), lambda i: (0, 0, i, 0)),
        pl.BlockSpec((BN, 1), lambda i: (i, 0)),
        pl.BlockSpec((BN, din), lambda i: (i, 0)),
        pl.BlockSpec((1, dout), lambda i: (0, 0)),
        pl.BlockSpec((dout, din), lambda i: (0, 0)),
    ]
    args = [P, invdeg, h, bl.reshape(1, dout), Wr]
    if not pre:
        in_specs.append(pl.BlockSpec(Wl.shape, lambda i: (0, 0)))
        args.append(Wl)
    out_specs = [pl.BlockSpec((BN, dout), lambda i: (i, 0))]
    out_shape = [jax.ShapeDtypeStruct((N, dout), _f32)]
    for e in emits:
        if e[0] == "mm":
            W = e[1]
            in_specs.append(pl.BlockSpec(W.shape, lambda i: (0, 0)))
            args.append(W)
            ncols = W.shape[0]
        else:
            ncols = dout
        ntab = -(-ncols // DC)
        out_specs += [pl.BlockSpec((BN, DC), lambda i: (i, 0))] * ntab
        out_shape += [jax.ShapeDtypeStruct((N, DC), _f32)] * ntab

    return pl.pallas_call(
        body,
        grid=(N // BN,),
        in_specs=in_specs,
        out_specs=out_specs,
        out_shape=out_shape,
    )(*args)


def _final_op(hf, wn, bn_):
    K = hf.shape[1]
    KB = K // 8

    def body(h_ref, w_ref, b_ref, o_ref):
        k = pl.program_id(0)

        @pl.when(k == 0)
        def _():
            o_ref[...] = jnp.broadcast_to(b_ref[...], o_ref.shape)

        o_ref[...] += _mm(h_ref[...], w_ref[...])

        @pl.when(k == 7)
        def _():
            o_ref[...] = _relu(o_ref[...])

    return pl.pallas_call(
        body,
        grid=(8,),
        in_specs=[
            pl.BlockSpec((100, KB), lambda k: (0, k)),
            pl.BlockSpec((100, KB), lambda k: (0, k)),
            pl.BlockSpec((1, 100), lambda k: (0, 0)),
        ],
        out_specs=pl.BlockSpec((100, 100), lambda k: (0, 0)),
        out_shape=jax.ShapeDtypeStruct((100, 100), _f32),
    )(hf, wn, bn_.reshape(1, 100))


_agg1 = _make_agg(1)
_agg2 = _make_agg(2)
_agg4 = _make_agg(4)


@jax.jit
def kernel(x, edge_index, W1l, b1l, W1r, W2l, b2l, W2r, W3l, b3l, W3r,
           W4l, b4l, W4r, W5l, b5l, W5r, W6l, b6l, W6r, Wn, bn):
    src = edge_index[0]
    dst = edge_index[1]

    z1 = _premm_ones_op(x, W1l)
    P1 = _agg1(z1, src, dst)
    invdeg = _invdeg_op(P1)
    h1, z2 = _combine_op(P1, invdeg, x, _relu, d_agg=64, pre=True, bl=b1l,
                         Wr=W1r, emits=(("mm", W2l),))

    P2 = _agg1(z2, src, dst)
    h2, h2t = _combine_op(P2, invdeg, h1, _leaky, d_agg=64, pre=True,
                          bl=b2l, Wr=W2r, emits=(("copy",),))

    P3 = _agg1(h2t, src, dst)
    h3, z4a, z4b = _combine_op(P3, invdeg, h2, _relu, d_agg=64, pre=False,
                               bl=b3l, Wr=W3r, Wl=W3l, emits=(("mm", W4l),))

    P4 = _agg2(z4a, z4b, src, dst)
    h4, h4a, h4b = _combine_op(P4, invdeg, h3, _leaky, d_agg=256, pre=True,
                               bl=b4l, Wr=W4r, emits=(("copy",),))

    P5 = _agg2(h4a, h4b, src, dst)
    h5, z6a, z6b, z6c, z6d = _combine_op(
        P5, invdeg, h4, _relu, d_agg=256, pre=False, bl=b5l, Wr=W5r, Wl=W5l,
        emits=(("mm", W6l),))

    P6 = _agg4(z6a, z6b, z6c, z6d, src, dst)
    h6 = _combine_op(P6, invdeg, h5, _leaky, d_agg=512, pre=True, bl=b6l,
                     Wr=W6r)[0]

    hf = h6.reshape(100, 512 * 100)
    return _final_op(hf, Wn, bn)

# --- scband reference (transcript-rebuilt; emitter-appended) ---
"""Pipeline reference for scband-sage-10892037063085 (READ-ONLY COPY).

The authoritative reference and input builder live on the scoring server;
editing this copy changes nothing except your own understanding.
"""

import jax, jax.numpy as jnp
import numpy as np

N = 10000
E = 320000

def _sage_conv(x, src, dst, Wl, bl, Wr):
    # PyG SAGEConv (aggr='mean', root_weight=True, normalize=False):
    # out = lin_l(mean_{j in N(i)} x_j) + lin_r(x_i); lin_l has bias, lin_r has no bias
    msgs = jnp.take(x, src, axis=0)
    agg = jax.ops.segment_sum(msgs, dst, num_segments=N)
    cnt = jax.ops.segment_sum(jnp.ones((msgs.shape[0],), dtype=x.dtype), dst, num_segments=N)
    mean = agg / jnp.maximum(cnt, 1.0)[:, None]
    return mean @ Wl.T + bl + x @ Wr.T

def setup_inputs(seed: int = 0):
    key = jax.random.key(seed)
    ks = jax.random.split(key, 24)
    inp = {}
    inp["x"] = jax.random.normal(ks[0], (N, 128), dtype=jnp.float32)
    inp["edge_index"] = jax.random.randint(ks[1], (2, E), 0, N, dtype=jnp.int32)
    # GraphSAGE stacks: sg: 128->64->64 ; sg1: 64->256->256 ; sg2: 256->512->512
    dims = [(128, 64), (64, 64), (64, 256), (256, 256), (256, 512), (512, 512)]
    for i, (din, dout) in enumerate(dims):
        s = 1.0 / np.sqrt(din)
        inp[f"W{i+1}l"] = jax.random.uniform(ks[2 + 3 * i], (dout, din), jnp.float32, -s, s)
        inp[f"b{i+1}l"] = jax.random.uniform(ks[3 + 3 * i], (dout,), jnp.float32, -s, s)
        inp[f"W{i+1}r"] = jax.random.uniform(ks[4 + 3 * i], (dout, din), jnp.float32, -s, s)
    s = 1.0 / np.sqrt(512 * 100)
    inp["Wn"] = jax.random.uniform(ks[20], (100, 512 * 100), jnp.float32, -s, s)
    inp["bn"] = jax.random.uniform(ks[21], (100,), jnp.float32, -s, s)
    return inp

def reference(x, edge_index, W1l, b1l, W1r, W2l, b2l, W2r, W3l, b3l, W3r, W4l, b4l, W4r, W5l, b5l, W5r, W6l, b6l, W6r, Wn, bn):
    src = edge_index[0]
    dst = edge_index[1]
    # sg = GraphSAGE(128, 64, 2): conv -> relu -> conv (no act after last layer)
    h = _sage_conv(x, src, dst, W1l, b1l, W1r)
    h = jax.nn.relu(h)
    h = _sage_conv(h, src, dst, W2l, b2l, W2r)
    h = jax.nn.leaky_relu(h, 0.1)
    # sg1 = GraphSAGE(64, 256, 2)
    h = _sage_conv(h, src, dst, W3l, b3l, W3r)
    h = jax.nn.relu(h)
    h = _sage_conv(h, src, dst, W4l, b4l, W4r)
    h = jax.nn.leaky_relu(h, 0.1)
    # sg2 = GraphSAGE(256, 512, 2)
    h = _sage_conv(h, src, dst, W5l, b5l, W5r)
    h = jax.nn.relu(h)
    h = _sage_conv(h, src, dst, W6l, b6l, W6r)
    h = jax.nn.leaky_relu(h, 0.1)
    h = h.reshape(-1, 512 * 100)
    out = jax.nn.relu(h @ Wn.T + bn)
    return out

if __name__ == "__main__":
    import jax
    _d = setup_inputs()
    print(jax.jit(kernel)(*tuple(_d.values())))

</pallas_src>

<mosaic_0001>
#map = affine_map<(d0, d1) -> (0, 0)>
#map1 = affine_map<(d0, d1) -> (0)>
#map2 = affine_map<(d0, d1) -> (0, 0, 0, 0)>
module attributes {stable_mosaic.version = 14 : i64} {
  func.func @agg(%arg0: i32, %arg1: i32, %arg2: memref<10000x128xf32, #tpu.memory_space<hbm>>, %arg3: memref<10000x128xf32, #tpu.memory_space<hbm>>, %arg4: memref<320000xi32, #tpu.memory_space<hbm>>, %arg5: memref<320000xi32, #tpu.memory_space<hbm>>, %arg6: memref<2x2x10000x128xf32, #tpu.memory_space<hbm>>, %arg7: memref<128xi32, #tpu.memory_space<vmem>>, %arg8: memref<128xi32, #tpu.memory_space<vmem>>, %arg9: memref<128x128xf32, #tpu.memory_space<vmem>>, %arg10: memref<16xi32, #tpu.memory_space<vmem>>, %arg11: memref<16xi32, #tpu.memory_space<vmem>>, %arg12: memref<16x128xf32, #tpu.memory_space<vmem>>, %arg13: memref<208x128xf32, #tpu.memory_space<vmem>>, %arg14: memref<10000x128xf32, #tpu.memory_space<vmem_shared>>, %arg15: memref<!tpu.dma_semaphore, #tpu.memory_space<semaphore_mem>>) attributes {dimension_semantics = [#tpu.dimension_semantics<core_parallel>, #tpu.dimension_semantics<subcore_parallel>], iteration_bounds = array<i64: 2, 16>, scalar_prefetch = 0 : i64, scratch_operands = 9 : i64, tpu.core_type = #tpu.core_type<sc_vector_subcore>, window_params = [{transform_indices = #map}, {transform_indices = #map}, {transform_indices = #map1}, {transform_indices = #map1}, {transform_indices = #map2}]} {
    %mul3A = arith.constant 16 : i32
    %mul3A_0 = arith.muli %arg0, %mul3A : i32
    %add3A = arith.addi %mul3A_0, %arg1 : i32
    %mul3A_1 = arith.constant 10000 : i32
    %mul3A_2 = arith.muli %add3A, %mul3A_1 : i32
    %broadcast_in_dim3A = arith.constant 0.000000e+00 : f32
    %broadcast_in_dim3A_3 = vector.broadcast %broadcast_in_dim3A : f32 to vector<16xf32>
    %scan3A = arith.constant 0 : i32
    %scan3A_4 = arith.constant 0 : i32
    %scan3A_5 = arith.constant 208 : i32
    %scan3A_6 = arith.addi %scan3A_4, %scan3A_5 : i32
    %scan3A_7 = arith.constant 1 : i32
    %scan3A_8 = scf.for %scan3A_91 = %scan3A_4 to %scan3A_6 step %scan3A_7 iter_args(%scan3A_92 = %scan3A) -> (i32)  : i32 {
      %scan3A_93 = arith.constant 0 : i32
      %scan3A_94 = arith.constant 0 : i32
      %scan3A_95 = arith.constant 8 : i32
      %scan3A_96 = arith.addi %scan3A_94, %scan3A_95 : i32
      %scan3A_97 = arith.constant 1 : i32
      %scan3A_98 = scf.for %scan3A_100 = %scan3A_94 to %scan3A_96 step %scan3A_97 iter_args(%scan3A_101 = %scan3A_93) -> (i32)  : i32 {
        %mul3A_102 = arith.constant 16 : i32
        %mul3A_103 = arith.muli %scan3A_100, %mul3A_102 : i32
        %swap3A = arith.index_cast %scan3A_91 : i32 to index
        %swap3A_104 = arith.index_cast %mul3A_103 : i32 to index
        %swap3A_105 = tpu.vector_load %arg13[%swap3A, %swap3A_104] {strides = array<i32>} : memref<208x128xf32, #tpu.memory_space<vmem>>, vector<1x16xf32>,
        %swap3A_106 = vector.shape_cast %swap3A_105 : vector<1x16xf32> to vector<16xf32>
        %swap3A_107 = vector.shape_cast %broadcast_in_dim3A_3 : vector<16xf32> to vector<1x16xf32>
        tpu.vector_store %arg13[%swap3A, %swap3A_104], %swap3A_107 {strides = array<i32>} : memref<208x128xf32, #tpu.memory_space<vmem>>, vector<1x16xf32>,
        %scan3A_108 = arith.constant 0 : i32
        scf.yield %scan3A_108 : i32
      }
      %scan3A_99 = arith.constant 8 : i32
      scf.yield %scan3A_98 : i32
    }
    %scan3A_9 = arith.constant 208 : i32
    %mul3A_10 = arith.constant 624 : i32
    %mul3A_11 = arith.muli %arg1, %mul3A_10 : i32
    %add3A_12 = arith.constant 0 : i32
    %add3A_13 = arith.addi %mul3A_11, %add3A_12 : i32
    "tpu.region"() ({
      %run_scoped3A_91 = tpu.sem_alloc : memref<!tpu.dma_semaphore, #tpu.memory_space<semaphore_mem>>
      %dma_start3A_92 = arith.constant 0 : i32
      %dma_start3A_93 = tpu.memref_slice %arg14[%add3A_13, %dma_start3A_92] : memref<10000x128xf32, #tpu.memory_space<vmem_shared>> -> memref<208x128xf32, #tpu.memory_space<vmem_shared>>
      %dma_start3A_94 = arith.constant 0 : i32
      %dma_start3A_95 = tpu.memref_slice %arg14[%add3A_13, %dma_start3A_94] : memref<10000x128xf32, #tpu.memory_space<vmem_shared>> -> memref<208x128xf32, #tpu.memory_space<vmem_shared>>
      tpu.enqueue_dma source(%arg13 : memref<208x128xf32, #tpu.memory_space<vmem>>) target(%dma_start3A_95 : memref<208x128xf32, #tpu.memory_space<vmem_shared>>) target_semaphore(%run_scoped3A_91 : memref<!tpu.dma_semaphore, #tpu.memory_space<semaphore_mem>>)
      %dma_wait3A_96 = arith.constant 0 : i32
      %dma_wait3A_97 = tpu.memref_slice %arg14[%add3A_13, %dma_wait3A_96] : memref<10000x128xf32, #tpu.memory_space<vmem_shared>> -> memref<208x128xf32, #tpu.memory_space<vmem_shared>>
      %dma_wait3A_98 = arith.constant 0 : i32
      %dma_wait3A_99 = tpu.memref_slice %arg14[%add3A_13, %dma_wait3A_98] : memref<10000x128xf32, #tpu.memory_space<vmem_shared>> -> memref<208x128xf32, #tpu.memory_space<vmem_shared>>
      tpu.wait_dma2 semaphore(%run_scoped3A_91 : memref<!tpu.dma_semaphore, #tpu.memory_space<semaphore_mem>>) src(%arg13 : memref<208x128xf32, #tpu.memory_space<vmem>>) dst(%dma_wait3A_99 : memref<208x128xf32, #tpu.memory_space<vmem_shared>>)
      tpu.yield
    }) : () -> ()
    %mul3A_14 = arith.constant 624 : i32
    %mul3A_15 = arith.muli %arg1, %mul3A_14 : i32
    %add3A_16 = arith.constant 208 : i32
    %add3A_17 = arith.addi %mul3A_15, %add3A_16 : i32
    "tpu.region"() ({
      %run_scoped3A_91 = tpu.sem_alloc : memref<!tpu.dma_semaphore, #tpu.memory_space<semaphore_mem>>
      %dma_start3A_92 = arith.constant 0 : i32
      %dma_start3A_93 = tpu.memref_slice %arg14[%add3A_17, %dma_start3A_92] : memref<10000x128xf32, #tpu.memory_space<vmem_shared>> -> memref<208x128xf32, #tpu.memory_space<vmem_shared>>
      %dma_start3A_94 = arith.constant 0 : i32
      %dma_start3A_95 = tpu.memref_slice %arg14[%add3A_17, %dma_start3A_94] : memref<10000x128xf32, #tpu.memory_space<vmem_shared>> -> memref<208x128xf32, #tpu.memory_space<vmem_shared>>
      tpu.enqueue_dma source(%arg13 : memref<208x128xf32, #tpu.memory_space<vmem>>) target(%dma_start3A_95 : memref<208x128xf32, #tpu.memory_space<vmem_shared>>) target_semaphore(%run_scoped3A_91 : memref<!tpu.dma_semaphore, #tpu.memory_space<semaphore_mem>>)
      %dma_wait3A_96 = arith.constant 0 : i32
      %dma_wait3A_97 = tpu.memref_slice %arg14[%add3A_17, %dma_wait3A_96] : memref<10000x128xf32, #tpu.memory_space<vmem_shared>> -> memref<208x128xf32, #tpu.memory_space<vmem_shared>>
      %dma_wait3A_98 = arith.constant 0 : i32
      %dma_wait3A_99 = tpu.memref_slice %arg14[%add3A_17, %dma_wait3A_98] : memref<10000x128xf32, #tpu.memory_space<vmem_shared>> -> memref<208x128xf32, #tpu.memory_space<vmem_shared>>
      tpu.wait_dma2 semaphore(%run_scoped3A_91 : memref<!tpu.dma_semaphore, #tpu.memory_space<semaphore_mem>>) src(%arg13 : memref<208x128xf32, #tpu.memory_space<vmem>>) dst(%dma_wait3A_99 : memref<208x128xf32, #tpu.memory_space<vmem_shared>>)
      tpu.yield
    }) : () -> ()
    %mul3A_18 = arith.constant 624 : i32
    %mul3A_19 = arith.muli %arg1, %mul3A_18 : i32
    %add3A_20 = arith.constant 416 : i32
    %add3A_21 = arith.addi %mul3A_19, %add3A_20 : i32
    "tpu.region"() ({
      %run_scoped3A_91 = tpu.sem_alloc : memref<!tpu.dma_semaphore, #tpu.memory_space<semaphore_mem>>
      %dma_start3A_92 = arith.constant 0 : i32
      %dma_start3A_93 = tpu.memref_slice %arg14[%add3A_21, %dma_start3A_92] : memref<10000x128xf32, #tpu.memory_space<vmem_shared>> -> memref<208x128xf32, #tpu.memory_space<vmem_shared>>
      %dma_start3A_94 = arith.constant 0 : i32
      %dma_start3A_95 = tpu.memref_slice %arg14[%add3A_21, %dma_start3A_94] : memref<10000x128xf32, #tpu.memory_space<vmem_shared>> -> memref<208x128xf32, #tpu.memory_space<vmem_shared>>
      tpu.enqueue_dma source(%arg13 : memref<208x128xf32, #tpu.memory_space<vmem>>) target(%dma_start3A_95 : memref<208x128xf32, #tpu.memory_space<vmem_shared>>) target_semaphore(%run_scoped3A_91 : memref<!tpu.dma_semaphore, #tpu.memory_space<semaphore_mem>>)
      %dma_wait3A_96 = arith.constant 0 : i32
      %dma_wait3A_97 = tpu.memref_slice %arg14[%add3A_21, %dma_wait3A_96] : memref<10000x128xf32, #tpu.memory_space<vmem_shared>> -> memref<208x128xf32, #tpu.memory_space<vmem_shared>>
      %dma_wait3A_98 = arith.constant 0 : i32
      %dma_wait3A_99 = tpu.memref_slice %arg14[%add3A_21, %dma_wait3A_98] : memref<10000x128xf32, #tpu.memory_space<vmem_shared>> -> memref<208x128xf32, #tpu.memory_space<vmem_shared>>
      tpu.wait_dma2 semaphore(%run_scoped3A_91 : memref<!tpu.dma_semaphore, #tpu.memory_space<semaphore_mem>>) src(%arg13 : memref<208x128xf32, #tpu.memory_space<vmem>>) dst(%dma_wait3A_99 : memref<208x128xf32, #tpu.memory_space<vmem_shared>>)
      tpu.yield
    }) : () -> ()
    %eq3A = arith.constant 15 : i32
    %eq3A_22 = arith.cmpi eq, %arg1, %eq3A : i32
    %convert_element_type3A = arith.extui %eq3A_22 : i1 to i32
    %cond3A = arith.constant 0 : i32
    %cond3A_23 = arith.cmpi ne, %convert_element_type3A, %cond3A : i32
    scf.if %cond3A_23 {
      "tpu.region"() ({
        %run_scoped3A_91 = tpu.sem_alloc : memref<!tpu.dma_semaphore, #tpu.memory_space<semaphore_mem>>
        %dma_start3A_92 = arith.constant 0 : i32
        %dma_start3A_93 = arith.constant 0 : i32
        %dma_start3A_94 = tpu.memref_slice %arg13[%dma_start3A_92, %dma_start3A_93] : memref<208x128xf32, #tpu.memory_space<vmem>> -> memref<16x128xf32, #tpu.memory_space<vmem>>
        %dma_start3A_95 = arith.constant 9984 : i32
        %dma_start3A_96 = arith.constant 0 : i32
        %dma_start3A_97 = tpu.memref_slice %arg14[%dma_start3A_95, %dma_start3A_96] : memref<10000x128xf32, #tpu.memory_space<vmem_shared>> -> memref<16x128xf32, #tpu.memory_space<vmem_shared>>
        %dma_start3A_98 = arith.constant 9984 : i32
        %dma_start3A_99 = arith.constant 0 : i32
        %dma_start3A_100 = tpu.memref_slice %arg14[%dma_start3A_98, %dma_start3A_99] : memref<10000x128xf32, #tpu.memory_space<vmem_shared>> -> memref<16x128xf32, #tpu.memory_space<vmem_shared>>
        %dma_start3A_101 = arith.constant 0 : i32
        %dma_start3A_102 = arith.constant 0 : i32
        %dma_start3A_103 = tpu.memref_slice %arg13[%dma_start3A_101, %dma_start3A_102] : memref<208x128xf32, #tpu.memory_space<vmem>> -> memref<16x128xf32, #tpu.memory_space<vmem>>
        tpu.enqueue_dma source(%dma_start3A_103 : memref<16x128xf32, #tpu.memory_space<vmem>>) target(%dma_start3A_100 : memref<16x128xf32, #tpu.memory_space<vmem_shared>>) target_semaphore(%run_scoped3A_91 : memref<!tpu.dma_semaphore, #tpu.memory_space<semaphore_mem>>)
        %dma_wait3A_104 = arith.constant 0 : i32
        %dma_wait3A_105 = arith.constant 0 : i32
        %dma_wait3A_106 = tpu.memref_slice %arg13[%dma_wait3A_104, %dma_wait3A_105] : memref<208x128xf32, #tpu.memory_space<vmem>> -> memref<16x128xf32, #tpu.memory_space<vmem>>
        %dma_wait3A_107 = arith.constant 9984 : i32
        %dma_wait3A_108 = arith.constant 0 : i32
        %dma_wait3A_109 = tpu.memref_slice %arg14[%dma_wait3A_107, %dma_wait3A_108] : memref<10000x128xf32, #tpu.memory_space<vmem_shared>> -> memref<16x128xf32, #tpu.memory_space<vmem_shared>>
        %dma_wait3A_110 = arith.constant 9984 : i32
        %dma_wait3A_111 = arith.constant 0 : i32
        %dma_wait3A_112 = tpu.memref_slice %arg14[%dma_wait3A_110, %dma_wait3A_111] : memref<10000x128xf32, #tpu.memory_space<vmem_shared>> -> memref<16x128xf32, #tpu.memory_space<vmem_shared>>
        %dma_wait3A_113 = arith.constant 0 : i32
        %dma_wait3A_114 = arith.constant 0 : i32
        %dma_wait3A_115 = tpu.memref_slice %arg13[%dma_wait3A_113, %dma_wait3A_114] : memref<208x128xf32, #tpu.memory_space<vmem>> -> memref<16x128xf32, #tpu.memory_space<vmem>>
        tpu.wait_dma2 semaphore(%run_scoped3A_91 : memref<!tpu.dma_semaphore, #tpu.memory_space<semaphore_mem>>) src(%dma_wait3A_115 : memref<16x128xf32, #tpu.memory_space<vmem>>) dst(%dma_wait3A_112 : memref<16x128xf32, #tpu.memory_space<vmem_shared>>)
        tpu.yield
      }) : () -> ()
    } else {
    }
    %barrier3A = arith.constant 0 : index
    tpu.barrier barrier_id(%barrier3A)
    %scan3A_24 = arith.constant 0 : i32
    %scan3A_25 = arith.constant 0 : i32
    %scan3A_26 = arith.constant 78 : i32
    %scan3A_27 = arith.addi %scan3A_25, %scan3A_26 : i32
    %scan3A_28 = arith.constant 1 : i32
    %scan3A_29 = scf.for %scan3A_91 = %scan3A_25 to %scan3A_27 step %scan3A_28 iter_args(%scan3A_92 = %scan3A_24) -> (i32)  : i32 {
      %mul3A_93 = arith.constant 128 : i32
      %mul3A_94 = arith.muli %scan3A_91, %mul3A_93 : i32
      %add3A_95 = arith.addi %mul3A_2, %mul3A_94 : i32
      "tpu.region"() ({
        %run_scoped3A_103 = tpu.sem_alloc : memref<!tpu.dma_semaphore, #tpu.memory_space<semaphore_mem>>
        %dma_start3A_104 = tpu.memref_slice %arg4[%add3A_95] : memref<320000xi32, #tpu.memory_space<hbm>> -> memref<128xi32, #tpu.memory_space<hbm>>
        %dma_start3A_105 = tpu.memref_slice %arg4[%add3A_95] : memref<320000xi32, #tpu.memory_space<hbm>> -> memref<128xi32, #tpu.memory_space<hbm>>
        tpu.enqueue_dma source(%dma_start3A_105 : memref<128xi32, #tpu.memory_space<hbm>>) target(%arg7 : memref<128xi32, #tpu.memory_space<vmem>>) target_semaphore(%run_scoped3A_103 : memref<!tpu.dma_semaphore, #tpu.memory_space<semaphore_mem>>)
        %dma_wait3A_106 = tpu.memref_slice %arg4[%add3A_95] : memref<320000xi32, #tpu.memory_space<hbm>> -> memref<128xi32, #tpu.memory_space<hbm>>
        %dma_wait3A_107 = tpu.memref_slice %arg4[%add3A_95] : memref<320000xi32, #tpu.memory_space<hbm>> -> memref<128xi32, #tpu.memory_space<hbm>>
        tpu.wait_dma2 semaphore(%run_scoped3A_103 : memref<!tpu.dma_semaphore, #tpu.memory_space<semaphore_mem>>) src(%dma_wait3A_107 : memref<128xi32, #tpu.memory_space<hbm>>) dst(%arg7 : memref<128xi32, #tpu.memory_space<vmem>>)
        tpu.yield
      }) : () -> ()
      "tpu.region"() ({
        %run_scoped3A_103 = tpu.sem_alloc : memref<!tpu.dma_semaphore, #tpu.memory_space<semaphore_mem>>
        %dma_start3A_104 = tpu.memref_slice %arg5[%add3A_95] : memref<320000xi32, #tpu.memory_space<hbm>> -> memref<128xi32, #tpu.memory_space<hbm>>
        %dma_start3A_105 = tpu.memref_slice %arg5[%add3A_95] : memref<320000xi32, #tpu.memory_space<hbm>> -> memref<128xi32, #tpu.memory_space<hbm>>
        tpu.enqueue_dma source(%dma_start3A_105 : memref<128xi32, #tpu.memory_space<hbm>>) target(%arg8 : memref<128xi32, #tpu.memory_space<vmem>>) target_semaphore(%run_scoped3A_103 : memref<!tpu.dma_semaphore, #tpu.memory_space<semaphore_mem>>)
        %dma_wait3A_106 = tpu.memref_slice %arg5[%add3A_95] : memref<320000xi32, #tpu.memory_space<hbm>> -> memref<128xi32, #tpu.memory_space<hbm>>
        %dma_wait3A_107 = tpu.memref_slice %arg5[%add3A_95] : memref<320000xi32, #tpu.memory_space<hbm>> -> memref<128xi32, #tpu.memory_space<hbm>>
        tpu.wait_dma2 semaphore(%run_scoped3A_103 : memref<!tpu.dma_semaphore, #tpu.memory_space<semaphore_mem>>) src(%dma_wait3A_107 : memref<128xi32, #tpu.memory_space<hbm>>) dst(%arg8 : memref<128xi32, #tpu.memory_space<vmem>>)
        tpu.yield
      }) : () -> ()
      %dma_start3A_96 = arith.constant 0 : i32
      %dma_start3A_97 = arith.constant 0 : i32
      %dma_start3A_98 = tpu.memref_slice %arg2[%dma_start3A_96, %dma_start3A_97] : memref<10000x128xf32, #tpu.memory_space<hbm>> -> memref<10000x128xf32, #tpu.memory_space<hbm>>
      tpu.enqueue_indirect_dma source(%dma_start3A_98 : memref<10000x128xf32, #tpu.memory_space<hbm>>) target(%arg9 : memref<128x128xf32, #tpu.memory_space<vmem>>) offsets(%arg7 : memref<128xi32, #tpu.memory_space<vmem>>) semaphore(%arg15 : memref<!tpu.dma_semaphore, #tpu.memory_space<semaphore_mem>>)
      %dma_wait3A_99 = arith.constant 0 : i32
      %dma_wait3A_100 = arith.constant 0 : i32
      %dma_wait3A_101 = tpu.memref_slice %arg2[%dma_wait3A_99, %dma_wait3A_100] : memref<10000x128xf32, #tpu.memory_space<hbm>> -> memref<10000x128xf32, #tpu.memory_space<hbm>>
      tpu.wait_indirect_dma semaphore(%arg15 : memref<!tpu.dma_semaphore, #tpu.memory_space<semaphore_mem>>) src(%dma_wait3A_101 : memref<10000x128xf32, #tpu.memory_space<hbm>>) dst(%arg9 : memref<128x128xf32, #tpu.memory_space<vmem>>)
      "tpu.region"() ({
        %run_scoped3A_103 = tpu.sem_alloc : memref<!tpu.dma_semaphore, #tpu.memory_space<semaphore_mem>>
        %dma_start3A_104 = arith.constant 0 : i32
        %dma_start3A_105 = arith.constant 0 : i32
        %dma_start3A_106 = tpu.memref_slice %arg14[%dma_start3A_104, %dma_start3A_105] : memref<10000x128xf32, #tpu.memory_space<vmem_shared>> -> memref<10000x128xf32, #tpu.memory_space<vmem_shared>>
        tpu.enqueue_indirect_dma source(%arg9 : memref<128x128xf32, #tpu.memory_space<vmem>>) target(%dma_start3A_106 : memref<10000x128xf32, #tpu.memory_space<vmem_shared>>) offsets(%arg8 : memref<128xi32, #tpu.memory_space<vmem>>) semaphore(%run_scoped3A_103 : memref<!tpu.dma_semaphore, #tpu.memory_space<semaphore_mem>>) {add = true}
        %dma_wait3A_107 = arith.constant 0 : i32
        %dma_wait3A_108 = arith.constant 0 : i32
        %dma_wait3A_109 = tpu.memref_slice %arg14[%dma_wait3A_107, %dma_wait3A_108] : memref<10000x128xf32, #tpu.memory_space<vmem_shared>> -> memref<10000x128xf32, #tpu.memory_space<vmem_shared>>
        tpu.wait_indirect_dma semaphore(%run_scoped3A_103 : memref<!tpu.dma_semaphore, #tpu.memory_space<semaphore_mem>>) src(%arg9 : memref<128x128xf32, #tpu.memory_space<vmem>>) dst(%dma_wait3A_109 : memref<10000x128xf32, #tpu.memory_space<vmem_shared>>)
        tpu.yield
      }) : () -> ()
      %scan3A_102 = arith.constant 0 : i32
      scf.yield %scan3A_102 : i32
    }
    %scan3A_30 = arith.constant 78 : i32
    %add3A_31 = arith.constant 9984 : i32
    %add3A_32 = arith.addi %mul3A_2, %add3A_31 : i32
    "tpu.region"() ({
      %run_scoped3A_91 = tpu.sem_alloc : memref<!tpu.dma_semaphore, #tpu.memory_space<semaphore_mem>>
      %dma_start3A_92 = tpu.memref_slice %arg4[%add3A_32] : memref<320000xi32, #tpu.memory_space<hbm>> -> memref<16xi32, #tpu.memory_space<hbm>>
      %dma_start3A_93 = tpu.memref_slice %arg4[%add3A_32] : memref<320000xi32, #tpu.memory_space<hbm>> -> memref<16xi32, #tpu.memory_space<hbm>>
      tpu.enqueue_dma source(%dma_start3A_93 : memref<16xi32, #tpu.memory_space<hbm>>) target(%arg10 : memref<16xi32, #tpu.memory_space<vmem>>) target_semaphore(%run_scoped3A_91 : memref<!tpu.dma_semaphore, #tpu.memory_space<semaphore_mem>>)
      %dma_wait3A_94 = tpu.memref_slice %arg4[%add3A_32] : memref<320000xi32, #tpu.memory_space<hbm>> -> memref<16xi32, #tpu.memory_space<hbm>>
      %dma_wait3A_95 = tpu.memref_slice %arg4[%add3A_32] : memref<320000xi32, #tpu.memory_space<hbm>> -> memref<16xi32, #tpu.memory_space<hbm>>
      tpu.wait_dma2 semaphore(%run_scoped3A_91 : memref<!tpu.dma_semaphore, #tpu.memory_space<semaphore_mem>>) src(%dma_wait3A_95 : memref<16xi32, #tpu.memory_space<hbm>>) dst(%arg10 : memref<16xi32, #tpu.memory_space<vmem>>)
      tpu.yield
    }) : () -> ()
    "tpu.region"() ({
      %run_scoped3A_91 = tpu.sem_alloc : memref<!tpu.dma_semaphore, #tpu.memory_space<semaphore_mem>>
      %dma_start3A_92 = tpu.memref_slice %arg5[%add3A_32] : memref<320000xi32, #tpu.memory_space<hbm>> -> memref<16xi32, #tpu.memory_space<hbm>>
      %dma_start3A_93 = tpu.memref_slice %arg5[%add3A_32] : memref<320000xi32, #tpu.memory_space<hbm>> -> memref<16xi32, #tpu.memory_space<hbm>>
      tpu.enqueue_dma source(%dma_start3A_93 : memref<16xi32, #tpu.memory_space<hbm>>) target(%arg11 : memref<16xi32, #tpu.memory_space<vmem>>) target_semaphore(%run_scoped3A_91 : memref<!tpu.dma_semaphore, #tpu.memory_space<semaphore_mem>>)
      %dma_wait3A_94 = tpu.memref_slice %arg5[%add3A_32] : memref<320000xi32, #tpu.memory_space<hbm>> -> memref<16xi32, #tpu.memory_space<hbm>>
      %dma_wait3A_95 = tpu.memref_slice %arg5[%add3A_32] : memref<320000xi32, #tpu.memory_space<hbm>> -> memref<16xi32, #tpu.memory_space<hbm>>
      tpu.wait_dma2 semaphore(%run_scoped3A_91 : memref<!tpu.dma_semaphore, #tpu.memory_space<semaphore_mem>>) src(%dma_wait3A_95 : memref<16xi32, #tpu.memory_space<hbm>>) dst(%arg11 : memref<16xi32, #tpu.memory_space<vmem>>)
      tpu.yield
    }) : () -> ()
    %dma_start3A = arith.constant 0 : i32
    %dma_start3A_33 = arith.constant 0 : i32
    %dma_start3A_34 = tpu.memref_slice %arg2[%dma_start3A, %dma_start3A_33] : memref<10000x128xf32, #tpu.memory_space<hbm>> -> memref<10000x128xf32, #tpu.memory_space<hbm>>
    tpu.enqueue_indirect_dma source(%dma_start3A_34 : memref<10000x128xf32, #tpu.memory_space<hbm>>) target(%arg12 : memref<16x128xf32, #tpu.memory_space<vmem>>) offsets(%arg10 : memref<16xi32, #tpu.memory_space<vmem>>) semaphore(%arg15 : memref<!tpu.dma_semaphore, #tpu.memory_space<semaphore_mem>>)
    %dma_wait3A = arith.constant 0 : i32
    %dma_wait3A_35 = arith.constant 0 : i32
    %dma_wait3A_36 = tpu.memref_slice %arg2[%dma_wait3A, %dma_wait3A_35] : memref<10000x128xf32, #tpu.memory_space<hbm>> -> memref<10000x128xf32, #tpu.memory_space<hbm>>
    tpu.wait_indirect_dma semaphore(%arg15 : memref<!tpu.dma_semaphore, #tpu.memory_space<semaphore_mem>>) src(%dma_wait3A_36 : memref<10000x128xf32, #tpu.memory_space<hbm>>) dst(%arg12 : memref<16x128xf32, #tpu.memory_space<vmem>>)
    "tpu.region"() ({
      %run_scoped3A_91 = tpu.sem_alloc : memref<!tpu.dma_semaphore, #tpu.memory_space<semaphore_mem>>
      %dma_start3A_92 = arith.constant 0 : i32
      %dma_start3A_93 = arith.constant 0 : i32
      %dma_start3A_94 = tpu.memref_slice %arg14[%dma_start3A_92, %dma_start3A_93] : memref<10000x128xf32, #tpu.memory_space<vmem_shared>> -> memref<10000x128xf32, #tpu.memory_space<vmem_shared>>
      tpu.enqueue_indirect_dma source(%arg12 : memref<16x128xf32, #tpu.memory_space<vmem>>) target(%dma_start3A_94 : memref<10000x128xf32, #tpu.memory_space<vmem_shared>>) offsets(%arg11 : memref<16xi32, #tpu.memory_space<vmem>>) semaphore(%run_scoped3A_91 : memref<!tpu.dma_semaphore, #tpu.memory_space<semaphore_mem>>) {add = true}
      %dma_wait3A_95 = arith.constant 0 : i32
      %dma_wait3A_96 = arith.constant 0 : i32
      %dma_wait3A_97 = tpu.memref_slice %arg14[%dma_wait3A_95, %dma_wait3A_96] : memref<10000x128xf32, #tpu.memory_space<vmem_shared>> -> memref<10000x128xf32, #tpu.memory_space<vmem_shared>>
      tpu.wait_indirect_dma semaphore(%run_scoped3A_91 : memref<!tpu.dma_semaphore, #tpu.memory_space<semaphore_mem>>) src(%arg12 : memref<16x128xf32, #tpu.memory_space<vmem>>) dst(%dma_wait3A_97 : memref<10000x128xf32, #tpu.memory_space<vmem_shared>>)
      tpu.yield
    }) : () -> ()
    %barrier3A_37 = arith.constant 0 : index
    tpu.barrier barrier_id(%barrier3A_37)
    %mul3A_38 = arith.constant 624 : i32
    %mul3A_39 = arith.muli %arg1, %mul3A_38 : i32
    %mul3A_40 = arith.constant 624 : i32
    %mul3A_41 = arith.muli %arg1, %mul3A_40 : i32
    %run_scoped3A = arith.constant 0 : i32
    "tpu.region"() ({
      %run_scoped3A_91 = tpu.sem_alloc : memref<!tpu.dma_semaphore, #tpu.memory_space<semaphore_mem>>
      %dma_start3A_92 = arith.constant 0 : i32
      %dma_start3A_93 = tpu.memref_slice %arg6[%arg0, %run_scoped3A, %mul3A_41, %dma_start3A_92] : memref<2x2x10000x128xf32, #tpu.memory_space<hbm>> -> memref<1x1x624x128xf32, #tpu.memory_space<hbm>>
      %dma_start3A_94 = tpu.memref_squeeze %dma_start3A_93 : memref<1x1x624x128xf32, #tpu.memory_space<hbm>> -> memref<624x128xf32, #tpu.memory_space<hbm>>
      %dma_start3A_95 = arith.constant 0 : i32
      %dma_start3A_96 = tpu.memref_slice %arg14[%mul3A_39, %dma_start3A_95] : memref<10000x128xf32, #tpu.memory_space<vmem_shared>> -> memref<624x128xf32, #tpu.memory_space<vmem_shared>>
      tpu.enqueue_dma source(%dma_start3A_96 : memref<624x128xf32, #tpu.memory_space<vmem_shared>>) target(%dma_start3A_94 : memref<624x128xf32, #tpu.memory_space<hbm>>) target_semaphore(%run_scoped3A_91 : memref<!tpu.dma_semaphore, #tpu.memory_space<semaphore_mem>>)
      %dma_wait3A_97 = arith.constant 0 : i32
      %dma_wait3A_98 = tpu.memref_slice %arg6[%arg0, %run_scoped3A, %mul3A_41, %dma_wait3A_97] : memref<2x2x10000x128xf32, #tpu.memory_space<hbm>> -> memref<1x1x624x128xf32, #tpu.memory_space<hbm>>
      %dma_wait3A_99 = tpu.memref_squeeze %dma_wait3A_98 : memref<1x1x624x128xf32, #tpu.memory_space<hbm>> -> memref<624x128xf32, #tpu.memory_space<hbm>>
      %dma_wait3A_100 = arith.constant 0 : i32
      %dma_wait3A_101 = tpu.memref_slice %arg14[%mul3A_39, %dma_wait3A_100] : memref<10000x128xf32, #tpu.memory_space<vmem_shared>> -> memref<624x128xf32, #tpu.memory_space<vmem_shared>>
      tpu.wait_dma2 semaphore(%run_scoped3A_91 : memref<!tpu.dma_semaphore, #tpu.memory_space<semaphore_mem>>) src(%dma_wait3A_101 : memref<624x128xf32, #tpu.memory_space<vmem_shared>>) dst(%dma_wait3A_99 : memref<624x128xf32, #tpu.memory_space<hbm>>)
      tpu.yield
    }) : () -> ()
    %eq3A_42 = arith.constant 15 : i32
    %eq3A_43 = arith.cmpi eq, %arg1, %eq3A_42 : i32
    %convert_element_type3A_44 = arith.extui %eq3A_43 : i1 to i32
    %cond3A_45 = arith.constant 0 : i32
    %cond3A_46 = arith.cmpi ne, %convert_element_type3A_44, %cond3A_45 : i32
    scf.if %cond3A_46 {
      %run_scoped3A_91 = arith.constant 0 : i32
      "tpu.region"() ({
        %run_scoped3A_92 = tpu.sem_alloc : memref<!tpu.dma_semaphore, #tpu.memory_space<semaphore_mem>>
        %dma_start3A_93 = arith.constant 9984 : i32
        %dma_start3A_94 = arith.constant 0 : i32
        %dma_start3A_95 = tpu.memref_slice %arg6[%arg0, %run_scoped3A_91, %dma_start3A_93, %dma_start3A_94] : memref<2x2x10000x128xf32, #tpu.memory_space<hbm>> -> memref<1x1x16x128xf32, #tpu.memory_space<hbm>>
        %dma_start3A_96 = tpu.memref_squeeze %dma_start3A_95 : memref<1x1x16x128xf32, #tpu.memory_space<hbm>> -> memref<16x128xf32, #tpu.memory_space<hbm>>
        %dma_start3A_97 = arith.constant 9984 : i32
        %dma_start3A_98 = arith.constant 0 : i32
        %dma_start3A_99 = tpu.memref_slice %arg14[%dma_start3A_97, %dma_start3A_98] : memref<10000x128xf32, #tpu.memory_space<vmem_shared>> -> memref<16x128xf32, #tpu.memory_space<vmem_shared>>
        tpu.enqueue_dma source(%dma_start3A_99 : memref<16x128xf32, #tpu.memory_space<vmem_shared>>) target(%dma_start3A_96 : memref<16x128xf32, #tpu.memory_space<hbm>>) target_semaphore(%run_scoped3A_92 : memref<!tpu.dma_semaphore, #tpu.memory_space<semaphore_mem>>)
        %dma_wait3A_100 = arith.constant 9984 : i32
        %dma_wait3A_101 = arith.constant 0 : i32
        %dma_wait3A_102 = tpu.memref_slice %arg6[%arg0, %run_scoped3A_91, %dma_wait3A_100, %dma_wait3A_101] : memref<2x2x10000x128xf32, #tpu.memory_space<hbm>> -> memref<1x1x16x128xf32, #tpu.memory_space<hbm>>
        %dma_wait3A_103 = tpu.memref_squeeze %dma_wait3A_102 : memref<1x1x16x128xf32, #tpu.memory_space<hbm>> -> memref<16x128xf32, #tpu.memory_space<hbm>>
        %dma_wait3A_104 = arith.constant 9984 : i32
        %dma_wait3A_105 = arith.constant 0 : i32
        %dma_wait3A_106 = tpu.memref_slice %arg14[%dma_wait3A_104, %dma_wait3A_105] : memref<10000x128xf32, #tpu.memory_space<vmem_shared>> -> memref<16x128xf32, #tpu.memory_space<vmem_shared>>
        tpu.wait_dma2 semaphore(%run_scoped3A_92 : memref<!tpu.dma_semaphore, #tpu.memory_space<semaphore_mem>>) src(%dma_wait3A_106 : memref<16x128xf32, #tpu.memory_space<vmem_shared>>) dst(%dma_wait3A_103 : memref<16x128xf32, #tpu.memory_space<hbm>>)
        tpu.yield
      }) : () -> ()
    } else {
    }
    %mul3A_47 = arith.constant 624 : i32
    %mul3A_48 = arith.muli %arg1, %mul3A_47 : i32
    %add3A_49 = arith.constant 0 : i32
    %add3A_50 = arith.addi %mul3A_48, %add3A_49 : i32
    "tpu.region"() ({
      %run_scoped3A_91 = tpu.sem_alloc : memref<!tpu.dma_semaphore, #tpu.memory_space<semaphore_mem>>
      %dma_start3A_92 = arith.constant 0 : i32
      %dma_start3A_93 = tpu.memref_slice %arg14[%add3A_50, %dma_start3A_92] : memref<10000x128xf32, #tpu.memory_space<vmem_shared>> -> memref<208x128xf32, #tpu.memory_space<vmem_shared>>
      %dma_start3A_94 = arith.constant 0 : i32
      %dma_start3A_95 = tpu.memref_slice %arg14[%add3A_50, %dma_start3A_94] : memref<10000x128xf32, #tpu.memory_space<vmem_shared>> -> memref<208x128xf32, #tpu.memory_space<vmem_shared>>
      tpu.enqueue_dma source(%arg13 : memref<208x128xf32, #tpu.memory_space<vmem>>) target(%dma_start3A_95 : memref<208x128xf32, #tpu.memory_space<vmem_shared>>) target_semaphore(%run_scoped3A_91 : memref<!tpu.dma_semaphore, #tpu.memory_space<semaphore_mem>>)
      %dma_wait3A_96 = arith.constant 0 : i32
      %dma_wait3A_97 = tpu.memref_slice %arg14[%add3A_50, %dma_wait3A_96] : memref<10000x128xf32, #tpu.memory_space<vmem_shared>> -> memref<208x128xf32, #tpu.memory_space<vmem_shared>>
      %dma_wait3A_98 = arith.constant 0 : i32
      %dma_wait3A_99 = tpu.memref_slice %arg14[%add3A_50, %dma_wait3A_98] : memref<10000x128xf32, #tpu.memory_space<vmem_shared>> -> memref<208x128xf32, #tpu.memory_space<vmem_shared>>
      tpu.wait_dma2 semaphore(%run_scoped3A_91 : memref<!tpu.dma_semaphore, #tpu.memory_space<semaphore_mem>>) src(%arg13 : memref<208x128xf32, #tpu.memory_space<vmem>>) dst(%dma_wait3A_99 : memref<208x128xf32, #tpu.memory_space<vmem_shared>>)
      tpu.yield
    }) : () -> ()
    %mul3A_51 = arith.constant 624 : i32
    %mul3A_52 = arith.muli %arg1, %mul3A_51 : i32
    %add3A_53 = arith.constant 208 : i32
    %add3A_54 = arith.addi %mul3A_52, %add3A_53 : i32
    "tpu.region"() ({
      %run_scoped3A_91 = tpu.sem_alloc : memref<!tpu.dma_semaphore, #tpu.memory_space<semaphore_mem>>
      %dma_start3A_92 = arith.constant 0 : i32
      %dma_start3A_93 = tpu.memref_slice %arg14[%add3A_54, %dma_start3A_92] : memref<10000x128xf32, #tpu.memory_space<vmem_shared>> -> memref<208x128xf32, #tpu.memory_space<vmem_shared>>
      %dma_start3A_94 = arith.constant 0 : i32
      %dma_start3A_95 = tpu.memref_slice %arg14[%add3A_54, %dma_start3A_94] : memref<10000x128xf32, #tpu.memory_space<vmem_shared>> -> memref<208x128xf32, #tpu.memory_space<vmem_shared>>
      tpu.enqueue_dma source(%arg13 : memref<208x128xf32, #tpu.memory_space<vmem>>) target(%dma_start3A_95 : memref<208x128xf32, #tpu.memory_space<vmem_shared>>) target_semaphore(%run_scoped3A_91 : memref<!tpu.dma_semaphore, #tpu.memory_space<semaphore_mem>>)
      %dma_wait3A_96 = arith.constant 0 : i32
      %dma_wait3A_97 = tpu.memref_slice %arg14[%add3A_54, %dma_wait3A_96] : memref<10000x128xf32, #tpu.memory_space<vmem_shared>> -> memref<208x128xf32, #tpu.memory_space<vmem_shared>>
      %dma_wait3A_98 = arith.constant 0 : i32
      %dma_wait3A_99 = tpu.memref_slice %arg14[%add3A_54, %dma_wait3A_98] : memref<10000x128xf32, #tpu.memory_space<vmem_shared>> -> memref<208x128xf32, #tpu.memory_space<vmem_shared>>
      tpu.wait_dma2 semaphore(%run_scoped3A_91 : memref<!tpu.dma_semaphore, #tpu.memory_space<semaphore_mem>>) src(%arg13 : memref<208x128xf32, #tpu.memory_space<vmem>>) dst(%dma_wait3A_99 : memref<208x128xf32, #tpu.memory_space<vmem_shared>>)
      tpu.yield
    }) : () -> ()
    %mul3A_55 = arith.constant 624 : i32
    %mul3A_56 = arith.muli %arg1, %mul3A_55 : i32
    %add3A_57 = arith.constant 416 : i32
    %add3A_58 = arith.addi %mul3A_56, %add3A_57 : i32
    "tpu.region"() ({
      %run_scoped3A_91 = tpu.sem_alloc : memref<!tpu.dma_semaphore, #tpu.memory_space<semaphore_mem>>
      %dma_start3A_92 = arith.constant 0 : i32
      %dma_start3A_93 = tpu.memref_slice %arg14[%add3A_58, %dma_start3A_92] : memref<10000x128xf32, #tpu.memory_space<vmem_shared>> -> memref<208x128xf32, #tpu.memory_space<vmem_shared>>
      %dma_start3A_94 = arith.constant 0 : i32
      %dma_start3A_95 = tpu.memref_slice %arg14[%add3A_58, %dma_start3A_94] : memref<10000x128xf32, #tpu.memory_space<vmem_shared>> -> memref<208x128xf32, #tpu.memory_space<vmem_shared>>
      tpu.enqueue_dma source(%arg13 : memref<208x128xf32, #tpu.memory_space<vmem>>) target(%dma_start3A_95 : memref<208x128xf32, #tpu.memory_space<vmem_shared>>) target_semaphore(%run_scoped3A_91 : memref<!tpu.dma_semaphore, #tpu.memory_space<semaphore_mem>>)
      %dma_wait3A_96 = arith.constant 0 : i32
      %dma_wait3A_97 = tpu.memref_slice %arg14[%add3A_58, %dma_wait3A_96] : memref<10000x128xf32, #tpu.memory_space<vmem_shared>> -> memref<208x128xf32, #tpu.memory_space<vmem_shared>>
      %dma_wait3A_98 = arith.constant 0 : i32
      %dma_wait3A_99 = tpu.memref_slice %arg14[%add3A_58, %dma_wait3A_98] : memref<10000x128xf32, #tpu.memory_space<vmem_shared>> -> memref<208x128xf32, #tpu.memory_space<vmem_shared>>
      tpu.wait_dma2 semaphore(%run_scoped3A_91 : memref<!tpu.dma_semaphore, #tpu.memory_space<semaphore_mem>>) src(%arg13 : memref<208x128xf32, #tpu.memory_space<vmem>>) dst(%dma_wait3A_99 : memref<208x128xf32, #tpu.memory_space<vmem_shared>>)
      tpu.yield
    }) : () -> ()
    %eq3A_59 = arith.constant 15 : i32
    %eq3A_60 = arith.cmpi eq, %arg1, %eq3A_59 : i32
    %convert_element_type3A_61 = arith.extui %eq3A_60 : i1 to i32
    %cond3A_62 = arith.constant 0 : i32
    %cond3A_63 = arith.cmpi ne, %convert_element_type3A_61, %cond3A_62 : i32
    scf.if %cond3A_63 {
      "tpu.region"() ({
        %run_scoped3A_91 = tpu.sem_alloc : memref<!tpu.dma_semaphore, #tpu.memory_space<semaphore_mem>>
        %dma_start3A_92 = arith.constant 0 : i32
        %dma_start3A_93 = arith.constant 0 : i32
        %dma_start3A_94 = tpu.memref_slice %arg13[%dma_start3A_92, %dma_start3A_93] : memref<208x128xf32, #tpu.memory_space<vmem>> -> memref<16x128xf32, #tpu.memory_space<vmem>>
        %dma_start3A_95 = arith.constant 9984 : i32
        %dma_start3A_96 = arith.constant 0 : i32
        %dma_start3A_97 = tpu.memref_slice %arg14[%dma_start3A_95, %dma_start3A_96] : memref<10000x128xf32, #tpu.memory_space<vmem_shared>> -> memref<16x128xf32, #tpu.memory_space<vmem_shared>>
        %dma_start3A_98 = arith.constant 9984 : i32
        %dma_start3A_99 = arith.constant 0 : i32
        %dma_start3A_100 = tpu.memref_slice %arg14[%dma_start3A_98, %dma_start3A_99] : memref<10000x128xf32, #tpu.memory_space<vmem_shared>> -> memref<16x128xf32, #tpu.memory_space<vmem_shared>>
        %dma_start3A_101 = arith.constant 0 : i32
        %dma_start3A_102 = arith.constant 0 : i32
        %dma_start3A_103 = tpu.memref_slice %arg13[%dma_start3A_101, %dma_start3A_102] : memref<208x128xf32, #tpu.memory_space<vmem>> -> memref<16x128xf32, #tpu.memory_space<vmem>>
        tpu.enqueue_dma source(%dma_start3A_103 : memref<16x128xf32, #tpu.memory_space<vmem>>) target(%dma_start3A_100 : memref<16x128xf32, #tpu.memory_space<vmem_shared>>) target_semaphore(%run_scoped3A_91 : memref<!tpu.dma_semaphore, #tpu.memory_space<semaphore_mem>>)
        %dma_wait3A_104 = arith.constant 0 : i32
        %dma_wait3A_105 = arith.constant 0 : i32
        %dma_wait3A_106 = tpu.memref_slice %arg13[%dma_wait3A_104, %dma_wait3A_105] : memref<208x128xf32, #tpu.memory_space<vmem>> -> memref<16x128xf32, #tpu.memory_space<vmem>>
        %dma_wait3A_107 = arith.constant 9984 : i32
        %dma_wait3A_108 = arith.constant 0 : i32
        %dma_wait3A_109 = tpu.memref_slice %arg14[%dma_wait3A_107, %dma_wait3A_108] : memref<10000x128xf32, #tpu.memory_space<vmem_shared>> -> memref<16x128xf32, #tpu.memory_space<vmem_shared>>
        %dma_wait3A_110 = arith.constant 9984 : i32
        %dma_wait3A_111 = arith.constant 0 : i32
        %dma_wait3A_112 = tpu.memref_slice %arg14[%dma_wait3A_110, %dma_wait3A_111] : memref<10000x128xf32, #tpu.memory_space<vmem_shared>> -> memref<16x128xf32, #tpu.memory_space<vmem_shared>>
        %dma_wait3A_113 = arith.constant 0 : i32
        %dma_wait3A_114 = arith.constant 0 : i32
        %dma_wait3A_115 = tpu.memref_slice %arg13[%dma_wait3A_113, %dma_wait3A_114] : memref<208x128xf32, #tpu.memory_space<vmem>> -> memref<16x128xf32, #tpu.memory_space<vmem>>
        tpu.wait_dma2 semaphore(%run_scoped3A_91 : memref<!tpu.dma_semaphore, #tpu.memory_space<semaphore_mem>>) src(%dma_wait3A_115 : memref<16x128xf32, #tpu.memory_space<vmem>>) dst(%dma_wait3A_112 : memref<16x128xf32, #tpu.memory_space<vmem_shared>>)
        tpu.yield
      }) : () -> ()
    } else {
    }
    %barrier3A_64 = arith.constant 0 : index
    tpu.barrier barrier_id(%barrier3A_64)
    %scan3A_65 = arith.constant 0 : i32
    %scan3A_66 = arith.constant 0 : i32
    %scan3A_67 = arith.constant 78 : i32
    %scan3A_68 = arith.addi %scan3A_66, %scan3A_67 : i32
    %scan3A_69 = arith.constant 1 : i32
    %scan3A_70 = scf.for %scan3A_91 = %scan3A_66 to %scan3A_68 step %scan3A_69 iter_args(%scan3A_92 = %scan3A_65) -> (i32)  : i32 {
      %mul3A_93 = arith.constant 128 : i32
      %mul3A_94 = arith.muli %scan3A_91, %mul3A_93 : i32
      %add3A_95 = arith.addi %mul3A_2, %mul3A_94 : i32
      "tpu.region"() ({
        %run_scoped3A_103 = tpu.sem_alloc : memref<!tpu.dma_semaphore, #tpu.memory_space<semaphore_mem>>
        %dma_start3A_104 = tpu.memref_slice %arg4[%add3A_95] : memref<320000xi32, #tpu.memory_space<hbm>> -> memref<128xi32, #tpu.memory_space<hbm>>
        %dma_start3A_105 = tpu.memref_slice %arg4[%add3A_95] : memref<320000xi32, #tpu.memory_space<hbm>> -> memref<128xi32, #tpu.memory_space<hbm>>
        tpu.enqueue_dma source(%dma_start3A_105 : memref<128xi32, #tpu.memory_space<hbm>>) target(%arg7 : memref<128xi32, #tpu.memory_space<vmem>>) target_semaphore(%run_scoped3A_103 : memref<!tpu.dma_semaphore, #tpu.memory_space<semaphore_mem>>)
        %dma_wait3A_106 = tpu.memref_slice %arg4[%add3A_95] : memref<320000xi32, #tpu.memory_space<hbm>> -> memref<128xi32, #tpu.memory_space<hbm>>
        %dma_wait3A_107 = tpu.memref_slice %arg4[%add3A_95] : memref<320000xi32, #tpu.memory_space<hbm>> -> memref<128xi32, #tpu.memory_space<hbm>>
        tpu.wait_dma2 semaphore(%run_scoped3A_103 : memref<!tpu.dma_semaphore, #tpu.memory_space<semaphore_mem>>) src(%dma_wait3A_107 : memref<128xi32, #tpu.memory_space<hbm>>) dst(%arg7 : memref<128xi32, #tpu.memory_space<vmem>>)
        tpu.yield
      }) : () -> ()
      "tpu.region"() ({
        %run_scoped3A_103 = tpu.sem_alloc : memref<!tpu.dma_semaphore, #tpu.memory_space<semaphore_mem>>
        %dma_start3A_104 = tpu.memref_slice %arg5[%add3A_95] : memref<320000xi32, #tpu.memory_space<hbm>> -> memref<128xi32, #tpu.memory_space<hbm>>
        %dma_start3A_105 = tpu.memref_slice %arg5[%add3A_95] : memref<320000xi32, #tpu.memory_space<hbm>> -> memref<128xi32, #tpu.memory_space<hbm>>
        tpu.enqueue_dma source(%dma_start3A_105 : memref<128xi32, #tpu.memory_space<hbm>>) target(%arg8 : memref<128xi32, #tpu.memory_space<vmem>>) target_semaphore(%run_scoped3A_103 : memref<!tpu.dma_semaphore, #tpu.memory_space<semaphore_mem>>)
        %dma_wait3A_106 = tpu.memref_slice %arg5[%add3A_95] : memref<320000xi32, #tpu.memory_space<hbm>> -> memref<128xi32, #tpu.memory_space<hbm>>
        %dma_wait3A_107 = tpu.memref_slice %arg5[%add3A_95] : memref<320000xi32, #tpu.memory_space<hbm>> -> memref<128xi32, #tpu.memory_space<hbm>>
        tpu.wait_dma2 semaphore(%run_scoped3A_103 : memref<!tpu.dma_semaphore, #tpu.memory_space<semaphore_mem>>) src(%dma_wait3A_107 : memref<128xi32, #tpu.memory_space<hbm>>) dst(%arg8 : memref<128xi32, #tpu.memory_space<vmem>>)
        tpu.yield
      }) : () -> ()
      %dma_start3A_96 = arith.constant 0 : i32
      %dma_start3A_97 = arith.constant 0 : i32
      %dma_start3A_98 = tpu.memref_slice %arg3[%dma_start3A_96, %dma_start3A_97] : memref<10000x128xf32, #tpu.memory_space<hbm>> -> memref<10000x128xf32, #tpu.memory_space<hbm>>
      tpu.enqueue_indirect_dma source(%dma_start3A_98 : memref<10000x128xf32, #tpu.memory_space<hbm>>) target(%arg9 : memref<128x128xf32, #tpu.memory_space<vmem>>) offsets(%arg7 : memref<128xi32, #tpu.memory_space<vmem>>) semaphore(%arg15 : memref<!tpu.dma_semaphore, #tpu.memory_space<semaphore_mem>>)
      %dma_wait3A_99 = arith.constant 0 : i32
      %dma_wait3A_100 = arith.constant 0 : i32
      %dma_wait3A_101 = tpu.memref_slice %arg3[%dma_wait3A_99, %dma_wait3A_100] : memref<10000x128xf32, #tpu.memory_space<hbm>> -> memref<10000x128xf32, #tpu.memory_space<hbm>>
      tpu.wait_indirect_dma semaphore(%arg15 : memref<!tpu.dma_semaphore, #tpu.memory_space<semaphore_mem>>) src(%dma_wait3A_101 : memref<10000x128xf32, #tpu.memory_space<hbm>>) dst(%arg9 : memref<128x128xf32, #tpu.memory_space<vmem>>)
      "tpu.region"() ({
        %run_scoped3A_103 = tpu.sem_alloc : memref<!tpu.dma_semaphore, #tpu.memory_space<semaphore_mem>>
        %dma_start3A_104 = arith.constant 0 : i32
        %dma_start3A_105 = arith.constant 0 : i32
        %dma_start3A_106 = tpu.memref_slice %arg14[%dma_start3A_104, %dma_start3A_105] : memref<10000x128xf32, #tpu.memory_space<vmem_shared>> -> memref<10000x128xf32, #tpu.memory_space<vmem_shared>>
        tpu.enqueue_indirect_dma source(%arg9 : memref<128x128xf32, #tpu.memory_space<vmem>>) target(%dma_start3A_106 : memref<10000x128xf32, #tpu.memory_space<vmem_shared>>) offsets(%arg8 : memref<128xi32, #tpu.memory_space<vmem>>) semaphore(%run_scoped3A_103 : memref<!tpu.dma_semaphore, #tpu.memory_space<semaphore_mem>>) {add = true}
        %dma_wait3A_107 = arith.constant 0 : i32
        %dma_wait3A_108 = arith.constant 0 : i32
        %dma_wait3A_109 = tpu.memref_slice %arg14[%dma_wait3A_107, %dma_wait3A_108] : memref<10000x128xf32, #tpu.memory_space<vmem_shared>> -> memref<10000x128xf32, #tpu.memory_space<vmem_shared>>
        tpu.wait_indirect_dma semaphore(%run_scoped3A_103 : memref<!tpu.dma_semaphore, #tpu.memory_space<semaphore_mem>>) src(%arg9 : memref<128x128xf32, #tpu.memory_space<vmem>>) dst(%dma_wait3A_109 : memref<10000x128xf32, #tpu.memory_space<vmem_shared>>)
        tpu.yield
      }) : () -> ()
      %scan3A_102 = arith.constant 0 : i32
      scf.yield %scan3A_102 : i32
    }
    %scan3A_71 = arith.constant 78 : i32
    %add3A_72 = arith.constant 9984 : i32
    %add3A_73 = arith.addi %mul3A_2, %add3A_72 : i32
    "tpu.region"() ({
      %run_scoped3A_91 = tpu.sem_alloc : memref<!tpu.dma_semaphore, #tpu.memory_space<semaphore_mem>>
      %dma_start3A_92 = tpu.memref_slice %arg4[%add3A_73] : memref<320000xi32, #tpu.memory_space<hbm>> -> memref<16xi32, #tpu.memory_space<hbm>>
      %dma_start3A_93 = tpu.memref_slice %arg4[%add3A_73] : memref<320000xi32, #tpu.memory_space<hbm>> -> memref<16xi32, #tpu.memory_space<hbm>>
      tpu.enqueue_dma source(%dma_start3A_93 : memref<16xi32, #tpu.memory_space<hbm>>) target(%arg10 : memref<16xi32, #tpu.memory_space<vmem>>) target_semaphore(%run_scoped3A_91 : memref<!tpu.dma_semaphore, #tpu.memory_space<semaphore_mem>>)
      %dma_wait3A_94 = tpu.memref_slice %arg4[%add3A_73] : memref<320000xi32, #tpu.memory_space<hbm>> -> memref<16xi32, #tpu.memory_space<hbm>>
      %dma_wait3A_95 = tpu.memref_slice %arg4[%add3A_73] : memref<320000xi32, #tpu.memory_space<hbm>> -> memref<16xi32, #tpu.memory_space<hbm>>
      tpu.wait_dma2 semaphore(%run_scoped3A_91 : memref<!tpu.dma_semaphore, #tpu.memory_space<semaphore_mem>>) src(%dma_wait3A_95 : memref<16xi32, #tpu.memory_space<hbm>>) dst(%arg10 : memref<16xi32, #tpu.memory_space<vmem>>)
      tpu.yield
    }) : () -> ()
    "tpu.region"() ({
      %run_scoped3A_91 = tpu.sem_alloc : memref<!tpu.dma_semaphore, #tpu.memory_space<semaphore_mem>>
      %dma_start3A_92 = tpu.memref_slice %arg5[%add3A_73] : memref<320000xi32, #tpu.memory_space<hbm>> -> memref<16xi32, #tpu.memory_space<hbm>>
      %dma_start3A_93 = tpu.memref_slice %arg5[%add3A_73] : memref<320000xi32, #tpu.memory_space<hbm>> -> memref<16xi32, #tpu.memory_space<hbm>>
      tpu.enqueue_dma source(%dma_start3A_93 : memref<16xi32, #tpu.memory_space<hbm>>) target(%arg11 : memref<16xi32, #tpu.memory_space<vmem>>) target_semaphore(%run_scoped3A_91 : memref<!tpu.dma_semaphore, #tpu.memory_space<semaphore_mem>>)
      %dma_wait3A_94 = tpu.memref_slice %arg5[%add3A_73] : memref<320000xi32, #tpu.memory_space<hbm>> -> memref<16xi32, #tpu.memory_space<hbm>>
      %dma_wait3A_95 = tpu.memref_slice %arg5[%add3A_73] : memref<320000xi32, #tpu.memory_space<hbm>> -> memref<16xi32, #tpu.memory_space<hbm>>
      tpu.wait_dma2 semaphore(%run_scoped3A_91 : memref<!tpu.dma_semaphore, #tpu.memory_space<semaphore_mem>>) src(%dma_wait3A_95 : memref<16xi32, #tpu.memory_space<hbm>>) dst(%arg11 : memref<16xi32, #tpu.memory_space<vmem>>)
      tpu.yield
    }) : () -> ()
    %dma_start3A_74 = arith.constant 0 : i32
    %dma_start3A_75 = arith.constant 0 : i32
    %dma_start3A_76 = tpu.memref_slice %arg3[%dma_start3A_74, %dma_start3A_75] : memref<10000x128xf32, #tpu.memory_space<hbm>> -> memref<10000x128xf32, #tpu.memory_space<hbm>>
    tpu.enqueue_indirect_dma source(%dma_start3A_76 : memref<10000x128xf32, #tpu.memory_space<hbm>>) target(%arg12 : memref<16x128xf32, #tpu.memory_space<vmem>>) offsets(%arg10 : memref<16xi32, #tpu.memory_space<vmem>>) semaphore(%arg15 : memref<!tpu.dma_semaphore, #tpu.memory_space<semaphore_mem>>)
    %dma_wait3A_77 = arith.constant 0 : i32
    %dma_wait3A_78 = arith.constant 0 : i32
    %dma_wait3A_79 = tpu.memref_slice %arg3[%dma_wait3A_77, %dma_wait3A_78] : memref<10000x128xf32, #tpu.memory_space<hbm>> -> memref<10000x128xf32, #tpu.memory_space<hbm>>
    tpu.wait_indirect_dma semaphore(%arg15 : memref<!tpu.dma_semaphore, #tpu.memory_space<semaphore_mem>>) src(%dma_wait3A_79 : memref<10000x128xf32, #tpu.memory_space<hbm>>) dst(%arg12 : memref<16x128xf32, #tpu.memory_space<vmem>>)
    "tpu.region"() ({
      %run_scoped3A_91 = tpu.sem_alloc : memref<!tpu.dma_semaphore, #tpu.memory_space<semaphore_mem>>
      %dma_start3A_92 = arith.constant 0 : i32
      %dma_start3A_93 = arith.constant 0 : i32
      %dma_start3A_94 = tpu.memref_slice %arg14[%dma_start3A_92, %dma_start3A_93] : memref<10000x128xf32, #tpu.memory_space<vmem_shared>> -> memref<10000x128xf32, #tpu.memory_space<vmem_shared>>
      tpu.enqueue_indirect_dma source(%arg12 : memref<16x128xf32, #tpu.memory_space<vmem>>) target(%dma_start3A_94 : memref<10000x128xf32, #tpu.memory_space<vmem_shared>>) offsets(%arg11 : memref<16xi32, #tpu.memory_space<vmem>>) semaphore(%run_scoped3A_91 : memref<!tpu.dma_semaphore, #tpu.memory_space<semaphore_mem>>) {add = true}
      %dma_wait3A_95 = arith.constant 0 : i32
      %dma_wait3A_96 = arith.constant 0 : i32
      %dma_wait3A_97 = tpu.memref_slice %arg14[%dma_wait3A_95, %dma_wait3A_96] : memref<10000x128xf32, #tpu.memory_space<vmem_shared>> -> memref<10000x128xf32, #tpu.memory_space<vmem_shared>>
      tpu.wait_indirect_dma semaphore(%run_scoped3A_91 : memref<!tpu.dma_semaphore, #tpu.memory_space<semaphore_mem>>) src(%arg12 : memref<16x128xf32, #tpu.memory_space<vmem>>) dst(%dma_wait3A_97 : memref<10000x128xf32, #tpu.memory_space<vmem_shared>>)
      tpu.yield
    }) : () -> ()
    %barrier3A_80 = arith.constant 0 : index
    tpu.barrier barrier_id(%barrier3A_80)
    %mul3A_81 = arith.constant 624 : i32
    %mul3A_82 = arith.muli %arg1, %mul3A_81 : i32
    %mul3A_83 = arith.constant 624 : i32
    %mul3A_84 = arith.muli %arg1, %mul3A_83 : i32
    %run_scoped3A_85 = arith.constant 1 : i32
    "tpu.region"() ({
      %run_scoped3A_91 = tpu.sem_alloc : memref<!tpu.dma_semaphore, #tpu.memory_space<semaphore_mem>>
      %dma_start3A_92 = arith.constant 0 : i32
      %dma_start3A_93 = tpu.memref_slice %arg6[%arg0, %run_scoped3A_85, %mul3A_84, %dma_start3A_92] : memref<2x2x10000x128xf32, #tpu.memory_space<hbm>> -> memref<1x1x624x128xf32, #tpu.memory_space<hbm>>
      %dma_start3A_94 = tpu.memref_squeeze %dma_start3A_93 : memref<1x1x624x128xf32, #tpu.memory_space<hbm>> -> memref<624x128xf32, #tpu.memory_space<hbm>>
      %dma_start3A_95 = arith.constant 0 : i32
      %dma_start3A_96 = tpu.memref_slice %arg14[%mul3A_82, %dma_start3A_95] : memref<10000x128xf32, #tpu.memory_space<vmem_shared>> -> memref<624x128xf32, #tpu.memory_space<vmem_shared>>
      tpu.enqueue_dma source(%dma_start3A_96 : memref<624x128xf32, #tpu.memory_space<vmem_shared>>) target(%dma_start3A_94 : memref<624x128xf32, #tpu.memory_space<hbm>>) target_semaphore(%run_scoped3A_91 : memref<!tpu.dma_semaphore, #tpu.memory_space<semaphore_mem>>)
      %dma_wait3A_97 = arith.constant 0 : i32
      %dma_wait3A_98 = tpu.memref_slice %arg6[%arg0, %run_scoped3A_85, %mul3A_84, %dma_wait3A_97] : memref<2x2x10000x128xf32, #tpu.memory_space<hbm>> -> memref<1x1x624x128xf32, #tpu.memory_space<hbm>>
      %dma_wait3A_99 = tpu.memref_squeeze %dma_wait3A_98 : memref<1x1x624x128xf32, #tpu.memory_space<hbm>> -> memref<624x128xf32, #tpu.memory_space<hbm>>
      %dma_wait3A_100 = arith.constant 0 : i32
      %dma_wait3A_101 = tpu.memref_slice %arg14[%mul3A_82, %dma_wait3A_100] : memref<10000x128xf32, #tpu.memory_space<vmem_shared>> -> memref<624x128xf32, #tpu.memory_space<vmem_shared>>
      tpu.wait_dma2 semaphore(%run_scoped3A_91 : memref<!tpu.dma_semaphore, #tpu.memory_space<semaphore_mem>>) src(%dma_wait3A_101 : memref<624x128xf32, #tpu.memory_space<vmem_shared>>) dst(%dma_wait3A_99 : memref<624x128xf32, #tpu.memory_space<hbm>>)
      tpu.yield
    }) : () -> ()
    %eq3A_86 = arith.constant 15 : i32
    %eq3A_87 = arith.cmpi eq, %arg1, %eq3A_86 : i32
    %convert_element_type3A_88 = arith.extui %eq3A_87 : i1 to i32
    %cond3A_89 = arith.constant 0 : i32
    %cond3A_90 = arith.cmpi ne, %convert_element_type3A_88, %cond3A_89 : i32
    scf.if %cond3A_90 {
      %run_scoped3A_91 = arith.constant 1 : i32
      "tpu.region"() ({
        %run_scoped3A_92 = tpu.sem_alloc : memref<!tpu.dma_semaphore, #tpu.memory_space<semaphore_mem>>
        %dma_start3A_93 = arith.constant 9984 : i32
        %dma_start3A_94 = arith.constant 0 : i32
        %dma_start3A_95 = tpu.memref_slice %arg6[%arg0, %run_scoped3A_91, %dma_start3A_93, %dma_start3A_94] : memref<2x2x10000x128xf32, #tpu.memory_space<hbm>> -> memref<1x1x16x128xf32, #tpu.memory_space<hbm>>
        %dma_start3A_96 = tpu.memref_squeeze %dma_start3A_95 : memref<1x1x16x128xf32, #tpu.memory_space<hbm>> -> memref<16x128xf32, #tpu.memory_space<hbm>>
        %dma_start3A_97 = arith.constant 9984 : i32
        %dma_start3A_98 = arith.constant 0 : i32
        %dma_start3A_99 = tpu.memref_slice %arg14[%dma_start3A_97, %dma_start3A_98] : memref<10000x128xf32, #tpu.memory_space<vmem_shared>> -> memref<16x128xf32, #tpu.memory_space<vmem_shared>>
        tpu.enqueue_dma source(%dma_start3A_99 : memref<16x128xf32, #tpu.memory_space<vmem_shared>>) target(%dma_start3A_96 : memref<16x128xf32, #tpu.memory_space<hbm>>) target_semaphore(%run_scoped3A_92 : memref<!tpu.dma_semaphore, #tpu.memory_space<semaphore_mem>>)
        %dma_wait3A_100 = arith.constant 9984 : i32
        %dma_wait3A_101 = arith.constant 0 : i32
        %dma_wait3A_102 = tpu.memref_slice %arg6[%arg0, %run_scoped3A_91, %dma_wait3A_100, %dma_wait3A_101] : memref<2x2x10000x128xf32, #tpu.memory_space<hbm>> -> memref<1x1x16x128xf32, #tpu.memory_space<hbm>>
        %dma_wait3A_103 = tpu.memref_squeeze %dma_wait3A_102 : memref<1x1x16x128xf32, #tpu.memory_space<hbm>> -> memref<16x128xf32, #tpu.memory_space<hbm>>
        %dma_wait3A_104 = arith.constant 9984 : i32
        %dma_wait3A_105 = arith.constant 0 : i32
        %dma_wait3A_106 = tpu.memref_slice %arg14[%dma_wait3A_104, %dma_wait3A_105] : memref<10000x128xf32, #tpu.memory_space<vmem_shared>> -> memref<16x128xf32, #tpu.memory_space<vmem_shared>>
        tpu.wait_dma2 semaphore(%run_scoped3A_92 : memref<!tpu.dma_semaphore, #tpu.memory_space<semaphore_mem>>) src(%dma_wait3A_106 : memref<16x128xf32, #tpu.memory_space<vmem_shared>>) dst(%dma_wait3A_103 : memref<16x128xf32, #tpu.memory_space<hbm>>)
        tpu.yield
      }) : () -> ()
    } else {
    }
    return
  }
}

#map = affine_map<(d0, d1) -> (0, 0)>
#map1 = affine_map<(d0, d1) -> (0)>
#map2 = affine_map<(d0, d1) -> (0, 0, 0, 0)>
module attributes {stable_mosaic.version = 14 : i64} {
  func.func @agg(%arg0: i32, %arg1: i32, %arg2: memref<10000x128xf32, #tpu.memory_space<hbm>>, %arg3: memref<320000xi32, #tpu.memory_space<hbm>>, %arg4: memref<320000xi32, #tpu.memory_space<hbm>>, %arg5: memref<2x1x10000x128xf32, #tpu.memory_space<hbm>>, %arg6: memref<128xi32, #tpu.memory_space<vmem>>, %arg7: memref<128xi32, #tpu.memory_space<vmem>>, %arg8: memref<128x128xf32, #tpu.memory_space<vmem>>, %arg9: memref<16xi32, #tpu.memory_space<vmem>>, %arg10: memref<16xi32, #tpu.memory_space<vmem>>, %arg11: memref<16x128xf32, #tpu.memory_space<vmem>>, %arg12: memref<208x128xf32, #tpu.memory_space<vmem>>, %arg13: memref<10000x128xf32, #tpu.memory_space<vmem_shared>>, %arg14: memref<!tpu.dma_semaphore, #tpu.memory_space<semaphore_mem>>) attributes {dimension_semantics = [#tpu.dimension_semantics<core_parallel>, #tpu.dimension_semantics<subcore_parallel>], iteration_bounds = array<i64: 2, 16>, scalar_prefetch = 0 : i64, scratch_operands = 9 : i64, tpu.core_type = #tpu.core_type<sc_vector_subcore>, window_params = [{transform_indices = #map}, {transform_indices = #map1}, {transform_indices = #map1}, {transform_indices = #map2}]} {
    %mul3A = arith.constant 16 : i32
    %mul3A_0 = arith.muli %arg0, %mul3A : i32
    %add3A = arith.addi %mul3A_0, %arg1 : i32
    %mul3A_1 = arith.constant 10000 : i32
    %mul3A_2 = arith.muli %add3A, %mul3A_1 : i32
    %broadcast_in_dim3A = arith.constant 0.000000e+00 : f32
    %broadcast_in_dim3A_3 = vector.broadcast %broadcast_in_dim3A : f32 to vector<16xf32>
    %scan3A = arith.constant 0 : i32
    %scan3A_4 = arith.constant 0 : i32
    %scan3A_5 = arith.constant 208 : i32
    %scan3A_6 = arith.addi %scan3A_4, %scan3A_5 : i32
    %scan3A_7 = arith.constant 1 : i32
    %scan3A_8 = scf.for %scan3A_47 = %scan3A_4 to %scan3A_6 step %scan3A_7 iter_args(%scan3A_48 = %scan3A) -> (i32)  : i32 {
      %scan3A_49 = arith.constant 0 : i32
      %scan3A_50 = arith.constant 0 : i32
      %scan3A_51 = arith.constant 8 : i32
      %scan3A_52 = arith.addi %scan3A_50, %scan3A_51 : i32
      %scan3A_53 = arith.constant 1 : i32
      %scan3A_54 = scf.for %scan3A_56 = %scan3A_50 to %scan3A_52 step %scan3A_53 iter_args(%scan3A_57 = %scan3A_49) -> (i32)  : i32 {
        %mul3A_58 = arith.constant 16 : i32
        %mul3A_59 = arith.muli %scan3A_56, %mul3A_58 : i32
        %swap3A = arith.index_cast %scan3A_47 : i32 to index
        %swap3A_60 = arith.index_cast %mul3A_59 : i32 to index
        %swap3A_61 = tpu.vector_load %arg12[%swap3A, %swap3A_60] {strides = array<i32>} : memref<208x128xf32, #tpu.memory_space<vmem>>, vector<1x16xf32>,
        %swap3A_62 = vector.shape_cast %swap3A_61 : vector<1x16xf32> to vector<16xf32>
        %swap3A_63 = vector.shape_cast %broadcast_in_dim3A_3 : vector<16xf32> to vector<1x16xf32>
        tpu.vector_store %arg12[%swap3A, %swap3A_60], %swap3A_63 {strides = array<i32>} : memref<208x128xf32, #tpu.memory_space<vmem>>, vector<1x16xf32>,
        %scan3A_64 = arith.constant 0 : i32
        scf.yield %scan3A_64 : i32
      }
      %scan3A_55 = arith.constant 8 : i32
      scf.yield %scan3A_54 : i32
    }
    %scan3A_9 = arith.constant 208 : i32
    %mul3A_10 = arith.constant 624 : i32
    %mul3A_11 = arith.muli %arg1, %mul3A_10 : i32
    %add3A_12 = arith.constant 0 : i32
    %add3A_13 = arith.addi %mul3A_11, %add3A_12 : i32
    "tpu.region"() ({
      %run_scoped3A_47 = tpu.sem_alloc : memref<!tpu.dma_semaphore, #tpu.memory_space<semaphore_mem>>
      %dma_start3A_48 = arith.constant 0 : i32
      %dma_start3A_49 = tpu.memref_slice %arg13[%add3A_13, %dma_start3A_48] : memref<10000x128xf32, #tpu.memory_space<vmem_shared>> -> memref<208x128xf32, #tpu.memory_space<vmem_shared>>
      %dma_start3A_50 = arith.constant 0 : i32
      %dma_start3A_51 = tpu.memref_slice %arg13[%add3A_13, %dma_start3A_50] : memref<10000x128xf32, #tpu.memory_space<vmem_shared>> -> memref<208x128xf32, #tpu.memory_space<vmem_shared>>
      tpu.enqueue_dma source(%arg12 : memref<208x128xf32, #tpu.memory_space<vmem>>) target(%dma_start3A_51 : memref<208x128xf32, #tpu.memory_space<vmem_shared>>) target_semaphore(%run_scoped3A_47 : memref<!tpu.dma_semaphore, #tpu.memory_space<semaphore_mem>>)
      %dma_wait3A_52 = arith.constant 0 : i32
      %dma_wait3A_53 = tpu.memref_slice %arg13[%add3A_13, %dma_wait3A_52] : memref<10000x128xf32, #tpu.memory_space<vmem_shared>> -> memref<208x128xf32, #tpu.memory_space<vmem_shared>>
      %dma_wait3A_54 = arith.constant 0 : i32
      %dma_wait3A_55 = tpu.memref_slice %arg13[%add3A_13, %dma_wait3A_54] : memref<10000x128xf32, #tpu.memory_space<vmem_shared>> -> memref<208x128xf32, #tpu.memory_space<vmem_shared>>
      tpu.wait_dma2 semaphore(%run_scoped3A_47 : memref<!tpu.dma_semaphore, #tpu.memory_space<semaphore_mem>>) src(%arg12 : memref<208x128xf32, #tpu.memory_space<vmem>>) dst(%dma_wait3A_55 : memref<208x128xf32, #tpu.memory_space<vmem_shared>>)
      tpu.yield
    }) : () -> ()
    %mul3A_14 = arith.constant 624 : i32
    %mul3A_15 = arith.muli %arg1, %mul3A_14 : i32
    %add3A_16 = arith.constant 208 : i32
    %add3A_17 = arith.addi %mul3A_15, %add3A_16 : i32
    "tpu.region"() ({
      %run_scoped3A_47 = tpu.sem_alloc : memref<!tpu.dma_semaphore, #tpu.memory_space<semaphore_mem>>
      %dma_start3A_48 = arith.constant 0 : i32
      %dma_start3A_49 = tpu.memref_slice %arg13[%add3A_17, %dma_start3A_48] : memref<10000x128xf32, #tpu.memory_space<vmem_shared>> -> memref<208x128xf32, #tpu.memory_space<vmem_shared>>
      %dma_start3A_50 = arith.constant 0 : i32
      %dma_start3A_51 = tpu.memref_slice %arg13[%add3A_17, %dma_start3A_50] : memref<10000x128xf32, #tpu.memory_space<vmem_shared>> -> memref<208x128xf32, #tpu.memory_space<vmem_shared>>
      tpu.enqueue_dma source(%arg12 : memref<208x128xf32, #tpu.memory_space<vmem>>) target(%dma_start3A_51 : memref<208x128xf32, #tpu.memory_space<vmem_shared>>) target_semaphore(%run_scoped3A_47 : memref<!tpu.dma_semaphore, #tpu.memory_space<semaphore_mem>>)
      %dma_wait3A_52 = arith.constant 0 : i32
      %dma_wait3A_53 = tpu.memref_slice %arg13[%add3A_17, %dma_wait3A_52] : memref<10000x128xf32, #tpu.memory_space<vmem_shared>> -> memref<208x128xf32, #tpu.memory_space<vmem_shared>>
      %dma_wait3A_54 = arith.constant 0 : i32
      %dma_wait3A_55 = tpu.memref_slice %arg13[%add3A_17, %dma_wait3A_54] : memref<10000x128xf32, #tpu.memory_space<vmem_shared>> -> memref<208x128xf32, #tpu.memory_space<vmem_shared>>
      tpu.wait_dma2 semaphore(%run_scoped3A_47 : memref<!tpu.dma_semaphore, #tpu.memory_space<semaphore_mem>>) src(%arg12 : memref<208x128xf32, #tpu.memory_space<vmem>>) dst(%dma_wait3A_55 : memref<208x128xf32, #tpu.memory_space<vmem_shared>>)
      tpu.yield
    }) : () -> ()
    %mul3A_18 = arith.constant 624 : i32
    %mul3A_19 = arith.muli %arg1, %mul3A_18 : i32
    %add3A_20 = arith.constant 416 : i32
    %add3A_21 = arith.addi %mul3A_19, %add3A_20 : i32
    "tpu.region"() ({
      %run_scoped3A_47 = tpu.sem_alloc : memref<!tpu.dma_semaphore, #tpu.memory_space<semaphore_mem>>
      %dma_start3A_48 = arith.constant 0 : i32
      %dma_start3A_49 = tpu.memref_slice %arg13[%add3A_21, %dma_start3A_48] : memref<10000x128xf32, #tpu.memory_space<vmem_shared>> -> memref<208x128xf32, #tpu.memory_space<vmem_shared>>
      %dma_start3A_50 = arith.constant 0 : i32
      %dma_start3A_51 = tpu.memref_slice %arg13[%add3A_21, %dma_start3A_50] : memref<10000x128xf32, #tpu.memory_space<vmem_shared>> -> memref<208x128xf32, #tpu.memory_space<vmem_shared>>
      tpu.enqueue_dma source(%arg12 : memref<208x128xf32, #tpu.memory_space<vmem>>) target(%dma_start3A_51 : memref<208x128xf32, #tpu.memory_space<vmem_shared>>) target_semaphore(%run_scoped3A_47 : memref<!tpu.dma_semaphore, #tpu.memory_space<semaphore_mem>>)
      %dma_wait3A_52 = arith.constant 0 : i32
      %dma_wait3A_53 = tpu.memref_slice %arg13[%add3A_21, %dma_wait3A_52] : memref<10000x128xf32, #tpu.memory_space<vmem_shared>> -> memref<208x128xf32, #tpu.memory_space<vmem_shared>>
      %dma_wait3A_54 = arith.constant 0 : i32
      %dma_wait3A_55 = tpu.memref_slice %arg13[%add3A_21, %dma_wait3A_54] : memref<10000x128xf32, #tpu.memory_space<vmem_shared>> -> memref<208x128xf32, #tpu.memory_space<vmem_shared>>
      tpu.wait_dma2 semaphore(%run_scoped3A_47 : memref<!tpu.dma_semaphore, #tpu.memory_space<semaphore_mem>>) src(%arg12 : memref<208x128xf32, #tpu.memory_space<vmem>>) dst(%dma_wait3A_55 : memref<208x128xf32, #tpu.memory_space<vmem_shared>>)
      tpu.yield
    }) : () -> ()
    %eq3A = arith.constant 15 : i32
    %eq3A_22 = arith.cmpi eq, %arg1, %eq3A : i32
    %convert_element_type3A = arith.extui %eq3A_22 : i1 to i32
    %cond3A = arith.constant 0 : i32
    %cond3A_23 = arith.cmpi ne, %convert_element_type3A, %cond3A : i32
    scf.if %cond3A_23 {
      "tpu.region"() ({
        %run_scoped3A_47 = tpu.sem_alloc : memref<!tpu.dma_semaphore, #tpu.memory_space<semaphore_mem>>
        %dma_start3A_48 = arith.constant 0 : i32
        %dma_start3A_49 = arith.constant 0 : i32
        %dma_start3A_50 = tpu.memref_slice %arg12[%dma_start3A_48, %dma_start3A_49] : memref<208x128xf32, #tpu.memory_space<vmem>> -> memref<16x128xf32, #tpu.memory_space<vmem>>
        %dma_start3A_51 = arith.constant 9984 : i32
        %dma_start3A_52 = arith.constant 0 : i32
        %dma_start3A_53 = tpu.memref_slice %arg13[%dma_start3A_51, %dma_start3A_52] : memref<10000x128xf32, #tpu.memory_space<vmem_shared>> -> memref<16x128xf32, #tpu.memory_space<vmem_shared>>
        %dma_start3A_54 = arith.constant 9984 : i32
        %dma_start3A_55 = arith.constant 0 : i32
        %dma_start3A_56 = tpu.memref_slice %arg13[%dma_start3A_54, %dma_start3A_55] : memref<10000x128xf32, #tpu.memory_space<vmem_shared>> -> memref<16x128xf32, #tpu.memory_space<vmem_shared>>
        %dma_start3A_57 = arith.constant 0 : i32
        %dma_start3A_58 = arith.constant 0 : i32
        %dma_start3A_59 = tpu.memref_slice %arg12[%dma_start3A_57, %dma_start3A_58] : memref<208x128xf32, #tpu.memory_space<vmem>> -> memref<16x128xf32, #tpu.memory_space<vmem>>
        tpu.enqueue_dma source(%dma_start3A_59 : memref<16x128xf32, #tpu.memory_space<vmem>>) target(%dma_start3A_56 : memref<16x128xf32, #tpu.memory_space<vmem_shared>>) target_semaphore(%run_scoped3A_47 : memref<!tpu.dma_semaphore, #tpu.memory_space<semaphore_mem>>)
        %dma_wait3A_60 = arith.constant 0 : i32
        %dma_wait3A_61 = arith.constant 0 : i32
        %dma_wait3A_62 = tpu.memref_slice %arg12[%dma_wait3A_60, %dma_wait3A_61] : memref<208x128xf32, #tpu.memory_space<vmem>> -> memref<16x128xf32, #tpu.memory_space<vmem>>
        %dma_wait3A_63 = arith.constant 9984 : i32
        %dma_wait3A_64 = arith.constant 0 : i32
        %dma_wait3A_65 = tpu.memref_slice %arg13[%dma_wait3A_63, %dma_wait3A_64] : memref<10000x128xf32, #tpu.memory_space<vmem_shared>> -> memref<16x128xf32, #tpu.memory_space<vmem_shared>>
        %dma_wait3A_66 = arith.constant 9984 : i32
        %dma_wait3A_67 = arith.constant 0 : i32
        %dma_wait3A_68 = tpu.memref_slice %arg13[%dma_wait3A_66, %dma_wait3A_67] : memref<10000x128xf32, #tpu.memory_space<vmem_shared>> -> memref<16x128xf32, #tpu.memory_space<vmem_shared>>
        %dma_wait3A_69 = arith.constant 0 : i32
        %dma_wait3A_70 = arith.constant 0 : i32
        %dma_wait3A_71 = tpu.memref_slice %arg12[%dma_wait3A_69, %dma_wait3A_70] : memref<208x128xf32, #tpu.memory_space<vmem>> -> memref<16x128xf32, #tpu.memory_space<vmem>>
        tpu.wait_dma2 semaphore(%run_scoped3A_47 : memref<!tpu.dma_semaphore, #tpu.memory_space<semaphore_mem>>) src(%dma_wait3A_71 : memref<16x128xf32, #tpu.memory_space<vmem>>) dst(%dma_wait3A_68 : memref<16x128xf32, #tpu.memory_space<vmem_shared>>)
        tpu.yield
      }) : () -> ()
    } else {
    }
    %barrier3A = arith.constant 0 : index
    tpu.barrier barrier_id(%barrier3A)
    %scan3A_24 = arith.constant 0 : i32
    %scan3A_25 = arith.constant 0 : i32
    %scan3A_26 = arith.constant 78 : i32
    %scan3A_27 = arith.addi %scan3A_25, %scan3A_26 : i32
    %scan3A_28 = arith.constant 1 : i32
    %scan3A_29 = scf.for %scan3A_47 = %scan3A_25 to %scan3A_27 step %scan3A_28 iter_args(%scan3A_48 = %scan3A_24) -> (i32)  : i32 {
      %mul3A_49 = arith.constant 128 : i32
      %mul3A_50 = arith.muli %scan3A_47, %mul3A_49 : i32
      %add3A_51 = arith.addi %mul3A_2, %mul3A_50 : i32
      "tpu.region"() ({
        %run_scoped3A_59 = tpu.sem_alloc : memref<!tpu.dma_semaphore, #tpu.memory_space<semaphore_mem>>
        %dma_start3A_60 = tpu.memref_slice %arg3[%add3A_51] : memref<320000xi32, #tpu.memory_space<hbm>> -> memref<128xi32, #tpu.memory_space<hbm>>
        %dma_start3A_61 = tpu.memref_slice %arg3[%add3A_51] : memref<320000xi32, #tpu.memory_space<hbm>> -> memref<128xi32, #tpu.memory_space<hbm>>
        tpu.enqueue_dma source(%dma_start3A_61 : memref<128xi32, #tpu.memory_space<hbm>>) target(%arg6 : memref<128xi32, #tpu.memory_space<vmem>>) target_semaphore(%run_scoped3A_59 : memref<!tpu.dma_semaphore, #tpu.memory_space<semaphore_mem>>)
        %dma_wait3A_62 = tpu.memref_slice %arg3[%add3A_51] : memref<320000xi32, #tpu.memory_space<hbm>> -> memref<128xi32, #tpu.memory_space<hbm>>
        %dma_wait3A_63 = tpu.memref_slice %arg3[%add3A_51] : memref<320000xi32, #tpu.memory_space<hbm>> -> memref<128xi32, #tpu.memory_space<hbm>>
        tpu.wait_dma2 semaphore(%run_scoped3A_59 : memref<!tpu.dma_semaphore, #tpu.memory_space<semaphore_mem>>) src(%dma_wait3A_63 : memref<128xi32, #tpu.memory_space<hbm>>) dst(%arg6 : memref<128xi32, #tpu.memory_space<vmem>>)
        tpu.yield
      }) : () -> ()
      "tpu.region"() ({
        %run_scoped3A_59 = tpu.sem_alloc : memref<!tpu.dma_semaphore, #tpu.memory_space<semaphore_mem>>
        %dma_start3A_60 = tpu.memref_slice %arg4[%add3A_51] : memref<320000xi32, #tpu.memory_space<hbm>> -> memref<128xi32, #tpu.memory_space<hbm>>
        %dma_start3A_61 = tpu.memref_slice %arg4[%add3A_51] : memref<320000xi32, #tpu.memory_space<hbm>> -> memref<128xi32, #tpu.memory_space<hbm>>
        tpu.enqueue_dma source(%dma_start3A_61 : memref<128xi32, #tpu.memory_space<hbm>>) target(%arg7 : memref<128xi32, #tpu.memory_space<vmem>>) target_semaphore(%run_scoped3A_59 : memref<!tpu.dma_semaphore, #tpu.memory_space<semaphore_mem>>)
        %dma_wait3A_62 = tpu.memref_slice %arg4[%add3A_51] : memref<320000xi32, #tpu.memory_space<hbm>> -> memref<128xi32, #tpu.memory_space<hbm>>
        %dma_wait3A_63 = tpu.memref_slice %arg4[%add3A_51] : memref<320000xi32, #tpu.memory_space<hbm>> -> memref<128xi32, #tpu.memory_space<hbm>>
        tpu.wait_dma2 semaphore(%run_scoped3A_59 : memref<!tpu.dma_semaphore, #tpu.memory_space<semaphore_mem>>) src(%dma_wait3A_63 : memref<128xi32, #tpu.memory_space<hbm>>) dst(%arg7 : memref<128xi32, #tpu.memory_space<vmem>>)
        tpu.yield
      }) : () -> ()
      %dma_start3A_52 = arith.constant 0 : i32
      %dma_start3A_53 = arith.constant 0 : i32
      %dma_start3A_54 = tpu.memref_slice %arg2[%dma_start3A_52, %dma_start3A_53] : memref<10000x128xf32, #tpu.memory_space<hbm>> -> memref<10000x128xf32, #tpu.memory_space<hbm>>
      tpu.enqueue_indirect_dma source(%dma_start3A_54 : memref<10000x128xf32, #tpu.memory_space<hbm>>) target(%arg8 : memref<128x128xf32, #tpu.memory_space<vmem>>) offsets(%arg6 : memref<128xi32, #tpu.memory_space<vmem>>) semaphore(%arg14 : memref<!tpu.dma_semaphore, #tpu.memory_space<semaphore_mem>>)
      %dma_wait3A_55 = arith.constant 0 : i32
      %dma_wait3A_56 = arith.constant 0 : i32
      %dma_wait3A_57 = tpu.memref_slice %arg2[%dma_wait3A_55, %dma_wait3A_56] : memref<10000x128xf32, #tpu.memory_space<hbm>> -> memref<10000x128xf32, #tpu.memory_space<hbm>>
      tpu.wait_indirect_dma semaphore(%arg14 : memref<!tpu.dma_semaphore, #tpu.memory_space<semaphore_mem>>) src(%dma_wait3A_57 : memref<10000x128xf32, #tpu.memory_space<hbm>>) dst(%arg8 : memref<128x128xf32, #tpu.memory_space<vmem>>)
      "tpu.region"() ({
        %run_scoped3A_59 = tpu.sem_alloc : memref<!tpu.dma_semaphore, #tpu.memory_space<semaphore_mem>>
        %dma_start3A_60 = arith.constant 0 : i32
        %dma_start3A_61 = arith.constant 0 : i32
        %dma_start3A_62 = tpu.memref_slice %arg13[%dma_start3A_60, %dma_start3A_61] : memref<10000x128xf32, #tpu.memory_space<vmem_shared>> -> memref<10000x128xf32, #tpu.memory_space<vmem_shared>>
        tpu.enqueue_indirect_dma source(%arg8 : memref<128x128xf32, #tpu.memory_space<vmem>>) target(%dma_start3A_62 : memref<10000x128xf32, #tpu.memory_space<vmem_shared>>) offsets(%arg7 : memref<128xi32, #tpu.memory_space<vmem>>) semaphore(%run_scoped3A_59 : memref<!tpu.dma_semaphore, #tpu.memory_space<semaphore_mem>>) {add = true}
        %dma_wait3A_63 = arith.constant 0 : i32
        %dma_wait3A_64 = arith.constant 0 : i32
        %dma_wait3A_65 = tpu.memref_slice %arg13[%dma_wait3A_63, %dma_wait3A_64] : memref<10000x128xf32, #tpu.memory_space<vmem_shared>> -> memref<10000x128xf32, #tpu.memory_space<vmem_shared>>
        tpu.wait_indirect_dma semaphore(%run_scoped3A_59 : memref<!tpu.dma_semaphore, #tpu.memory_space<semaphore_mem>>) src(%arg8 : memref<128x128xf32, #tpu.memory_space<vmem>>) dst(%dma_wait3A_65 : memref<10000x128xf32, #tpu.memory_space<vmem_shared>>)
        tpu.yield
      }) : () -> ()
      %scan3A_58 = arith.constant 0 : i32
      scf.yield %scan3A_58 : i32
    }
    %scan3A_30 = arith.constant 78 : i32
    %add3A_31 = arith.constant 9984 : i32
    %add3A_32 = arith.addi %mul3A_2, %add3A_31 : i32
    "tpu.region"() ({
      %run_scoped3A_47 = tpu.sem_alloc : memref<!tpu.dma_semaphore, #tpu.memory_space<semaphore_mem>>
      %dma_start3A_48 = tpu.memref_slice %arg3[%add3A_32] : memref<320000xi32, #tpu.memory_space<hbm>> -> memref<16xi32, #tpu.memory_space<hbm>>
      %dma_start3A_49 = tpu.memref_slice %arg3[%add3A_32] : memref<320000xi32, #tpu.memory_space<hbm>> -> memref<16xi32, #tpu.memory_space<hbm>>
      tpu.enqueue_dma source(%dma_start3A_49 : memref<16xi32, #tpu.memory_space<hbm>>) target(%arg9 : memref<16xi32, #tpu.memory_space<vmem>>) target_semaphore(%run_scoped3A_47 : memref<!tpu.dma_semaphore, #tpu.memory_space<semaphore_mem>>)
      %dma_wait3A_50 = tpu.memref_slice %arg3[%add3A_32] : memref<320000xi32, #tpu.memory_space<hbm>> -> memref<16xi32, #tpu.memory_space<hbm>>
      %dma_wait3A_51 = tpu.memref_slice %arg3[%add3A_32] : memref<320000xi32, #tpu.memory_space<hbm>> -> memref<16xi32, #tpu.memory_space<hbm>>
      tpu.wait_dma2 semaphore(%run_scoped3A_47 : memref<!tpu.dma_semaphore, #tpu.memory_space<semaphore_mem>>) src(%dma_wait3A_51 : memref<16xi32, #tpu.memory_space<hbm>>) dst(%arg9 : memref<16xi32, #tpu.memory_space<vmem>>)
      tpu.yield
    }) : () -> ()
    "tpu.region"() ({
      %run_scoped3A_47 = tpu.sem_alloc : memref<!tpu.dma_semaphore, #tpu.memory_space<semaphore_mem>>
      %dma_start3A_48 = tpu.memref_slice %arg4[%add3A_32] : memref<320000xi32, #tpu.memory_space<hbm>> -> memref<16xi32, #tpu.memory_space<hbm>>
      %dma_start3A_49 = tpu.memref_slice %arg4[%add3A_32] : memref<320000xi32, #tpu.memory_space<hbm>> -> memref<16xi32, #tpu.memory_space<hbm>>
      tpu.enqueue_dma source(%dma_start3A_49 : memref<16xi32, #tpu.memory_space<hbm>>) target(%arg10 : memref<16xi32, #tpu.memory_space<vmem>>) target_semaphore(%run_scoped3A_47 : memref<!tpu.dma_semaphore, #tpu.memory_space<semaphore_mem>>)
      %dma_wait3A_50 = tpu.memref_slice %arg4[%add3A_32] : memref<320000xi32, #tpu.memory_space<hbm>> -> memref<16xi32, #tpu.memory_space<hbm>>
      %dma_wait3A_51 = tpu.memref_slice %arg4[%add3A_32] : memref<320000xi32, #tpu.memory_space<hbm>> -> memref<16xi32, #tpu.memory_space<hbm>>
      tpu.wait_dma2 semaphore(%run_scoped3A_47 : memref<!tpu.dma_semaphore, #tpu.memory_space<semaphore_mem>>) src(%dma_wait3A_51 : memref<16xi32, #tpu.memory_space<hbm>>) dst(%arg10 : memref<16xi32, #tpu.memory_space<vmem>>)
      tpu.yield
    }) : () -> ()
    %dma_start3A = arith.constant 0 : i32
    %dma_start3A_33 = arith.constant 0 : i32
    %dma_start3A_34 = tpu.memref_slice %arg2[%dma_start3A, %dma_start3A_33] : memref<10000x128xf32, #tpu.memory_space<hbm>> -> memref<10000x128xf32, #tpu.memory_space<hbm>>
    tpu.enqueue_indirect_dma source(%dma_start3A_34 : memref<10000x128xf32, #tpu.memory_space<hbm>>) target(%arg11 : memref<16x128xf32, #tpu.memory_space<vmem>>) offsets(%arg9 : memref<16xi32, #tpu.memory_space<vmem>>) semaphore(%arg14 : memref<!tpu.dma_semaphore, #tpu.memory_space<semaphore_mem>>)
    %dma_wait3A = arith.constant 0 : i32
    %dma_wait3A_35 = arith.constant 0 : i32
    %dma_wait3A_36 = tpu.memref_slice %arg2[%dma_wait3A, %dma_wait3A_35] : memref<10000x128xf32, #tpu.memory_space<hbm>> -> memref<10000x128xf32, #tpu.memory_space<hbm>>
    tpu.wait_indirect_dma semaphore(%arg14 : memref<!tpu.dma_semaphore, #tpu.memory_space<semaphore_mem>>) src(%dma_wait3A_36 : memref<10000x128xf32, #tpu.memory_space<hbm>>) dst(%arg11 : memref<16x128xf32, #tpu.memory_space<vmem>>)
    "tpu.region"() ({
      %run_scoped3A_47 = tpu.sem_alloc : memref<!tpu.dma_semaphore, #tpu.memory_space<semaphore_mem>>
      %dma_start3A_48 = arith.constant 0 : i32
      %dma_start3A_49 = arith.constant 0 : i32
      %dma_start3A_50 = tpu.memref_slice %arg13[%dma_start3A_48, %dma_start3A_49] : memref<10000x128xf32, #tpu.memory_space<vmem_shared>> -> memref<10000x128xf32, #tpu.memory_space<vmem_shared>>
      tpu.enqueue_indirect_dma source(%arg11 : memref<16x128xf32, #tpu.memory_space<vmem>>) target(%dma_start3A_50 : memref<10000x128xf32, #tpu.memory_space<vmem_shared>>) offsets(%arg10 : memref<16xi32, #tpu.memory_space<vmem>>) semaphore(%run_scoped3A_47 : memref<!tpu.dma_semaphore, #tpu.memory_space<semaphore_mem>>) {add = true}
      %dma_wait3A_51 = arith.constant 0 : i32
      %dma_wait3A_52 = arith.constant 0 : i32
      %dma_wait3A_53 = tpu.memref_slice %arg13[%dma_wait3A_51, %dma_wait3A_52] : memref<10000x128xf32, #tpu.memory_space<vmem_shared>> -> memref<10000x128xf32, #tpu.memory_space<vmem_shared>>
      tpu.wait_indirect_dma semaphore(%run_scoped3A_47 : memref<!tpu.dma_semaphore, #tpu.memory_space<semaphore_mem>>) src(%arg11 : memref<16x128xf32, #tpu.memory_space<vmem>>) dst(%dma_wait3A_53 : memref<10000x128xf32, #tpu.memory_space<vmem_shared>>)
      tpu.yield
    }) : () -> ()
    %barrier3A_37 = arith.constant 0 : index
    tpu.barrier barrier_id(%barrier3A_37)
    %mul3A_38 = arith.constant 624 : i32
    %mul3A_39 = arith.muli %arg1, %mul3A_38 : i32
    %mul3A_40 = arith.constant 624 : i32
    %mul3A_41 = arith.muli %arg1, %mul3A_40 : i32
    %run_scoped3A = arith.constant 0 : i32
    "tpu.region"() ({
      %run_scoped3A_47 = tpu.sem_alloc : memref<!tpu.dma_semaphore, #tpu.memory_space<semaphore_mem>>
      %dma_start3A_48 = arith.constant 0 : i32
      %dma_start3A_49 = tpu.memref_slice %arg5[%arg0, %run_scoped3A, %mul3A_41, %dma_start3A_48] : memref<2x1x10000x128xf32, #tpu.memory_space<hbm>> -> memref<1x1x624x128xf32, #tpu.memory_space<hbm>>
      %dma_start3A_50 = tpu.memref_squeeze %dma_start3A_49 : memref<1x1x624x128xf32, #tpu.memory_space<hbm>> -> memref<624x128xf32, #tpu.memory_space<hbm>>
      %dma_start3A_51 = arith.constant 0 : i32
      %dma_start3A_52 = tpu.memref_slice %arg13[%mul3A_39, %dma_start3A_51] : memref<10000x128xf32, #tpu.memory_space<vmem_shared>> -> memref<624x128xf32, #tpu.memory_space<vmem_shared>>
      tpu.enqueue_dma source(%dma_start3A_52 : memref<624x128xf32, #tpu.memory_space<vmem_shared>>) target(%dma_start3A_50 : memref<624x128xf32, #tpu.memory_space<hbm>>) target_semaphore(%run_scoped3A_47 : memref<!tpu.dma_semaphore, #tpu.memory_space<semaphore_mem>>)
      %dma_wait3A_53 = arith.constant 0 : i32
      %dma_wait3A_54 = tpu.memref_slice %arg5[%arg0, %run_scoped3A, %mul3A_41, %dma_wait3A_53] : memref<2x1x10000x128xf32, #tpu.memory_space<hbm>> -> memref<1x1x624x128xf32, #tpu.memory_space<hbm>>
      %dma_wait3A_55 = tpu.memref_squeeze %dma_wait3A_54 : memref<1x1x624x128xf32, #tpu.memory_space<hbm>> -> memref<624x128xf32, #tpu.memory_space<hbm>>
      %dma_wait3A_56 = arith.constant 0 : i32
      %dma_wait3A_57 = tpu.memref_slice %arg13[%mul3A_39, %dma_wait3A_56] : memref<10000x128xf32, #tpu.memory_space<vmem_shared>> -> memref<624x128xf32, #tpu.memory_space<vmem_shared>>
      tpu.wait_dma2 semaphore(%run_scoped3A_47 : memref<!tpu.dma_semaphore, #tpu.memory_space<semaphore_mem>>) src(%dma_wait3A_57 : memref<624x128xf32, #tpu.memory_space<vmem_shared>>) dst(%dma_wait3A_55 : memref<624x128xf32, #tpu.memory_space<hbm>>)
      tpu.yield
    }) : () -> ()
    %eq3A_42 = arith.constant 15 : i32
    %eq3A_43 = arith.cmpi eq, %arg1, %eq3A_42 : i32
    %convert_element_type3A_44 = arith.extui %eq3A_43 : i1 to i32
    %cond3A_45 = arith.constant 0 : i32
    %cond3A_46 = arith.cmpi ne, %convert_element_type3A_44, %cond3A_45 : i32
    scf.if %cond3A_46 {
      %run_scoped3A_47 = arith.constant 0 : i32
      "tpu.region"() ({
        %run_scoped3A_48 = tpu.sem_alloc : memref<!tpu.dma_semaphore, #tpu.memory_space<semaphore_mem>>
        %dma_start3A_49 = arith.constant 9984 : i32
        %dma_start3A_50 = arith.constant 0 : i32
        %dma_start3A_51 = tpu.memref_slice %arg5[%arg0, %run_scoped3A_47, %dma_start3A_49, %dma_start3A_50] : memref<2x1x10000x128xf32, #tpu.memory_space<hbm>> -> memref<1x1x16x128xf32, #tpu.memory_space<hbm>>
        %dma_start3A_52 = tpu.memref_squeeze %dma_start3A_51 : memref<1x1x16x128xf32, #tpu.memory_space<hbm>> -> memref<16x128xf32, #tpu.memory_space<hbm>>
        %dma_start3A_53 = arith.constant 9984 : i32
        %dma_start3A_54 = arith.constant 0 : i32
        %dma_start3A_55 = tpu.memref_slice %arg13[%dma_start3A_53, %dma_start3A_54] : memref<10000x128xf32, #tpu.memory_space<vmem_shared>> -> memref<16x128xf32, #tpu.memory_space<vmem_shared>>
        tpu.enqueue_dma source(%dma_start3A_55 : memref<16x128xf32, #tpu.memory_space<vmem_shared>>) target(%dma_start3A_52 : memref<16x128xf32, #tpu.memory_space<hbm>>) target_semaphore(%run_scoped3A_48 : memref<!tpu.dma_semaphore, #tpu.memory_space<semaphore_mem>>)
        %dma_wait3A_56 = arith.constant 9984 : i32
        %dma_wait3A_57 = arith.constant 0 : i32
        %dma_wait3A_58 = tpu.memref_slice %arg5[%arg0, %run_scoped3A_47, %dma_wait3A_56, %dma_wait3A_57] : memref<2x1x10000x128xf32, #tpu.memory_space<hbm>> -> memref<1x1x16x128xf32, #tpu.memory_space<hbm>>
        %dma_wait3A_59 = tpu.memref_squeeze %dma_wait3A_58 : memref<1x1x16x128xf32, #tpu.memory_space<hbm>> -> memref<16x128xf32, #tpu.memory_space<hbm>>
        %dma_wait3A_60 = arith.constant 9984 : i32
        %dma_wait3A_61 = arith.constant 0 : i32
        %dma_wait3A_62 = tpu.memref_slice %arg13[%dma_wait3A_60, %dma_wait3A_61] : memref<10000x128xf32, #tpu.memory_space<vmem_shared>> -> memref<16x128xf32, #tpu.memory_space<vmem_shared>>
        tpu.wait_dma2 semaphore(%run_scoped3A_48 : memref<!tpu.dma_semaphore, #tpu.memory_space<semaphore_mem>>) src(%dma_wait3A_62 : memref<16x128xf32, #tpu.memory_space<vmem_shared>>) dst(%dma_wait3A_59 : memref<16x128xf32, #tpu.memory_space<hbm>>)
        tpu.yield
      }) : () -> ()
    } else {
    }
    return
  }
}

#map = affine_map<(d0, d1) -> (0, 0)>
#map1 = affine_map<(d0, d1) -> (0)>
#map2 = affine_map<(d0, d1) -> (0, 0, 0, 0)>
module attributes {stable_mosaic.version = 14 : i64} {
  func.func @agg(%arg0: i32, %arg1: i32, %arg2: memref<10000x128xf32, #tpu.memory_space<hbm>>, %arg3: memref<320000xi32, #tpu.memory_space<hbm>>, %arg4: memref<320000xi32, #tpu.memory_space<hbm>>, %arg5: memref<2x1x10000x128xf32, #tpu.memory_space<hbm>>, %arg6: memref<128xi32, #tpu.memory_space<vmem>>, %arg7: memref<128xi32, #tpu.memory_space<vmem>>, %arg8: memref<128x128xf32, #tpu.memory_space<vmem>>, %arg9: memref<16xi32, #tpu.memory_space<vmem>>, %arg10: memref<16xi32, #tpu.memory_space<vmem>>, %arg11: memref<16x128xf32, #tpu.memory_space<vmem>>, %arg12: memref<208x128xf32, #tpu.memory_space<vmem>>, %arg13: memref<10000x128xf32, #tpu.memory_space<vmem_shared>>, %arg14: memref<!tpu.dma_semaphore, #tpu.memory_space<semaphore_mem>>) attributes {dimension_semantics = [#tpu.dimension_semantics<core_parallel>, #tpu.dimension_semantics<subcore_parallel>], iteration_bounds = array<i64: 2, 16>, scalar_prefetch = 0 : i64, scratch_operands = 9 : i64, tpu.core_type = #tpu.core_type<sc_vector_subcore>, window_params = [{transform_indices = #map}, {transform_indices = #map1}, {transform_indices = #map1}, {transform_indices = #map2}]} {
    %mul3A = arith.constant 16 : i32
    %mul3A_0 = arith.muli %arg0, %mul3A : i32
    %add3A = arith.addi %mul3A_0, %arg1 : i32
    %mul3A_1 = arith.constant 10000 : i32
    %mul3A_2 = arith.muli %add3A, %mul3A_1 : i32
    %broadcast_in_dim3A = arith.constant 0.000000e+00 : f32
    %broadcast_in_dim3A_3 = vector.broadcast %broadcast_in_dim3A : f32 to vector<16xf32>
    %scan3A = arith.constant 0 : i32
    %scan3A_4 = arith.constant 0 : i32
    %scan3A_5 = arith.constant 208 : i32
    %scan3A_6 = arith.addi %scan3A_4, %scan3A_5 : i32
    %scan3A_7 = arith.constant 1 : i32
    %scan3A_8 = scf.for %scan3A_47 = %scan3A_4 to %scan3A_6 step %scan3A_7 iter_args(%scan3A_48 = %scan3A) -> (i32)  : i32 {
      %scan3A_49 = arith.constant 0 : i32
      %scan3A_50 = arith.constant 0 : i32
      %scan3A_51 = arith.constant 8 : i32
      %scan3A_52 = arith.addi %scan3A_50, %scan3A_51 : i32
      %scan3A_53 = arith.constant 1 : i32
      %scan3A_54 = scf.for %scan3A_56 = %scan3A_50 to %scan3A_52 step %scan3A_53 iter_args(%scan3A_57 = %scan3A_49) -> (i32)  : i32 {
        %mul3A_58 = arith.constant 16 : i32
        %mul3A_59 = arith.muli %scan3A_56, %mul3A_58 : i32
        %swap3A = arith.index_cast %scan3A_47 : i32 to index
        %swap3A_60 = arith.index_cast %mul3A_59 : i32 to index
        %swap3A_61 = tpu.vector_load %arg12[%swap3A, %swap3A_60] {strides = array<i32>} : memref<208x128xf32, #tpu.memory_space<vmem>>, vector<1x16xf32>,
        %swap3A_62 = vector.shape_cast %swap3A_61 : vector<1x16xf32> to vector<16xf32>
        %swap3A_63 = vector.shape_cast %broadcast_in_dim3A_3 : vector<16xf32> to vector<1x16xf32>
        tpu.vector_store %arg12[%swap3A, %swap3A_60], %swap3A_63 {strides = array<i32>} : memref<208x128xf32, #tpu.memory_space<vmem>>, vector<1x16xf32>,
        %scan3A_64 = arith.constant 0 : i32
        scf.yield %scan3A_64 : i32
      }
      %scan3A_55 = arith.constant 8 : i32
      scf.yield %scan3A_54 : i32
    }
    %scan3A_9 = arith.constant 208 : i32
    %mul3A_10 = arith.constant 624 : i32
    %mul3A_11 = arith.muli %arg1, %mul3A_10 : i32
    %add3A_12 = arith.constant 0 : i32
    %add3A_13 = arith.addi %mul3A_11, %add3A_12 : i32
    "tpu.region"() ({
      %run_scoped3A_47 = tpu.sem_alloc : memref<!tpu.dma_semaphore, #tpu.memory_space<semaphore_mem>>
      %dma_start3A_48 = arith.constant 0 : i32
      %dma_start3A_49 = tpu.memref_slice %arg13[%add3A_13, %dma_start3A_48] : memref<10000x128xf32, #tpu.memory_space<vmem_shared>> -> memref<208x128xf32, #tpu.memory_space<vmem_shared>>
      %dma_start3A_50 = arith.constant 0 : i32
      %dma_start3A_51 = tpu.memref_slice %arg13[%add3A_13, %dma_start3A_50] : memref<10000x128xf32, #tpu.memory_space<vmem_shared>> -> memref<208x128xf32, #tpu.memory_space<vmem_shared>>
      tpu.enqueue_dma source(%arg12 : memref<208x128xf32, #tpu.memory_space<vmem>>) target(%dma_start3A_51 : memref<208x128xf32, #tpu.memory_space<vmem_shared>>) target_semaphore(%run_scoped3A_47 : memref<!tpu.dma_semaphore, #tpu.memory_space<semaphore_mem>>)
      %dma_wait3A_52 = arith.constant 0 : i32
      %dma_wait3A_53 = tpu.memref_slice %arg13[%add3A_13, %dma_wait3A_52] : memref<10000x128xf32, #tpu.memory_space<vmem_shared>> -> memref<208x128xf32, #tpu.memory_space<vmem_shared>>
      %dma_wait3A_54 = arith.constant 0 : i32
      %dma_wait3A_55 = tpu.memref_slice %arg13[%add3A_13, %dma_wait3A_54] : memref<10000x128xf32, #tpu.memory_space<vmem_shared>> -> memref<208x128xf32, #tpu.memory_space<vmem_shared>>
      tpu.wait_dma2 semaphore(%run_scoped3A_47 : memref<!tpu.dma_semaphore, #tpu.memory_space<semaphore_mem>>) src(%arg12 : memref<208x128xf32, #tpu.memory_space<vmem>>) dst(%dma_wait3A_55 : memref<208x128xf32, #tpu.memory_space<vmem_shared>>)
      tpu.yield
    }) : () -> ()
    %mul3A_14 = arith.constant 624 : i32
    %mul3A_15 = arith.muli %arg1, %mul3A_14 : i32
    %add3A_16 = arith.constant 208 : i32
    %add3A_17 = arith.addi %mul3A_15, %add3A_16 : i32
    "tpu.region"() ({
      %run_scoped3A_47 = tpu.sem_alloc : memref<!tpu.dma_semaphore, #tpu.memory_space<semaphore_mem>>
      %dma_start3A_48 = arith.constant 0 : i32
      %dma_start3A_49 = tpu.memref_slice %arg13[%add3A_17, %dma_start3A_48] : memref<10000x128xf32, #tpu.memory_space<vmem_shared>> -> memref<208x128xf32, #tpu.memory_space<vmem_shared>>
      %dma_start3A_50 = arith.constant 0 : i32
      %dma_start3A_51 = tpu.memref_slice %arg13[%add3A_17, %dma_start3A_50] : memref<10000x128xf32, #tpu.memory_space<vmem_shared>> -> memref<208x128xf32, #tpu.memory_space<vmem_shared>>
      tpu.enqueue_dma source(%arg12 : memref<208x128xf32, #tpu.memory_space<vmem>>) target(%dma_start3A_51 : memref<208x128xf32, #tpu.memory_space<vmem_shared>>) target_semaphore(%run_scoped3A_47 : memref<!tpu.dma_semaphore, #tpu.memory_space<semaphore_mem>>)
      %dma_wait3A_52 = arith.constant 0 : i32
      %dma_wait3A_53 = tpu.memref_slice %arg13[%add3A_17, %dma_wait3A_52] : memref<10000x128xf32, #tpu.memory_space<vmem_shared>> -> memref<208x128xf32, #tpu.memory_space<vmem_shared>>
      %dma_wait3A_54 = arith.constant 0 : i32
      %dma_wait3A_55 = tpu.memref_slice %arg13[%add3A_17, %dma_wait3A_54] : memref<10000x128xf32, #tpu.memory_space<vmem_shared>> -> memref<208x128xf32, #tpu.memory_space<vmem_shared>>
      tpu.wait_dma2 semaphore(%run_scoped3A_47 : memref<!tpu.dma_semaphore, #tpu.memory_space<semaphore_mem>>) src(%arg12 : memref<208x128xf32, #tpu.memory_space<vmem>>) dst(%dma_wait3A_55 : memref<208x128xf32, #tpu.memory_space<vmem_shared>>)
      tpu.yield
    }) : () -> ()
    %mul3A_18 = arith.constant 624 : i32
    %mul3A_19 = arith.muli %arg1, %mul3A_18 : i32
    %add3A_20 = arith.constant 416 : i32
    %add3A_21 = arith.addi %mul3A_19, %add3A_20 : i32
    "tpu.region"() ({
      %run_scoped3A_47 = tpu.sem_alloc : memref<!tpu.dma_semaphore, #tpu.memory_space<semaphore_mem>>
      %dma_start3A_48 = arith.constant 0 : i32
      %dma_start3A_49 = tpu.memref_slice %arg13[%add3A_21, %dma_start3A_48] : memref<10000x128xf32, #tpu.memory_space<vmem_shared>> -> memref<208x128xf32, #tpu.memory_space<vmem_shared>>
      %dma_start3A_50 = arith.constant 0 : i32
      %dma_start3A_51 = tpu.memref_slice %arg13[%add3A_21, %dma_start3A_50] : memref<10000x128xf32, #tpu.memory_space<vmem_shared>> -> memref<208x128xf32, #tpu.memory_space<vmem_shared>>
      tpu.enqueue_dma source(%arg12 : memref<208x128xf32, #tpu.memory_space<vmem>>) target(%dma_start3A_51 : memref<208x128xf32, #tpu.memory_space<vmem_shared>>) target_semaphore(%run_scoped3A_47 : memref<!tpu.dma_semaphore, #tpu.memory_space<semaphore_mem>>)
      %dma_wait3A_52 = arith.constant 0 : i32
      %dma_wait3A_53 = tpu.memref_slice %arg13[%add3A_21, %dma_wait3A_52] : memref<10000x128xf32, #tpu.memory_space<vmem_shared>> -> memref<208x128xf32, #tpu.memory_space<vmem_shared>>
      %dma_wait3A_54 = arith.constant 0 : i32
      %dma_wait3A_55 = tpu.memref_slice %arg13[%add3A_21, %dma_wait3A_54] : memref<10000x128xf32, #tpu.memory_space<vmem_shared>> -> memref<208x128xf32, #tpu.memory_space<vmem_shared>>
      tpu.wait_dma2 semaphore(%run_scoped3A_47 : memref<!tpu.dma_semaphore, #tpu.memory_space<semaphore_mem>>) src(%arg12 : memref<208x128xf32, #tpu.memory_space<vmem>>) dst(%dma_wait3A_55 : memref<208x128xf32, #tpu.memory_space<vmem_shared>>)
      tpu.yield
    }) : () -> ()
    %eq3A = arith.constant 15 : i32
    %eq3A_22 = arith.cmpi eq, %arg1, %eq3A : i32
    %convert_element_type3A = arith.extui %eq3A_22 : i1 to i32
    %cond3A = arith.constant 0 : i32
    %cond3A_23 = arith.cmpi ne, %convert_element_type3A, %cond3A : i32
    scf.if %cond3A_23 {
      "tpu.region"() ({
        %run_scoped3A_47 = tpu.sem_alloc : memref<!tpu.dma_semaphore, #tpu.memory_space<semaphore_mem>>
        %dma_start3A_48 = arith.constant 0 : i32
        %dma_start3A_49 = arith.constant 0 : i32
        %dma_start3A_50 = tpu.memref_slice %arg12[%dma_start3A_48, %dma_start3A_49] : memref<208x128xf32, #tpu.memory_space<vmem>> -> memref<16x128xf32, #tpu.memory_space<vmem>>
        %dma_start3A_51 = arith.constant 9984 : i32
        %dma_start3A_52 = arith.constant 0 : i32
        %dma_start3A_53 = tpu.memref_slice %arg13[%dma_start3A_51, %dma_start3A_52] : memref<10000x128xf32, #tpu.memory_space<vmem_shared>> -> memref<16x128xf32, #tpu.memory_space<vmem_shared>>
        %dma_start3A_54 = arith.constant 9984 : i32
        %dma_start3A_55 = arith.constant 0 : i32
        %dma_start3A_56 = tpu.memref_slice %arg13[%dma_start3A_54, %dma_start3A_55] : memref<10000x128xf32, #tpu.memory_space<vmem_shared>> -> memref<16x128xf32, #tpu.memory_space<vmem_shared>>
        %dma_start3A_57 = arith.constant 0 : i32
        %dma_start3A_58 = arith.constant 0 : i32
        %dma_start3A_59 = tpu.memref_slice %arg12[%dma_start3A_57, %dma_start3A_58] : memref<208x128xf32, #tpu.memory_space<vmem>> -> memref<16x128xf32, #tpu.memory_space<vmem>>
        tpu.enqueue_dma source(%dma_start3A_59 : memref<16x128xf32, #tpu.memory_space<vmem>>) target(%dma_start3A_56 : memref<16x128xf32, #tpu.memory_space<vmem_shared>>) target_semaphore(%run_scoped3A_47 : memref<!tpu.dma_semaphore, #tpu.memory_space<semaphore_mem>>)
        %dma_wait3A_60 = arith.constant 0 : i32
        %dma_wait3A_61 = arith.constant 0 : i32
        %dma_wait3A_62 = tpu.memref_slice %arg12[%dma_wait3A_60, %dma_wait3A_61] : memref<208x128xf32, #tpu.memory_space<vmem>> -> memref<16x128xf32, #tpu.memory_space<vmem>>
        %dma_wait3A_63 = arith.constant 9984 : i32
        %dma_wait3A_64 = arith.constant 0 : i32
        %dma_wait3A_65 = tpu.memref_slice %arg13[%dma_wait3A_63, %dma_wait3A_64] : memref<10000x128xf32, #tpu.memory_space<vmem_shared>> -> memref<16x128xf32, #tpu.memory_space<vmem_shared>>
        %dma_wait3A_66 = arith.constant 9984 : i32
        %dma_wait3A_67 = arith.constant 0 : i32
        %dma_wait3A_68 = tpu.memref_slice %arg13[%dma_wait3A_66, %dma_wait3A_67] : memref<10000x128xf32, #tpu.memory_space<vmem_shared>> -> memref<16x128xf32, #tpu.memory_space<vmem_shared>>
        %dma_wait3A_69 = arith.constant 0 : i32
        %dma_wait3A_70 = arith.constant 0 : i32
        %dma_wait3A_71 = tpu.memref_slice %arg12[%dma_wait3A_69, %dma_wait3A_70] : memref<208x128xf32, #tpu.memory_space<vmem>> -> memref<16x128xf32, #tpu.memory_space<vmem>>
        tpu.wait_dma2 semaphore(%run_scoped3A_47 : memref<!tpu.dma_semaphore, #tpu.memory_space<semaphore_mem>>) src(%dma_wait3A_71 : memref<16x128xf32, #tpu.memory_space<vmem>>) dst(%dma_wait3A_68 : memref<16x128xf32, #tpu.memory_space<vmem_shared>>)
        tpu.yield
      }) : () -> ()
    } else {
    }
    %barrier3A = arith.constant 0 : index
    tpu.barrier barrier_id(%barrier3A)
    %scan3A_24 = arith.constant 0 : i32
    %scan3A_25 = arith.constant 0 : i32
    %scan3A_26 = arith.constant 78 : i32
    %scan3A_27 = arith.addi %scan3A_25, %scan3A_26 : i32
    %scan3A_28 = arith.constant 1 : i32
    %scan3A_29 = scf.for %scan3A_47 = %scan3A_25 to %scan3A_27 step %scan3A_28 iter_args(%scan3A_48 = %scan3A_24) -> (i32)  : i32 {
      %mul3A_49 = arith.constant 128 : i32
      %mul3A_50 = arith.muli %scan3A_47, %mul3A_49 : i32
      %add3A_51 = arith.addi %mul3A_2, %mul3A_50 : i32
      "tpu.region"() ({
        %run_scoped3A_59 = tpu.sem_alloc : memref<!tpu.dma_semaphore, #tpu.memory_space<semaphore_mem>>
        %dma_start3A_60 = tpu.memref_slice %arg3[%add3A_51] : memref<320000xi32, #tpu.memory_space<hbm>> -> memref<128xi32, #tpu.memory_space<hbm>>
        %dma_start3A_61 = tpu.memref_slice %arg3[%add3A_51] : memref<320000xi32, #tpu.memory_space<hbm>> -> memref<128xi32, #tpu.memory_space<hbm>>
        tpu.enqueue_dma source(%dma_start3A_61 : memref<128xi32, #tpu.memory_space<hbm>>) target(%arg6 : memref<128xi32, #tpu.memory_space<vmem>>) target_semaphore(%run_scoped3A_59 : memref<!tpu.dma_semaphore, #tpu.memory_space<semaphore_mem>>)
        %dma_wait3A_62 = tpu.memref_slice %arg3[%add3A_51] : memref<320000xi32, #tpu.memory_space<hbm>> -> memref<128xi32, #tpu.memory_space<hbm>>
        %dma_wait3A_63 = tpu.memref_slice %arg3[%add3A_51] : memref<320000xi32, #tpu.memory_space<hbm>> -> memref<128xi32, #tpu.memory_space<hbm>>
        tpu.wait_dma2 semaphore(%run_scoped3A_59 : memref<!tpu.dma_semaphore, #tpu.memory_space<semaphore_mem>>) src(%dma_wait3A_63 : memref<128xi32, #tpu.memory_space<hbm>>) dst(%arg6 : memref<128xi32, #tpu.memory_space<vmem>>)
        tpu.yield
      }) : () -> ()
      "tpu.region"() ({
        %run_scoped3A_59 = tpu.sem_alloc : memref<!tpu.dma_semaphore, #tpu.memory_space<semaphore_mem>>
        %dma_start3A_60 = tpu.memref_slice %arg4[%add3A_51] : memref<320000xi32, #tpu.memory_space<hbm>> -> memref<128xi32, #tpu.memory_space<hbm>>
        %dma_start3A_61 = tpu.memref_slice %arg4[%add3A_51] : memref<320000xi32, #tpu.memory_space<hbm>> -> memref<128xi32, #tpu.memory_space<hbm>>
        tpu.enqueue_dma source(%dma_start3A_61 : memref<128xi32, #tpu.memory_space<hbm>>) target(%arg7 : memref<128xi32, #tpu.memory_space<vmem>>) target_semaphore(%run_scoped3A_59 : memref<!tpu.dma_semaphore, #tpu.memory_space<semaphore_mem>>)
        %dma_wait3A_62 = tpu.memref_slice %arg4[%add3A_51] : memref<320000xi32, #tpu.memory_space<hbm>> -> memref<128xi32, #tpu.memory_space<hbm>>
        %dma_wait3A_63 = tpu.memref_slice %arg4[%add3A_51] : memref<320000xi32, #tpu.memory_space<hbm>> -> memref<128xi32, #tpu.memory_space<hbm>>
        tpu.wait_dma2 semaphore(%run_scoped3A_59 : memref<!tpu.dma_semaphore, #tpu.memory_space<semaphore_mem>>) src(%dma_wait3A_63 : memref<128xi32, #tpu.memory_space<hbm>>) dst(%arg7 : memref<128xi32, #tpu.memory_space<vmem>>)
        tpu.yield
      }) : () -> ()
      %dma_start3A_52 = arith.constant 0 : i32
      %dma_start3A_53 = arith.constant 0 : i32
      %dma_start3A_54 = tpu.memref_slice %arg2[%dma_start3A_52, %dma_start3A_53] : memref<10000x128xf32, #tpu.memory_space<hbm>> -> memref<10000x128xf32, #tpu.memory_space<hbm>>
      tpu.enqueue_indirect_dma source(%dma_start3A_54 : memref<10000x128xf32, #tpu.memory_space<hbm>>) target(%arg8 : memref<128x128xf32, #tpu.memory_space<vmem>>) offsets(%arg6 : memref<128xi32, #tpu.memory_space<vmem>>) semaphore(%arg14 : memref<!tpu.dma_semaphore, #tpu.memory_space<semaphore_mem>>)
      %dma_wait3A_55 = arith.constant 0 : i32
      %dma_wait3A_56 = arith.constant 0 : i32
      %dma_wait3A_57 = tpu.memref_slice %arg2[%dma_wait3A_55, %dma_wait3A_56] : memref<10000x128xf32, #tpu.memory_space<hbm>> -> memref<10000x128xf32, #tpu.memory_space<hbm>>
      tpu.wait_indirect_dma semaphore(%arg14 : memref<!tpu.dma_semaphore, #tpu.memory_space<semaphore_mem>>) src(%dma_wait3A_57 : memref<10000x128xf32, #tpu.memory_space<hbm>>) dst(%arg8 : memref<128x128xf32, #tpu.memory_space<vmem>>)
      "tpu.region"() ({
        %run_scoped3A_59 = tpu.sem_alloc : memref<!tpu.dma_semaphore, #tpu.memory_space<semaphore_mem>>
        %dma_start3A_60 = arith.constant 0 : i32
        %dma_start3A_61 = arith.constant 0 : i32
        %dma_start3A_62 = tpu.memref_slice %arg13[%dma_start3A_60, %dma_start3A_61] : memref<10000x128xf32, #tpu.memory_space<vmem_shared>> -> memref<10000x128xf32, #tpu.memory_space<vmem_shared>>
        tpu.enqueue_indirect_dma source(%arg8 : memref<128x128xf32, #tpu.memory_space<vmem>>) target(%dma_start3A_62 : memref<10000x128xf32, #tpu.memory_space<vmem_shared>>) offsets(%arg7 : memref<128xi32, #tpu.memory_space<vmem>>) semaphore(%run_scoped3A_59 : memref<!tpu.dma_semaphore, #tpu.memory_space<semaphore_mem>>) {add = true}
        %dma_wait3A_63 = arith.constant 0 : i32
        %dma_wait3A_64 = arith.constant 0 : i32
        %dma_wait3A_65 = tpu.memref_slice %arg13[%dma_wait3A_63, %dma_wait3A_64] : memref<10000x128xf32, #tpu.memory_space<vmem_shared>> -> memref<10000x128xf32, #tpu.memory_space<vmem_shared>>
        tpu.wait_indirect_dma semaphore(%run_scoped3A_59 : memref<!tpu.dma_semaphore, #tpu.memory_space<semaphore_mem>>) src(%arg8 : memref<128x128xf32, #tpu.memory_space<vmem>>) dst(%dma_wait3A_65 : memref<10000x128xf32, #tpu.memory_space<vmem_shared>>)
        tpu.yield
      }) : () -> ()
      %scan3A_58 = arith.constant 0 : i32
      scf.yield %scan3A_58 : i32
    }
    %scan3A_30 = arith.constant 78 : i32
    %add3A_31 = arith.constant 9984 : i32
    %add3A_32 = arith.addi %mul3A_2, %add3A_31 : i32
    "tpu.region"() ({
      %run_scoped3A_47 = tpu.sem_alloc : memref<!tpu.dma_semaphore, #tpu.memory_space<semaphore_mem>>
      %dma_start3A_48 = tpu.memref_slice %arg3[%add3A_32] : memref<320000xi32, #tpu.memory_space<hbm>> -> memref<16xi32, #tpu.memory_space<hbm>>
      %dma_start3A_49 = tpu.memref_slice %arg3[%add3A_32] : memref<320000xi32, #tpu.memory_space<hbm>> -> memref<16xi32, #tpu.memory_space<hbm>>
      tpu.enqueue_dma source(%dma_start3A_49 : memref<16xi32, #tpu.memory_space<hbm>>) target(%arg9 : memref<16xi32, #tpu.memory_space<vmem>>) target_semaphore(%run_scoped3A_47 : memref<!tpu.dma_semaphore, #tpu.memory_space<semaphore_mem>>)
      %dma_wait3A_50 = tpu.memref_slice %arg3[%add3A_32] : memref<320000xi32, #tpu.memory_space<hbm>> -> memref<16xi32, #tpu.memory_space<hbm>>
      %dma_wait3A_51 = tpu.memref_slice %arg3[%add3A_32] : memref<320000xi32, #tpu.memory_space<hbm>> -> memref<16xi32, #tpu.memory_space<hbm>>
      tpu.wait_dma2 semaphore(%run_scoped3A_47 : memref<!tpu.dma_semaphore, #tpu.memory_space<semaphore_mem>>) src(%dma_wait3A_51 : memref<16xi32, #tpu.memory_space<hbm>>) dst(%arg9 : memref<16xi32, #tpu.memory_space<vmem>>)
      tpu.yield
    }) : () -> ()
    "tpu.region"() ({
      %run_scoped3A_47 = tpu.sem_alloc : memref<!tpu.dma_semaphore, #tpu.memory_space<semaphore_mem>>
      %dma_start3A_48 = tpu.memref_slice %arg4[%add3A_32] : memref<320000xi32, #tpu.memory_space<hbm>> -> memref<16xi32, #tpu.memory_space<hbm>>
      %dma_start3A_49 = tpu.memref_slice %arg4[%add3A_32] : memref<320000xi32, #tpu.memory_space<hbm>> -> memref<16xi32, #tpu.memory_space<hbm>>
      tpu.enqueue_dma source(%dma_start3A_49 : memref<16xi32, #tpu.memory_space<hbm>>) target(%arg10 : memref<16xi32, #tpu.memory_space<vmem>>) target_semaphore(%run_scoped3A_47 : memref<!tpu.dma_semaphore, #tpu.memory_space<semaphore_mem>>)
      %dma_wait3A_50 = tpu.memref_slice %arg4[%add3A_32] : memref<320000xi32, #tpu.memory_space<hbm>> -> memref<16xi32, #tpu.memory_space<hbm>>
      %dma_wait3A_51 = tpu.memref_slice %arg4[%add3A_32] : memref<320000xi32, #tpu.memory_space<hbm>> -> memref<16xi32, #tpu.memory_space<hbm>>
      tpu.wait_dma2 semaphore(%run_scoped3A_47 : memref<!tpu.dma_semaphore, #tpu.memory_space<semaphore_mem>>) src(%dma_wait3A_51 : memref<16xi32, #tpu.memory_space<hbm>>) dst(%arg10 : memref<16xi32, #tpu.memory_space<vmem>>)
      tpu.yield
    }) : () -> ()
    %dma_start3A = arith.constant 0 : i32
    %dma_start3A_33 = arith.constant 0 : i32
    %dma_start3A_34 = tpu.memref_slice %arg2[%dma_start3A, %dma_start3A_33] : memref<10000x128xf32, #tpu.memory_space<hbm>> -> memref<10000x128xf32, #tpu.memory_space<hbm>>
    tpu.enqueue_indirect_dma source(%dma_start3A_34 : memref<10000x128xf32, #tpu.memory_space<hbm>>) target(%arg11 : memref<16x128xf32, #tpu.memory_space<vmem>>) offsets(%arg9 : memref<16xi32, #tpu.memory_space<vmem>>) semaphore(%arg14 : memref<!tpu.dma_semaphore, #tpu.memory_space<semaphore_mem>>)
    %dma_wait3A = arith.constant 0 : i32
    %dma_wait3A_35 = arith.constant 0 : i32
    %dma_wait3A_36 = tpu.memref_slice %arg2[%dma_wait3A, %dma_wait3A_35] : memref<10000x128xf32, #tpu.memory_space<hbm>> -> memref<10000x128xf32, #tpu.memory_space<hbm>>
    tpu.wait_indirect_dma semaphore(%arg14 : memref<!tpu.dma_semaphore, #tpu.memory_space<semaphore_mem>>) src(%dma_wait3A_36 : memref<10000x128xf32, #tpu.memory_space<hbm>>) dst(%arg11 : memref<16x128xf32, #tpu.memory_space<vmem>>)
    "tpu.region"() ({
      %run_scoped3A_47 = tpu.sem_alloc : memref<!tpu.dma_semaphore, #tpu.memory_space<semaphore_mem>>
      %dma_start3A_48 = arith.constant 0 : i32
      %dma_start3A_49 = arith.constant 0 : i32
      %dma_start3A_50 = tpu.memref_slice %arg13[%dma_start3A_48, %dma_start3A_49] : memref<10000x128xf32, #tpu.memory_space<vmem_shared>> -> memref<10000x128xf32, #tpu.memory_space<vmem_shared>>
      tpu.enqueue_indirect_dma source(%arg11 : memref<16x128xf32, #tpu.memory_space<vmem>>) target(%dma_start3A_50 : memref<10000x128xf32, #tpu.memory_space<vmem_shared>>) offsets(%arg10 : memref<16xi32, #tpu.memory_space<vmem>>) semaphore(%run_scoped3A_47 : memref<!tpu.dma_semaphore, #tpu.memory_space<semaphore_mem>>) {add = true}
      %dma_wait3A_51 = arith.constant 0 : i32
      %dma_wait3A_52 = arith.constant 0 : i32
      %dma_wait3A_53 = tpu.memref_slice %arg13[%dma_wait3A_51, %dma_wait3A_52] : memref<10000x128xf32, #tpu.memory_space<vmem_shared>> -> memref<10000x128xf32, #tpu.memory_space<vmem_shared>>
      tpu.wait_indirect_dma semaphore(%run_scoped3A_47 : memref<!tpu.dma_semaphore, #tpu.memory_space<semaphore_mem>>) src(%arg11 : memref<16x128xf32, #tpu.memory_space<vmem>>) dst(%dma_wait3A_53 : memref<10000x128xf32, #tpu.memory_space<vmem_shared>>)
      tpu.yield
    }) : () -> ()
    %barrier3A_37 = arith.constant 0 : index
    tpu.barrier barrier_id(%barrier3A_37)
    %mul3A_38 = arith.constant 624 : i32
    %mul3A_39 = arith.muli %arg1, %mul3A_38 : i32
    %mul3A_40 = arith.constant 624 : i32
    %mul3A_41 = arith.muli %arg1, %mul3A_40 : i32
    %run_scoped3A = arith.constant 0 : i32
    "tpu.region"() ({
      %run_scoped3A_47 = tpu.sem_alloc : memref<!tpu.dma_semaphore, #tpu.memory_space<semaphore_mem>>
      %dma_start3A_48 = arith.constant 0 : i32
      %dma_start3A_49 = tpu.memref_slice %arg5[%arg0, %run_scoped3A, %mul3A_41, %dma_start3A_48] : memref<2x1x10000x128xf32, #tpu.memory_space<hbm>> -> memref<1x1x624x128xf32, #tpu.memory_space<hbm>>
      %dma_start3A_50 = tpu.memref_squeeze %dma_start3A_49 : memref<1x1x624x128xf32, #tpu.memory_space<hbm>> -> memref<624x128xf32, #tpu.memory_space<hbm>>
      %dma_start3A_51 = arith.constant 0 : i32
      %dma_start3A_52 = tpu.memref_slice %arg13[%mul3A_39, %dma_start3A_51] : memref<10000x128xf32, #tpu.memory_space<vmem_shared>> -> memref<624x128xf32, #tpu.memory_space<vmem_shared>>
      tpu.enqueue_dma source(%dma_start3A_52 : memref<624x128xf32, #tpu.memory_space<vmem_shared>>) target(%dma_start3A_50 : memref<624x128xf32, #tpu.memory_space<hbm>>) target_semaphore(%run_scoped3A_47 : memref<!tpu.dma_semaphore, #tpu.memory_space<semaphore_mem>>)
      %dma_wait3A_53 = arith.constant 0 : i32
      %dma_wait3A_54 = tpu.memref_slice %arg5[%arg0, %run_scoped3A, %mul3A_41, %dma_wait3A_53] : memref<2x1x10000x128xf32, #tpu.memory_space<hbm>> -> memref<1x1x624x128xf32, #tpu.memory_space<hbm>>
      %dma_wait3A_55 = tpu.memref_squeeze %dma_wait3A_54 : memref<1x1x624x128xf32, #tpu.memory_space<hbm>> -> memref<624x128xf32, #tpu.memory_space<hbm>>
      %dma_wait3A_56 = arith.constant 0 : i32
      %dma_wait3A_57 = tpu.memref_slice %arg13[%mul3A_39, %dma_wait3A_56] : memref<10000x128xf32, #tpu.memory_space<vmem_shared>> -> memref<624x128xf32, #tpu.memory_space<vmem_shared>>
      tpu.wait_dma2 semaphore(%run_scoped3A_47 : memref<!tpu.dma_semaphore, #tpu.memory_space<semaphore_mem>>) src(%dma_wait3A_57 : memref<624x128xf32, #tpu.memory_space<vmem_shared>>) dst(%dma_wait3A_55 : memref<624x128xf32, #tpu.memory_space<hbm>>)
      tpu.yield
    }) : () -> ()
    %eq3A_42 = arith.constant 15 : i32
    %eq3A_43 = arith.cmpi eq, %arg1, %eq3A_42 : i32
    %convert_element_type3A_44 = arith.extui %eq3A_43 : i1 to i32
    %cond3A_45 = arith.constant 0 : i32
    %cond3A_46 = arith.cmpi ne, %convert_element_type3A_44, %cond3A_45 : i32
    scf.if %cond3A_46 {
      %run_scoped3A_47 = arith.constant 0 : i32
      "tpu.region"() ({
        %run_scoped3A_48 = tpu.sem_alloc : memref<!tpu.dma_semaphore, #tpu.memory_space<semaphore_mem>>
        %dma_start3A_49 = arith.constant 9984 : i32
        %dma_start3A_50 = arith.constant 0 : i32
        %dma_start3A_51 = tpu.memref_slice %arg5[%arg0, %run_scoped3A_47, %dma_start3A_49, %dma_start3A_50] : memref<2x1x10000x128xf32, #tpu.memory_space<hbm>> -> memref<1x1x16x128xf32, #tpu.memory_space<hbm>>
        %dma_start3A_52 = tpu.memref_squeeze %dma_start3A_51 : memref<1x1x16x128xf32, #tpu.memory_space<hbm>> -> memref<16x128xf32, #tpu.memory_space<hbm>>
        %dma_start3A_53 = arith.constant 9984 : i32
        %dma_start3A_54 = arith.constant 0 : i32
        %dma_start3A_55 = tpu.memref_slice %arg13[%dma_start3A_53, %dma_start3A_54] : memref<10000x128xf32, #tpu.memory_space<vmem_shared>> -> memref<16x128xf32, #tpu.memory_space<vmem_shared>>
        tpu.enqueue_dma source(%dma_start3A_55 : memref<16x128xf32, #tpu.memory_space<vmem_shared>>) target(%dma_start3A_52 : memref<16x128xf32, #tpu.memory_space<hbm>>) target_semaphore(%run_scoped3A_48 : memref<!tpu.dma_semaphore, #tpu.memory_space<semaphore_mem>>)
        %dma_wait3A_56 = arith.constant 9984 : i32
        %dma_wait3A_57 = arith.constant 0 : i32
        %dma_wait3A_58 = tpu.memref_slice %arg5[%arg0, %run_scoped3A_47, %dma_wait3A_56, %dma_wait3A_57] : memref<2x1x10000x128xf32, #tpu.memory_space<hbm>> -> memref<1x1x16x128xf32, #tpu.memory_space<hbm>>
        %dma_wait3A_59 = tpu.memref_squeeze %dma_wait3A_58 : memref<1x1x16x128xf32, #tpu.memory_space<hbm>> -> memref<16x128xf32, #tpu.memory_space<hbm>>
        %dma_wait3A_60 = arith.constant 9984 : i32
        %dma_wait3A_61 = arith.constant 0 : i32
        %dma_wait3A_62 = tpu.memref_slice %arg13[%dma_wait3A_60, %dma_wait3A_61] : memref<10000x128xf32, #tpu.memory_space<vmem_shared>> -> memref<16x128xf32, #tpu.memory_space<vmem_shared>>
        tpu.wait_dma2 semaphore(%run_scoped3A_48 : memref<!tpu.dma_semaphore, #tpu.memory_space<semaphore_mem>>) src(%dma_wait3A_62 : memref<16x128xf32, #tpu.memory_space<vmem_shared>>) dst(%dma_wait3A_59 : memref<16x128xf32, #tpu.memory_space<hbm>>)
        tpu.yield
      }) : () -> ()
    } else {
    }
    return
  }
}

#map = affine_map<(d0, d1) -> (0, 0)>
#map1 = affine_map<(d0, d1) -> (0)>
#map2 = affine_map<(d0, d1) -> (0, 0, 0, 0)>
module attributes {stable_mosaic.version = 14 : i64} {
  func.func @agg(%arg0: i32, %arg1: i32, %arg2: memref<10000x128xf32, #tpu.memory_space<hbm>>, %arg3: memref<320000xi32, #tpu.memory_space<hbm>>, %arg4: memref<320000xi32, #tpu.memory_space<hbm>>, %arg5: memref<2x1x10000x128xf32, #tpu.memory_space<hbm>>, %arg6: memref<128xi32, #tpu.memory_space<vmem>>, %arg7: memref<128xi32, #tpu.memory_space<vmem>>, %arg8: memref<128x128xf32, #tpu.memory_space<vmem>>, %arg9: memref<16xi32, #tpu.memory_space<vmem>>, %arg10: memref<16xi32, #tpu.memory_space<vmem>>, %arg11: memref<16x128xf32, #tpu.memory_space<vmem>>, %arg12: memref<208x128xf32, #tpu.memory_space<vmem>>, %arg13: memref<10000x128xf32, #tpu.memory_space<vmem_shared>>, %arg14: memref<!tpu.dma_semaphore, #tpu.memory_space<semaphore_mem>>) attributes {dimension_semantics = [#tpu.dimension_semantics<core_parallel>, #tpu.dimension_semantics<subcore_parallel>], iteration_bounds = array<i64: 2, 16>, scalar_prefetch = 0 : i64, scratch_operands = 9 : i64, tpu.core_type = #tpu.core_type<sc_vector_subcore>, window_params = [{transform_indices = #map}, {transform_indices = #map1}, {transform_indices = #map1}, {transform_indices = #map2}]} {
    %mul3A = arith.constant 16 : i32
    %mul3A_0 = arith.muli %arg0, %mul3A : i32
    %add3A = arith.addi %mul3A_0, %arg1 : i32
    %mul3A_1 = arith.constant 10000 : i32
    %mul3A_2 = arith.muli %add3A, %mul3A_1 : i32
    %broadcast_in_dim3A = arith.constant 0.000000e+00 : f32
    %broadcast_in_dim3A_3 = vector.broadcast %broadcast_in_dim3A : f32 to vector<16xf32>
    %scan3A = arith.constant 0 : i32
    %scan3A_4 = arith.constant 0 : i32
    %scan3A_5 = arith.constant 208 : i32
    %scan3A_6 = arith.addi %scan3A_4, %scan3A_5 : i32
    %scan3A_7 = arith.constant 1 : i32
    %scan3A_8 = scf.for %scan3A_47 = %scan3A_4 to %scan3A_6 step %scan3A_7 iter_args(%scan3A_48 = %scan3A) -> (i32)  : i32 {
      %scan3A_49 = arith.constant 0 : i32
      %scan3A_50 = arith.constant 0 : i32
      %scan3A_51 = arith.constant 8 : i32
      %scan3A_52 = arith.addi %scan3A_50, %scan3A_51 : i32
      %scan3A_53 = arith.constant 1 : i32
      %scan3A_54 = scf.for %scan3A_56 = %scan3A_50 to %scan3A_52 step %scan3A_53 iter_args(%scan3A_57 = %scan3A_49) -> (i32)  : i32 {
        %mul3A_58 = arith.constant 16 : i32
        %mul3A_59 = arith.muli %scan3A_56, %mul3A_58 : i32
        %swap3A = arith.index_cast %scan3A_47 : i32 to index
        %swap3A_60 = arith.index_cast %mul3A_59 : i32 to index
        %swap3A_61 = tpu.vector_load %arg12[%swap3A, %swap3A_60] {strides = array<i32>} : memref<208x128xf32, #tpu.memory_space<vmem>>, vector<1x16xf32>,
        %swap3A_62 = vector.shape_cast %swap3A_61 : vector<1x16xf32> to vector<16xf32>
        %swap3A_63 = vector.shape_cast %broadcast_in_dim3A_3 : vector<16xf32> to vector<1x16xf32>
        tpu.vector_store %arg12[%swap3A, %swap3A_60], %swap3A_63 {strides = array<i32>} : memref<208x128xf32, #tpu.memory_space<vmem>>, vector<1x16xf32>,
        %scan3A_64 = arith.constant 0 : i32
        scf.yield %scan3A_64 : i32
      }
      %scan3A_55 = arith.constant 8 : i32
      scf.yield %scan3A_54 : i32
    }
    %scan3A_9 = arith.constant 208 : i32
    %mul3A_10 = arith.constant 624 : i32
    %mul3A_11 = arith.muli %arg1, %mul3A_10 : i32
    %add3A_12 = arith.constant 0 : i32
    %add3A_13 = arith.addi %mul3A_11, %add3A_12 : i32
    "tpu.region"() ({
      %run_scoped3A_47 = tpu.sem_alloc : memref<!tpu.dma_semaphore, #tpu.memory_space<semaphore_mem>>
      %dma_start3A_48 = arith.constant 0 : i32
      %dma_start3A_49 = tpu.memref_slice %arg13[%add3A_13, %dma_start3A_48] : memref<10000x128xf32, #tpu.memory_space<vmem_shared>> -> memref<208x128xf32, #tpu.memory_space<vmem_shared>>
      %dma_start3A_50 = arith.constant 0 : i32
      %dma_start3A_51 = tpu.memref_slice %arg13[%add3A_13, %dma_start3A_50] : memref<10000x128xf32, #tpu.memory_space<vmem_shared>> -> memref<208x128xf32, #tpu.memory_space<vmem_shared>>
      tpu.enqueue_dma source(%arg12 : memref<208x128xf32, #tpu.memory_space<vmem>>) target(%dma_start3A_51 : memref<208x128xf32, #tpu.memory_space<vmem_shared>>) target_semaphore(%run_scoped3A_47 : memref<!tpu.dma_semaphore, #tpu.memory_space<semaphore_mem>>)
      %dma_wait3A_52 = arith.constant 0 : i32
      %dma_wait3A_53 = tpu.memref_slice %arg13[%add3A_13, %dma_wait3A_52] : memref<10000x128xf32, #tpu.memory_space<vmem_shared>> -> memref<208x128xf32, #tpu.memory_space<vmem_shared>>
      %dma_wait3A_54 = arith.constant 0 : i32
      %dma_wait3A_55 = tpu.memref_slice %arg13[%add3A_13, %dma_wait3A_54] : memref<10000x128xf32, #tpu.memory_space<vmem_shared>> -> memref<208x128xf32, #tpu.memory_space<vmem_shared>>
      tpu.wait_dma2 semaphore(%run_scoped3A_47 : memref<!tpu.dma_semaphore, #tpu.memory_space<semaphore_mem>>) src(%arg12 : memref<208x128xf32, #tpu.memory_space<vmem>>) dst(%dma_wait3A_55 : memref<208x128xf32, #tpu.memory_space<vmem_shared>>)
      tpu.yield
    }) : () -> ()
    %mul3A_14 = arith.constant 624 : i32
    %mul3A_15 = arith.muli %arg1, %mul3A_14 : i32
    %add3A_16 = arith.constant 208 : i32
    %add3A_17 = arith.addi %mul3A_15, %add3A_16 : i32
    "tpu.region"() ({
      %run_scoped3A_47 = tpu.sem_alloc : memref<!tpu.dma_semaphore, #tpu.memory_space<semaphore_mem>>
      %dma_start3A_48 = arith.constant 0 : i32
      %dma_start3A_49 = tpu.memref_slice %arg13[%add3A_17, %dma_start3A_48] : memref<10000x128xf32, #tpu.memory_space<vmem_shared>> -> memref<208x128xf32, #tpu.memory_space<vmem_shared>>
      %dma_start3A_50 = arith.constant 0 : i32
      %dma_start3A_51 = tpu.memref_slice %arg13[%add3A_17, %dma_start3A_50] : memref<10000x128xf32, #tpu.memory_space<vmem_shared>> -> memref<208x128xf32, #tpu.memory_space<vmem_shared>>
      tpu.enqueue_dma source(%arg12 : memref<208x128xf32, #tpu.memory_space<vmem>>) target(%dma_start3A_51 : memref<208x128xf32, #tpu.memory_space<vmem_shared>>) target_semaphore(%run_scoped3A_47 : memref<!tpu.dma_semaphore, #tpu.memory_space<semaphore_mem>>)
      %dma_wait3A_52 = arith.constant 0 : i32
      %dma_wait3A_53 = tpu.memref_slice %arg13[%add3A_17, %dma_wait3A_52] : memref<10000x128xf32, #tpu.memory_space<vmem_shared>> -> memref<208x128xf32, #tpu.memory_space<vmem_shared>>
      %dma_wait3A_54 = arith.constant 0 : i32
      %dma_wait3A_55 = tpu.memref_slice %arg13[%add3A_17, %dma_wait3A_54] : memref<10000x128xf32, #tpu.memory_space<vmem_shared>> -> memref<208x128xf32, #tpu.memory_space<vmem_shared>>
      tpu.wait_dma2 semaphore(%run_scoped3A_47 : memref<!tpu.dma_semaphore, #tpu.memory_space<semaphore_mem>>) src(%arg12 : memref<208x128xf32, #tpu.memory_space<vmem>>) dst(%dma_wait3A_55 : memref<208x128xf32, #tpu.memory_space<vmem_shared>>)
      tpu.yield
    }) : () -> ()
    %mul3A_18 = arith.constant 624 : i32
    %mul3A_19 = arith.muli %arg1, %mul3A_18 : i32
    %add3A_20 = arith.constant 416 : i32
    %add3A_21 = arith.addi %mul3A_19, %add3A_20 : i32
    "tpu.region"() ({
      %run_scoped3A_47 = tpu.sem_alloc : memref<!tpu.dma_semaphore, #tpu.memory_space<semaphore_mem>>
      %dma_start3A_48 = arith.constant 0 : i32
      %dma_start3A_49 = tpu.memref_slice %arg13[%add3A_21, %dma_start3A_48] : memref<10000x128xf32, #tpu.memory_space<vmem_shared>> -> memref<208x128xf32, #tpu.memory_space<vmem_shared>>
      %dma_start3A_50 = arith.constant 0 : i32
      %dma_start3A_51 = tpu.memref_slice %arg13[%add3A_21, %dma_start3A_50] : memref<10000x128xf32, #tpu.memory_space<vmem_shared>> -> memref<208x128xf32, #tpu.memory_space<vmem_shared>>
      tpu.enqueue_dma source(%arg12 : memref<208x128xf32, #tpu.memory_space<vmem>>) target(%dma_start3A_51 : memref<208x128xf32, #tpu.memory_space<vmem_shared>>) target_semaphore(%run_scoped3A_47 : memref<!tpu.dma_semaphore, #tpu.memory_space<semaphore_mem>>)
      %dma_wait3A_52 = arith.constant 0 : i32
      %dma_wait3A_53 = tpu.memref_slice %arg13[%add3A_21, %dma_wait3A_52] : memref<10000x128xf32, #tpu.memory_space<vmem_shared>> -> memref<208x128xf32, #tpu.memory_space<vmem_shared>>
      %dma_wait3A_54 = arith.constant 0 : i32
      %dma_wait3A_55 = tpu.memref_slice %arg13[%add3A_21, %dma_wait3A_54] : memref<10000x128xf32, #tpu.memory_space<vmem_shared>> -> memref<208x128xf32, #tpu.memory_space<vmem_shared>>
      tpu.wait_dma2 semaphore(%run_scoped3A_47 : memref<!tpu.dma_semaphore, #tpu.memory_space<semaphore_mem>>) src(%arg12 : memref<208x128xf32, #tpu.memory_space<vmem>>) dst(%dma_wait3A_55 : memref<208x128xf32, #tpu.memory_space<vmem_shared>>)
      tpu.yield
    }) : () -> ()
    %eq3A = arith.constant 15 : i32
    %eq3A_22 = arith.cmpi eq, %arg1, %eq3A : i32
    %convert_element_type3A = arith.extui %eq3A_22 : i1 to i32
    %cond3A = arith.constant 0 : i32
    %cond3A_23 = arith.cmpi ne, %convert_element_type3A, %cond3A : i32
    scf.if %cond3A_23 {
      "tpu.region"() ({
        %run_scoped3A_47 = tpu.sem_alloc : memref<!tpu.dma_semaphore, #tpu.memory_space<semaphore_mem>>
        %dma_start3A_48 = arith.constant 0 : i32
        %dma_start3A_49 = arith.constant 0 : i32
        %dma_start3A_50 = tpu.memref_slice %arg12[%dma_start3A_48, %dma_start3A_49] : memref<208x128xf32, #tpu.memory_space<vmem>> -> memref<16x128xf32, #tpu.memory_space<vmem>>
        %dma_start3A_51 = arith.constant 9984 : i32
        %dma_start3A_52 = arith.constant 0 : i32
        %dma_start3A_53 = tpu.memref_slice %arg13[%dma_start3A_51, %dma_start3A_52] : memref<10000x128xf32, #tpu.memory_space<vmem_shared>> -> memref<16x128xf32, #tpu.memory_space<vmem_shared>>
        %dma_start3A_54 = arith.constant 9984 : i32
        %dma_start3A_55 = arith.constant 0 : i32
        %dma_start3A_56 = tpu.memref_slice %arg13[%dma_start3A_54, %dma_start3A_55] : memref<10000x128xf32, #tpu.memory_space<vmem_shared>> -> memref<16x128xf32, #tpu.memory_space<vmem_shared>>
        %dma_start3A_57 = arith.constant 0 : i32
        %dma_start3A_58 = arith.constant 0 : i32
        %dma_start3A_59 = tpu.memref_slice %arg12[%dma_start3A_57, %dma_start3A_58] : memref<208x128xf32, #tpu.memory_space<vmem>> -> memref<16x128xf32, #tpu.memory_space<vmem>>
        tpu.enqueue_dma source(%dma_start3A_59 : memref<16x128xf32, #tpu.memory_space<vmem>>) target(%dma_start3A_56 : memref<16x128xf32, #tpu.memory_space<vmem_shared>>) target_semaphore(%run_scoped3A_47 : memref<!tpu.dma_semaphore, #tpu.memory_space<semaphore_mem>>)
        %dma_wait3A_60 = arith.constant 0 : i32
        %dma_wait3A_61 = arith.constant 0 : i32
        %dma_wait3A_62 = tpu.memref_slice %arg12[%dma_wait3A_60, %dma_wait3A_61] : memref<208x128xf32, #tpu.memory_space<vmem>> -> memref<16x128xf32, #tpu.memory_space<vmem>>
        %dma_wait3A_63 = arith.constant 9984 : i32
        %dma_wait3A_64 = arith.constant 0 : i32
        %dma_wait3A_65 = tpu.memref_slice %arg13[%dma_wait3A_63, %dma_wait3A_64] : memref<10000x128xf32, #tpu.memory_space<vmem_shared>> -> memref<16x128xf32, #tpu.memory_space<vmem_shared>>
        %dma_wait3A_66 = arith.constant 9984 : i32
        %dma_wait3A_67 = arith.constant 0 : i32
        %dma_wait3A_68 = tpu.memref_slice %arg13[%dma_wait3A_66, %dma_wait3A_67] : memref<10000x128xf32, #tpu.memory_space<vmem_shared>> -> memref<16x128xf32, #tpu.memory_space<vmem_shared>>
        %dma_wait3A_69 = arith.constant 0 : i32
        %dma_wait3A_70 = arith.constant 0 : i32
        %dma_wait3A_71 = tpu.memref_slice %arg12[%dma_wait3A_69, %dma_wait3A_70] : memref<208x128xf32, #tpu.memory_space<vmem>> -> memref<16x128xf32, #tpu.memory_space<vmem>>
        tpu.wait_dma2 semaphore(%run_scoped3A_47 : memref<!tpu.dma_semaphore, #tpu.memory_space<semaphore_mem>>) src(%dma_wait3A_71 : memref<16x128xf32, #tpu.memory_space<vmem>>) dst(%dma_wait3A_68 : memref<16x128xf32, #tpu.memory_space<vmem_shared>>)
        tpu.yield
      }) : () -> ()
    } else {
    }
    %barrier3A = arith.constant 0 : index
    tpu.barrier barrier_id(%barrier3A)
    %scan3A_24 = arith.constant 0 : i32
    %scan3A_25 = arith.constant 0 : i32
    %scan3A_26 = arith.constant 78 : i32
    %scan3A_27 = arith.addi %scan3A_25, %scan3A_26 : i32
    %scan3A_28 = arith.constant 1 : i32
    %scan3A_29 = scf.for %scan3A_47 = %scan3A_25 to %scan3A_27 step %scan3A_28 iter_args(%scan3A_48 = %scan3A_24) -> (i32)  : i32 {
      %mul3A_49 = arith.constant 128 : i32
      %mul3A_50 = arith.muli %scan3A_47, %mul3A_49 : i32
      %add3A_51 = arith.addi %mul3A_2, %mul3A_50 : i32
      "tpu.region"() ({
        %run_scoped3A_59 = tpu.sem_alloc : memref<!tpu.dma_semaphore, #tpu.memory_space<semaphore_mem>>
        %dma_start3A_60 = tpu.memref_slice %arg3[%add3A_51] : memref<320000xi32, #tpu.memory_space<hbm>> -> memref<128xi32, #tpu.memory_space<hbm>>
        %dma_start3A_61 = tpu.memref_slice %arg3[%add3A_51] : memref<320000xi32, #tpu.memory_space<hbm>> -> memref<128xi32, #tpu.memory_space<hbm>>
        tpu.enqueue_dma source(%dma_start3A_61 : memref<128xi32, #tpu.memory_space<hbm>>) target(%arg6 : memref<128xi32, #tpu.memory_space<vmem>>) target_semaphore(%run_scoped3A_59 : memref<!tpu.dma_semaphore, #tpu.memory_space<semaphore_mem>>)
        %dma_wait3A_62 = tpu.memref_slice %arg3[%add3A_51] : memref<320000xi32, #tpu.memory_space<hbm>> -> memref<128xi32, #tpu.memory_space<hbm>>
        %dma_wait3A_63 = tpu.memref_slice %arg3[%add3A_51] : memref<320000xi32, #tpu.memory_space<hbm>> -> memref<128xi32, #tpu.memory_space<hbm>>
        tpu.wait_dma2 semaphore(%run_scoped3A_59 : memref<!tpu.dma_semaphore, #tpu.memory_space<semaphore_mem>>) src(%dma_wait3A_63 : memref<128xi32, #tpu.memory_space<hbm>>) dst(%arg6 : memref<128xi32, #tpu.memory_space<vmem>>)
        tpu.yield
      }) : () -> ()
      "tpu.region"() ({
        %run_scoped3A_59 = tpu.sem_alloc : memref<!tpu.dma_semaphore, #tpu.memory_space<semaphore_mem>>
        %dma_start3A_60 = tpu.memref_slice %arg4[%add3A_51] : memref<320000xi32, #tpu.memory_space<hbm>> -> memref<128xi32, #tpu.memory_space<hbm>>
        %dma_start3A_61 = tpu.memref_slice %arg4[%add3A_51] : memref<320000xi32, #tpu.memory_space<hbm>> -> memref<128xi32, #tpu.memory_space<hbm>>
        tpu.enqueue_dma source(%dma_start3A_61 : memref<128xi32, #tpu.memory_space<hbm>>) target(%arg7 : memref<128xi32, #tpu.memory_space<vmem>>) target_semaphore(%run_scoped3A_59 : memref<!tpu.dma_semaphore, #tpu.memory_space<semaphore_mem>>)
        %dma_wait3A_62 = tpu.memref_slice %arg4[%add3A_51] : memref<320000xi32, #tpu.memory_space<hbm>> -> memref<128xi32, #tpu.memory_space<hbm>>
        %dma_wait3A_63 = tpu.memref_slice %arg4[%add3A_51] : memref<320000xi32, #tpu.memory_space<hbm>> -> memref<128xi32, #tpu.memory_space<hbm>>
        tpu.wait_dma2 semaphore(%run_scoped3A_59 : memref<!tpu.dma_semaphore, #tpu.memory_space<semaphore_mem>>) src(%dma_wait3A_63 : memref<128xi32, #tpu.memory_space<hbm>>) dst(%arg7 : memref<128xi32, #tpu.memory_space<vmem>>)
        tpu.yield
      }) : () -> ()
      %dma_start3A_52 = arith.constant 0 : i32
      %dma_start3A_53 = arith.constant 0 : i32
      %dma_start3A_54 = tpu.memref_slice %arg2[%dma_start3A_52, %dma_start3A_53] : memref<10000x128xf32, #tpu.memory_space<hbm>> -> memref<10000x128xf32, #tpu.memory_space<hbm>>
      tpu.enqueue_indirect_dma source(%dma_start3A_54 : memref<10000x128xf32, #tpu.memory_space<hbm>>) target(%arg8 : memref<128x128xf32, #tpu.memory_space<vmem>>) offsets(%arg6 : memref<128xi32, #tpu.memory_space<vmem>>) semaphore(%arg14 : memref<!tpu.dma_semaphore, #tpu.memory_space<semaphore_mem>>)
      %dma_wait3A_55 = arith.constant 0 : i32
      %dma_wait3A_56 = arith.constant 0 : i32
      %dma_wait3A_57 = tpu.memref_slice %arg2[%dma_wait3A_55, %dma_wait3A_56] : memref<10000x128xf32, #tpu.memory_space<hbm>> -> memref<10000x128xf32, #tpu.memory_space<hbm>>
      tpu.wait_indirect_dma semaphore(%arg14 : memref<!tpu.dma_semaphore, #tpu.memory_space<semaphore_mem>>) src(%dma_wait3A_57 : memref<10000x128xf32, #tpu.memory_space<hbm>>) dst(%arg8 : memref<128x128xf32, #tpu.memory_space<vmem>>)
      "tpu.region"() ({
        %run_scoped3A_59 = tpu.sem_alloc : memref<!tpu.dma_semaphore, #tpu.memory_space<semaphore_mem>>
        %dma_start3A_60 = arith.constant 0 : i32
        %dma_start3A_61 = arith.constant 0 : i32
        %dma_start3A_62 = tpu.memref_slice %arg13[%dma_start3A_60, %dma_start3A_61] : memref<10000x128xf32, #tpu.memory_space<vmem_shared>> -> memref<10000x128xf32, #tpu.memory_space<vmem_shared>>
        tpu.enqueue_indirect_dma source(%arg8 : memref<128x128xf32, #tpu.memory_space<vmem>>) target(%dma_start3A_62 : memref<10000x128xf32, #tpu.memory_space<vmem_shared>>) offsets(%arg7 : memref<128xi32, #tpu.memory_space<vmem>>) semaphore(%run_scoped3A_59 : memref<!tpu.dma_semaphore, #tpu.memory_space<semaphore_mem>>) {add = true}
        %dma_wait3A_63 = arith.constant 0 : i32
        %dma_wait3A_64 = arith.constant 0 : i32
        %dma_wait3A_65 = tpu.memref_slice %arg13[%dma_wait3A_63, %dma_wait3A_64] : memref<10000x128xf32, #tpu.memory_space<vmem_shared>> -> memref<10000x128xf32, #tpu.memory_space<vmem_shared>>
        tpu.wait_indirect_dma semaphore(%run_scoped3A_59 : memref<!tpu.dma_semaphore, #tpu.memory_space<semaphore_mem>>) src(%arg8 : memref<128x128xf32, #tpu.memory_space<vmem>>) dst(%dma_wait3A_65 : memref<10000x128xf32, #tpu.memory_space<vmem_shared>>)
        tpu.yield
      }) : () -> ()
      %scan3A_58 = arith.constant 0 : i32
      scf.yield %scan3A_58 : i32
    }
    %scan3A_30 = arith.constant 78 : i32
    %add3A_31 = arith.constant 9984 : i32
    %add3A_32 = arith.addi %mul3A_2, %add3A_31 : i32
    "tpu.region"() ({
      %run_scoped3A_47 = tpu.sem_alloc : memref<!tpu.dma_semaphore, #tpu.memory_space<semaphore_mem>>
      %dma_start3A_48 = tpu.memref_slice %arg3[%add3A_32] : memref<320000xi32, #tpu.memory_space<hbm>> -> memref<16xi32, #tpu.memory_space<hbm>>
      %dma_start3A_49 = tpu.memref_slice %arg3[%add3A_32] : memref<320000xi32, #tpu.memory_space<hbm>> -> memref<16xi32, #tpu.memory_space<hbm>>
      tpu.enqueue_dma source(%dma_start3A_49 : memref<16xi32, #tpu.memory_space<hbm>>) target(%arg9 : memref<16xi32, #tpu.memory_space<vmem>>) target_semaphore(%run_scoped3A_47 : memref<!tpu.dma_semaphore, #tpu.memory_space<semaphore_mem>>)
      %dma_wait3A_50 = tpu.memref_slice %arg3[%add3A_32] : memref<320000xi32, #tpu.memory_space<hbm>> -> memref<16xi32, #tpu.memory_space<hbm>>
      %dma_wait3A_51 = tpu.memref_slice %arg3[%add3A_32] : memref<320000xi32, #tpu.memory_space<hbm>> -> memref<16xi32, #tpu.memory_space<hbm>>
      tpu.wait_dma2 semaphore(%run_scoped3A_47 : memref<!tpu.dma_semaphore, #tpu.memory_space<semaphore_mem>>) src(%dma_wait3A_51 : memref<16xi32, #tpu.memory_space<hbm>>) dst(%arg9 : memref<16xi32, #tpu.memory_space<vmem>>)
      tpu.yield
    }) : () -> ()
    "tpu.region"() ({
      %run_scoped3A_47 = tpu.sem_alloc : memref<!tpu.dma_semaphore, #tpu.memory_space<semaphore_mem>>
      %dma_start3A_48 = tpu.memref_slice %arg4[%add3A_32] : memref<320000xi32, #tpu.memory_space<hbm>> -> memref<16xi32, #tpu.memory_space<hbm>>
      %dma_start3A_49 = tpu.memref_slice %arg4[%add3A_32] : memref<320000xi32, #tpu.memory_space<hbm>> -> memref<16xi32, #tpu.memory_space<hbm>>
      tpu.enqueue_dma source(%dma_start3A_49 : memref<16xi32, #tpu.memory_space<hbm>>) target(%arg10 : memref<16xi32, #tpu.memory_space<vmem>>) target_semaphore(%run_scoped3A_47 : memref<!tpu.dma_semaphore, #tpu.memory_space<semaphore_mem>>)
      %dma_wait3A_50 = tpu.memref_slice %arg4[%add3A_32] : memref<320000xi32, #tpu.memory_space<hbm>> -> memref<16xi32, #tpu.memory_space<hbm>>
      %dma_wait3A_51 = tpu.memref_slice %arg4[%add3A_32] : memref<320000xi32, #tpu.memory_space<hbm>> -> memref<16xi32, #tpu.memory_space<hbm>>
      tpu.wait_dma2 semaphore(%run_scoped3A_47 : memref<!tpu.dma_semaphore, #tpu.memory_space<semaphore_mem>>) src(%dma_wait3A_51 : memref<16xi32, #tpu.memory_space<hbm>>) dst(%arg10 : memref<16xi32, #tpu.memory_space<vmem>>)
      tpu.yield
    }) : () -> ()
    %dma_start3A = arith.constant 0 : i32
    %dma_start3A_33 = arith.constant 0 : i32
    %dma_start3A_34 = tpu.memref_slice %arg2[%dma_start3A, %dma_start3A_33] : memref<10000x128xf32, #tpu.memory_space<hbm>> -> memref<10000x128xf32, #tpu.memory_space<hbm>>
    tpu.enqueue_indirect_dma source(%dma_start3A_34 : memref<10000x128xf32, #tpu.memory_space<hbm>>) target(%arg11 : memref<16x128xf32, #tpu.memory_space<vmem>>) offsets(%arg9 : memref<16xi32, #tpu.memory_space<vmem>>) semaphore(%arg14 : memref<!tpu.dma_semaphore, #tpu.memory_space<semaphore_mem>>)
    %dma_wait3A = arith.constant 0 : i32
    %dma_wait3A_35 = arith.constant 0 : i32
    %dma_wait3A_36 = tpu.memref_slice %arg2[%dma_wait3A, %dma_wait3A_35] : memref<10000x128xf32, #tpu.memory_space<hbm>> -> memref<10000x128xf32, #tpu.memory_space<hbm>>
    tpu.wait_indirect_dma semaphore(%arg14 : memref<!tpu.dma_semaphore, #tpu.memory_space<semaphore_mem>>) src(%dma_wait3A_36 : memref<10000x128xf32, #tpu.memory_space<hbm>>) dst(%arg11 : memref<16x128xf32, #tpu.memory_space<vmem>>)
    "tpu.region"() ({
      %run_scoped3A_47 = tpu.sem_alloc : memref<!tpu.dma_semaphore, #tpu.memory_space<semaphore_mem>>
      %dma_start3A_48 = arith.constant 0 : i32
      %dma_start3A_49 = arith.constant 0 : i32
      %dma_start3A_50 = tpu.memref_slice %arg13[%dma_start3A_48, %dma_start3A_49] : memref<10000x128xf32, #tpu.memory_space<vmem_shared>> -> memref<10000x128xf32, #tpu.memory_space<vmem_shared>>
      tpu.enqueue_indirect_dma source(%arg11 : memref<16x128xf32, #tpu.memory_space<vmem>>) target(%dma_start3A_50 : memref<10000x128xf32, #tpu.memory_space<vmem_shared>>) offsets(%arg10 : memref<16xi32, #tpu.memory_space<vmem>>) semaphore(%run_scoped3A_47 : memref<!tpu.dma_semaphore, #tpu.memory_space<semaphore_mem>>) {add = true}
      %dma_wait3A_51 = arith.constant 0 : i32
      %dma_wait3A_52 = arith.constant 0 : i32
      %dma_wait3A_53 = tpu.memref_slice %arg13[%dma_wait3A_51, %dma_wait3A_52] : memref<10000x128xf32, #tpu.memory_space<vmem_shared>> -> memref<10000x128xf32, #tpu.memory_space<vmem_shared>>
      tpu.wait_indirect_dma semaphore(%run_scoped3A_47 : memref<!tpu.dma_semaphore, #tpu.memory_space<semaphore_mem>>) src(%arg11 : memref<16x128xf32, #tpu.memory_space<vmem>>) dst(%dma_wait3A_53 : memref<10000x128xf32, #tpu.memory_space<vmem_shared>>)
      tpu.yield
    }) : () -> ()
    %barrier3A_37 = arith.constant 0 : index
    tpu.barrier barrier_id(%barrier3A_37)
    %mul3A_38 = arith.constant 624 : i32
    %mul3A_39 = arith.muli %arg1, %mul3A_38 : i32
    %mul3A_40 = arith.constant 624 : i32
    %mul3A_41 = arith.muli %arg1, %mul3A_40 : i32
    %run_scoped3A = arith.constant 0 : i32
    "tpu.region"() ({
      %run_scoped3A_47 = tpu.sem_alloc : memref<!tpu.dma_semaphore, #tpu.memory_space<semaphore_mem>>
      %dma_start3A_48 = arith.constant 0 : i32
      %dma_start3A_49 = tpu.memref_slice %arg5[%arg0, %run_scoped3A, %mul3A_41, %dma_start3A_48] : memref<2x1x10000x128xf32, #tpu.memory_space<hbm>> -> memref<1x1x624x128xf32, #tpu.memory_space<hbm>>
      %dma_start3A_50 = tpu.memref_squeeze %dma_start3A_49 : memref<1x1x624x128xf32, #tpu.memory_space<hbm>> -> memref<624x128xf32, #tpu.memory_space<hbm>>
      %dma_start3A_51 = arith.constant 0 : i32
      %dma_start3A_52 = tpu.memref_slice %arg13[%mul3A_39, %dma_start3A_51] : memref<10000x128xf32, #tpu.memory_space<vmem_shared>> -> memref<624x128xf32, #tpu.memory_space<vmem_shared>>
      tpu.enqueue_dma source(%dma_start3A_52 : memref<624x128xf32, #tpu.memory_space<vmem_shared>>) target(%dma_start3A_50 : memref<624x128xf32, #tpu.memory_space<hbm>>) target_semaphore(%run_scoped3A_47 : memref<!tpu.dma_semaphore, #tpu.memory_space<semaphore_mem>>)
      %dma_wait3A_53 = arith.constant 0 : i32
      %dma_wait3A_54 = tpu.memref_slice %arg5[%arg0, %run_scoped3A, %mul3A_41, %dma_wait3A_53] : memref<2x1x10000x128xf32, #tpu.memory_space<hbm>> -> memref<1x1x624x128xf32, #tpu.memory_space<hbm>>
      %dma_wait3A_55 = tpu.memref_squeeze %dma_wait3A_54 : memref<1x1x624x128xf32, #tpu.memory_space<hbm>> -> memref<624x128xf32, #tpu.memory_space<hbm>>
      %dma_wait3A_56 = arith.constant 0 : i32
      %dma_wait3A_57 = tpu.memref_slice %arg13[%mul3A_39, %dma_wait3A_56] : memref<10000x128xf32, #tpu.memory_space<vmem_shared>> -> memref<624x128xf32, #tpu.memory_space<vmem_shared>>
      tpu.wait_dma2 semaphore(%run_scoped3A_47 : memref<!tpu.dma_semaphore, #tpu.memory_space<semaphore_mem>>) src(%dma_wait3A_57 : memref<624x128xf32, #tpu.memory_space<vmem_shared>>) dst(%dma_wait3A_55 : memref<624x128xf32, #tpu.memory_space<hbm>>)
      tpu.yield
    }) : () -> ()
    %eq3A_42 = arith.constant 15 : i32
    %eq3A_43 = arith.cmpi eq, %arg1, %eq3A_42 : i32
    %convert_element_type3A_44 = arith.extui %eq3A_43 : i1 to i32
    %cond3A_45 = arith.constant 0 : i32
    %cond3A_46 = arith.cmpi ne, %convert_element_type3A_44, %cond3A_45 : i32
    scf.if %cond3A_46 {
      %run_scoped3A_47 = arith.constant 0 : i32
      "tpu.region"() ({
        %run_scoped3A_48 = tpu.sem_alloc : memref<!tpu.dma_semaphore, #tpu.memory_space<semaphore_mem>>
        %dma_start3A_49 = arith.constant 9984 : i32
        %dma_start3A_50 = arith.constant 0 : i32
        %dma_start3A_51 = tpu.memref_slice %arg5[%arg0, %run_scoped3A_47, %dma_start3A_49, %dma_start3A_50] : memref<2x1x10000x128xf32, #tpu.memory_space<hbm>> -> memref<1x1x16x128xf32, #tpu.memory_space<hbm>>
        %dma_start3A_52 = tpu.memref_squeeze %dma_start3A_51 : memref<1x1x16x128xf32, #tpu.memory_space<hbm>> -> memref<16x128xf32, #tpu.memory_space<hbm>>
        %dma_start3A_53 = arith.constant 9984 : i32
        %dma_start3A_54 = arith.constant 0 : i32
        %dma_start3A_55 = tpu.memref_slice %arg13[%dma_start3A_53, %dma_start3A_54] : memref<10000x128xf32, #tpu.memory_space<vmem_shared>> -> memref<16x128xf32, #tpu.memory_space<vmem_shared>>
        tpu.enqueue_dma source(%dma_start3A_55 : memref<16x128xf32, #tpu.memory_space<vmem_shared>>) target(%dma_start3A_52 : memref<16x128xf32, #tpu.memory_space<hbm>>) target_semaphore(%run_scoped3A_48 : memref<!tpu.dma_semaphore, #tpu.memory_space<semaphore_mem>>)
        %dma_wait3A_56 = arith.constant 9984 : i32
        %dma_wait3A_57 = arith.constant 0 : i32
        %dma_wait3A_58 = tpu.memref_slice %arg5[%arg0, %run_scoped3A_47, %dma_wait3A_56, %dma_wait3A_57] : memref<2x1x10000x128xf32, #tpu.memory_space<hbm>> -> memref<1x1x16x128xf32, #tpu.memory_space<hbm>>
        %dma_wait3A_59 = tpu.memref_squeeze %dma_wait3A_58 : memref<1x1x16x128xf32, #tpu.memory_space<hbm>> -> memref<16x128xf32, #tpu.memory_space<hbm>>
        %dma_wait3A_60 = arith.constant 9984 : i32
        %dma_wait3A_61 = arith.constant 0 : i32
        %dma_wait3A_62 = tpu.memref_slice %arg13[%dma_wait3A_60, %dma_wait3A_61] : memref<10000x128xf32, #tpu.memory_space<vmem_shared>> -> memref<16x128xf32, #tpu.memory_space<vmem_shared>>
        tpu.wait_dma2 semaphore(%run_scoped3A_48 : memref<!tpu.dma_semaphore, #tpu.memory_space<semaphore_mem>>) src(%dma_wait3A_62 : memref<16x128xf32, #tpu.memory_space<vmem_shared>>) dst(%dma_wait3A_59 : memref<16x128xf32, #tpu.memory_space<hbm>>)
        tpu.yield
      }) : () -> ()
    } else {
    }
    return
  }
}

#map = affine_map<(d0, d1) -> (0, 0)>
#map1 = affine_map<(d0, d1) -> (0)>
#map2 = affine_map<(d0, d1) -> (0, 0, 0, 0)>
module attributes {stable_mosaic.version = 14 : i64} {
  func.func @agg(%arg0: i32, %arg1: i32, %arg2: memref<10000x128xf32, #tpu.memory_space<hbm>>, %arg3: memref<10000x128xf32, #tpu.memory_space<hbm>>, %arg4: memref<320000xi32, #tpu.memory_space<hbm>>, %arg5: memref<320000xi32, #tpu.memory_space<hbm>>, %arg6: memref<2x2x10000x128xf32, #tpu.memory_space<hbm>>, %arg7: memref<128xi32, #tpu.memory_space<vmem>>, %arg8: memref<128xi32, #tpu.memory_space<vmem>>, %arg9: memref<128x128xf32, #tpu.memory_space<vmem>>, %arg10: memref<16xi32, #tpu.memory_space<vmem>>, %arg11: memref<16xi32, #tpu.memory_space<vmem>>, %arg12: memref<16x128xf32, #tpu.memory_space<vmem>>, %arg13: memref<208x128xf32, #tpu.memory_space<vmem>>, %arg14: memref<10000x128xf32, #tpu.memory_space<vmem_shared>>, %arg15: memref<!tpu.dma_semaphore, #tpu.memory_space<semaphore_mem>>) attributes {dimension_semantics = [#tpu.dimension_semantics<core_parallel>, #tpu.dimension_semantics<subcore_parallel>], iteration_bounds = array<i64: 2, 16>, scalar_prefetch = 0 : i64, scratch_operands = 9 : i64, tpu.core_type = #tpu.core_type<sc_vector_subcore>, window_params = [{transform_indices = #map}, {transform_indices = #map}, {transform_indices = #map1}, {transform_indices = #map1}, {transform_indices = #map2}]} {
    %mul3A = arith.constant 16 : i32
    %mul3A_0 = arith.muli %arg0, %mul3A : i32
    %add3A = arith.addi %mul3A_0, %arg1 : i32
    %mul3A_1 = arith.constant 10000 : i32
    %mul3A_2 = arith.muli %add3A, %mul3A_1 : i32
    %broadcast_in_dim3A = arith.constant 0.000000e+00 : f32
    %broadcast_in_dim3A_3 = vector.broadcast %broadcast_in_dim3A : f32 to vector<16xf32>
    %scan3A = arith.constant 0 : i32
    %scan3A_4 = arith.constant 0 : i32
    %scan3A_5 = arith.constant 208 : i32
    %scan3A_6 = arith.addi %scan3A_4, %scan3A_5 : i32
    %scan3A_7 = arith.constant 1 : i32
    %scan3A_8 = scf.for %scan3A_91 = %scan3A_4 to %scan3A_6 step %scan3A_7 iter_args(%scan3A_92 = %scan3A) -> (i32)  : i32 {
      %scan3A_93 = arith.constant 0 : i32
      %scan3A_94 = arith.constant 0 : i32
      %scan3A_95 = arith.constant 8 : i32
      %scan3A_96 = arith.addi %scan3A_94, %scan3A_95 : i32
      %scan3A_97 = arith.constant 1 : i32
      %scan3A_98 = scf.for %scan3A_100 = %scan3A_94 to %scan3A_96 step %scan3A_97 iter_args(%scan3A_101 = %scan3A_93) -> (i32)  : i32 {
        %mul3A_102 = arith.constant 16 : i32
        %mul3A_103 = arith.muli %scan3A_100, %mul3A_102 : i32
        %swap3A = arith.index_cast %scan3A_91 : i32 to index
        %swap3A_104 = arith.index_cast %mul3A_103 : i32 to index
        %swap3A_105 = tpu.vector_load %arg13[%swap3A, %swap3A_104] {strides = array<i32>} : memref<208x128xf32, #tpu.memory_space<vmem>>, vector<1x16xf32>,
        %swap3A_106 = vector.shape_cast %swap3A_105 : vector<1x16xf32> to vector<16xf32>
        %swap3A_107 = vector.shape_cast %broadcast_in_dim3A_3 : vector<16xf32> to vector<1x16xf32>
        tpu.vector_store %arg13[%swap3A, %swap3A_104], %swap3A_107 {strides = array<i32>} : memref<208x128xf32, #tpu.memory_space<vmem>>, vector<1x16xf32>,
        %scan3A_108 = arith.constant 0 : i32
        scf.yield %scan3A_108 : i32
      }
      %scan3A_99 = arith.constant 8 : i32
      scf.yield %scan3A_98 : i32
    }
    %scan3A_9 = arith.constant 208 : i32
    %mul3A_10 = arith.constant 624 : i32
    %mul3A_11 = arith.muli %arg1, %mul3A_10 : i32
    %add3A_12 = arith.constant 0 : i32
    %add3A_13 = arith.addi %mul3A_11, %add3A_12 : i32
    "tpu.region"() ({
      %run_scoped3A_91 = tpu.sem_alloc : memref<!tpu.dma_semaphore, #tpu.memory_space<semaphore_mem>>
      %dma_start3A_92 = arith.constant 0 : i32
      %dma_start3A_93 = tpu.memref_slice %arg14[%add3A_13, %dma_start3A_92] : memref<10000x128xf32, #tpu.memory_space<vmem_shared>> -> memref<208x128xf32, #tpu.memory_space<vmem_shared>>
      %dma_start3A_94 = arith.constant 0 : i32
      %dma_start3A_95 = tpu.memref_slice %arg14[%add3A_13, %dma_start3A_94] : memref<10000x128xf32, #tpu.memory_space<vmem_shared>> -> memref<208x128xf32, #tpu.memory_space<vmem_shared>>
      tpu.enqueue_dma source(%arg13 : memref<208x128xf32, #tpu.memory_space<vmem>>) target(%dma_start3A_95 : memref<208x128xf32, #tpu.memory_space<vmem_shared>>) target_semaphore(%run_scoped3A_91 : memref<!tpu.dma_semaphore, #tpu.memory_space<semaphore_mem>>)
      %dma_wait3A_96 = arith.constant 0 : i32
      %dma_wait3A_97 = tpu.memref_slice %arg14[%add3A_13, %dma_wait3A_96] : memref<10000x128xf32, #tpu.memory_space<vmem_shared>> -> memref<208x128xf32, #tpu.memory_space<vmem_shared>>
      %dma_wait3A_98 = arith.constant 0 : i32
      %dma_wait3A_99 = tpu.memref_slice %arg14[%add3A_13, %dma_wait3A_98] : memref<10000x128xf32, #tpu.memory_space<vmem_shared>> -> memref<208x128xf32, #tpu.memory_space<vmem_shared>>
      tpu.wait_dma2 semaphore(%run_scoped3A_91 : memref<!tpu.dma_semaphore, #tpu.memory_space<semaphore_mem>>) src(%arg13 : memref<208x128xf32, #tpu.memory_space<vmem>>) dst(%dma_wait3A_99 : memref<208x128xf32, #tpu.memory_space<vmem_shared>>)
      tpu.yield
    }) : () -> ()
    %mul3A_14 = arith.constant 624 : i32
    %mul3A_15 = arith.muli %arg1, %mul3A_14 : i32
    %add3A_16 = arith.constant 208 : i32
    %add3A_17 = arith.addi %mul3A_15, %add3A_16 : i32
    "tpu.region"() ({
      %run_scoped3A_91 = tpu.sem_alloc : memref<!tpu.dma_semaphore, #tpu.memory_space<semaphore_mem>>
      %dma_start3A_92 = arith.constant 0 : i32
      %dma_start3A_93 = tpu.memref_slice %arg14[%add3A_17, %dma_start3A_92] : memref<10000x128xf32, #tpu.memory_space<vmem_shared>> -> memref<208x128xf32, #tpu.memory_space<vmem_shared>>
      %dma_start3A_94 = arith.constant 0 : i32
      %dma_start3A_95 = tpu.memref_slice %arg14[%add3A_17, %dma_start3A_94] : memref<10000x128xf32, #tpu.memory_space<vmem_shared>> -> memref<208x128xf32, #tpu.memory_space<vmem_shared>>
      tpu.enqueue_dma source(%arg13 : memref<208x128xf32, #tpu.memory_space<vmem>>) target(%dma_start3A_95 : memref<208x128xf32, #tpu.memory_space<vmem_shared>>) target_semaphore(%run_scoped3A_91 : memref<!tpu.dma_semaphore, #tpu.memory_space<semaphore_mem>>)
      %dma_wait3A_96 = arith.constant 0 : i32
      %dma_wait3A_97 = tpu.memref_slice %arg14[%add3A_17, %dma_wait3A_96] : memref<10000x128xf32, #tpu.memory_space<vmem_shared>> -> memref<208x128xf32, #tpu.memory_space<vmem_shared>>
      %dma_wait3A_98 = arith.constant 0 : i32
      %dma_wait3A_99 = tpu.memref_slice %arg14[%add3A_17, %dma_wait3A_98] : memref<10000x128xf32, #tpu.memory_space<vmem_shared>> -> memref<208x128xf32, #tpu.memory_space<vmem_shared>>
      tpu.wait_dma2 semaphore(%run_scoped3A_91 : memref<!tpu.dma_semaphore, #tpu.memory_space<semaphore_mem>>) src(%arg13 : memref<208x128xf32, #tpu.memory_space<vmem>>) dst(%dma_wait3A_99 : memref<208x128xf32, #tpu.memory_space<vmem_shared>>)
      tpu.yield
    }) : () -> ()
    %mul3A_18 = arith.constant 624 : i32
    %mul3A_19 = arith.muli %arg1, %mul3A_18 : i32
    %add3A_20 = arith.constant 416 : i32
    %add3A_21 = arith.addi %mul3A_19, %add3A_20 : i32
    "tpu.region"() ({
      %run_scoped3A_91 = tpu.sem_alloc : memref<!tpu.dma_semaphore, #tpu.memory_space<semaphore_mem>>
      %dma_start3A_92 = arith.constant 0 : i32
      %dma_start3A_93 = tpu.memref_slice %arg14[%add3A_21, %dma_start3A_92] : memref<10000x128xf32, #tpu.memory_space<vmem_shared>> -> memref<208x128xf32, #tpu.memory_space<vmem_shared>>
      %dma_start3A_94 = arith.constant 0 : i32
      %dma_start3A_95 = tpu.memref_slice %arg14[%add3A_21, %dma_start3A_94] : memref<10000x128xf32, #tpu.memory_space<vmem_shared>> -> memref<208x128xf32, #tpu.memory_space<vmem_shared>>
      tpu.enqueue_dma source(%arg13 : memref<208x128xf32, #tpu.memory_space<vmem>>) target(%dma_start3A_95 : memref<208x128xf32, #tpu.memory_space<vmem_shared>>) target_semaphore(%run_scoped3A_91 : memref<!tpu.dma_semaphore, #tpu.memory_space<semaphore_mem>>)
      %dma_wait3A_96 = arith.constant 0 : i32
      %dma_wait3A_97 = tpu.memref_slice %arg14[%add3A_21, %dma_wait3A_96] : memref<10000x128xf32, #tpu.memory_space<vmem_shared>> -> memref<208x128xf32, #tpu.memory_space<vmem_shared>>
      %dma_wait3A_98 = arith.constant 0 : i32
      %dma_wait3A_99 = tpu.memref_slice %arg14[%add3A_21, %dma_wait3A_98] : memref<10000x128xf32, #tpu.memory_space<vmem_shared>> -> memref<208x128xf32, #tpu.memory_space<vmem_shared>>
      tpu.wait_dma2 semaphore(%run_scoped3A_91 : memref<!tpu.dma_semaphore, #tpu.memory_space<semaphore_mem>>) src(%arg13 : memref<208x128xf32, #tpu.memory_space<vmem>>) dst(%dma_wait3A_99 : memref<208x128xf32, #tpu.memory_space<vmem_shared>>)
      tpu.yield
    }) : () -> ()
    %eq3A = arith.constant 15 : i32
    %eq3A_22 = arith.cmpi eq, %arg1, %eq3A : i32
    %convert_element_type3A = arith.extui %eq3A_22 : i1 to i32
    %cond3A = arith.constant 0 : i32
    %cond3A_23 = arith.cmpi ne, %convert_element_type3A, %cond3A : i32
    scf.if %cond3A_23 {
      "tpu.region"() ({
        %run_scoped3A_91 = tpu.sem_alloc : memref<!tpu.dma_semaphore, #tpu.memory_space<semaphore_mem>>
        %dma_start3A_92 = arith.constant 0 : i32
        %dma_start3A_93 = arith.constant 0 : i32
        %dma_start3A_94 = tpu.memref_slice %arg13[%dma_start3A_92, %dma_start3A_93] : memref<208x128xf32, #tpu.memory_space<vmem>> -> memref<16x128xf32, #tpu.memory_space<vmem>>
        %dma_start3A_95 = arith.constant 9984 : i32
        %dma_start3A_96 = arith.constant 0 : i32
        %dma_start3A_97 = tpu.memref_slice %arg14[%dma_start3A_95, %dma_start3A_96] : memref<10000x128xf32, #tpu.memory_space<vmem_shared>> -> memref<16x128xf32, #tpu.memory_space<vmem_shared>>
        %dma_start3A_98 = arith.constant 9984 : i32
        %dma_start3A_99 = arith.constant 0 : i32
        %dma_start3A_100 = tpu.memref_slice %arg14[%dma_start3A_98, %dma_start3A_99] : memref<10000x128xf32, #tpu.memory_space<vmem_shared>> -> memref<16x128xf32, #tpu.memory_space<vmem_shared>>
        %dma_start3A_101 = arith.constant 0 : i32
        %dma_start3A_102 = arith.constant 0 : i32
        %dma_start3A_103 = tpu.memref_slice %arg13[%dma_start3A_101, %dma_start3A_102] : memref<208x128xf32, #tpu.memory_space<vmem>> -> memref<16x128xf32, #tpu.memory_space<vmem>>
        tpu.enqueue_dma source(%dma_start3A_103 : memref<16x128xf32, #tpu.memory_space<vmem>>) target(%dma_start3A_100 : memref<16x128xf32, #tpu.memory_space<vmem_shared>>) target_semaphore(%run_scoped3A_91 : memref<!tpu.dma_semaphore, #tpu.memory_space<semaphore_mem>>)
        %dma_wait3A_104 = arith.constant 0 : i32
        %dma_wait3A_105 = arith.constant 0 : i32
        %dma_wait3A_106 = tpu.memref_slice %arg13[%dma_wait3A_104, %dma_wait3A_105] : memref<208x128xf32, #tpu.memory_space<vmem>> -> memref<16x128xf32, #tpu.memory_space<vmem>>
        %dma_wait3A_107 = arith.constant 9984 : i32
        %dma_wait3A_108 = arith.constant 0 : i32
        %dma_wait3A_109 = tpu.memref_slice %arg14[%dma_wait3A_107, %dma_wait3A_108] : memref<10000x128xf32, #tpu.memory_space<vmem_shared>> -> memref<16x128xf32, #tpu.memory_space<vmem_shared>>
        %dma_wait3A_110 = arith.constant 9984 : i32
        %dma_wait3A_111 = arith.constant 0 : i32
        %dma_wait3A_112 = tpu.memref_slice %arg14[%dma_wait3A_110, %dma_wait3A_111] : memref<10000x128xf32, #tpu.memory_space<vmem_shared>> -> memref<16x128xf32, #tpu.memory_space<vmem_shared>>
        %dma_wait3A_113 = arith.constant 0 : i32
        %dma_wait3A_114 = arith.constant 0 : i32
        %dma_wait3A_115 = tpu.memref_slice %arg13[%dma_wait3A_113, %dma_wait3A_114] : memref<208x128xf32, #tpu.memory_space<vmem>> -> memref<16x128xf32, #tpu.memory_space<vmem>>
        tpu.wait_dma2 semaphore(%run_scoped3A_91 : memref<!tpu.dma_semaphore, #tpu.memory_space<semaphore_mem>>) src(%dma_wait3A_115 : memref<16x128xf32, #tpu.memory_space<vmem>>) dst(%dma_wait3A_112 : memref<16x128xf32, #tpu.memory_space<vmem_shared>>)
        tpu.yield
      }) : () -> ()
    } else {
    }
    %barrier3A = arith.constant 0 : index
    tpu.barrier barrier_id(%barrier3A)
    %scan3A_24 = arith.constant 0 : i32
    %scan3A_25 = arith.constant 0 : i32
    %scan3A_26 = arith.constant 78 : i32
    %scan3A_27 = arith.addi %scan3A_25, %scan3A_26 : i32
    %scan3A_28 = arith.constant 1 : i32
    %scan3A_29 = scf.for %scan3A_91 = %scan3A_25 to %scan3A_27 step %scan3A_28 iter_args(%scan3A_92 = %scan3A_24) -> (i32)  : i32 {
      %mul3A_93 = arith.constant 128 : i32
      %mul3A_94 = arith.muli %scan3A_91, %mul3A_93 : i32
      %add3A_95 = arith.addi %mul3A_2, %mul3A_94 : i32
      "tpu.region"() ({
        %run_scoped3A_103 = tpu.sem_alloc : memref<!tpu.dma_semaphore, #tpu.memory_space<semaphore_mem>>
        %dma_start3A_104 = tpu.memref_slice %arg4[%add3A_95] : memref<320000xi32, #tpu.memory_space<hbm>> -> memref<128xi32, #tpu.memory_space<hbm>>
        %dma_start3A_105 = tpu.memref_slice %arg4[%add3A_95] : memref<320000xi32, #tpu.memory_space<hbm>> -> memref<128xi32, #tpu.memory_space<hbm>>
        tpu.enqueue_dma source(%dma_start3A_105 : memref<128xi32, #tpu.memory_space<hbm>>) target(%arg7 : memref<128xi32, #tpu.memory_space<vmem>>) target_semaphore(%run_scoped3A_103 : memref<!tpu.dma_semaphore, #tpu.memory_space<semaphore_mem>>)
        %dma_wait3A_106 = tpu.memref_slice %arg4[%add3A_95] : memref<320000xi32, #tpu.memory_space<hbm>> -> memref<128xi32, #tpu.memory_space<hbm>>
        %dma_wait3A_107 = tpu.memref_slice %arg4[%add3A_95] : memref<320000xi32, #tpu.memory_space<hbm>> -> memref<128xi32, #tpu.memory_space<hbm>>
        tpu.wait_dma2 semaphore(%run_scoped3A_103 : memref<!tpu.dma_semaphore, #tpu.memory_space<semaphore_mem>>) src(%dma_wait3A_107 : memref<128xi32, #tpu.memory_space<hbm>>) dst(%arg7 : memref<128xi32, #tpu.memory_space<vmem>>)
        tpu.yield
      }) : () -> ()
      "tpu.region"() ({
        %run_scoped3A_103 = tpu.sem_alloc : memref<!tpu.dma_semaphore, #tpu.memory_space<semaphore_mem>>
        %dma_start3A_104 = tpu.memref_slice %arg5[%add3A_95] : memref<320000xi32, #tpu.memory_space<hbm>> -> memref<128xi32, #tpu.memory_space<hbm>>
        %dma_start3A_105 = tpu.memref_slice %arg5[%add3A_95] : memref<320000xi32, #tpu.memory_space<hbm>> -> memref<128xi32, #tpu.memory_space<hbm>>
        tpu.enqueue_dma source(%dma_start3A_105 : memref<128xi32, #tpu.memory_space<hbm>>) target(%arg8 : memref<128xi32, #tpu.memory_space<vmem>>) target_semaphore(%run_scoped3A_103 : memref<!tpu.dma_semaphore, #tpu.memory_space<semaphore_mem>>)
        %dma_wait3A_106 = tpu.memref_slice %arg5[%add3A_95] : memref<320000xi32, #tpu.memory_space<hbm>> -> memref<128xi32, #tpu.memory_space<hbm>>
        %dma_wait3A_107 = tpu.memref_slice %arg5[%add3A_95] : memref<320000xi32, #tpu.memory_space<hbm>> -> memref<128xi32, #tpu.memory_space<hbm>>
        tpu.wait_dma2 semaphore(%run_scoped3A_103 : memref<!tpu.dma_semaphore, #tpu.memory_space<semaphore_mem>>) src(%dma_wait3A_107 : memref<128xi32, #tpu.memory_space<hbm>>) dst(%arg8 : memref<128xi32, #tpu.memory_space<vmem>>)
        tpu.yield
      }) : () -> ()
      %dma_start3A_96 = arith.constant 0 : i32
      %dma_start3A_97 = arith.constant 0 : i32
      %dma_start3A_98 = tpu.memref_slice %arg2[%dma_start3A_96, %dma_start3A_97] : memref<10000x128xf32, #tpu.memory_space<hbm>> -> memref<10000x128xf32, #tpu.memory_space<hbm>>
      tpu.enqueue_indirect_dma source(%dma_start3A_98 : memref<10000x128xf32, #tpu.memory_space<hbm>>) target(%arg9 : memref<128x128xf32, #tpu.memory_space<vmem>>) offsets(%arg7 : memref<128xi32, #tpu.memory_space<vmem>>) semaphore(%arg15 : memref<!tpu.dma_semaphore, #tpu.memory_space<semaphore_mem>>)
      %dma_wait3A_99 = arith.constant 0 : i32
      %dma_wait3A_100 = arith.constant 0 : i32
      %dma_wait3A_101 = tpu.memref_slice %arg2[%dma_wait3A_99, %dma_wait3A_100] : memref<10000x128xf32, #tpu.memory_space<hbm>> -> memref<10000x128xf32, #tpu.memory_space<hbm>>
      tpu.wait_indirect_dma semaphore(%arg15 : memref<!tpu.dma_semaphore, #tpu.memory_space<semaphore_mem>>) src(%dma_wait3A_101 : memref<10000x128xf32, #tpu.memory_space<hbm>>) dst(%arg9 : memref<128x128xf32, #tpu.memory_space<vmem>>)
      "tpu.region"() ({
        %run_scoped3A_103 = tpu.sem_alloc : memref<!tpu.dma_semaphore, #tpu.memory_space<semaphore_mem>>
        %dma_start3A_104 = arith.constant 0 : i32
        %dma_start3A_105 = arith.constant 0 : i32
        %dma_start3A_106 = tpu.memref_slice %arg14[%dma_start3A_104, %dma_start3A_105] : memref<10000x128xf32, #tpu.memory_space<vmem_shared>> -> memref<10000x128xf32, #tpu.memory_space<vmem_shared>>
        tpu.enqueue_indirect_dma source(%arg9 : memref<128x128xf32, #tpu.memory_space<vmem>>) target(%dma_start3A_106 : memref<10000x128xf32, #tpu.memory_space<vmem_shared>>) offsets(%arg8 : memref<128xi32, #tpu.memory_space<vmem>>) semaphore(%run_scoped3A_103 : memref<!tpu.dma_semaphore, #tpu.memory_space<semaphore_mem>>) {add = true}
        %dma_wait3A_107 = arith.constant 0 : i32
        %dma_wait3A_108 = arith.constant 0 : i32
        %dma_wait3A_109 = tpu.memref_slice %arg14[%dma_wait3A_107, %dma_wait3A_108] : memref<10000x128xf32, #tpu.memory_space<vmem_shared>> -> memref<10000x128xf32, #tpu.memory_space<vmem_shared>>
        tpu.wait_indirect_dma semaphore(%run_scoped3A_103 : memref<!tpu.dma_semaphore, #tpu.memory_space<semaphore_mem>>) src(%arg9 : memref<128x128xf32, #tpu.memory_space<vmem>>) dst(%dma_wait3A_109 : memref<10000x128xf32, #tpu.memory_space<vmem_shared>>)
        tpu.yield
      }) : () -> ()
      %scan3A_102 = arith.constant 0 : i32
      scf.yield %scan3A_102 : i32
    }
    %scan3A_30 = arith.constant 78 : i32
    %add3A_31 = arith.constant 9984 : i32
    %add3A_32 = arith.addi %mul3A_2, %add3A_31 : i32
    "tpu.region"() ({
      %run_scoped3A_91 = tpu.sem_alloc : memref<!tpu.dma_semaphore, #tpu.memory_space<semaphore_mem>>
      %dma_start3A_92 = tpu.memref_slice %arg4[%add3A_32] : memref<320000xi32, #tpu.memory_space<hbm>> -> memref<16xi32, #tpu.memory_space<hbm>>
      %dma_start3A_93 = tpu.memref_slice %arg4[%add3A_32] : memref<320000xi32, #tpu.memory_space<hbm>> -> memref<16xi32, #tpu.memory_space<hbm>>
      tpu.enqueue_dma source(%dma_start3A_93 : memref<16xi32, #tpu.memory_space<hbm>>) target(%arg10 : memref<16xi32, #tpu.memory_space<vmem>>) target_semaphore(%run_scoped3A_91 : memref<!tpu.dma_semaphore, #tpu.memory_space<semaphore_mem>>)
      %dma_wait3A_94 = tpu.memref_slice %arg4[%add3A_32] : memref<320000xi32, #tpu.memory_space<hbm>> -> memref<16xi32, #tpu.memory_space<hbm>>
      %dma_wait3A_95 = tpu.memref_slice %arg4[%add3A_32] : memref<320000xi32, #tpu.memory_space<hbm>> -> memref<16xi32, #tpu.memory_space<hbm>>
      tpu.wait_dma2 semaphore(%run_scoped3A_91 : memref<!tpu.dma_semaphore, #tpu.memory_space<semaphore_mem>>) src(%dma_wait3A_95 : memref<16xi32, #tpu.memory_space<hbm>>) dst(%arg10 : memref<16xi32, #tpu.memory_space<vmem>>)
      tpu.yield
    }) : () -> ()
    "tpu.region"() ({
      %run_scoped3A_91 = tpu.sem_alloc : memref<!tpu.dma_semaphore, #tpu.memory_space<semaphore_mem>>
      %dma_start3A_92 = tpu.memref_slice %arg5[%add3A_32] : memref<320000xi32, #tpu.memory_space<hbm>> -> memref<16xi32, #tpu.memory_space<hbm>>
      %dma_start3A_93 = tpu.memref_slice %arg5[%add3A_32] : memref<320000xi32, #tpu.memory_space<hbm>> -> memref<16xi32, #tpu.memory_space<hbm>>
      tpu.enqueue_dma source(%dma_start3A_93 : memref<16xi32, #tpu.memory_space<hbm>>) target(%arg11 : memref<16xi32, #tpu.memory_space<vmem>>) target_semaphore(%run_scoped3A_91 : memref<!tpu.dma_semaphore, #tpu.memory_space<semaphore_mem>>)
      %dma_wait3A_94 = tpu.memref_slice %arg5[%add3A_32] : memref<320000xi32, #tpu.memory_space<hbm>> -> memref<16xi32, #tpu.memory_space<hbm>>
      %dma_wait3A_95 = tpu.memref_slice %arg5[%add3A_32] : memref<320000xi32, #tpu.memory_space<hbm>> -> memref<16xi32, #tpu.memory_space<hbm>>
      tpu.wait_dma2 semaphore(%run_scoped3A_91 : memref<!tpu.dma_semaphore, #tpu.memory_space<semaphore_mem>>) src(%dma_wait3A_95 : memref<16xi32, #tpu.memory_space<hbm>>) dst(%arg11 : memref<16xi32, #tpu.memory_space<vmem>>)
      tpu.yield
    }) : () -> ()
    %dma_start3A = arith.constant 0 : i32
    %dma_start3A_33 = arith.constant 0 : i32
    %dma_start3A_34 = tpu.memref_slice %arg2[%dma_start3A, %dma_start3A_33] : memref<10000x128xf32, #tpu.memory_space<hbm>> -> memref<10000x128xf32, #tpu.memory_space<hbm>>
    tpu.enqueue_indirect_dma source(%dma_start3A_34 : memref<10000x128xf32, #tpu.memory_space<hbm>>) target(%arg12 : memref<16x128xf32, #tpu.memory_space<vmem>>) offsets(%arg10 : memref<16xi32, #tpu.memory_space<vmem>>) semaphore(%arg15 : memref<!tpu.dma_semaphore, #tpu.memory_space<semaphore_mem>>)
    %dma_wait3A = arith.constant 0 : i32
    %dma_wait3A_35 = arith.constant 0 : i32
    %dma_wait3A_36 = tpu.memref_slice %arg2[%dma_wait3A, %dma_wait3A_35] : memref<10000x128xf32, #tpu.memory_space<hbm>> -> memref<10000x128xf32, #tpu.memory_space<hbm>>
    tpu.wait_indirect_dma semaphore(%arg15 : memref<!tpu.dma_semaphore, #tpu.memory_space<semaphore_mem>>) src(%dma_wait3A_36 : memref<10000x128xf32, #tpu.memory_space<hbm>>) dst(%arg12 : memref<16x128xf32, #tpu.memory_space<vmem>>)
    "tpu.region"() ({
      %run_scoped3A_91 = tpu.sem_alloc : memref<!tpu.dma_semaphore, #tpu.memory_space<semaphore_mem>>
      %dma_start3A_92 = arith.constant 0 : i32
      %dma_start3A_93 = arith.constant 0 : i32
      %dma_start3A_94 = tpu.memref_slice %arg14[%dma_start3A_92, %dma_start3A_93] : memref<10000x128xf32, #tpu.memory_space<vmem_shared>> -> memref<10000x128xf32, #tpu.memory_space<vmem_shared>>
      tpu.enqueue_indirect_dma source(%arg12 : memref<16x128xf32, #tpu.memory_space<vmem>>) target(%dma_start3A_94 : memref<10000x128xf32, #tpu.memory_space<vmem_shared>>) offsets(%arg11 : memref<16xi32, #tpu.memory_space<vmem>>) semaphore(%run_scoped3A_91 : memref<!tpu.dma_semaphore, #tpu.memory_space<semaphore_mem>>) {add = true}
      %dma_wait3A_95 = arith.constant 0 : i32
      %dma_wait3A_96 = arith.constant 0 : i32
      %dma_wait3A_97 = tpu.memref_slice %arg14[%dma_wait3A_95, %dma_wait3A_96] : memref<10000x128xf32, #tpu.memory_space<vmem_shared>> -> memref<10000x128xf32, #tpu.memory_space<vmem_shared>>
      tpu.wait_indirect_dma semaphore(%run_scoped3A_91 : memref<!tpu.dma_semaphore, #tpu.memory_space<semaphore_mem>>) src(%arg12 : memref<16x128xf32, #tpu.memory_space<vmem>>) dst(%dma_wait3A_97 : memref<10000x128xf32, #tpu.memory_space<vmem_shared>>)
      tpu.yield
    }) : () -> ()
    %barrier3A_37 = arith.constant 0 : index
    tpu.barrier barrier_id(%barrier3A_37)
    %mul3A_38 = arith.constant 624 : i32
    %mul3A_39 = arith.muli %arg1, %mul3A_38 : i32
    %mul3A_40 = arith.constant 624 : i32
    %mul3A_41 = arith.muli %arg1, %mul3A_40 : i32
    %run_scoped3A = arith.constant 0 : i32
    "tpu.region"() ({
      %run_scoped3A_91 = tpu.sem_alloc : memref<!tpu.dma_semaphore, #tpu.memory_space<semaphore_mem>>
      %dma_start3A_92 = arith.constant 0 : i32
      %dma_start3A_93 = tpu.memref_slice %arg6[%arg0, %run_scoped3A, %mul3A_41, %dma_start3A_92] : memref<2x2x10000x128xf32, #tpu.memory_space<hbm>> -> memref<1x1x624x128xf32, #tpu.memory_space<hbm>>
      %dma_start3A_94 = tpu.memref_squeeze %dma_start3A_93 : memref<1x1x624x128xf32, #tpu.memory_space<hbm>> -> memref<624x128xf32, #tpu.memory_space<hbm>>
      %dma_start3A_95 = arith.constant 0 : i32
      %dma_start3A_96 = tpu.memref_slice %arg14[%mul3A_39, %dma_start3A_95] : memref<10000x128xf32, #tpu.memory_space<vmem_shared>> -> memref<624x128xf32, #tpu.memory_space<vmem_shared>>
      tpu.enqueue_dma source(%dma_start3A_96 : memref<624x128xf32, #tpu.memory_space<vmem_shared>>) target(%dma_start3A_94 : memref<624x128xf32, #tpu.memory_space<hbm>>) target_semaphore(%run_scoped3A_91 : memref<!tpu.dma_semaphore, #tpu.memory_space<semaphore_mem>>)
      %dma_wait3A_97 = arith.constant 0 : i32
      %dma_wait3A_98 = tpu.memref_slice %arg6[%arg0, %run_scoped3A, %mul3A_41, %dma_wait3A_97] : memref<2x2x10000x128xf32, #tpu.memory_space<hbm>> -> memref<1x1x624x128xf32, #tpu.memory_space<hbm>>
      %dma_wait3A_99 = tpu.memref_squeeze %dma_wait3A_98 : memref<1x1x624x128xf32, #tpu.memory_space<hbm>> -> memref<624x128xf32, #tpu.memory_space<hbm>>
      %dma_wait3A_100 = arith.constant 0 : i32
      %dma_wait3A_101 = tpu.memref_slice %arg14[%mul3A_39, %dma_wait3A_100] : memref<10000x128xf32, #tpu.memory_space<vmem_shared>> -> memref<624x128xf32, #tpu.memory_space<vmem_shared>>
      tpu.wait_dma2 semaphore(%run_scoped3A_91 : memref<!tpu.dma_semaphore, #tpu.memory_space<semaphore_mem>>) src(%dma_wait3A_101 : memref<624x128xf32, #tpu.memory_space<vmem_shared>>) dst(%dma_wait3A_99 : memref<624x128xf32, #tpu.memory_space<hbm>>)
      tpu.yield
    }) : () -> ()
    %eq3A_42 = arith.constant 15 : i32
    %eq3A_43 = arith.cmpi eq, %arg1, %eq3A_42 : i32
    %convert_element_type3A_44 = arith.extui %eq3A_43 : i1 to i32
    %cond3A_45 = arith.constant 0 : i32
    %cond3A_46 = arith.cmpi ne, %convert_element_type3A_44, %cond3A_45 : i32
    scf.if %cond3A_46 {
      %run_scoped3A_91 = arith.constant 0 : i32
      "tpu.region"() ({
        %run_scoped3A_92 = tpu.sem_alloc : memref<!tpu.dma_semaphore, #tpu.memory_space<semaphore_mem>>
        %dma_start3A_93 = arith.constant 9984 : i32
        %dma_start3A_94 = arith.constant 0 : i32
        %dma_start3A_95 = tpu.memref_slice %arg6[%arg0, %run_scoped3A_91, %dma_start3A_93, %dma_start3A_94] : memref<2x2x10000x128xf32, #tpu.memory_space<hbm>> -> memref<1x1x16x128xf32, #tpu.memory_space<hbm>>
        %dma_start3A_96 = tpu.memref_squeeze %dma_start3A_95 : memref<1x1x16x128xf32, #tpu.memory_space<hbm>> -> memref<16x128xf32, #tpu.memory_space<hbm>>
        %dma_start3A_97 = arith.constant 9984 : i32
        %dma_start3A_98 = arith.constant 0 : i32
        %dma_start3A_99 = tpu.memref_slice %arg14[%dma_start3A_97, %dma_start3A_98] : memref<10000x128xf32, #tpu.memory_space<vmem_shared>> -> memref<16x128xf32, #tpu.memory_space<vmem_shared>>
        tpu.enqueue_dma source(%dma_start3A_99 : memref<16x128xf32, #tpu.memory_space<vmem_shared>>) target(%dma_start3A_96 : memref<16x128xf32, #tpu.memory_space<hbm>>) target_semaphore(%run_scoped3A_92 : memref<!tpu.dma_semaphore, #tpu.memory_space<semaphore_mem>>)
        %dma_wait3A_100 = arith.constant 9984 : i32
        %dma_wait3A_101 = arith.constant 0 : i32
        %dma_wait3A_102 = tpu.memref_slice %arg6[%arg0, %run_scoped3A_91, %dma_wait3A_100, %dma_wait3A_101] : memref<2x2x10000x128xf32, #tpu.memory_space<hbm>> -> memref<1x1x16x128xf32, #tpu.memory_space<hbm>>
        %dma_wait3A_103 = tpu.memref_squeeze %dma_wait3A_102 : memref<1x1x16x128xf32, #tpu.memory_space<hbm>> -> memref<16x128xf32, #tpu.memory_space<hbm>>
        %dma_wait3A_104 = arith.constant 9984 : i32
        %dma_wait3A_105 = arith.constant 0 : i32
        %dma_wait3A_106 = tpu.memref_slice %arg14[%dma_wait3A_104, %dma_wait3A_105] : memref<10000x128xf32, #tpu.memory_space<vmem_shared>> -> memref<16x128xf32, #tpu.memory_space<vmem_shared>>
        tpu.wait_dma2 semaphore(%run_scoped3A_92 : memref<!tpu.dma_semaphore, #tpu.memory_space<semaphore_mem>>) src(%dma_wait3A_106 : memref<16x128xf32, #tpu.memory_space<vmem_shared>>) dst(%dma_wait3A_103 : memref<16x128xf32, #tpu.memory_space<hbm>>)
        tpu.yield
      }) : () -> ()
    } else {
    }
    %mul3A_47 = arith.constant 624 : i32
    %mul3A_48 = arith.muli %arg1, %mul3A_47 : i32
    %add3A_49 = arith.constant 0 : i32
    %add3A_50 = arith.addi %mul3A_48, %add3A_49 : i32
    "tpu.region"() ({
      %run_scoped3A_91 = tpu.sem_alloc : memref<!tpu.dma_semaphore, #tpu.memory_space<semaphore_mem>>
      %dma_start3A_92 = arith.constant 0 : i32
      %dma_start3A_93 = tpu.memref_slice %arg14[%add3A_50, %dma_start3A_92] : memref<10000x128xf32, #tpu.memory_space<vmem_shared>> -> memref<208x128xf32, #tpu.memory_space<vmem_shared>>
      %dma_start3A_94 = arith.constant 0 : i32
      %dma_start3A_95 = tpu.memref_slice %arg14[%add3A_50, %dma_start3A_94] : memref<10000x128xf32, #tpu.memory_space<vmem_shared>> -> memref<208x128xf32, #tpu.memory_space<vmem_shared>>
      tpu.enqueue_dma source(%arg13 : memref<208x128xf32, #tpu.memory_space<vmem>>) target(%dma_start3A_95 : memref<208x128xf32, #tpu.memory_space<vmem_shared>>) target_semaphore(%run_scoped3A_91 : memref<!tpu.dma_semaphore, #tpu.memory_space<semaphore_mem>>)
      %dma_wait3A_96 = arith.constant 0 : i32
      %dma_wait3A_97 = tpu.memref_slice %arg14[%add3A_50, %dma_wait3A_96] : memref<10000x128xf32, #tpu.memory_space<vmem_shared>> -> memref<208x128xf32, #tpu.memory_space<vmem_shared>>
      %dma_wait3A_98 = arith.constant 0 : i32
      %dma_wait3A_99 = tpu.memref_slice %arg14[%add3A_50, %dma_wait3A_98] : memref<10000x128xf32, #tpu.memory_space<vmem_shared>> -> memref<208x128xf32, #tpu.memory_space<vmem_shared>>
      tpu.wait_dma2 semaphore(%run_scoped3A_91 : memref<!tpu.dma_semaphore, #tpu.memory_space<semaphore_mem>>) src(%arg13 : memref<208x128xf32, #tpu.memory_space<vmem>>) dst(%dma_wait3A_99 : memref<208x128xf32, #tpu.memory_space<vmem_shared>>)
      tpu.yield
    }) : () -> ()
    %mul3A_51 = arith.constant 624 : i32
    %mul3A_52 = arith.muli %arg1, %mul3A_51 : i32
    %add3A_53 = arith.constant 208 : i32
    %add3A_54 = arith.addi %mul3A_52, %add3A_53 : i32
    "tpu.region"() ({
      %run_scoped3A_91 = tpu.sem_alloc : memref<!tpu.dma_semaphore, #tpu.memory_space<semaphore_mem>>
      %dma_start3A_92 = arith.constant 0 : i32
      %dma_start3A_93 = tpu.memref_slice %arg14[%add3A_54, %dma_start3A_92] : memref<10000x128xf32, #tpu.memory_space<vmem_shared>> -> memref<208x128xf32, #tpu.memory_space<vmem_shared>>
      %dma_start3A_94 = arith.constant 0 : i32
      %dma_start3A_95 = tpu.memref_slice %arg14[%add3A_54, %dma_start3A_94] : memref<10000x128xf32, #tpu.memory_space<vmem_shared>> -> memref<208x128xf32, #tpu.memory_space<vmem_shared>>
      tpu.enqueue_dma source(%arg13 : memref<208x128xf32, #tpu.memory_space<vmem>>) target(%dma_start3A_95 : memref<208x128xf32, #tpu.memory_space<vmem_shared>>) target_semaphore(%run_scoped3A_91 : memref<!tpu.dma_semaphore, #tpu.memory_space<semaphore_mem>>)
      %dma_wait3A_96 = arith.constant 0 : i32
      %dma_wait3A_97 = tpu.memref_slice %arg14[%add3A_54, %dma_wait3A_96] : memref<10000x128xf32, #tpu.memory_space<vmem_shared>> -> memref<208x128xf32, #tpu.memory_space<vmem_shared>>
      %dma_wait3A_98 = arith.constant 0 : i32
      %dma_wait3A_99 = tpu.memref_slice %arg14[%add3A_54, %dma_wait3A_98] : memref<10000x128xf32, #tpu.memory_space<vmem_shared>> -> memref<208x128xf32, #tpu.memory_space<vmem_shared>>
      tpu.wait_dma2 semaphore(%run_scoped3A_91 : memref<!tpu.dma_semaphore, #tpu.memory_space<semaphore_mem>>) src(%arg13 : memref<208x128xf32, #tpu.memory_space<vmem>>) dst(%dma_wait3A_99 : memref<208x128xf32, #tpu.memory_space<vmem_shared>>)
      tpu.yield
    }) : () -> ()
    %mul3A_55 = arith.constant 624 : i32
    %mul3A_56 = arith.muli %arg1, %mul3A_55 : i32
    %add3A_57 = arith.constant 416 : i32
    %add3A_58 = arith.addi %mul3A_56, %add3A_57 : i32
    "tpu.region"() ({
      %run_scoped3A_91 = tpu.sem_alloc : memref<!tpu.dma_semaphore, #tpu.memory_space<semaphore_mem>>
      %dma_start3A_92 = arith.constant 0 : i32
      %dma_start3A_93 = tpu.memref_slice %arg14[%add3A_58, %dma_start3A_92] : memref<10000x128xf32, #tpu.memory_space<vmem_shared>> -> memref<208x128xf32, #tpu.memory_space<vmem_shared>>
      %dma_start3A_94 = arith.constant 0 : i32
      %dma_start3A_95 = tpu.memref_slice %arg14[%add3A_58, %dma_start3A_94] : memref<10000x128xf32, #tpu.memory_space<vmem_shared>> -> memref<208x128xf32, #tpu.memory_space<vmem_shared>>
      tpu.enqueue_dma source(%arg13 : memref<208x128xf32, #tpu.memory_space<vmem>>) target(%dma_start3A_95 : memref<208x128xf32, #tpu.memory_space<vmem_shared>>) target_semaphore(%run_scoped3A_91 : memref<!tpu.dma_semaphore, #tpu.memory_space<semaphore_mem>>)
      %dma_wait3A_96 = arith.constant 0 : i32
      %dma_wait3A_97 = tpu.memref_slice %arg14[%add3A_58, %dma_wait3A_96] : memref<10000x128xf32, #tpu.memory_space<vmem_shared>> -> memref<208x128xf32, #tpu.memory_space<vmem_shared>>
      %dma_wait3A_98 = arith.constant 0 : i32
      %dma_wait3A_99 = tpu.memref_slice %arg14[%add3A_58, %dma_wait3A_98] : memref<10000x128xf32, #tpu.memory_space<vmem_shared>> -> memref<208x128xf32, #tpu.memory_space<vmem_shared>>
      tpu.wait_dma2 semaphore(%run_scoped3A_91 : memref<!tpu.dma_semaphore, #tpu.memory_space<semaphore_mem>>) src(%arg13 : memref<208x128xf32, #tpu.memory_space<vmem>>) dst(%dma_wait3A_99 : memref<208x128xf32, #tpu.memory_space<vmem_shared>>)
      tpu.yield
    }) : () -> ()
    %eq3A_59 = arith.constant 15 : i32
    %eq3A_60 = arith.cmpi eq, %arg1, %eq3A_59 : i32
    %convert_element_type3A_61 = arith.extui %eq3A_60 : i1 to i32
    %cond3A_62 = arith.constant 0 : i32
    %cond3A_63 = arith.cmpi ne, %convert_element_type3A_61, %cond3A_62 : i32
    scf.if %cond3A_63 {
      "tpu.region"() ({
        %run_scoped3A_91 = tpu.sem_alloc : memref<!tpu.dma_semaphore, #tpu.memory_space<semaphore_mem>>
        %dma_start3A_92 = arith.constant 0 : i32
        %dma_start3A_93 = arith.constant 0 : i32
        %dma_start3A_94 = tpu.memref_slice %arg13[%dma_start3A_92, %dma_start3A_93] : memref<208x128xf32, #tpu.memory_space<vmem>> -> memref<16x128xf32, #tpu.memory_space<vmem>>
        %dma_start3A_95 = arith.constant 9984 : i32
        %dma_start3A_96 = arith.constant 0 : i32
        %dma_start3A_97 = tpu.memref_slice %arg14[%dma_start3A_95, %dma_start3A_96] : memref<10000x128xf32, #tpu.memory_space<vmem_shared>> -> memref<16x128xf32, #tpu.memory_space<vmem_shared>>
        %dma_start3A_98 = arith.constant 9984 : i32
        %dma_start3A_99 = arith.constant 0 : i32
        %dma_start3A_100 = tpu.memref_slice %arg14[%dma_start3A_98, %dma_start3A_99] : memref<10000x128xf32, #tpu.memory_space<vmem_shared>> -> memref<16x128xf32, #tpu.memory_space<vmem_shared>>
        %dma_start3A_101 = arith.constant 0 : i32
        %dma_start3A_102 = arith.constant 0 : i32
        %dma_start3A_103 = tpu.memref_slice %arg13[%dma_start3A_101, %dma_start3A_102] : memref<208x128xf32, #tpu.memory_space<vmem>> -> memref<16x128xf32, #tpu.memory_space<vmem>>
        tpu.enqueue_dma source(%dma_start3A_103 : memref<16x128xf32, #tpu.memory_space<vmem>>) target(%dma_start3A_100 : memref<16x128xf32, #tpu.memory_space<vmem_shared>>) target_semaphore(%run_scoped3A_91 : memref<!tpu.dma_semaphore, #tpu.memory_space<semaphore_mem>>)
        %dma_wait3A_104 = arith.constant 0 : i32
        %dma_wait3A_105 = arith.constant 0 : i32
        %dma_wait3A_106 = tpu.memref_slice %arg13[%dma_wait3A_104, %dma_wait3A_105] : memref<208x128xf32, #tpu.memory_space<vmem>> -> memref<16x128xf32, #tpu.memory_space<vmem>>
        %dma_wait3A_107 = arith.constant 9984 : i32
        %dma_wait3A_108 = arith.constant 0 : i32
        %dma_wait3A_109 = tpu.memref_slice %arg14[%dma_wait3A_107, %dma_wait3A_108] : memref<10000x128xf32, #tpu.memory_space<vmem_shared>> -> memref<16x128xf32, #tpu.memory_space<vmem_shared>>
        %dma_wait3A_110 = arith.constant 9984 : i32
        %dma_wait3A_111 = arith.constant 0 : i32
        %dma_wait3A_112 = tpu.memref_slice %arg14[%dma_wait3A_110, %dma_wait3A_111] : memref<10000x128xf32, #tpu.memory_space<vmem_shared>> -> memref<16x128xf32, #tpu.memory_space<vmem_shared>>
        %dma_wait3A_113 = arith.constant 0 : i32
        %dma_wait3A_114 = arith.constant 0 : i32
        %dma_wait3A_115 = tpu.memref_slice %arg13[%dma_wait3A_113, %dma_wait3A_114] : memref<208x128xf32, #tpu.memory_space<vmem>> -> memref<16x128xf32, #tpu.memory_space<vmem>>
        tpu.wait_dma2 semaphore(%run_scoped3A_91 : memref<!tpu.dma_semaphore, #tpu.memory_space<semaphore_mem>>) src(%dma_wait3A_115 : memref<16x128xf32, #tpu.memory_space<vmem>>) dst(%dma_wait3A_112 : memref<16x128xf32, #tpu.memory_space<vmem_shared>>)
        tpu.yield
      }) : () -> ()
    } else {
    }
    %barrier3A_64 = arith.constant 0 : index
    tpu.barrier barrier_id(%barrier3A_64)
    %scan3A_65 = arith.constant 0 : i32
    %scan3A_66 = arith.constant 0 : i32
    %scan3A_67 = arith.constant 78 : i32
    %scan3A_68 = arith.addi %scan3A_66, %scan3A_67 : i32
    %scan3A_69 = arith.constant 1 : i32
    %scan3A_70 = scf.for %scan3A_91 = %scan3A_66 to %scan3A_68 step %scan3A_69 iter_args(%scan3A_92 = %scan3A_65) -> (i32)  : i32 {
      %mul3A_93 = arith.constant 128 : i32
      %mul3A_94 = arith.muli %scan3A_91, %mul3A_93 : i32
      %add3A_95 = arith.addi %mul3A_2, %mul3A_94 : i32
      "tpu.region"() ({
        %run_scoped3A_103 = tpu.sem_alloc : memref<!tpu.dma_semaphore, #tpu.memory_space<semaphore_mem>>
        %dma_start3A_104 = tpu.memref_slice %arg4[%add3A_95] : memref<320000xi32, #tpu.memory_space<hbm>> -> memref<128xi32, #tpu.memory_space<hbm>>
        %dma_start3A_105 = tpu.memref_slice %arg4[%add3A_95] : memref<320000xi32, #tpu.memory_space<hbm>> -> memref<128xi32, #tpu.memory_space<hbm>>
        tpu.enqueue_dma source(%dma_start3A_105 : memref<128xi32, #tpu.memory_space<hbm>>) target(%arg7 : memref<128xi32, #tpu.memory_space<vmem>>) target_semaphore(%run_scoped3A_103 : memref<!tpu.dma_semaphore, #tpu.memory_space<semaphore_mem>>)
        %dma_wait3A_106 = tpu.memref_slice %arg4[%add3A_95] : memref<320000xi32, #tpu.memory_space<hbm>> -> memref<128xi32, #tpu.memory_space<hbm>>
        %dma_wait3A_107 = tpu.memref_slice %arg4[%add3A_95] : memref<320000xi32, #tpu.memory_space<hbm>> -> memref<128xi32, #tpu.memory_space<hbm>>
        tpu.wait_dma2 semaphore(%run_scoped3A_103 : memref<!tpu.dma_semaphore, #tpu.memory_space<semaphore_mem>>) src(%dma_wait3A_107 : memref<128xi32, #tpu.memory_space<hbm>>) dst(%arg7 : memref<128xi32, #tpu.memory_space<vmem>>)
        tpu.yield
      }) : () -> ()
      "tpu.region"() ({
        %run_scoped3A_103 = tpu.sem_alloc : memref<!tpu.dma_semaphore, #tpu.memory_space<semaphore_mem>>
        %dma_start3A_104 = tpu.memref_slice %arg5[%add3A_95] : memref<320000xi32, #tpu.memory_space<hbm>> -> memref<128xi32, #tpu.memory_space<hbm>>
        %dma_start3A_105 = tpu.memref_slice %arg5[%add3A_95] : memref<320000xi32, #tpu.memory_space<hbm>> -> memref<128xi32, #tpu.memory_space<hbm>>
        tpu.enqueue_dma source(%dma_start3A_105 : memref<128xi32, #tpu.memory_space<hbm>>) target(%arg8 : memref<128xi32, #tpu.memory_space<vmem>>) target_semaphore(%run_scoped3A_103 : memref<!tpu.dma_semaphore, #tpu.memory_space<semaphore_mem>>)
        %dma_wait3A_106 = tpu.memref_slice %arg5[%add3A_95] : memref<320000xi32, #tpu.memory_space<hbm>> -> memref<128xi32, #tpu.memory_space<hbm>>
        %dma_wait3A_107 = tpu.memref_slice %arg5[%add3A_95] : memref<320000xi32, #tpu.memory_space<hbm>> -> memref<128xi32, #tpu.memory_space<hbm>>
        tpu.wait_dma2 semaphore(%run_scoped3A_103 : memref<!tpu.dma_semaphore, #tpu.memory_space<semaphore_mem>>) src(%dma_wait3A_107 : memref<128xi32, #tpu.memory_space<hbm>>) dst(%arg8 : memref<128xi32, #tpu.memory_space<vmem>>)
        tpu.yield
      }) : () -> ()
      %dma_start3A_96 = arith.constant 0 : i32
      %dma_start3A_97 = arith.constant 0 : i32
      %dma_start3A_98 = tpu.memref_slice %arg3[%dma_start3A_96, %dma_start3A_97] : memref<10000x128xf32, #tpu.memory_space<hbm>> -> memref<10000x128xf32, #tpu.memory_space<hbm>>
      tpu.enqueue_indirect_dma source(%dma_start3A_98 : memref<10000x128xf32, #tpu.memory_space<hbm>>) target(%arg9 : memref<128x128xf32, #tpu.memory_space<vmem>>) offsets(%arg7 : memref<128xi32, #tpu.memory_space<vmem>>) semaphore(%arg15 : memref<!tpu.dma_semaphore, #tpu.memory_space<semaphore_mem>>)
      %dma_wait3A_99 = arith.constant 0 : i32
      %dma_wait3A_100 = arith.constant 0 : i32
      %dma_wait3A_101 = tpu.memref_slice %arg3[%dma_wait3A_99, %dma_wait3A_100] : memref<10000x128xf32, #tpu.memory_space<hbm>> -> memref<10000x128xf32, #tpu.memory_space<hbm>>
      tpu.wait_indirect_dma semaphore(%arg15 : memref<!tpu.dma_semaphore, #tpu.memory_space<semaphore_mem>>) src(%dma_wait3A_101 : memref<10000x128xf32, #tpu.memory_space<hbm>>) dst(%arg9 : memref<128x128xf32, #tpu.memory_space<vmem>>)
      "tpu.region"() ({
        %run_scoped3A_103 = tpu.sem_alloc : memref<!tpu.dma_semaphore, #tpu.memory_space<semaphore_mem>>
        %dma_start3A_104 = arith.constant 0 : i32
        %dma_start3A_105 = arith.constant 0 : i32
        %dma_start3A_106 = tpu.memref_slice %arg14[%dma_start3A_104, %dma_start3A_105] : memref<10000x128xf32, #tpu.memory_space<vmem_shared>> -> memref<10000x128xf32, #tpu.memory_space<vmem_shared>>
        tpu.enqueue_indirect_dma source(%arg9 : memref<128x128xf32, #tpu.memory_space<vmem>>) target(%dma_start3A_106 : memref<10000x128xf32, #tpu.memory_space<vmem_shared>>) offsets(%arg8 : memref<128xi32, #tpu.memory_space<vmem>>) semaphore(%run_scoped3A_103 : memref<!tpu.dma_semaphore, #tpu.memory_space<semaphore_mem>>) {add = true}
        %dma_wait3A_107 = arith.constant 0 : i32
        %dma_wait3A_108 = arith.constant 0 : i32
        %dma_wait3A_109 = tpu.memref_slice %arg14[%dma_wait3A_107, %dma_wait3A_108] : memref<10000x128xf32, #tpu.memory_space<vmem_shared>> -> memref<10000x128xf32, #tpu.memory_space<vmem_shared>>
        tpu.wait_indirect_dma semaphore(%run_scoped3A_103 : memref<!tpu.dma_semaphore, #tpu.memory_space<semaphore_mem>>) src(%arg9 : memref<128x128xf32, #tpu.memory_space<vmem>>) dst(%dma_wait3A_109 : memref<10000x128xf32, #tpu.memory_space<vmem_shared>>)
        tpu.yield
      }) : () -> ()
      %scan3A_102 = arith.constant 0 : i32
      scf.yield %scan3A_102 : i32
    }
    %scan3A_71 = arith.constant 78 : i32
    %add3A_72 = arith.constant 9984 : i32
    %add3A_73 = arith.addi %mul3A_2, %add3A_72 : i32
    "tpu.region"() ({
      %run_scoped3A_91 = tpu.sem_alloc : memref<!tpu.dma_semaphore, #tpu.memory_space<semaphore_mem>>
      %dma_start3A_92 = tpu.memref_slice %arg4[%add3A_73] : memref<320000xi32, #tpu.memory_space<hbm>> -> memref<16xi32, #tpu.memory_space<hbm>>
      %dma_start3A_93 = tpu.memref_slice %arg4[%add3A_73] : memref<320000xi32, #tpu.memory_space<hbm>> -> memref<16xi32, #tpu.memory_space<hbm>>
      tpu.enqueue_dma source(%dma_start3A_93 : memref<16xi32, #tpu.memory_space<hbm>>) target(%arg10 : memref<16xi32, #tpu.memory_space<vmem>>) target_semaphore(%run_scoped3A_91 : memref<!tpu.dma_semaphore, #tpu.memory_space<semaphore_mem>>)
      %dma_wait3A_94 = tpu.memref_slice %arg4[%add3A_73] : memref<320000xi32, #tpu.memory_space<hbm>> -> memref<16xi32, #tpu.memory_space<hbm>>
      %dma_wait3A_95 = tpu.memref_slice %arg4[%add3A_73] : memref<320000xi32, #tpu.memory_space<hbm>> -> memref<16xi32, #tpu.memory_space<hbm>>
      tpu.wait_dma2 semaphore(%run_scoped3A_91 : memref<!tpu.dma_semaphore, #tpu.memory_space<semaphore_mem>>) src(%dma_wait3A_95 : memref<16xi32, #tpu.memory_space<hbm>>) dst(%arg10 : memref<16xi32, #tpu.memory_space<vmem>>)
      tpu.yield
    }) : () -> ()
    "tpu.region"() ({
      %run_scoped3A_91 = tpu.sem_alloc : memref<!tpu.dma_semaphore, #tpu.memory_space<semaphore_mem>>
      %dma_start3A_92 = tpu.memref_slice %arg5[%add3A_73] : memref<320000xi32, #tpu.memory_space<hbm>> -> memref<16xi32, #tpu.memory_space<hbm>>
      %dma_start3A_93 = tpu.memref_slice %arg5[%add3A_73] : memref<320000xi32, #tpu.memory_space<hbm>> -> memref<16xi32, #tpu.memory_space<hbm>>
      tpu.enqueue_dma source(%dma_start3A_93 : memref<16xi32, #tpu.memory_space<hbm>>) target(%arg11 : memref<16xi32, #tpu.memory_space<vmem>>) target_semaphore(%run_scoped3A_91 : memref<!tpu.dma_semaphore, #tpu.memory_space<semaphore_mem>>)
      %dma_wait3A_94 = tpu.memref_slice %arg5[%add3A_73] : memref<320000xi32, #tpu.memory_space<hbm>> -> memref<16xi32, #tpu.memory_space<hbm>>
      %dma_wait3A_95 = tpu.memref_slice %arg5[%add3A_73] : memref<320000xi32, #tpu.memory_space<hbm>> -> memref<16xi32, #tpu.memory_space<hbm>>
      tpu.wait_dma2 semaphore(%run_scoped3A_91 : memref<!tpu.dma_semaphore, #tpu.memory_space<semaphore_mem>>) src(%dma_wait3A_95 : memref<16xi32, #tpu.memory_space<hbm>>) dst(%arg11 : memref<16xi32, #tpu.memory_space<vmem>>)
      tpu.yield
    }) : () -> ()
    %dma_start3A_74 = arith.constant 0 : i32
    %dma_start3A_75 = arith.constant 0 : i32
    %dma_start3A_76 = tpu.memref_slice %arg3[%dma_start3A_74, %dma_start3A_75] : memref<10000x128xf32, #tpu.memory_space<hbm>> -> memref<10000x128xf32, #tpu.memory_space<hbm>>
    tpu.enqueue_indirect_dma source(%dma_start3A_76 : memref<10000x128xf32, #tpu.memory_space<hbm>>) target(%arg12 : memref<16x128xf32, #tpu.memory_space<vmem>>) offsets(%arg10 : memref<16xi32, #tpu.memory_space<vmem>>) semaphore(%arg15 : memref<!tpu.dma_semaphore, #tpu.memory_space<semaphore_mem>>)
    %dma_wait3A_77 = arith.constant 0 : i32
    %dma_wait3A_78 = arith.constant 0 : i32
    %dma_wait3A_79 = tpu.memref_slice %arg3[%dma_wait3A_77, %dma_wait3A_78] : memref<10000x128xf32, #tpu.memory_space<hbm>> -> memref<10000x128xf32, #tpu.memory_space<hbm>>
    tpu.wait_indirect_dma semaphore(%arg15 : memref<!tpu.dma_semaphore, #tpu.memory_space<semaphore_mem>>) src(%dma_wait3A_79 : memref<10000x128xf32, #tpu.memory_space<hbm>>) dst(%arg12 : memref<16x128xf32, #tpu.memory_space<vmem>>)
    "tpu.region"() ({
      %run_scoped3A_91 = tpu.sem_alloc : memref<!tpu.dma_semaphore, #tpu.memory_space<semaphore_mem>>
      %dma_start3A_92 = arith.constant 0 : i32
      %dma_start3A_93 = arith.constant 0 : i32
      %dma_start3A_94 = tpu.memref_slice %arg14[%dma_start3A_92, %dma_start3A_93] : memref<10000x128xf32, #tpu.memory_space<vmem_shared>> -> memref<10000x128xf32, #tpu.memory_space<vmem_shared>>
      tpu.enqueue_indirect_dma source(%arg12 : memref<16x128xf32, #tpu.memory_space<vmem>>) target(%dma_start3A_94 : memref<10000x128xf32, #tpu.memory_space<vmem_shared>>) offsets(%arg11 : memref<16xi32, #tpu.memory_space<vmem>>) semaphore(%run_scoped3A_91 : memref<!tpu.dma_semaphore, #tpu.memory_space<semaphore_mem>>) {add = true}
      %dma_wait3A_95 = arith.constant 0 : i32
      %dma_wait3A_96 = arith.constant 0 : i32
      %dma_wait3A_97 = tpu.memref_slice %arg14[%dma_wait3A_95, %dma_wait3A_96] : memref<10000x128xf32, #tpu.memory_space<vmem_shared>> -> memref<10000x128xf32, #tpu.memory_space<vmem_shared>>
      tpu.wait_indirect_dma semaphore(%run_scoped3A_91 : memref<!tpu.dma_semaphore, #tpu.memory_space<semaphore_mem>>) src(%arg12 : memref<16x128xf32, #tpu.memory_space<vmem>>) dst(%dma_wait3A_97 : memref<10000x128xf32, #tpu.memory_space<vmem_shared>>)
      tpu.yield
    }) : () -> ()
    %barrier3A_80 = arith.constant 0 : index
    tpu.barrier barrier_id(%barrier3A_80)
    %mul3A_81 = arith.constant 624 : i32
    %mul3A_82 = arith.muli %arg1, %mul3A_81 : i32
    %mul3A_83 = arith.constant 624 : i32
    %mul3A_84 = arith.muli %arg1, %mul3A_83 : i32
    %run_scoped3A_85 = arith.constant 1 : i32
    "tpu.region"() ({
      %run_scoped3A_91 = tpu.sem_alloc : memref<!tpu.dma_semaphore, #tpu.memory_space<semaphore_mem>>
      %dma_start3A_92 = arith.constant 0 : i32
      %dma_start3A_93 = tpu.memref_slice %arg6[%arg0, %run_scoped3A_85, %mul3A_84, %dma_start3A_92] : memref<2x2x10000x128xf32, #tpu.memory_space<hbm>> -> memref<1x1x624x128xf32, #tpu.memory_space<hbm>>
      %dma_start3A_94 = tpu.memref_squeeze %dma_start3A_93 : memref<1x1x624x128xf32, #tpu.memory_space<hbm>> -> memref<624x128xf32, #tpu.memory_space<hbm>>
      %dma_start3A_95 = arith.constant 0 : i32
      %dma_start3A_96 = tpu.memref_slice %arg14[%mul3A_82, %dma_start3A_95] : memref<10000x128xf32, #tpu.memory_space<vmem_shared>> -> memref<624x128xf32, #tpu.memory_space<vmem_shared>>
      tpu.enqueue_dma source(%dma_start3A_96 : memref<624x128xf32, #tpu.memory_space<vmem_shared>>) target(%dma_start3A_94 : memref<624x128xf32, #tpu.memory_space<hbm>>) target_semaphore(%run_scoped3A_91 : memref<!tpu.dma_semaphore, #tpu.memory_space<semaphore_mem>>)
      %dma_wait3A_97 = arith.constant 0 : i32
      %dma_wait3A_98 = tpu.memref_slice %arg6[%arg0, %run_scoped3A_85, %mul3A_84, %dma_wait3A_97] : memref<2x2x10000x128xf32, #tpu.memory_space<hbm>> -> memref<1x1x624x128xf32, #tpu.memory_space<hbm>>
      %dma_wait3A_99 = tpu.memref_squeeze %dma_wait3A_98 : memref<1x1x624x128xf32, #tpu.memory_space<hbm>> -> memref<624x128xf32, #tpu.memory_space<hbm>>
      %dma_wait3A_100 = arith.constant 0 : i32
      %dma_wait3A_101 = tpu.memref_slice %arg14[%mul3A_82, %dma_wait3A_100] : memref<10000x128xf32, #tpu.memory_space<vmem_shared>> -> memref<624x128xf32, #tpu.memory_space<vmem_shared>>
      tpu.wait_dma2 semaphore(%run_scoped3A_91 : memref<!tpu.dma_semaphore, #tpu.memory_space<semaphore_mem>>) src(%dma_wait3A_101 : memref<624x128xf32, #tpu.memory_space<vmem_shared>>) dst(%dma_wait3A_99 : memref<624x128xf32, #tpu.memory_space<hbm>>)
      tpu.yield
    }) : () -> ()
    %eq3A_86 = arith.constant 15 : i32
    %eq3A_87 = arith.cmpi eq, %arg1, %eq3A_86 : i32
    %convert_element_type3A_88 = arith.extui %eq3A_87 : i1 to i32
    %cond3A_89 = arith.constant 0 : i32
    %cond3A_90 = arith.cmpi ne, %convert_element_type3A_88, %cond3A_89 : i32
    scf.if %cond3A_90 {
      %run_scoped3A_91 = arith.constant 1 : i32
      "tpu.region"() ({
        %run_scoped3A_92 = tpu.sem_alloc : memref<!tpu.dma_semaphore, #tpu.memory_space<semaphore_mem>>
        %dma_start3A_93 = arith.constant 9984 : i32
        %dma_start3A_94 = arith.constant 0 : i32
        %dma_start3A_95 = tpu.memref_slice %arg6[%arg0, %run_scoped3A_91, %dma_start3A_93, %dma_start3A_94] : memref<2x2x10000x128xf32, #tpu.memory_space<hbm>> -> memref<1x1x16x128xf32, #tpu.memory_space<hbm>>
        %dma_start3A_96 = tpu.memref_squeeze %dma_start3A_95 : memref<1x1x16x128xf32, #tpu.memory_space<hbm>> -> memref<16x128xf32, #tpu.memory_space<hbm>>
        %dma_start3A_97 = arith.constant 9984 : i32
        %dma_start3A_98 = arith.constant 0 : i32
        %dma_start3A_99 = tpu.memref_slice %arg14[%dma_start3A_97, %dma_start3A_98] : memref<10000x128xf32, #tpu.memory_space<vmem_shared>> -> memref<16x128xf32, #tpu.memory_space<vmem_shared>>
        tpu.enqueue_dma source(%dma_start3A_99 : memref<16x128xf32, #tpu.memory_space<vmem_shared>>) target(%dma_start3A_96 : memref<16x128xf32, #tpu.memory_space<hbm>>) target_semaphore(%run_scoped3A_92 : memref<!tpu.dma_semaphore, #tpu.memory_space<semaphore_mem>>)
        %dma_wait3A_100 = arith.constant 9984 : i32
        %dma_wait3A_101 = arith.constant 0 : i32
        %dma_wait3A_102 = tpu.memref_slice %arg6[%arg0, %run_scoped3A_91, %dma_wait3A_100, %dma_wait3A_101] : memref<2x2x10000x128xf32, #tpu.memory_space<hbm>> -> memref<1x1x16x128xf32, #tpu.memory_space<hbm>>
        %dma_wait3A_103 = tpu.memref_squeeze %dma_wait3A_102 : memref<1x1x16x128xf32, #tpu.memory_space<hbm>> -> memref<16x128xf32, #tpu.memory_space<hbm>>
        %dma_wait3A_104 = arith.constant 9984 : i32
        %dma_wait3A_105 = arith.constant 0 : i32
        %dma_wait3A_106 = tpu.memref_slice %arg14[%dma_wait3A_104, %dma_wait3A_105] : memref<10000x128xf32, #tpu.memory_space<vmem_shared>> -> memref<16x128xf32, #tpu.memory_space<vmem_shared>>
        tpu.wait_dma2 semaphore(%run_scoped3A_92 : memref<!tpu.dma_semaphore, #tpu.memory_space<semaphore_mem>>) src(%dma_wait3A_106 : memref<16x128xf32, #tpu.memory_space<vmem_shared>>) dst(%dma_wait3A_103 : memref<16x128xf32, #tpu.memory_space<hbm>>)
        tpu.yield
      }) : () -> ()
    } else {
    }
    return
  }
}

#map = affine_map<(d0, d1) -> (0, 0)>
#map1 = affine_map<(d0, d1) -> (0)>
#map2 = affine_map<(d0, d1) -> (0, 0, 0, 0)>
module attributes {stable_mosaic.version = 14 : i64} {
  func.func @agg(%arg0: i32, %arg1: i32, %arg2: memref<10000x128xf32, #tpu.memory_space<hbm>>, %arg3: memref<10000x128xf32, #tpu.memory_space<hbm>>, %arg4: memref<10000x128xf32, #tpu.memory_space<hbm>>, %arg5: memref<10000x128xf32, #tpu.memory_space<hbm>>, %arg6: memref<320000xi32, #tpu.memory_space<hbm>>, %arg7: memref<320000xi32, #tpu.memory_space<hbm>>, %arg8: memref<2x4x10000x128xf32, #tpu.memory_space<hbm>>, %arg9: memref<128xi32, #tpu.memory_space<vmem>>, %arg10: memref<128xi32, #tpu.memory_space<vmem>>, %arg11: memref<128x128xf32, #tpu.memory_space<vmem>>, %arg12: memref<16xi32, #tpu.memory_space<vmem>>, %arg13: memref<16xi32, #tpu.memory_space<vmem>>, %arg14: memref<16x128xf32, #tpu.memory_space<vmem>>, %arg15: memref<208x128xf32, #tpu.memory_space<vmem>>, %arg16: memref<10000x128xf32, #tpu.memory_space<vmem_shared>>, %arg17: memref<!tpu.dma_semaphore, #tpu.memory_space<semaphore_mem>>) attributes {dimension_semantics = [#tpu.dimension_semantics<core_parallel>, #tpu.dimension_semantics<subcore_parallel>], iteration_bounds = array<i64: 2, 16>, scalar_prefetch = 0 : i64, scratch_operands = 9 : i64, tpu.core_type = #tpu.core_type<sc_vector_subcore>, window_params = [{transform_indices = #map}, {transform_indices = #map}, {transform_indices = #map}, {transform_indices = #map}, {transform_indices = #map1}, {transform_indices = #map1}, {transform_indices = #map2}]} {
    %mul3A = arith.constant 16 : i32
    %mul3A_0 = arith.muli %arg0, %mul3A : i32
    %add3A = arith.addi %mul3A_0, %arg1 : i32
    %mul3A_1 = arith.constant 10000 : i32
    %mul3A_2 = arith.muli %add3A, %mul3A_1 : i32
    %broadcast_in_dim3A = arith.constant 0.000000e+00 : f32
    %broadcast_in_dim3A_3 = vector.broadcast %broadcast_in_dim3A : f32 to vector<16xf32>
    %scan3A = arith.constant 0 : i32
    %scan3A_4 = arith.constant 0 : i32
    %scan3A_5 = arith.constant 208 : i32
    %scan3A_6 = arith.addi %scan3A_4, %scan3A_5 : i32
    %scan3A_7 = arith.constant 1 : i32
    %scan3A_8 = scf.for %scan3A_179 = %scan3A_4 to %scan3A_6 step %scan3A_7 iter_args(%scan3A_180 = %scan3A) -> (i32)  : i32 {
      %scan3A_181 = arith.constant 0 : i32
      %scan3A_182 = arith.constant 0 : i32
      %scan3A_183 = arith.constant 8 : i32
      %scan3A_184 = arith.addi %scan3A_182, %scan3A_183 : i32
      %scan3A_185 = arith.constant 1 : i32
      %scan3A_186 = scf.for %scan3A_188 = %scan3A_182 to %scan3A_184 step %scan3A_185 iter_args(%scan3A_189 = %scan3A_181) -> (i32)  : i32 {
        %mul3A_190 = arith.constant 16 : i32
        %mul3A_191 = arith.muli %scan3A_188, %mul3A_190 : i32
        %swap3A = arith.index_cast %scan3A_179 : i32 to index
        %swap3A_192 = arith.index_cast %mul3A_191 : i32 to index
        %swap3A_193 = tpu.vector_load %arg15[%swap3A, %swap3A_192] {strides = array<i32>} : memref<208x128xf32, #tpu.memory_space<vmem>>, vector<1x16xf32>,
        %swap3A_194 = vector.shape_cast %swap3A_193 : vector<1x16xf32> to vector<16xf32>
        %swap3A_195 = vector.shape_cast %broadcast_in_dim3A_3 : vector<16xf32> to vector<1x16xf32>
        tpu.vector_store %arg15[%swap3A, %swap3A_192], %swap3A_195 {strides = array<i32>} : memref<208x128xf32, #tpu.memory_space<vmem>>, vector<1x16xf32>,
        %scan3A_196 = arith.constant 0 : i32
        scf.yield %scan3A_196 : i32
      }
      %scan3A_187 = arith.constant 8 : i32
      scf.yield %scan3A_186 : i32
    }
    %scan3A_9 = arith.constant 208 : i32
    %mul3A_10 = arith.constant 624 : i32
    %mul3A_11 = arith.muli %arg1, %mul3A_10 : i32
    %add3A_12 = arith.constant 0 : i32
    %add3A_13 = arith.addi %mul3A_11, %add3A_12 : i32
    "tpu.region"() ({
      %run_scoped3A_179 = tpu.sem_alloc : memref<!tpu.dma_semaphore, #tpu.memory_space<semaphore_mem>>
      %dma_start3A_180 = arith.constant 0 : i32
      %dma_start3A_181 = tpu.memref_slice %arg16[%add3A_13, %dma_start3A_180] : memref<10000x128xf32, #tpu.memory_space<vmem_shared>> -> memref<208x128xf32, #tpu.memory_space<vmem_shared>>
      %dma_start3A_182 = arith.constant 0 : i32
      %dma_start3A_183 = tpu.memref_slice %arg16[%add3A_13, %dma_start3A_182] : memref<10000x128xf32, #tpu.memory_space<vmem_shared>> -> memref<208x128xf32, #tpu.memory_space<vmem_shared>>
      tpu.enqueue_dma source(%arg15 : memref<208x128xf32, #tpu.memory_space<vmem>>) target(%dma_start3A_183 : memref<208x128xf32, #tpu.memory_space<vmem_shared>>) target_semaphore(%run_scoped3A_179 : memref<!tpu.dma_semaphore, #tpu.memory_space<semaphore_mem>>)
      %dma_wait3A_184 = arith.constant 0 : i32
      %dma_wait3A_185 = tpu.memref_slice %arg16[%add3A_13, %dma_wait3A_184] : memref<10000x128xf32, #tpu.memory_space<vmem_shared>> -> memref<208x128xf32, #tpu.memory_space<vmem_shared>>
      %dma_wait3A_186 = arith.constant 0 : i32
      %dma_wait3A_187 = tpu.memref_slice %arg16[%add3A_13, %dma_wait3A_186] : memref<10000x128xf32, #tpu.memory_space<vmem_shared>> -> memref<208x128xf32, #tpu.memory_space<vmem_shared>>
      tpu.wait_dma2 semaphore(%run_scoped3A_179 : memref<!tpu.dma_semaphore, #tpu.memory_space<semaphore_mem>>) src(%arg15 : memref<208x128xf32, #tpu.memory_space<vmem>>) dst(%dma_wait3A_187 : memref<208x128xf32, #tpu.memory_space<vmem_shared>>)
      tpu.yield
    }) : () -> ()
    %mul3A_14 = arith.constant 624 : i32
    %mul3A_15 = arith.muli %arg1, %mul3A_14 : i32
    %add3A_16 = arith.constant 208 : i32
    %add3A_17 = arith.addi %mul3A_15, %add3A_16 : i32
    "tpu.region"() ({
      %run_scoped3A_179 = tpu.sem_alloc : memref<!tpu.dma_semaphore, #tpu.memory_space<semaphore_mem>>
      %dma_start3A_180 = arith.constant 0 : i32
      %dma_start3A_181 = tpu.memref_slice %arg16[%add3A_17, %dma_start3A_180] : memref<10000x128xf32, #tpu.memory_space<vmem_shared>> -> memref<208x128xf32, #tpu.memory_space<vmem_shared>>
      %dma_start3A_182 = arith.constant 0 : i32
      %dma_start3A_183 = tpu.memref_slice %arg16[%add3A_17, %dma_start3A_182] : memref<10000x128xf32, #tpu.memory_space<vmem_shared>> -> memref<208x128xf32, #tpu.memory_space<vmem_shared>>
      tpu.enqueue_dma source(%arg15 : memref<208x128xf32, #tpu.memory_space<vmem>>) target(%dma_start3A_183 : memref<208x128xf32, #tpu.memory_space<vmem_shared>>) target_semaphore(%run_scoped3A_179 : memref<!tpu.dma_semaphore, #tpu.memory_space<semaphore_mem>>)
      %dma_wait3A_184 = arith.constant 0 : i32
      %dma_wait3A_185 = tpu.memref_slice %arg16[%add3A_17, %dma_wait3A_184] : memref<10000x128xf32, #tpu.memory_space<vmem_shared>> -> memref<208x128xf32, #tpu.memory_space<vmem_shared>>
      %dma_wait3A_186 = arith.constant 0 : i32
      %dma_wait3A_187 = tpu.memref_slice %arg16[%add3A_17, %dma_wait3A_186] : memref<10000x128xf32, #tpu.memory_space<vmem_shared>> -> memref<208x128xf32, #tpu.memory_space<vmem_shared>>
      tpu.wait_dma2 semaphore(%run_scoped3A_179 : memref<!tpu.dma_semaphore, #tpu.memory_space<semaphore_mem>>) src(%arg15 : memref<208x128xf32, #tpu.memory_space<vmem>>) dst(%dma_wait3A_187 : memref<208x128xf32, #tpu.memory_space<vmem_shared>>)
      tpu.yield
    }) : () -> ()
    %mul3A_18 = arith.constant 624 : i32
    %mul3A_19 = arith.muli %arg1, %mul3A_18 : i32
    %add3A_20 = arith.constant 416 : i32
    %add3A_21 = arith.addi %mul3A_19, %add3A_20 : i32
    "tpu.region"() ({
      %run_scoped3A_179 = tpu.sem_alloc : memref<!tpu.dma_semaphore, #tpu.memory_space<semaphore_mem>>
      %dma_start3A_180 = arith.constant 0 : i32
      %dma_start3A_181 = tpu.memref_slice %arg16[%add3A_21, %dma_start3A_180] : memref<10000x128xf32, #tpu.memory_space<vmem_shared>> -> memref<208x128xf32, #tpu.memory_space<vmem_shared>>
      %dma_start3A_182 = arith.constant 0 : i32
      %dma_start3A_183 = tpu.memref_slice %arg16[%add3A_21, %dma_start3A_182] : memref<10000x128xf32, #tpu.memory_space<vmem_shared>> -> memref<208x128xf32, #tpu.memory_space<vmem_shared>>
      tpu.enqueue_dma source(%arg15 : memref<208x128xf32, #tpu.memory_space<vmem>>) target(%dma_start3A_183 : memref<208x128xf32, #tpu.memory_space<vmem_shared>>) target_semaphore(%run_scoped3A_179 : memref<!tpu.dma_semaphore, #tpu.memory_space<semaphore_mem>>)
      %dma_wait3A_184 = arith.constant 0 : i32
      %dma_wait3A_185 = tpu.memref_slice %arg16[%add3A_21, %dma_wait3A_184] : memref<10000x128xf32, #tpu.memory_space<vmem_shared>> -> memref<208x128xf32, #tpu.memory_space<vmem_shared>>
      %dma_wait3A_186 = arith.constant 0 : i32
      %dma_wait3A_187 = tpu.memref_slice %arg16[%add3A_21, %dma_wait3A_186] : memref<10000x128xf32, #tpu.memory_space<vmem_shared>> -> memref<208x128xf32, #tpu.memory_space<vmem_shared>>
      tpu.wait_dma2 semaphore(%run_scoped3A_179 : memref<!tpu.dma_semaphore, #tpu.memory_space<semaphore_mem>>) src(%arg15 : memref<208x128xf32, #tpu.memory_space<vmem>>) dst(%dma_wait3A_187 : memref<208x128xf32, #tpu.memory_space<vmem_shared>>)
      tpu.yield
    }) : () -> ()
    %eq3A = arith.constant 15 : i32
    %eq3A_22 = arith.cmpi eq, %arg1, %eq3A : i32
    %convert_element_type3A = arith.extui %eq3A_22 : i1 to i32
    %cond3A = arith.constant 0 : i32
    %cond3A_23 = arith.cmpi ne, %convert_element_type3A, %cond3A : i32
    scf.if %cond3A_23 {
      "tpu.region"() ({
        %run_scoped3A_179 = tpu.sem_alloc : memref<!tpu.dma_semaphore, #tpu.memory_space<semaphore_mem>>
        %dma_start3A_180 = arith.constant 0 : i32
        %dma_start3A_181 = arith.constant 0 : i32
        %dma_start3A_182 = tpu.memref_slice %arg15[%dma_start3A_180, %dma_start3A_181] : memref<208x128xf32, #tpu.memory_space<vmem>> -> memref<16x128xf32, #tpu.memory_space<vmem>>
        %dma_start3A_183 = arith.constant 9984 : i32
        %dma_start3A_184 = arith.constant 0 : i32
        %dma_start3A_185 = tpu.memref_slice %arg16[%dma_start3A_183, %dma_start3A_184] : memref<10000x128xf32, #tpu.memory_space<vmem_shared>> -> memref<16x128xf32, #tpu.memory_space<vmem_shared>>
        %dma_start3A_186 = arith.constant 9984 : i32
        %dma_start3A_187 = arith.constant 0 : i32
        %dma_start3A_188 = tpu.memref_slice %arg16[%dma_start3A_186, %dma_start3A_187] : memref<10000x128xf32, #tpu.memory_space<vmem_shared>> -> memref<16x128xf32, #tpu.memory_space<vmem_shared>>
        %dma_start3A_189 = arith.constant 0 : i32
        %dma_start3A_190 = arith.constant 0 : i32
        %dma_start3A_191 = tpu.memref_slice %arg15[%dma_start3A_189, %dma_start3A_190] : memref<208x128xf32, #tpu.memory_space<vmem>> -> memref<16x128xf32, #tpu.memory_space<vmem>>
        tpu.enqueue_dma source(%dma_start3A_191 : memref<16x128xf32, #tpu.memory_space<vmem>>) target(%dma_start3A_188 : memref<16x128xf32, #tpu.memory_space<vmem_shared>>) target_semaphore(%run_scoped3A_179 : memref<!tpu.dma_semaphore, #tpu.memory_space<semaphore_mem>>)
        %dma_wait3A_192 = arith.constant 0 : i32
        %dma_wait3A_193 = arith.constant 0 : i32
        %dma_wait3A_194 = tpu.memref_slice %arg15[%dma_wait3A_192, %dma_wait3A_193] : memref<208x128xf32, #tpu.memory_space<vmem>> -> memref<16x128xf32, #tpu.memory_space<vmem>>
        %dma_wait3A_195 = arith.constant 9984 : i32
        %dma_wait3A_196 = arith.constant 0 : i32
        %dma_wait3A_197 = tpu.memref_slice %arg16[%dma_wait3A_195, %dma_wait3A_196] : memref<10000x128xf32, #tpu.memory_space<vmem_shared>> -> memref<16x128xf32, #tpu.memory_space<vmem_shared>>
        %dma_wait3A_198 = arith.constant 9984 : i32
        %dma_wait3A_199 = arith.constant 0 : i32
        %dma_wait3A_200 = tpu.memref_slice %arg16[%dma_wait3A_198, %dma_wait3A_199] : memref<10000x128xf32, #tpu.memory_space<vmem_shared>> -> memref<16x128xf32, #tpu.memory_space<vmem_shared>>
        %dma_wait3A_201 = arith.constant 0 : i32
        %dma_wait3A_202 = arith.constant 0 : i32
        %dma_wait3A_203 = tpu.memref_slice %arg15[%dma_wait3A_201, %dma_wait3A_202] : memref<208x128xf32, #tpu.memory_space<vmem>> -> memref<16x128xf32, #tpu.memory_space<vmem>>
        tpu.wait_dma2 semaphore(%run_scoped3A_179 : memref<!tpu.dma_semaphore, #tpu.memory_space<semaphore_mem>>) src(%dma_wait3A_203 : memref<16x128xf32, #tpu.memory_space<vmem>>) dst(%dma_wait3A_200 : memref<16x128xf32, #tpu.memory_space<vmem_shared>>)
        tpu.yield
      }) : () -> ()
    } else {
    }
    %barrier3A = arith.constant 0 : index
    tpu.barrier barrier_id(%barrier3A)
    %scan3A_24 = arith.constant 0 : i32
    %scan3A_25 = arith.constant 0 : i32
    %scan3A_26 = arith.constant 78 : i32
    %scan3A_27 = arith.addi %scan3A_25, %scan3A_26 : i32
    %scan3A_28 = arith.constant 1 : i32
    %scan3A_29 = scf.for %scan3A_179 = %scan3A_25 to %scan3A_27 step %scan3A_28 iter_args(%scan3A_180 = %scan3A_24) -> (i32)  : i32 {
      %mul3A_181 = arith.constant 128 : i32
      %mul3A_182 = arith.muli %scan3A_179, %mul3A_181 : i32
      %add3A_183 = arith.addi %mul3A_2, %mul3A_182 : i32
      "tpu.region"() ({
        %run_scoped3A_191 = tpu.sem_alloc : memref<!tpu.dma_semaphore, #tpu.memory_space<semaphore_mem>>
        %dma_start3A_192 = tpu.memref_slice %arg6[%add3A_183] : memref<320000xi32, #tpu.memory_space<hbm>> -> memref<128xi32, #tpu.memory_space<hbm>>
        %dma_start3A_193 = tpu.memref_slice %arg6[%add3A_183] : memref<320000xi32, #tpu.memory_space<hbm>> -> memref<128xi32, #tpu.memory_space<hbm>>
        tpu.enqueue_dma source(%dma_start3A_193 : memref<128xi32, #tpu.memory_space<hbm>>) target(%arg9 : memref<128xi32, #tpu.memory_space<vmem>>) target_semaphore(%run_scoped3A_191 : memref<!tpu.dma_semaphore, #tpu.memory_space<semaphore_mem>>)
        %dma_wait3A_194 = tpu.memref_slice %arg6[%add3A_183] : memref<320000xi32, #tpu.memory_space<hbm>> -> memref<128xi32, #tpu.memory_space<hbm>>
        %dma_wait3A_195 = tpu.memref_slice %arg6[%add3A_183] : memref<320000xi32, #tpu.memory_space<hbm>> -> memref<128xi32, #tpu.memory_space<hbm>>
        tpu.wait_dma2 semaphore(%run_scoped3A_191 : memref<!tpu.dma_semaphore, #tpu.memory_space<semaphore_mem>>) src(%dma_wait3A_195 : memref<128xi32, #tpu.memory_space<hbm>>) dst(%arg9 : memref<128xi32, #tpu.memory_space<vmem>>)
        tpu.yield
      }) : () -> ()
      "tpu.region"() ({
        %run_scoped3A_191 = tpu.sem_alloc : memref<!tpu.dma_semaphore, #tpu.memory_space<semaphore_mem>>
        %dma_start3A_192 = tpu.memref_slice %arg7[%add3A_183] : memref<320000xi32, #tpu.memory_space<hbm>> -> memref<128xi32, #tpu.memory_space<hbm>>
        %dma_start3A_193 = tpu.memref_slice %arg7[%add3A_183] : memref<320000xi32, #tpu.memory_space<hbm>> -> memref<128xi32, #tpu.memory_space<hbm>>
        tpu.enqueue_dma source(%dma_start3A_193 : memref<128xi32, #tpu.memory_space<hbm>>) target(%arg10 : memref<128xi32, #tpu.memory_space<vmem>>) target_semaphore(%run_scoped3A_191 : memref<!tpu.dma_semaphore, #tpu.memory_space<semaphore_mem>>)
        %dma_wait3A_194 = tpu.memref_slice %arg7[%add3A_183] : memref<320000xi32, #tpu.memory_space<hbm>> -> memref<128xi32, #tpu.memory_space<hbm>>
        %dma_wait3A_195 = tpu.memref_slice %arg7[%add3A_183] : memref<320000xi32, #tpu.memory_space<hbm>> -> memref<128xi32, #tpu.memory_space<hbm>>
        tpu.wait_dma2 semaphore(%run_scoped3A_191 : memref<!tpu.dma_semaphore, #tpu.memory_space<semaphore_mem>>) src(%dma_wait3A_195 : memref<128xi32, #tpu.memory_space<hbm>>) dst(%arg10 : memref<128xi32, #tpu.memory_space<vmem>>)
        tpu.yield
      }) : () -> ()
      %dma_start3A_184 = arith.constant 0 : i32
      %dma_start3A_185 = arith.constant 0 : i32
      %dma_start3A_186 = tpu.memref_slice %arg2[%dma_start3A_184, %dma_start3A_185] : memref<10000x128xf32, #tpu.memory_space<hbm>> -> memref<10000x128xf32, #tpu.memory_space<hbm>>
      tpu.enqueue_indirect_dma source(%dma_start3A_186 : memref<10000x128xf32, #tpu.memory_space<hbm>>) target(%arg11 : memref<128x128xf32, #tpu.memory_space<vmem>>) offsets(%arg9 : memref<128xi32, #tpu.memory_space<vmem>>) semaphore(%arg17 : memref<!tpu.dma_semaphore, #tpu.memory_space<semaphore_mem>>)
      %dma_wait3A_187 = arith.constant 0 : i32
      %dma_wait3A_188 = arith.constant 0 : i32
      %dma_wait3A_189 = tpu.memref_slice %arg2[%dma_wait3A_187, %dma_wait3A_188] : memref<10000x128xf32, #tpu.memory_space<hbm>> -> memref<10000x128xf32, #tpu.memory_space<hbm>>
      tpu.wait_indirect_dma semaphore(%arg17 : memref<!tpu.dma_semaphore, #tpu.memory_space<semaphore_mem>>) src(%dma_wait3A_189 : memref<10000x128xf32, #tpu.memory_space<hbm>>) dst(%arg11 : memref<128x128xf32, #tpu.memory_space<vmem>>)
      "tpu.region"() ({
        %run_scoped3A_191 = tpu.sem_alloc : memref<!tpu.dma_semaphore, #tpu.memory_space<semaphore_mem>>
        %dma_start3A_192 = arith.constant 0 : i32
        %dma_start3A_193 = arith.constant 0 : i32
        %dma_start3A_194 = tpu.memref_slice %arg16[%dma_start3A_192, %dma_start3A_193] : memref<10000x128xf32, #tpu.memory_space<vmem_shared>> -> memref<10000x128xf32, #tpu.memory_space<vmem_shared>>
        tpu.enqueue_indirect_dma source(%arg11 : memref<128x128xf32, #tpu.memory_space<vmem>>) target(%dma_start3A_194 : memref<10000x128xf32, #tpu.memory_space<vmem_shared>>) offsets(%arg10 : memref<128xi32, #tpu.memory_space<vmem>>) semaphore(%run_scoped3A_191 : memref<!tpu.dma_semaphore, #tpu.memory_space<semaphore_mem>>) {add = true}
        %dma_wait3A_195 = arith.constant 0 : i32
        %dma_wait3A_196 = arith.constant 0 : i32
        %dma_wait3A_197 = tpu.memref_slice %arg16[%dma_wait3A_195, %dma_wait3A_196] : memref<10000x128xf32, #tpu.memory_space<vmem_shared>> -> memref<10000x128xf32, #tpu.memory_space<vmem_shared>>
        tpu.wait_indirect_dma semaphore(%run_scoped3A_191 : memref<!tpu.dma_semaphore, #tpu.memory_space<semaphore_mem>>) src(%arg11 : memref<128x128xf32, #tpu.memory_space<vmem>>) dst(%dma_wait3A_197 : memref<10000x128xf32, #tpu.memory_space<vmem_shared>>)
        tpu.yield
      }) : () -> ()
      %scan3A_190 = arith.constant 0 : i32
      scf.yield %scan3A_190 : i32
    }
    %scan3A_30 = arith.constant 78 : i32
    %add3A_31 = arith.constant 9984 : i32
    %add3A_32 = arith.addi %mul3A_2, %add3A_31 : i32
    "tpu.region"() ({
      %run_scoped3A_179 = tpu.sem_alloc : memref<!tpu.dma_semaphore, #tpu.memory_space<semaphore_mem>>
      %dma_start3A_180 = tpu.memref_slice %arg6[%add3A_32] : memref<320000xi32, #tpu.memory_space<hbm>> -> memref<16xi32, #tpu.memory_space<hbm>>
      %dma_start3A_181 = tpu.memref_slice %arg6[%add3A_32] : memref<320000xi32, #tpu.memory_space<hbm>> -> memref<16xi32, #tpu.memory_space<hbm>>
      tpu.enqueue_dma source(%dma_start3A_181 : memref<16xi32, #tpu.memory_space<hbm>>) target(%arg12 : memref<16xi32, #tpu.memory_space<vmem>>) target_semaphore(%run_scoped3A_179 : memref<!tpu.dma_semaphore, #tpu.memory_space<semaphore_mem>>)
      %dma_wait3A_182 = tpu.memref_slice %arg6[%add3A_32] : memref<320000xi32, #tpu.memory_space<hbm>> -> memref<16xi32, #tpu.memory_space<hbm>>
      %dma_wait3A_183 = tpu.memref_slice %arg6[%add3A_32] : memref<320000xi32, #tpu.memory_space<hbm>> -> memref<16xi32, #tpu.memory_space<hbm>>
      tpu.wait_dma2 semaphore(%run_scoped3A_179 : memref<!tpu.dma_semaphore, #tpu.memory_space<semaphore_mem>>) src(%dma_wait3A_183 : memref<16xi32, #tpu.memory_space<hbm>>) dst(%arg12 : memref<16xi32, #tpu.memory_space<vmem>>)
      tpu.yield
    }) : () -> ()
    "tpu.region"() ({
      %run_scoped3A_179 = tpu.sem_alloc : memref<!tpu.dma_semaphore, #tpu.memory_space<semaphore_mem>>
      %dma_start3A_180 = tpu.memref_slice %arg7[%add3A_32] : memref<320000xi32, #tpu.memory_space<hbm>> -> memref<16xi32, #tpu.memory_space<hbm>>
      %dma_start3A_181 = tpu.memref_slice %arg7[%add3A_32] : memref<320000xi32, #tpu.memory_space<hbm>> -> memref<16xi32, #tpu.memory_space<hbm>>
      tpu.enqueue_dma source(%dma_start3A_181 : memref<16xi32, #tpu.memory_space<hbm>>) target(%arg13 : memref<16xi32, #tpu.memory_space<vmem>>) target_semaphore(%run_scoped3A_179 : memref<!tpu.dma_semaphore, #tpu.memory_space<semaphore_mem>>)
      %dma_wait3A_182 = tpu.memref_slice %arg7[%add3A_32] : memref<320000xi32, #tpu.memory_space<hbm>> -> memref<16xi32, #tpu.memory_space<hbm>>
      %dma_wait3A_183 = tpu.memref_slice %arg7[%add3A_32] : memref<320000xi32, #tpu.memory_space<hbm>> -> memref<16xi32, #tpu.memory_space<hbm>>
      tpu.wait_dma2 semaphore(%run_scoped3A_179 : memref<!tpu.dma_semaphore, #tpu.memory_space<semaphore_mem>>) src(%dma_wait3A_183 : memref<16xi32, #tpu.memory_space<hbm>>) dst(%arg13 : memref<16xi32, #tpu.memory_space<vmem>>)
      tpu.yield
    }) : () -> ()
    %dma_start3A = arith.constant 0 : i32
    %dma_start3A_33 = arith.constant 0 : i32
    %dma_start3A_34 = tpu.memref_slice %arg2[%dma_start3A, %dma_start3A_33] : memref<10000x128xf32, #tpu.memory_space<hbm>> -> memref<10000x128xf32, #tpu.memory_space<hbm>>
    tpu.enqueue_indirect_dma source(%dma_start3A_34 : memref<10000x128xf32, #tpu.memory_space<hbm>>) target(%arg14 : memref<16x128xf32, #tpu.memory_space<vmem>>) offsets(%arg12 : memref<16xi32, #tpu.memory_space<vmem>>) semaphore(%arg17 : memref<!tpu.dma_semaphore, #tpu.memory_space<semaphore_mem>>)
    %dma_wait3A = arith.constant 0 : i32
    %dma_wait3A_35 = arith.constant 0 : i32
    %dma_wait3A_36 = tpu.memref_slice %arg2[%dma_wait3A, %dma_wait3A_35] : memref<10000x128xf32, #tpu.memory_space<hbm>> -> memref<10000x128xf32, #tpu.memory_space<hbm>>
    tpu.wait_indirect_dma semaphore(%arg17 : memref<!tpu.dma_semaphore, #tpu.memory_space<semaphore_mem>>) src(%dma_wait3A_36 : memref<10000x128xf32, #tpu.memory_space<hbm>>) dst(%arg14 : memref<16x128xf32, #tpu.memory_space<vmem>>)
    "tpu.region"() ({
      %run_scoped3A_179 = tpu.sem_alloc : memref<!tpu.dma_semaphore, #tpu.memory_space<semaphore_mem>>
      %dma_start3A_180 = arith.constant 0 : i32
      %dma_start3A_181 = arith.constant 0 : i32
      %dma_start3A_182 = tpu.memref_slice %arg16[%dma_start3A_180, %dma_start3A_181] : memref<10000x128xf32, #tpu.memory_space<vmem_shared>> -> memref<10000x128xf32, #tpu.memory_space<vmem_shared>>
      tpu.enqueue_indirect_dma source(%arg14 : memref<16x128xf32, #tpu.memory_space<vmem>>) target(%dma_start3A_182 : memref<10000x128xf32, #tpu.memory_space<vmem_shared>>) offsets(%arg13 : memref<16xi32, #tpu.memory_space<vmem>>) semaphore(%run_scoped3A_179 : memref<!tpu.dma_semaphore, #tpu.memory_space<semaphore_mem>>) {add = true}
      %dma_wait3A_183 = arith.constant 0 : i32
      %dma_wait3A_184 = arith.constant 0 : i32
      %dma_wait3A_185 = tpu.memref_slice %arg16[%dma_wait3A_183, %dma_wait3A_184] : memref<10000x128xf32, #tpu.memory_space<vmem_shared>> -> memref<10000x128xf32, #tpu.memory_space<vmem_shared>>
      tpu.wait_indirect_dma semaphore(%run_scoped3A_179 : memref<!tpu.dma_semaphore, #tpu.memory_space<semaphore_mem>>) src(%arg14 : memref<16x128xf32, #tpu.memory_space<vmem>>) dst(%dma_wait3A_185 : memref<10000x128xf32, #tpu.memory_space<vmem_shared>>)
      tpu.yield
    }) : () -> ()
    %barrier3A_37 = arith.constant 0 : index
    tpu.barrier barrier_id(%barrier3A_37)
    %mul3A_38 = arith.constant 624 : i32
    %mul3A_39 = arith.muli %arg1, %mul3A_38 : i32
    %mul3A_40 = arith.constant 624 : i32
    %mul3A_41 = arith.muli %arg1, %mul3A_40 : i32
    %run_scoped3A = arith.constant 0 : i32
    "tpu.region"() ({
      %run_scoped3A_179 = tpu.sem_alloc : memref<!tpu.dma_semaphore, #tpu.memory_space<semaphore_mem>>
      %dma_start3A_180 = arith.constant 0 : i32
      %dma_start3A_181 = tpu.memref_slice %arg8[%arg0, %run_scoped3A, %mul3A_41, %dma_start3A_180] : memref<2x4x10000x128xf32, #tpu.memory_space<hbm>> -> memref<1x1x624x128xf32, #tpu.memory_space<hbm>>
      %dma_start3A_182 = tpu.memref_squeeze %dma_start3A_181 : memref<1x1x624x128xf32, #tpu.memory_space<hbm>> -> memref<624x128xf32, #tpu.memory_space<hbm>>
      %dma_start3A_183 = arith.constant 0 : i32
      %dma_start3A_184 = tpu.memref_slice %arg16[%mul3A_39, %dma_start3A_183] : memref<10000x128xf32, #tpu.memory_space<vmem_shared>> -> memref<624x128xf32, #tpu.memory_space<vmem_shared>>
      tpu.enqueue_dma source(%dma_start3A_184 : memref<624x128xf32, #tpu.memory_space<vmem_shared>>) target(%dma_start3A_182 : memref<624x128xf32, #tpu.memory_space<hbm>>) target_semaphore(%run_scoped3A_179 : memref<!tpu.dma_semaphore, #tpu.memory_space<semaphore_mem>>)
      %dma_wait3A_185 = arith.constant 0 : i32
      %dma_wait3A_186 = tpu.memref_slice %arg8[%arg0, %run_scoped3A, %mul3A_41, %dma_wait3A_185] : memref<2x4x10000x128xf32, #tpu.memory_space<hbm>> -> memref<1x1x624x128xf32, #tpu.memory_space<hbm>>
      %dma_wait3A_187 = tpu.memref_squeeze %dma_wait3A_186 : memref<1x1x624x128xf32, #tpu.memory_space<hbm>> -> memref<624x128xf32, #tpu.memory_space<hbm>>
      %dma_wait3A_188 = arith.constant 0 : i32
      %dma_wait3A_189 = tpu.memref_slice %arg16[%mul3A_39, %dma_wait3A_188] : memref<10000x128xf32, #tpu.memory_space<vmem_shared>> -> memref<624x128xf32, #tpu.memory_space<vmem_shared>>
      tpu.wait_dma2 semaphore(%run_scoped3A_179 : memref<!tpu.dma_semaphore, #tpu.memory_space<semaphore_mem>>) src(%dma_wait3A_189 : memref<624x128xf32, #tpu.memory_space<vmem_shared>>) dst(%dma_wait3A_187 : memref<624x128xf32, #tpu.memory_space<hbm>>)
      tpu.yield
    }) : () -> ()
    %eq3A_42 = arith.constant 15 : i32
    %eq3A_43 = arith.cmpi eq, %arg1, %eq3A_42 : i32
    %convert_element_type3A_44 = arith.extui %eq3A_43 : i1 to i32
    %cond3A_45 = arith.constant 0 : i32
    %cond3A_46 = arith.cmpi ne, %convert_element_type3A_44, %cond3A_45 : i32
    scf.if %cond3A_46 {
      %run_scoped3A_179 = arith.constant 0 : i32
      "tpu.region"() ({
        %run_scoped3A_180 = tpu.sem_alloc : memref<!tpu.dma_semaphore, #tpu.memory_space<semaphore_mem>>
        %dma_start3A_181 = arith.constant 9984 : i32
        %dma_start3A_182 = arith.constant 0 : i32
        %dma_start3A_183 = tpu.memref_slice %arg8[%arg0, %run_scoped3A_179, %dma_start3A_181, %dma_start3A_182] : memref<2x4x10000x128xf32, #tpu.memory_space<hbm>> -> memref<1x1x16x128xf32, #tpu.memory_space<hbm>>
        %dma_start3A_184 = tpu.memref_squeeze %dma_start3A_183 : memref<1x1x16x128xf32, #tpu.memory_space<hbm>> -> memref<16x128xf32, #tpu.memory_space<hbm>>
        %dma_start3A_185 = arith.constant 9984 : i32
        %dma_start3A_186 = arith.constant 0 : i32
        %dma_start3A_187 = tpu.memref_slice %arg16[%dma_start3A_185, %dma_start3A_186] : memref<10000x128xf32, #tpu.memory_space<vmem_shared>> -> memref<16x128xf32, #tpu.memory_space<vmem_shared>>
        tpu.enqueue_dma source(%dma_start3A_187 : memref<16x128xf32, #tpu.memory_space<vmem_shared>>) target(%dma_start3A_184 : memref<16x128xf32, #tpu.memory_space<hbm>>) target_semaphore(%run_scoped3A_180 : memref<!tpu.dma_semaphore, #tpu.memory_space<semaphore_mem>>)
        %dma_wait3A_188 = arith.constant 9984 : i32
        %dma_wait3A_189 = arith.constant 0 : i32
        %dma_wait3A_190 = tpu.memref_slice %arg8[%arg0, %run_scoped3A_179, %dma_wait3A_188, %dma_wait3A_189] : memref<2x4x10000x128xf32, #tpu.memory_space<hbm>> -> memref<1x1x16x128xf32, #tpu.memory_space<hbm>>
        %dma_wait3A_191 = tpu.memref_squeeze %dma_wait3A_190 : memref<1x1x16x128xf32, #tpu.memory_space<hbm>> -> memref<16x128xf32, #tpu.memory_space<hbm>>
        %dma_wait3A_192 = arith.constant 9984 : i32
        %dma_wait3A_193 = arith.constant 0 : i32
        %dma_wait3A_194 = tpu.memref_slice %arg16[%dma_wait3A_192, %dma_wait3A_193] : memref<10000x128xf32, #tpu.memory_space<vmem_shared>> -> memref<16x128xf32, #tpu.memory_space<vmem_shared>>
        tpu.wait_dma2 semaphore(%run_scoped3A_180 : memref<!tpu.dma_semaphore, #tpu.memory_space<semaphore_mem>>) src(%dma_wait3A_194 : memref<16x128xf32, #tpu.memory_space<vmem_shared>>) dst(%dma_wait3A_191 : memref<16x128xf32, #tpu.memory_space<hbm>>)
        tpu.yield
      }) : () -> ()
    } else {
    }
    %mul3A_47 = arith.constant 624 : i32
    %mul3A_48 = arith.muli %arg1, %mul3A_47 : i32
    %add3A_49 = arith.constant 0 : i32
    %add3A_50 = arith.addi %mul3A_48, %add3A_49 : i32
    "tpu.region"() ({
      %run_scoped3A_179 = tpu.sem_alloc : memref<!tpu.dma_semaphore, #tpu.memory_space<semaphore_mem>>
      %dma_start3A_180 = arith.constant 0 : i32
      %dma_start3A_181 = tpu.memref_slice %arg16[%add3A_50, %dma_start3A_180] : memref<10000x128xf32, #tpu.memory_space<vmem_shared>> -> memref<208x128xf32, #tpu.memory_space<vmem_shared>>
      %dma_start3A_182 = arith.constant 0 : i32
      %dma_start3A_183 = tpu.memref_slice %arg16[%add3A_50, %dma_start3A_182] : memref<10000x128xf32, #tpu.memory_space<vmem_shared>> -> memref<208x128xf32, #tpu.memory_space<vmem_shared>>
      tpu.enqueue_dma source(%arg15 : memref<208x128xf32, #tpu.memory_space<vmem>>) target(%dma_start3A_183 : memref<208x128xf32, #tpu.memory_space<vmem_shared>>) target_semaphore(%run_scoped3A_179 : memref<!tpu.dma_semaphore, #tpu.memory_space<semaphore_mem>>)
      %dma_wait3A_184 = arith.constant 0 : i32
      %dma_wait3A_185 = tpu.memref_slice %arg16[%add3A_50, %dma_wait3A_184] : memref<10000x128xf32, #tpu.memory_space<vmem_shared>> -> memref<208x128xf32, #tpu.memory_space<vmem_shared>>
      %dma_wait3A_186 = arith.constant 0 : i32
      %dma_wait3A_187 = tpu.memref_slice %arg16[%add3A_50, %dma_wait3A_186] : memref<10000x128xf32, #tpu.memory_space<vmem_shared>> -> memref<208x128xf32, #tpu.memory_space<vmem_shared>>
      tpu.wait_dma2 semaphore(%run_scoped3A_179 : memref<!tpu.dma_semaphore, #tpu.memory_space<semaphore_mem>>) src(%arg15 : memref<208x128xf32, #tpu.memory_space<vmem>>) dst(%dma_wait3A_187 : memref<208x128xf32, #tpu.memory_space<vmem_shared>>)
      tpu.yield
    }) : () -> ()
    %mul3A_51 = arith.constant 624 : i32
    %mul3A_52 = arith.muli %arg1, %mul3A_51 : i32
    %add3A_53 = arith.constant 208 : i32
    %add3A_54 = arith.addi %mul3A_52, %add3A_53 : i32
    "tpu.region"() ({
      %run_scoped3A_179 = tpu.sem_alloc : memref<!tpu.dma_semaphore, #tpu.memory_space<semaphore_mem>>
      %dma_start3A_180 = arith.constant 0 : i32
      %dma_start3A_181 = tpu.memref_slice %arg16[%add3A_54, %dma_start3A_180] : memref<10000x128xf32, #tpu.memory_space<vmem_shared>> -> memref<208x128xf32, #tpu.memory_space<vmem_shared>>
      %dma_start3A_182 = arith.constant 0 : i32
      %dma_start3A_183 = tpu.memref_slice %arg16[%add3A_54, %dma_start3A_182] : memref<10000x128xf32, #tpu.memory_space<vmem_shared>> -> memref<208x128xf32, #tpu.memory_space<vmem_shared>>
      tpu.enqueue_dma source(%arg15 : memref<208x128xf32, #tpu.memory_space<vmem>>) target(%dma_start3A_183 : memref<208x128xf32, #tpu.memory_space<vmem_shared>>) target_semaphore(%run_scoped3A_179 : memref<!tpu.dma_semaphore, #tpu.memory_space<semaphore_mem>>)
      %dma_wait3A_184 = arith.constant 0 : i32
      %dma_wait3A_185 = tpu.memref_slice %arg16[%add3A_54, %dma_wait3A_184] : memref<10000x128xf32, #tpu.memory_space<vmem_shared>> -> memref<208x128xf32, #tpu.memory_space<vmem_shared>>
      %dma_wait3A_186 = arith.constant 0 : i32
      %dma_wait3A_187 = tpu.memref_slice %arg16[%add3A_54, %dma_wait3A_186] : memref<10000x128xf32, #tpu.memory_space<vmem_shared>> -> memref<208x128xf32, #tpu.memory_space<vmem_shared>>
      tpu.wait_dma2 semaphore(%run_scoped3A_179 : memref<!tpu.dma_semaphore, #tpu.memory_space<semaphore_mem>>) src(%arg15 : memref<208x128xf32, #tpu.memory_space<vmem>>) dst(%dma_wait3A_187 : memref<208x128xf32, #tpu.memory_space<vmem_shared>>)
      tpu.yield
    }) : () -> ()
    %mul3A_55 = arith.constant 624 : i32
    %mul3A_56 = arith.muli %arg1, %mul3A_55 : i32
    %add3A_57 = arith.constant 416 : i32
    %add3A_58 = arith.addi %mul3A_56, %add3A_57 : i32
    "tpu.region"() ({
      %run_scoped3A_179 = tpu.sem_alloc : memref<!tpu.dma_semaphore, #tpu.memory_space<semaphore_mem>>
      %dma_start3A_180 = arith.constant 0 : i32
      %dma_start3A_181 = tpu.memref_slice %arg16[%add3A_58, %dma_start3A_180] : memref<10000x128xf32, #tpu.memory_space<vmem_shared>> -> memref<208x128xf32, #tpu.memory_space<vmem_shared>>
      %dma_start3A_182 = arith.constant 0 : i32
      %dma_start3A_183 = tpu.memref_slice %arg16[%add3A_58, %dma_start3A_182] : memref<10000x128xf32, #tpu.memory_space<vmem_shared>> -> memref<208x128xf32, #tpu.memory_space<vmem_shared>>
      tpu.enqueue_dma source(%arg15 : memref<208x128xf32, #tpu.memory_space<vmem>>) target(%dma_start3A_183 : memref<208x128xf32, #tpu.memory_space<vmem_shared>>) target_semaphore(%run_scoped3A_179 : memref<!tpu.dma_semaphore, #tpu.memory_space<semaphore_mem>>)
      %dma_wait3A_184 = arith.constant 0 : i32
      %dma_wait3A_185 = tpu.memref_slice %arg16[%add3A_58, %dma_wait3A_184] : memref<10000x128xf32, #tpu.memory_space<vmem_shared>> -> memref<208x128xf32, #tpu.memory_space<vmem_shared>>
      %dma_wait3A_186 = arith.constant 0 : i32
      %dma_wait3A_187 = tpu.memref_slice %arg16[%add3A_58, %dma_wait3A_186] : memref<10000x128xf32, #tpu.memory_space<vmem_shared>> -> memref<208x128xf32, #tpu.memory_space<vmem_shared>>
      tpu.wait_dma2 semaphore(%run_scoped3A_179 : memref<!tpu.dma_semaphore, #tpu.memory_space<semaphore_mem>>) src(%arg15 : memref<208x128xf32, #tpu.memory_space<vmem>>) dst(%dma_wait3A_187 : memref<208x128xf32, #tpu.memory_space<vmem_shared>>)
      tpu.yield
    }) : () -> ()
    %eq3A_59 = arith.constant 15 : i32
    %eq3A_60 = arith.cmpi eq, %arg1, %eq3A_59 : i32
    %convert_element_type3A_61 = arith.extui %eq3A_60 : i1 to i32
    %cond3A_62 = arith.constant 0 : i32
    %cond3A_63 = arith.cmpi ne, %convert_element_type3A_61, %cond3A_62 : i32
    scf.if %cond3A_63 {
      "tpu.region"() ({
        %run_scoped3A_179 = tpu.sem_alloc : memref<!tpu.dma_semaphore, #tpu.memory_space<semaphore_mem>>
        %dma_start3A_180 = arith.constant 0 : i32
        %dma_start3A_181 = arith.constant 0 : i32
        %dma_start3A_182 = tpu.memref_slice %arg15[%dma_start3A_180, %dma_start3A_181] : memref<208x128xf32, #tpu.memory_space<vmem>> -> memref<16x128xf32, #tpu.memory_space<vmem>>
        %dma_start3A_183 = arith.constant 9984 : i32
        %dma_start3A_184 = arith.constant 0 : i32
        %dma_start3A_185 = tpu.memref_slice %arg16[%dma_start3A_183, %dma_start3A_184] : memref<10000x128xf32, #tpu.memory_space<vmem_shared>> -> memref<16x128xf32, #tpu.memory_space<vmem_shared>>
        %dma_start3A_186 = arith.constant 9984 : i32
        %dma_start3A_187 = arith.constant 0 : i32
        %dma_start3A_188 = tpu.memref_slice %arg16[%dma_start3A_186, %dma_start3A_187] : memref<10000x128xf32, #tpu.memory_space<vmem_shared>> -> memref<16x128xf32, #tpu.memory_space<vmem_shared>>
        %dma_start3A_189 = arith.constant 0 : i32
        %dma_start3A_190 = arith.constant 0 : i32
        %dma_start3A_191 = tpu.memref_slice %arg15[%dma_start3A_189, %dma_start3A_190] : memref<208x128xf32, #tpu.memory_space<vmem>> -> memref<16x128xf32, #tpu.memory_space<vmem>>
        tpu.enqueue_dma source(%dma_start3A_191 : memref<16x128xf32, #tpu.memory_space<vmem>>) target(%dma_start3A_188 : memref<16x128xf32, #tpu.memory_space<vmem_shared>>) target_semaphore(%run_scoped3A_179 : memref<!tpu.dma_semaphore, #tpu.memory_space<semaphore_mem>>)
        %dma_wait3A_192 = arith.constant 0 : i32
        %dma_wait3A_193 = arith.constant 0 : i32
        %dma_wait3A_194 = tpu.memref_slice %arg15[%dma_wait3A_192, %dma_wait3A_193] : memref<208x128xf32, #tpu.memory_space<vmem>> -> memref<16x128xf32, #tpu.memory_space<vmem>>
        %dma_wait3A_195 = arith.constant 9984 : i32
        %dma_wait3A_196 = arith.constant 0 : i32
        %dma_wait3A_197 = tpu.memref_slice %arg16[%dma_wait3A_195, %dma_wait3A_196] : memref<10000x128xf32, #tpu.memory_space<vmem_shared>> -> memref<16x128xf32, #tpu.memory_space<vmem_shared>>
        %dma_wait3A_198 = arith.constant 9984 : i32
        %dma_wait3A_199 = arith.constant 0 : i32
        %dma_wait3A_200 = tpu.memref_slice %arg16[%dma_wait3A_198, %dma_wait3A_199] : memref<10000x128xf32, #tpu.memory_space<vmem_shared>> -> memref<16x128xf32, #tpu.memory_space<vmem_shared>>
        %dma_wait3A_201 = arith.constant 0 : i32
        %dma_wait3A_202 = arith.constant 0 : i32
        %dma_wait3A_203 = tpu.memref_slice %arg15[%dma_wait3A_201, %dma_wait3A_202] : memref<208x128xf32, #tpu.memory_space<vmem>> -> memref<16x128xf32, #tpu.memory_space<vmem>>
        tpu.wait_dma2 semaphore(%run_scoped3A_179 : memref<!tpu.dma_semaphore, #tpu.memory_space<semaphore_mem>>) src(%dma_wait3A_203 : memref<16x128xf32, #tpu.memory_space<vmem>>) dst(%dma_wait3A_200 : memref<16x128xf32, #tpu.memory_space<vmem_shared>>)
        tpu.yield
      }) : () -> ()
    } else {
    }
    %barrier3A_64 = arith.constant 0 : index
    tpu.barrier barrier_id(%barrier3A_64)
    %scan3A_65 = arith.constant 0 : i32
    %scan3A_66 = arith.constant 0 : i32
    %scan3A_67 = arith.constant 78 : i32
    %scan3A_68 = arith.addi %scan3A_66, %scan3A_67 : i32
    %scan3A_69 = arith.constant 1 : i32
    %scan3A_70 = scf.for %scan3A_179 = %scan3A_66 to %scan3A_68 step %scan3A_69 iter_args(%scan3A_180 = %scan3A_65) -> (i32)  : i32 {
      %mul3A_181 = arith.constant 128 : i32
      %mul3A_182 = arith.muli %scan3A_179, %mul3A_181 : i32
      %add3A_183 = arith.addi %mul3A_2, %mul3A_182 : i32
      "tpu.region"() ({
        %run_scoped3A_191 = tpu.sem_alloc : memref<!tpu.dma_semaphore, #tpu.memory_space<semaphore_mem>>
        %dma_start3A_192 = tpu.memref_slice %arg6[%add3A_183] : memref<320000xi32, #tpu.memory_space<hbm>> -> memref<128xi32, #tpu.memory_space<hbm>>
        %dma_start3A_193 = tpu.memref_slice %arg6[%add3A_183] : memref<320000xi32, #tpu.memory_space<hbm>> -> memref<128xi32, #tpu.memory_space<hbm>>
        tpu.enqueue_dma source(%dma_start3A_193 : memref<128xi32, #tpu.memory_space<hbm>>) target(%arg9 : memref<128xi32, #tpu.memory_space<vmem>>) target_semaphore(%run_scoped3A_191 : memref<!tpu.dma_semaphore, #tpu.memory_space<semaphore_mem>>)
        %dma_wait3A_194 = tpu.memref_slice %arg6[%add3A_183] : memref<320000xi32, #tpu.memory_space<hbm>> -> memref<128xi32, #tpu.memory_space<hbm>>
        %dma_wait3A_195 = tpu.memref_slice %arg6[%add3A_183] : memref<320000xi32, #tpu.memory_space<hbm>> -> memref<128xi32, #tpu.memory_space<hbm>>
        tpu.wait_dma2 semaphore(%run_scoped3A_191 : memref<!tpu.dma_semaphore, #tpu.memory_space<semaphore_mem>>) src(%dma_wait3A_195 : memref<128xi32, #tpu.memory_space<hbm>>) dst(%arg9 : memref<128xi32, #tpu.memory_space<vmem>>)
        tpu.yield
      }) : () -> ()
      "tpu.region"() ({
        %run_scoped3A_191 = tpu.sem_alloc : memref<!tpu.dma_semaphore, #tpu.memory_space<semaphore_mem>>
        %dma_start3A_192 = tpu.memref_slice %arg7[%add3A_183] : memref<320000xi32, #tpu.memory_space<hbm>> -> memref<128xi32, #tpu.memory_space<hbm>>
        %dma_start3A_193 = tpu.memref_slice %arg7[%add3A_183] : memref<320000xi32, #tpu.memory_space<hbm>> -> memref<128xi32, #tpu.memory_space<hbm>>
        tpu.enqueue_dma source(%dma_start3A_193 : memref<128xi32, #tpu.memory_space<hbm>>) target(%arg10 : memref<128xi32, #tpu.memory_space<vmem>>) target_semaphore(%run_scoped3A_191 : memref<!tpu.dma_semaphore, #tpu.memory_space<semaphore_mem>>)
        %dma_wait3A_194 = tpu.memref_slice %arg7[%add3A_183] : memref<320000xi32, #tpu.memory_space<hbm>> -> memref<128xi32, #tpu.memory_space<hbm>>
        %dma_wait3A_195 = tpu.memref_slice %arg7[%add3A_183] : memref<320000xi32, #tpu.memory_space<hbm>> -> memref<128xi32, #tpu.memory_space<hbm>>
        tpu.wait_dma2 semaphore(%run_scoped3A_191 : memref<!tpu.dma_semaphore, #tpu.memory_space<semaphore_mem>>) src(%dma_wait3A_195 : memref<128xi32, #tpu.memory_space<hbm>>) dst(%arg10 : memref<128xi32, #tpu.memory_space<vmem>>)
        tpu.yield
      }) : () -> ()
      %dma_start3A_184 = arith.constant 0 : i32
      %dma_start3A_185 = arith.constant 0 : i32
      %dma_start3A_186 = tpu.memref_slice %arg3[%dma_start3A_184, %dma_start3A_185] : memref<10000x128xf32, #tpu.memory_space<hbm>> -> memref<10000x128xf32, #tpu.memory_space<hbm>>
      tpu.enqueue_indirect_dma source(%dma_start3A_186 : memref<10000x128xf32, #tpu.memory_space<hbm>>) target(%arg11 : memref<128x128xf32, #tpu.memory_space<vmem>>) offsets(%arg9 : memref<128xi32, #tpu.memory_space<vmem>>) semaphore(%arg17 : memref<!tpu.dma_semaphore, #tpu.memory_space<semaphore_mem>>)
      %dma_wait3A_187 = arith.constant 0 : i32
      %dma_wait3A_188 = arith.constant 0 : i32
      %dma_wait3A_189 = tpu.memref_slice %arg3[%dma_wait3A_187, %dma_wait3A_188] : memref<10000x128xf32, #tpu.memory_space<hbm>> -> memref<10000x128xf32, #tpu.memory_space<hbm>>
      tpu.wait_indirect_dma semaphore(%arg17 : memref<!tpu.dma_semaphore, #tpu.memory_space<semaphore_mem>>) src(%dma_wait3A_189 : memref<10000x128xf32, #tpu.memory_space<hbm>>) dst(%arg11 : memref<128x128xf32, #tpu.memory_space<vmem>>)
      "tpu.region"() ({
        %run_scoped3A_191 = tpu.sem_alloc : memref<!tpu.dma_semaphore, #tpu.memory_space<semaphore_mem>>
        %dma_start3A_192 = arith.constant 0 : i32
        %dma_start3A_193 = arith.constant 0 : i32
        %dma_start3A_194 = tpu.memref_slice %arg16[%dma_start3A_192, %dma_start3A_193] : memref<10000x128xf32, #tpu.memory_space<vmem_shared>> -> memref<10000x128xf32, #tpu.memory_space<vmem_shared>>
        tpu.enqueue_indirect_dma source(%arg11 : memref<128x128xf32, #tpu.memory_space<vmem>>) target(%dma_start3A_194 : memref<10000x128xf32, #tpu.memory_space<vmem_shared>>) offsets(%arg10 : memref<128xi32, #tpu.memory_space<vmem>>) semaphore(%run_scoped3A_191 : memref<!tpu.dma_semaphore, #tpu.memory_space<semaphore_mem>>) {add = true}
        %dma_wait3A_195 = arith.constant 0 : i32
        %dma_wait3A_196 = arith.constant 0 : i32
        %dma_wait3A_197 = tpu.memref_slice %arg16[%dma_wait3A_195, %dma_wait3A_196] : memref<10000x128xf32, #tpu.memory_space<vmem_shared>> -> memref<10000x128xf32, #tpu.memory_space<vmem_shared>>
        tpu.wait_indirect_dma semaphore(%run_scoped3A_191 : memref<!tpu.dma_semaphore, #tpu.memory_space<semaphore_mem>>) src(%arg11 : memref<128x128xf32, #tpu.memory_space<vmem>>) dst(%dma_wait3A_197 : memref<10000x128xf32, #tpu.memory_space<vmem_shared>>)
        tpu.yield
      }) : () -> ()
      %scan3A_190 = arith.constant 0 : i32
      scf.yield %scan3A_190 : i32
    }
    %scan3A_71 = arith.constant 78 : i32
    %add3A_72 = arith.constant 9984 : i32
    %add3A_73 = arith.addi %mul3A_2, %add3A_72 : i32
    "tpu.region"() ({
      %run_scoped3A_179 = tpu.sem_alloc : memref<!tpu.dma_semaphore, #tpu.memory_space<semaphore_mem>>
      %dma_start3A_180 = tpu.memref_slice %arg6[%add3A_73] : memref<320000xi32, #tpu.memory_space<hbm>> -> memref<16xi32, #tpu.memory_space<hbm>>
      %dma_start3A_181 = tpu.memref_slice %arg6[%add3A_73] : memref<320000xi32, #tpu.memory_space<hbm>> -> memref<16xi32, #tpu.memory_space<hbm>>
      tpu.enqueue_dma source(%dma_start3A_181 : memref<16xi32, #tpu.memory_space<hbm>>) target(%arg12 : memref<16xi32, #tpu.memory_space<vmem>>) target_semaphore(%run_scoped3A_179 : memref<!tpu.dma_semaphore, #tpu.memory_space<semaphore_mem>>)
      %dma_wait3A_182 = tpu.memref_slice %arg6[%add3A_73] : memref<320000xi32, #tpu.memory_space<hbm>> -> memref<16xi32, #tpu.memory_space<hbm>>
      %dma_wait3A_183 = tpu.memref_slice %arg6[%add3A_73] : memref<320000xi32, #tpu.memory_space<hbm>> -> memref<16xi32, #tpu.memory_space<hbm>>
      tpu.wait_dma2 semaphore(%run_scoped3A_179 : memref<!tpu.dma_semaphore, #tpu.memory_space<semaphore_mem>>) src(%dma_wait3A_183 : memref<16xi32, #tpu.memory_space<hbm>>) dst(%arg12 : memref<16xi32, #tpu.memory_space<vmem>>)
      tpu.yield
    }) : () -> ()
    "tpu.region"() ({
      %run_scoped3A_179 = tpu.sem_alloc : memref<!tpu.dma_semaphore, #tpu.memory_space<semaphore_mem>>
      %dma_start3A_180 = tpu.memref_slice %arg7[%add3A_73] : memref<320000xi32, #tpu.memory_space<hbm>> -> memref<16xi32, #tpu.memory_space<hbm>>
      %dma_start3A_181 = tpu.memref_slice %arg7[%add3A_73] : memref<320000xi32, #tpu.memory_space<hbm>> -> memref<16xi32, #tpu.memory_space<hbm>>
      tpu.enqueue_dma source(%dma_start3A_181 : memref<16xi32, #tpu.memory_space<hbm>>) target(%arg13 : memref<16xi32, #tpu.memory_space<vmem>>) target_semaphore(%run_scoped3A_179 : memref<!tpu.dma_semaphore, #tpu.memory_space<semaphore_mem>>)
      %dma_wait3A_182 = tpu.memref_slice %arg7[%add3A_73] : memref<320000xi32, #tpu.memory_space<hbm>> -> memref<16xi32, #tpu.memory_space<hbm>>
      %dma_wait3A_183 = tpu.memref_slice %arg7[%add3A_73] : memref<320000xi32, #tpu.memory_space<hbm>> -> memref<16xi32, #tpu.memory_space<hbm>>
      tpu.wait_dma2 semaphore(%run_scoped3A_179 : memref<!tpu.dma_semaphore, #tpu.memory_space<semaphore_mem>>) src(%dma_wait3A_183 : memref<16xi32, #tpu.memory_space<hbm>>) dst(%arg13 : memref<16xi32, #tpu.memory_space<vmem>>)
      tpu.yield
    }) : () -> ()
    %dma_start3A_74 = arith.constant 0 : i32
    %dma_start3A_75 = arith.constant 0 : i32
    %dma_start3A_76 = tpu.memref_slice %arg3[%dma_start3A_74, %dma_start3A_75] : memref<10000x128xf32, #tpu.memory_space<hbm>> -> memref<10000x128xf32, #tpu.memory_space<hbm>>
    tpu.enqueue_indirect_dma source(%dma_start3A_76 : memref<10000x128xf32, #tpu.memory_space<hbm>>) target(%arg14 : memref<16x128xf32, #tpu.memory_space<vmem>>) offsets(%arg12 : memref<16xi32, #tpu.memory_space<vmem>>) semaphore(%arg17 : memref<!tpu.dma_semaphore, #tpu.memory_space<semaphore_mem>>)
    %dma_wait3A_77 = arith.constant 0 : i32
    %dma_wait3A_78 = arith.constant 0 : i32
    %dma_wait3A_79 = tpu.memref_slice %arg3[%dma_wait3A_77, %dma_wait3A_78] : memref<10000x128xf32, #tpu.memory_space<hbm>> -> memref<10000x128xf32, #tpu.memory_space<hbm>>
    tpu.wait_indirect_dma semaphore(%arg17 : memref<!tpu.dma_semaphore, #tpu.memory_space<semaphore_mem>>) src(%dma_wait3A_79 : memref<10000x128xf32, #tpu.memory_space<hbm>>) dst(%arg14 : memref<16x128xf32, #tpu.memory_space<vmem>>)
    "tpu.region"() ({
      %run_scoped3A_179 = tpu.sem_alloc : memref<!tpu.dma_semaphore, #tpu.memory_space<semaphore_mem>>
      %dma_start3A_180 = arith.constant 0 : i32
      %dma_start3A_181 = arith.constant 0 : i32
      %dma_start3A_182 = tpu.memref_slice %arg16[%dma_start3A_180, %dma_start3A_181] : memref<10000x128xf32, #tpu.memory_space<vmem_shared>> -> memref<10000x128xf32, #tpu.memory_space<vmem_shared>>
      tpu.enqueue_indirect_dma source(%arg14 : memref<16x128xf32, #tpu.memory_space<vmem>>) target(%dma_start3A_182 : memref<10000x128xf32, #tpu.memory_space<vmem_shared>>) offsets(%arg13 : memref<16xi32, #tpu.memory_space<vmem>>) semaphore(%run_scoped3A_179 : memref<!tpu.dma_semaphore, #tpu.memory_space<semaphore_mem>>) {add = true}
      %dma_wait3A_183 = arith.constant 0 : i32
      %dma_wait3A_184 = arith.constant 0 : i32
      %dma_wait3A_185 = tpu.memref_slice %arg16[%dma_wait3A_183, %dma_wait3A_184] : memref<10000x128xf32, #tpu.memory_space<vmem_shared>> -> memref<10000x128xf32, #tpu.memory_space<vmem_shared>>
      tpu.wait_indirect_dma semaphore(%run_scoped3A_179 : memref<!tpu.dma_semaphore, #tpu.memory_space<semaphore_mem>>) src(%arg14 : memref<16x128xf32, #tpu.memory_space<vmem>>) dst(%dma_wait3A_185 : memref<10000x128xf32, #tpu.memory_space<vmem_shared>>)
      tpu.yield
    }) : () -> ()
    %barrier3A_80 = arith.constant 0 : index
    tpu.barrier barrier_id(%barrier3A_80)
    %mul3A_81 = arith.constant 624 : i32
    %mul3A_82 = arith.muli %arg1, %mul3A_81 : i32
    %mul3A_83 = arith.constant 624 : i32
    %mul3A_84 = arith.muli %arg1, %mul3A_83 : i32
    %run_scoped3A_85 = arith.constant 1 : i32
    "tpu.region"() ({
      %run_scoped3A_179 = tpu.sem_alloc : memref<!tpu.dma_semaphore, #tpu.memory_space<semaphore_mem>>
      %dma_start3A_180 = arith.constant 0 : i32
      %dma_start3A_181 = tpu.memref_slice %arg8[%arg0, %run_scoped3A_85, %mul3A_84, %dma_start3A_180] : memref<2x4x10000x128xf32, #tpu.memory_space<hbm>> -> memref<1x1x624x128xf32, #tpu.memory_space<hbm>>
      %dma_start3A_182 = tpu.memref_squeeze %dma_start3A_181 : memref<1x1x624x128xf32, #tpu.memory_space<hbm>> -> memref<624x128xf32, #tpu.memory_space<hbm>>
      %dma_start3A_183 = arith.constant 0 : i32
      %dma_start3A_184 = tpu.memref_slice %arg16[%mul3A_82, %dma_start3A_183] : memref<10000x128xf32, #tpu.memory_space<vmem_shared>> -> memref<624x128xf32, #tpu.memory_space<vmem_shared>>
      tpu.enqueue_dma source(%dma_start3A_184 : memref<624x128xf32, #tpu.memory_space<vmem_shared>>) target(%dma_start3A_182 : memref<624x128xf32, #tpu.memory_space<hbm>>) target_semaphore(%run_scoped3A_179 : memref<!tpu.dma_semaphore, #tpu.memory_space<semaphore_mem>>)
      %dma_wait3A_185 = arith.constant 0 : i32
      %dma_wait3A_186 = tpu.memref_slice %arg8[%arg0, %run_scoped3A_85, %mul3A_84, %dma_wait3A_185] : memref<2x4x10000x128xf32, #tpu.memory_space<hbm>> -> memref<1x1x624x128xf32, #tpu.memory_space<hbm>>
      %dma_wait3A_187 = tpu.memref_squeeze %dma_wait3A_186 : memref<1x1x624x128xf32, #tpu.memory_space<hbm>> -> memref<624x128xf32, #tpu.memory_space<hbm>>
      %dma_wait3A_188 = arith.constant 0 : i32
      %dma_wait3A_189 = tpu.memref_slice %arg16[%mul3A_82, %dma_wait3A_188] : memref<10000x128xf32, #tpu.memory_space<vmem_shared>> -> memref<624x128xf32, #tpu.memory_space<vmem_shared>>
      tpu.wait_dma2 semaphore(%run_scoped3A_179 : memref<!tpu.dma_semaphore, #tpu.memory_space<semaphore_mem>>) src(%dma_wait3A_189 : memref<624x128xf32, #tpu.memory_space<vmem_shared>>) dst(%dma_wait3A_187 : memref<624x128xf32, #tpu.memory_space<hbm>>)
      tpu.yield
    }) : () -> ()
    %eq3A_86 = arith.constant 15 : i32
    %eq3A_87 = arith.cmpi eq, %arg1, %eq3A_86 : i32
    %convert_element_type3A_88 = arith.extui %eq3A_87 : i1 to i32
    %cond3A_89 = arith.constant 0 : i32
    %cond3A_90 = arith.cmpi ne, %convert_element_type3A_88, %cond3A_89 : i32
    scf.if %cond3A_90 {
      %run_scoped3A_179 = arith.constant 1 : i32
      "tpu.region"() ({
        %run_scoped3A_180 = tpu.sem_alloc : memref<!tpu.dma_semaphore, #tpu.memory_space<semaphore_mem>>
        %dma_start3A_181 = arith.constant 9984 : i32
        %dma_start3A_182 = arith.constant 0 : i32
        %dma_start3A_183 = tpu.memref_slice %arg8[%arg0, %run_scoped3A_179, %dma_start3A_181, %dma_start3A_182] : memref<2x4x10000x128xf32, #tpu.memory_space<hbm>> -> memref<1x1x16x128xf32, #tpu.memory_space<hbm>>
        %dma_start3A_184 = tpu.memref_squeeze %dma_start3A_183 : memref<1x1x16x128xf32, #tpu.memory_space<hbm>> -> memref<16x128xf32, #tpu.memory_space<hbm>>
        %dma_start3A_185 = arith.constant 9984 : i32
        %dma_start3A_186 = arith.constant 0 : i32
        %dma_start3A_187 = tpu.memref_slice %arg16[%dma_start3A_185, %dma_start3A_186] : memref<10000x128xf32, #tpu.memory_space<vmem_shared>> -> memref<16x128xf32, #tpu.memory_space<vmem_shared>>
        tpu.enqueue_dma source(%dma_start3A_187 : memref<16x128xf32, #tpu.memory_space<vmem_shared>>) target(%dma_start3A_184 : memref<16x128xf32, #tpu.memory_space<hbm>>) target_semaphore(%run_scoped3A_180 : memref<!tpu.dma_semaphore, #tpu.memory_space<semaphore_mem>>)
        %dma_wait3A_188 = arith.constant 9984 : i32
        %dma_wait3A_189 = arith.constant 0 : i32
        %dma_wait3A_190 = tpu.memref_slice %arg8[%arg0, %run_scoped3A_179, %dma_wait3A_188, %dma_wait3A_189] : memref<2x4x10000x128xf32, #tpu.memory_space<hbm>> -> memref<1x1x16x128xf32, #tpu.memory_space<hbm>>
        %dma_wait3A_191 = tpu.memref_squeeze %dma_wait3A_190 : memref<1x1x16x128xf32, #tpu.memory_space<hbm>> -> memref<16x128xf32, #tpu.memory_space<hbm>>
        %dma_wait3A_192 = arith.constant 9984 : i32
        %dma_wait3A_193 = arith.constant 0 : i32
        %dma_wait3A_194 = tpu.memref_slice %arg16[%dma_wait3A_192, %dma_wait3A_193] : memref<10000x128xf32, #tpu.memory_space<vmem_shared>> -> memref<16x128xf32, #tpu.memory_space<vmem_shared>>
        tpu.wait_dma2 semaphore(%run_scoped3A_180 : memref<!tpu.dma_semaphore, #tpu.memory_space<semaphore_mem>>) src(%dma_wait3A_194 : memref<16x128xf32, #tpu.memory_space<vmem_shared>>) dst(%dma_wait3A_191 : memref<16x128xf32, #tpu.memory_space<hbm>>)
        tpu.yield
      }) : () -> ()
    } else {
    }
    %mul3A_91 = arith.constant 624 : i32
    %mul3A_92 = arith.muli %arg1, %mul3A_91 : i32
    %add3A_93 = arith.constant 0 : i32
    %add3A_94 = arith.addi %mul3A_92, %add3A_93 : i32
    "tpu.region"() ({
      %run_scoped3A_179 = tpu.sem_alloc : memref<!tpu.dma_semaphore, #tpu.memory_space<semaphore_mem>>
      %dma_start3A_180 = arith.constant 0 : i32
      %dma_start3A_181 = tpu.memref_slice %arg16[%add3A_94, %dma_start3A_180] : memref<10000x128xf32, #tpu.memory_space<vmem_shared>> -> memref<208x128xf32, #tpu.memory_space<vmem_shared>>
      %dma_start3A_182 = arith.constant 0 : i32
      %dma_start3A_183 = tpu.memref_slice %arg16[%add3A_94, %dma_start3A_182] : memref<10000x128xf32, #tpu.memory_space<vmem_shared>> -> memref<208x128xf32, #tpu.memory_space<vmem_shared>>
      tpu.enqueue_dma source(%arg15 : memref<208x128xf32, #tpu.memory_space<vmem>>) target(%dma_start3A_183 : memref<208x128xf32, #tpu.memory_space<vmem_shared>>) target_semaphore(%run_scoped3A_179 : memref<!tpu.dma_semaphore, #tpu.memory_space<semaphore_mem>>)
      %dma_wait3A_184 = arith.constant 0 : i32
      %dma_wait3A_185 = tpu.memref_slice %arg16[%add3A_94, %dma_wait3A_184] : memref<10000x128xf32, #tpu.memory_space<vmem_shared>> -> memref<208x128xf32, #tpu.memory_space<vmem_shared>>
      %dma_wait3A_186 = arith.constant 0 : i32
      %dma_wait3A_187 = tpu.memref_slice %arg16[%add3A_94, %dma_wait3A_186] : memref<10000x128xf32, #tpu.memory_space<vmem_shared>> -> memref<208x128xf32, #tpu.memory_space<vmem_shared>>
      tpu.wait_dma2 semaphore(%run_scoped3A_179 : memref<!tpu.dma_semaphore, #tpu.memory_space<semaphore_mem>>) src(%arg15 : memref<208x128xf32, #tpu.memory_space<vmem>>) dst(%dma_wait3A_187 : memref<208x128xf32, #tpu.memory_space<vmem_shared>>)
      tpu.yield
    }) : () -> ()
    %mul3A_95 = arith.constant 624 : i32
    %mul3A_96 = arith.muli %arg1, %mul3A_95 : i32
    %add3A_97 = arith.constant 208 : i32
    %add3A_98 = arith.addi %mul3A_96, %add3A_97 : i32
    "tpu.region"() ({
      %run_scoped3A_179 = tpu.sem_alloc : memref<!tpu.dma_semaphore, #tpu.memory_space<semaphore_mem>>
      %dma_start3A_180 = arith.constant 0 : i32
      %dma_start3A_181 = tpu.memref_slice %arg16[%add3A_98, %dma_start3A_180] : memref<10000x128xf32, #tpu.memory_space<vmem_shared>> -> memref<208x128xf32, #tpu.memory_space<vmem_shared>>
      %dma_start3A_182 = arith.constant 0 : i32
      %dma_start3A_183 = tpu.memref_slice %arg16[%add3A_98, %dma_start3A_182] : memref<10000x128xf32, #tpu.memory_space<vmem_shared>> -> memref<208x128xf32, #tpu.memory_space<vmem_shared>>
      tpu.enqueue_dma source(%arg15 : memref<208x128xf32, #tpu.memory_space<vmem>>) target(%dma_start3A_183 : memref<208x128xf32, #tpu.memory_space<vmem_shared>>) target_semaphore(%run_scoped3A_179 : memref<!tpu.dma_semaphore, #tpu.memory_space<semaphore_mem>>)
      %dma_wait3A_184 = arith.constant 0 : i32
      %dma_wait3A_185 = tpu.memref_slice %arg16[%add3A_98, %dma_wait3A_184] : memref<10000x128xf32, #tpu.memory_space<vmem_shared>> -> memref<208x128xf32, #tpu.memory_space<vmem_shared>>
      %dma_wait3A_186 = arith.constant 0 : i32
      %dma_wait3A_187 = tpu.memref_slice %arg16[%add3A_98, %dma_wait3A_186] : memref<10000x128xf32, #tpu.memory_space<vmem_shared>> -> memref<208x128xf32, #tpu.memory_space<vmem_shared>>
      tpu.wait_dma2 semaphore(%run_scoped3A_179 : memref<!tpu.dma_semaphore, #tpu.memory_space<semaphore_mem>>) src(%arg15 : memref<208x128xf32, #tpu.memory_space<vmem>>) dst(%dma_wait3A_187 : memref<208x128xf32, #tpu.memory_space<vmem_shared>>)
      tpu.yield
    }) : () -> ()
    %mul3A_99 = arith.constant 624 : i32
    %mul3A_100 = arith.muli %arg1, %mul3A_99 : i32
    %add3A_101 = arith.constant 416 : i32
    %add3A_102 = arith.addi %mul3A_100, %add3A_101 : i32
    "tpu.region"() ({
      %run_scoped3A_179 = tpu.sem_alloc : memref<!tpu.dma_semaphore, #tpu.memory_space<semaphore_mem>>
      %dma_start3A_180 = arith.constant 0 : i32
      %dma_start3A_181 = tpu.memref_slice %arg16[%add3A_102, %dma_start3A_180] : memref<10000x128xf32, #tpu.memory_space<vmem_shared>> -> memref<208x128xf32, #tpu.memory_space<vmem_shared>>
      %dma_start3A_182 = arith.constant 0 : i32
      %dma_start3A_183 = tpu.memref_slice %arg16[%add3A_102, %dma_start3A_182] : memref<10000x128xf32, #tpu.memory_space<vmem_shared>> -> memref<208x128xf32, #tpu.memory_space<vmem_shared>>
      tpu.enqueue_dma source(%arg15 : memref<208x128xf32, #tpu.memory_space<vmem>>) target(%dma_start3A_183 : memref<208x128xf32, #tpu.memory_space<vmem_shared>>) target_semaphore(%run_scoped3A_179 : memref<!tpu.dma_semaphore, #tpu.memory_space<semaphore_mem>>)
      %dma_wait3A_184 = arith.constant 0 : i32
      %dma_wait3A_185 = tpu.memref_slice %arg16[%add3A_102, %dma_wait3A_184] : memref<10000x128xf32, #tpu.memory_space<vmem_shared>> -> memref<208x128xf32, #tpu.memory_space<vmem_shared>>
      %dma_wait3A_186 = arith.constant 0 : i32
      %dma_wait3A_187 = tpu.memref_slice %arg16[%add3A_102, %dma_wait3A_186] : memref<10000x128xf32, #tpu.memory_space<vmem_shared>> -> memref<208x128xf32, #tpu.memory_space<vmem_shared>>
      tpu.wait_dma2 semaphore(%run_scoped3A_179 : memref<!tpu.dma_semaphore, #tpu.memory_space<semaphore_mem>>) src(%arg15 : memref<208x128xf32, #tpu.memory_space<vmem>>) dst(%dma_wait3A_187 : memref<208x128xf32, #tpu.memory_space<vmem_shared>>)
      tpu.yield
    }) : () -> ()
    %eq3A_103 = arith.constant 15 : i32
    %eq3A_104 = arith.cmpi eq, %arg1, %eq3A_103 : i32
    %convert_element_type3A_105 = arith.extui %eq3A_104 : i1 to i32
    %cond3A_106 = arith.constant 0 : i32
    %cond3A_107 = arith.cmpi ne, %convert_element_type3A_105, %cond3A_106 : i32
    scf.if %cond3A_107 {
      "tpu.region"() ({
        %run_scoped3A_179 = tpu.sem_alloc : memref<!tpu.dma_semaphore, #tpu.memory_space<semaphore_mem>>
        %dma_start3A_180 = arith.constant 0 : i32
        %dma_start3A_181 = arith.constant 0 : i32
        %dma_start3A_182 = tpu.memref_slice %arg15[%dma_start3A_180, %dma_start3A_181] : memref<208x128xf32, #tpu.memory_space<vmem>> -> memref<16x128xf32, #tpu.memory_space<vmem>>
        %dma_start3A_183 = arith.constant 9984 : i32
        %dma_start3A_184 = arith.constant 0 : i32
        %dma_start3A_185 = tpu.memref_slice %arg16[%dma_start3A_183, %dma_start3A_184] : memref<10000x128xf32, #tpu.memory_space<vmem_shared>> -> memref<16x128xf32, #tpu.memory_space<vmem_shared>>
        %dma_start3A_186 = arith.constant 9984 : i32
        %dma_start3A_187 = arith.constant 0 : i32
        %dma_start3A_188 = tpu.memref_slice %arg16[%dma_start3A_186, %dma_start3A_187] : memref<10000x128xf32, #tpu.memory_space<vmem_shared>> -> memref<16x128xf32, #tpu.memory_space<vmem_shared>>
        %dma_start3A_189 = arith.constant 0 : i32
        %dma_start3A_190 = arith.constant 0 : i32
        %dma_start3A_191 = tpu.memref_slice %arg15[%dma_start3A_189, %dma_start3A_190] : memref<208x128xf32, #tpu.memory_space<vmem>> -> memref<16x128xf32, #tpu.memory_space<vmem>>
        tpu.enqueue_dma source(%dma_start3A_191 : memref<16x128xf32, #tpu.memory_space<vmem>>) target(%dma_start3A_188 : memref<16x128xf32, #tpu.memory_space<vmem_shared>>) target_semaphore(%run_scoped3A_179 : memref<!tpu.dma_semaphore, #tpu.memory_space<semaphore_mem>>)
        %dma_wait3A_192 = arith.constant 0 : i32
        %dma_wait3A_193 = arith.constant 0 : i32
        %dma_wait3A_194 = tpu.memref_slice %arg15[%dma_wait3A_192, %dma_wait3A_193] : memref<208x128xf32, #tpu.memory_space<vmem>> -> memref<16x128xf32, #tpu.memory_space<vmem>>
        %dma_wait3A_195 = arith.constant 9984 : i32
        %dma_wait3A_196 = arith.constant 0 : i32
        %dma_wait3A_197 = tpu.memref_slice %arg16[%dma_wait3A_195, %dma_wait3A_196] : memref<10000x128xf32, #tpu.memory_space<vmem_shared>> -> memref<16x128xf32, #tpu.memory_space<vmem_shared>>
        %dma_wait3A_198 = arith.constant 9984 : i32
        %dma_wait3A_199 = arith.constant 0 : i32
        %dma_wait3A_200 = tpu.memref_slice %arg16[%dma_wait3A_198, %dma_wait3A_199] : memref<10000x128xf32, #tpu.memory_space<vmem_shared>> -> memref<16x128xf32, #tpu.memory_space<vmem_shared>>
        %dma_wait3A_201 = arith.constant 0 : i32
        %dma_wait3A_202 = arith.constant 0 : i32
        %dma_wait3A_203 = tpu.memref_slice %arg15[%dma_wait3A_201, %dma_wait3A_202] : memref<208x128xf32, #tpu.memory_space<vmem>> -> memref<16x128xf32, #tpu.memory_space<vmem>>
        tpu.wait_dma2 semaphore(%run_scoped3A_179 : memref<!tpu.dma_semaphore, #tpu.memory_space<semaphore_mem>>) src(%dma_wait3A_203 : memref<16x128xf32, #tpu.memory_space<vmem>>) dst(%dma_wait3A_200 : memref<16x128xf32, #tpu.memory_space<vmem_shared>>)
        tpu.yield
      }) : () -> ()
    } else {
    }
    %barrier3A_108 = arith.constant 0 : index
    tpu.barrier barrier_id(%barrier3A_108)
    %scan3A_109 = arith.constant 0 : i32
    %scan3A_110 = arith.constant 0 : i32
    %scan3A_111 = arith.constant 78 : i32
    %scan3A_112 = arith.addi %scan3A_110, %scan3A_111 : i32
    %scan3A_113 = arith.constant 1 : i32
    %scan3A_114 = scf.for %scan3A_179 = %scan3A_110 to %scan3A_112 step %scan3A_113 iter_args(%scan3A_180 = %scan3A_109) -> (i32)  : i32 {
      %mul3A_181 = arith.constant 128 : i32
      %mul3A_182 = arith.muli %scan3A_179, %mul3A_181 : i32
      %add3A_183 = arith.addi %mul3A_2, %mul3A_182 : i32
      "tpu.region"() ({
        %run_scoped3A_191 = tpu.sem_alloc : memref<!tpu.dma_semaphore, #tpu.memory_space<semaphore_mem>>
        %dma_start3A_192 = tpu.memref_slice %arg6[%add3A_183] : memref<320000xi32, #tpu.memory_space<hbm>> -> memref<128xi32, #tpu.memory_space<hbm>>
        %dma_start3A_193 = tpu.memref_slice %arg6[%add3A_183] : memref<320000xi32, #tpu.memory_space<hbm>> -> memref<128xi32, #tpu.memory_space<hbm>>
        tpu.enqueue_dma source(%dma_start3A_193 : memref<128xi32, #tpu.memory_space<hbm>>) target(%arg9 : memref<128xi32, #tpu.memory_space<vmem>>) target_semaphore(%run_scoped3A_191 : memref<!tpu.dma_semaphore, #tpu.memory_space<semaphore_mem>>)
        %dma_wait3A_194 = tpu.memref_slice %arg6[%add3A_183] : memref<320000xi32, #tpu.memory_space<hbm>> -> memref<128xi32, #tpu.memory_space<hbm>>
        %dma_wait3A_195 = tpu.memref_slice %arg6[%add3A_183] : memref<320000xi32, #tpu.memory_space<hbm>> -> memref<128xi32, #tpu.memory_space<hbm>>
        tpu.wait_dma2 semaphore(%run_scoped3A_191 : memref<!tpu.dma_semaphore, #tpu.memory_space<semaphore_mem>>) src(%dma_wait3A_195 : memref<128xi32, #tpu.memory_space<hbm>>) dst(%arg9 : memref<128xi32, #tpu.memory_space<vmem>>)
        tpu.yield
      }) : () -> ()
      "tpu.region"() ({
        %run_scoped3A_191 = tpu.sem_alloc : memref<!tpu.dma_semaphore, #tpu.memory_space<semaphore_mem>>
        %dma_start3A_192 = tpu.memref_slice %arg7[%add3A_183] : memref<320000xi32, #tpu.memory_space<hbm>> -> memref<128xi32, #tpu.memory_space<hbm>>
        %dma_start3A_193 = tpu.memref_slice %arg7[%add3A_183] : memref<320000xi32, #tpu.memory_space<hbm>> -> memref<128xi32, #tpu.memory_space<hbm>>
        tpu.enqueue_dma source(%dma_start3A_193 : memref<128xi32, #tpu.memory_space<hbm>>) target(%arg10 : memref<128xi32, #tpu.memory_space<vmem>>) target_semaphore(%run_scoped3A_191 : memref<!tpu.dma_semaphore, #tpu.memory_space<semaphore_mem>>)
        %dma_wait3A_194 = tpu.memref_slice %arg7[%add3A_183] : memref<320000xi32, #tpu.memory_space<hbm>> -> memref<128xi32, #tpu.memory_space<hbm>>
        %dma_wait3A_195 = tpu.memref_slice %arg7[%add3A_183] : memref<320000xi32, #tpu.memory_space<hbm>> -> memref<128xi32, #tpu.memory_space<hbm>>
        tpu.wait_dma2 semaphore(%run_scoped3A_191 : memref<!tpu.dma_semaphore, #tpu.memory_space<semaphore_mem>>) src(%dma_wait3A_195 : memref<128xi32, #tpu.memory_space<hbm>>) dst(%arg10 : memref<128xi32, #tpu.memory_space<vmem>>)
        tpu.yield
      }) : () -> ()
      %dma_start3A_184 = arith.constant 0 : i32
      %dma_start3A_185 = arith.constant 0 : i32
      %dma_start3A_186 = tpu.memref_slice %arg4[%dma_start3A_184, %dma_start3A_185] : memref<10000x128xf32, #tpu.memory_space<hbm>> -> memref<10000x128xf32, #tpu.memory_space<hbm>>
      tpu.enqueue_indirect_dma source(%dma_start3A_186 : memref<10000x128xf32, #tpu.memory_space<hbm>>) target(%arg11 : memref<128x128xf32, #tpu.memory_space<vmem>>) offsets(%arg9 : memref<128xi32, #tpu.memory_space<vmem>>) semaphore(%arg17 : memref<!tpu.dma_semaphore, #tpu.memory_space<semaphore_mem>>)
      %dma_wait3A_187 = arith.constant 0 : i32
      %dma_wait3A_188 = arith.constant 0 : i32
      %dma_wait3A_189 = tpu.memref_slice %arg4[%dma_wait3A_187, %dma_wait3A_188] : memref<10000x128xf32, #tpu.memory_space<hbm>> -> memref<10000x128xf32, #tpu.memory_space<hbm>>
      tpu.wait_indirect_dma semaphore(%arg17 : memref<!tpu.dma_semaphore, #tpu.memory_space<semaphore_mem>>) src(%dma_wait3A_189 : memref<10000x128xf32, #tpu.memory_space<hbm>>) dst(%arg11 : memref<128x128xf32, #tpu.memory_space<vmem>>)
      "tpu.region"() ({
        %run_scoped3A_191 = tpu.sem_alloc : memref<!tpu.dma_semaphore, #tpu.memory_space<semaphore_mem>>
        %dma_start3A_192 = arith.constant 0 : i32
        %dma_start3A_193 = arith.constant 0 : i32
        %dma_start3A_194 = tpu.memref_slice %arg16[%dma_start3A_192, %dma_start3A_193] : memref<10000x128xf32, #tpu.memory_space<vmem_shared>> -> memref<10000x128xf32, #tpu.memory_space<vmem_shared>>
        tpu.enqueue_indirect_dma source(%arg11 : memref<128x128xf32, #tpu.memory_space<vmem>>) target(%dma_start3A_194 : memref<10000x128xf32, #tpu.memory_space<vmem_shared>>) offsets(%arg10 : memref<128xi32, #tpu.memory_space<vmem>>) semaphore(%run_scoped3A_191 : memref<!tpu.dma_semaphore, #tpu.memory_space<semaphore_mem>>) {add = true}
        %dma_wait3A_195 = arith.constant 0 : i32
        %dma_wait3A_196 = arith.constant 0 : i32
        %dma_wait3A_197 = tpu.memref_slice %arg16[%dma_wait3A_195, %dma_wait3A_196] : memref<10000x128xf32, #tpu.memory_space<vmem_shared>> -> memref<10000x128xf32, #tpu.memory_space<vmem_shared>>
        tpu.wait_indirect_dma semaphore(%run_scoped3A_191 : memref<!tpu.dma_semaphore, #tpu.memory_space<semaphore_mem>>) src(%arg11 : memref<128x128xf32, #tpu.memory_space<vmem>>) dst(%dma_wait3A_197 : memref<10000x128xf32, #tpu.memory_space<vmem_shared>>)
        tpu.yield
      }) : () -> ()
      %scan3A_190 = arith.constant 0 : i32
      scf.yield %scan3A_190 : i32
    }
    %scan3A_115 = arith.constant 78 : i32
    %add3A_116 = arith.constant 9984 : i32
    %add3A_117 = arith.addi %mul3A_2, %add3A_116 : i32
    "tpu.region"() ({
      %run_scoped3A_179 = tpu.sem_alloc : memref<!tpu.dma_semaphore, #tpu.memory_space<semaphore_mem>>
      %dma_start3A_180 = tpu.memref_slice %arg6[%add3A_117] : memref<320000xi32, #tpu.memory_space<hbm>> -> memref<16xi32, #tpu.memory_space<hbm>>
      %dma_start3A_181 = tpu.memref_slice %arg6[%add3A_117] : memref<320000xi32, #tpu.memory_space<hbm>> -> memref<16xi32, #tpu.memory_space<hbm>>
      tpu.enqueue_dma source(%dma_start3A_181 : memref<16xi32, #tpu.memory_space<hbm>>) target(%arg12 : memref<16xi32, #tpu.memory_space<vmem>>) target_semaphore(%run_scoped3A_179 : memref<!tpu.dma_semaphore, #tpu.memory_space<semaphore_mem>>)
      %dma_wait3A_182 = tpu.memref_slice %arg6[%add3A_117] : memref<320000xi32, #tpu.memory_space<hbm>> -> memref<16xi32, #tpu.memory_space<hbm>>
      %dma_wait3A_183 = tpu.memref_slice %arg6[%add3A_117] : memref<320000xi32, #tpu.memory_space<hbm>> -> memref<16xi32, #tpu.memory_space<hbm>>
      tpu.wait_dma2 semaphore(%run_scoped3A_179 : memref<!tpu.dma_semaphore, #tpu.memory_space<semaphore_mem>>) src(%dma_wait3A_183 : memref<16xi32, #tpu.memory_space<hbm>>) dst(%arg12 : memref<16xi32, #tpu.memory_space<vmem>>)
      tpu.yield
    }) : () -> ()
    "tpu.region"() ({
      %run_scoped3A_179 = tpu.sem_alloc : memref<!tpu.dma_semaphore, #tpu.memory_space<semaphore_mem>>
      %dma_start3A_180 = tpu.memref_slice %arg7[%add3A_117] : memref<320000xi32, #tpu.memory_space<hbm>> -> memref<16xi32, #tpu.memory_space<hbm>>
      %dma_start3A_181 = tpu.memref_slice %arg7[%add3A_117] : memref<320000xi32, #tpu.memory_space<hbm>> -> memref<16xi32, #tpu.memory_space<hbm>>
      tpu.enqueue_dma source(%dma_start3A_181 : memref<16xi32, #tpu.memory_space<hbm>>) target(%arg13 : memref<16xi32, #tpu.memory_space<vmem>>) target_semaphore(%run_scoped3A_179 : memref<!tpu.dma_semaphore, #tpu.memory_space<semaphore_mem>>)
      %dma_wait3A_182 = tpu.memref_slice %arg7[%add3A_117] : memref<320000xi32, #tpu.memory_space<hbm>> -> memref<16xi32, #tpu.memory_space<hbm>>
      %dma_wait3A_183 = tpu.memref_slice %arg7[%add3A_117] : memref<320000xi32, #tpu.memory_space<hbm>> -> memref<16xi32, #tpu.memory_space<hbm>>
      tpu.wait_dma2 semaphore(%run_scoped3A_179 : memref<!tpu.dma_semaphore, #tpu.memory_space<semaphore_mem>>) src(%dma_wait3A_183 : memref<16xi32, #tpu.memory_space<hbm>>) dst(%arg13 : memref<16xi32, #tpu.memory_space<vmem>>)
      tpu.yield
    }) : () -> ()
    %dma_start3A_118 = arith.constant 0 : i32
    %dma_start3A_119 = arith.constant 0 : i32
    %dma_start3A_120 = tpu.memref_slice %arg4[%dma_start3A_118, %dma_start3A_119] : memref<10000x128xf32, #tpu.memory_space<hbm>> -> memref<10000x128xf32, #tpu.memory_space<hbm>>
    tpu.enqueue_indirect_dma source(%dma_start3A_120 : memref<10000x128xf32, #tpu.memory_space<hbm>>) target(%arg14 : memref<16x128xf32, #tpu.memory_space<vmem>>) offsets(%arg12 : memref<16xi32, #tpu.memory_space<vmem>>) semaphore(%arg17 : memref<!tpu.dma_semaphore, #tpu.memory_space<semaphore_mem>>)
    %dma_wait3A_121 = arith.constant 0 : i32
    %dma_wait3A_122 = arith.constant 0 : i32
    %dma_wait3A_123 = tpu.memref_slice %arg4[%dma_wait3A_121, %dma_wait3A_122] : memref<10000x128xf32, #tpu.memory_space<hbm>> -> memref<10000x128xf32, #tpu.memory_space<hbm>>
    tpu.wait_indirect_dma semaphore(%arg17 : memref<!tpu.dma_semaphore, #tpu.memory_space<semaphore_mem>>) src(%dma_wait3A_123 : memref<10000x128xf32, #tpu.memory_space<hbm>>) dst(%arg14 : memref<16x128xf32, #tpu.memory_space<vmem>>)
    "tpu.region"() ({
      %run_scoped3A_179 = tpu.sem_alloc : memref<!tpu.dma_semaphore, #tpu.memory_space<semaphore_mem>>
      %dma_start3A_180 = arith.constant 0 : i32
      %dma_start3A_181 = arith.constant 0 : i32
      %dma_start3A_182 = tpu.memref_slice %arg16[%dma_start3A_180, %dma_start3A_181] : memref<10000x128xf32, #tpu.memory_space<vmem_shared>> -> memref<10000x128xf32, #tpu.memory_space<vmem_shared>>
      tpu.enqueue_indirect_dma source(%arg14 : memref<16x128xf32, #tpu.memory_space<vmem>>) target(%dma_start3A_182 : memref<10000x128xf32, #tpu.memory_space<vmem_shared>>) offsets(%arg13 : memref<16xi32, #tpu.memory_space<vmem>>) semaphore(%run_scoped3A_179 : memref<!tpu.dma_semaphore, #tpu.memory_space<semaphore_mem>>) {add = true}
      %dma_wait3A_183 = arith.constant 0 : i32
      %dma_wait3A_184 = arith.constant 0 : i32
      %dma_wait3A_185 = tpu.memref_slice %arg16[%dma_wait3A_183, %dma_wait3A_184] : memref<10000x128xf32, #tpu.memory_space<vmem_shared>> -> memref<10000x128xf32, #tpu.memory_space<vmem_shared>>
      tpu.wait_indirect_dma semaphore(%run_scoped3A_179 : memref<!tpu.dma_semaphore, #tpu.memory_space<semaphore_mem>>) src(%arg14 : memref<16x128xf32, #tpu.memory_space<vmem>>) dst(%dma_wait3A_185 : memref<10000x128xf32, #tpu.memory_space<vmem_shared>>)
      tpu.yield
    }) : () -> ()
    %barrier3A_124 = arith.constant 0 : index
    tpu.barrier barrier_id(%barrier3A_124)
    %mul3A_125 = arith.constant 624 : i32
    %mul3A_126 = arith.muli %arg1, %mul3A_125 : i32
    %mul3A_127 = arith.constant 624 : i32
    %mul3A_128 = arith.muli %arg1, %mul3A_127 : i32
    %run_scoped3A_129 = arith.constant 2 : i32
    "tpu.region"() ({
      %run_scoped3A_179 = tpu.sem_alloc : memref<!tpu.dma_semaphore, #tpu.memory_space<semaphore_mem>>
      %dma_start3A_180 = arith.constant 0 : i32
      %dma_start3A_181 = tpu.memref_slice %arg8[%arg0, %run_scoped3A_129, %mul3A_128, %dma_start3A_180] : memref<2x4x10000x128xf32, #tpu.memory_space<hbm>> -> memref<1x1x624x128xf32, #tpu.memory_space<hbm>>
      %dma_start3A_182 = tpu.memref_squeeze %dma_start3A_181 : memref<1x1x624x128xf32, #tpu.memory_space<hbm>> -> memref<624x128xf32, #tpu.memory_space<hbm>>
      %dma_start3A_183 = arith.constant 0 : i32
      %dma_start3A_184 = tpu.memref_slice %arg16[%mul3A_126, %dma_start3A_183] : memref<10000x128xf32, #tpu.memory_space<vmem_shared>> -> memref<624x128xf32, #tpu.memory_space<vmem_shared>>
      tpu.enqueue_dma source(%dma_start3A_184 : memref<624x128xf32, #tpu.memory_space<vmem_shared>>) target(%dma_start3A_182 : memref<624x128xf32, #tpu.memory_space<hbm>>) target_semaphore(%run_scoped3A_179 : memref<!tpu.dma_semaphore, #tpu.memory_space<semaphore_mem>>)
      %dma_wait3A_185 = arith.constant 0 : i32
      %dma_wait3A_186 = tpu.memref_slice %arg8[%arg0, %run_scoped3A_129, %mul3A_128, %dma_wait3A_185] : memref<2x4x10000x128xf32, #tpu.memory_space<hbm>> -> memref<1x1x624x128xf32, #tpu.memory_space<hbm>>
      %dma_wait3A_187 = tpu.memref_squeeze %dma_wait3A_186 : memref<1x1x624x128xf32, #tpu.memory_space<hbm>> -> memref<624x128xf32, #tpu.memory_space<hbm>>
      %dma_wait3A_188 = arith.constant 0 : i32
      %dma_wait3A_189 = tpu.memref_slice %arg16[%mul3A_126, %dma_wait3A_188] : memref<10000x128xf32, #tpu.memory_space<vmem_shared>> -> memref<624x128xf32, #tpu.memory_space<vmem_shared>>
      tpu.wait_dma2 semaphore(%run_scoped3A_179 : memref<!tpu.dma_semaphore, #tpu.memory_space<semaphore_mem>>) src(%dma_wait3A_189 : memref<624x128xf32, #tpu.memory_space<vmem_shared>>) dst(%dma_wait3A_187 : memref<624x128xf32, #tpu.memory_space<hbm>>)
      tpu.yield
    }) : () -> ()
    %eq3A_130 = arith.constant 15 : i32
    %eq3A_131 = arith.cmpi eq, %arg1, %eq3A_130 : i32
    %convert_element_type3A_132 = arith.extui %eq3A_131 : i1 to i32
    %cond3A_133 = arith.constant 0 : i32
    %cond3A_134 = arith.cmpi ne, %convert_element_type3A_132, %cond3A_133 : i32
    scf.if %cond3A_134 {
      %run_scoped3A_179 = arith.constant 2 : i32
      "tpu.region"() ({
        %run_scoped3A_180 = tpu.sem_alloc : memref<!tpu.dma_semaphore, #tpu.memory_space<semaphore_mem>>
        %dma_start3A_181 = arith.constant 9984 : i32
        %dma_start3A_182 = arith.constant 0 : i32
        %dma_start3A_183 = tpu.memref_slice %arg8[%arg0, %run_scoped3A_179, %dma_start3A_181, %dma_start3A_182] : memref<2x4x10000x128xf32, #tpu.memory_space<hbm>> -> memref<1x1x16x128xf32, #tpu.memory_space<hbm>>
        %dma_start3A_184 = tpu.memref_squeeze %dma_start3A_183 : memref<1x1x16x128xf32, #tpu.memory_space<hbm>> -> memref<16x128xf32, #tpu.memory_space<hbm>>
        %dma_start3A_185 = arith.constant 9984 : i32
        %dma_start3A_186 = arith.constant 0 : i32
        %dma_start3A_187 = tpu.memref_slice %arg16[%dma_start3A_185, %dma_start3A_186] : memref<10000x128xf32, #tpu.memory_space<vmem_shared>> -> memref<16x128xf32, #tpu.memory_space<vmem_shared>>
        tpu.enqueue_dma source(%dma_start3A_187 : memref<16x128xf32, #tpu.memory_space<vmem_shared>>) target(%dma_start3A_184 : memref<16x128xf32, #tpu.memory_space<hbm>>) target_semaphore(%run_scoped3A_180 : memref<!tpu.dma_semaphore, #tpu.memory_space<semaphore_mem>>)
        %dma_wait3A_188 = arith.constant 9984 : i32
        %dma_wait3A_189 = arith.constant 0 : i32
        %dma_wait3A_190 = tpu.memref_slice %arg8[%arg0, %run_scoped3A_179, %dma_wait3A_188, %dma_wait3A_189] : memref<2x4x10000x128xf32, #tpu.memory_space<hbm>> -> memref<1x1x16x128xf32, #tpu.memory_space<hbm>>
        %dma_wait3A_191 = tpu.memref_squeeze %dma_wait3A_190 : memref<1x1x16x128xf32, #tpu.memory_space<hbm>> -> memref<16x128xf32, #tpu.memory_space<hbm>>
        %dma_wait3A_192 = arith.constant 9984 : i32
        %dma_wait3A_193 = arith.constant 0 : i32
        %dma_wait3A_194 = tpu.memref_slice %arg16[%dma_wait3A_192, %dma_wait3A_193] : memref<10000x128xf32, #tpu.memory_space<vmem_shared>> -> memref<16x128xf32, #tpu.memory_space<vmem_shared>>
        tpu.wait_dma2 semaphore(%run_scoped3A_180 : memref<!tpu.dma_semaphore, #tpu.memory_space<semaphore_mem>>) src(%dma_wait3A_194 : memref<16x128xf32, #tpu.memory_space<vmem_shared>>) dst(%dma_wait3A_191 : memref<16x128xf32, #tpu.memory_space<hbm>>)
        tpu.yield
      }) : () -> ()
    } else {
    }
    %mul3A_135 = arith.constant 624 : i32
    %mul3A_136 = arith.muli %arg1, %mul3A_135 : i32
    %add3A_137 = arith.constant 0 : i32
    %add3A_138 = arith.addi %mul3A_136, %add3A_137 : i32
    "tpu.region"() ({
      %run_scoped3A_179 = tpu.sem_alloc : memref<!tpu.dma_semaphore, #tpu.memory_space<semaphore_mem>>
      %dma_start3A_180 = arith.constant 0 : i32
      %dma_start3A_181 = tpu.memref_slice %arg16[%add3A_138, %dma_start3A_180] : memref<10000x128xf32, #tpu.memory_space<vmem_shared>> -> memref<208x128xf32, #tpu.memory_space<vmem_shared>>
      %dma_start3A_182 = arith.constant 0 : i32
      %dma_start3A_183 = tpu.memref_slice %arg16[%add3A_138, %dma_start3A_182] : memref<10000x128xf32, #tpu.memory_space<vmem_shared>> -> memref<208x128xf32, #tpu.memory_space<vmem_shared>>
      tpu.enqueue_dma source(%arg15 : memref<208x128xf32, #tpu.memory_space<vmem>>) target(%dma_start3A_183 : memref<208x128xf32, #tpu.memory_space<vmem_shared>>) target_semaphore(%run_scoped3A_179 : memref<!tpu.dma_semaphore, #tpu.memory_space<semaphore_mem>>)
      %dma_wait3A_184 = arith.constant 0 : i32
      %dma_wait3A_185 = tpu.memref_slice %arg16[%add3A_138, %dma_wait3A_184] : memref<10000x128xf32, #tpu.memory_space<vmem_shared>> -> memref<208x128xf32, #tpu.memory_space<vmem_shared>>
      %dma_wait3A_186 = arith.constant 0 : i32
      %dma_wait3A_187 = tpu.memref_slice %arg16[%add3A_138, %dma_wait3A_186] : memref<10000x128xf32, #tpu.memory_space<vmem_shared>> -> memref<208x128xf32, #tpu.memory_space<vmem_shared>>
      tpu.wait_dma2 semaphore(%run_scoped3A_179 : memref<!tpu.dma_semaphore, #tpu.memory_space<semaphore_mem>>) src(%arg15 : memref<208x128xf32, #tpu.memory_space<vmem>>) dst(%dma_wait3A_187 : memref<208x128xf32, #tpu.memory_space<vmem_shared>>)
      tpu.yield
    }) : () -> ()
    %mul3A_139 = arith.constant 624 : i32
    %mul3A_140 = arith.muli %arg1, %mul3A_139 : i32
    %add3A_141 = arith.constant 208 : i32
    %add3A_142 = arith.addi %mul3A_140, %add3A_141 : i32
    "tpu.region"() ({
      %run_scoped3A_179 = tpu.sem_alloc : memref<!tpu.dma_semaphore, #tpu.memory_space<semaphore_mem>>
      %dma_start3A_180 = arith.constant 0 : i32
      %dma_start3A_181 = tpu.memref_slice %arg16[%add3A_142, %dma_start3A_180] : memref<10000x128xf32, #tpu.memory_space<vmem_shared>> -> memref<208x128xf32, #tpu.memory_space<vmem_shared>>
      %dma_start3A_182 = arith.constant 0 : i32
      %dma_start3A_183 = tpu.memref_slice %arg16[%add3A_142, %dma_start3A_182] : memref<10000x128xf32, #tpu.memory_space<vmem_shared>> -> memref<208x128xf32, #tpu.memory_space<vmem_shared>>
      tpu.enqueue_dma source(%arg15 : memref<208x128xf32, #tpu.memory_space<vmem>>) target(%dma_start3A_183 : memref<208x128xf32, #tpu.memory_space<vmem_shared>>) target_semaphore(%run_scoped3A_179 : memref<!tpu.dma_semaphore, #tpu.memory_space<semaphore_mem>>)
      %dma_wait3A_184 = arith.constant 0 : i32
      %dma_wait3A_185 = tpu.memref_slice %arg16[%add3A_142, %dma_wait3A_184] : memref<10000x128xf32, #tpu.memory_space<vmem_shared>> -> memref<208x128xf32, #tpu.memory_space<vmem_shared>>
      %dma_wait3A_186 = arith.constant 0 : i32
      %dma_wait3A_187 = tpu.memref_slice %arg16[%add3A_142, %dma_wait3A_186] : memref<10000x128xf32, #tpu.memory_space<vmem_shared>> -> memref<208x128xf32, #tpu.memory_space<vmem_shared>>
      tpu.wait_dma2 semaphore(%run_scoped3A_179 : memref<!tpu.dma_semaphore, #tpu.memory_space<semaphore_mem>>) src(%arg15 : memref<208x128xf32, #tpu.memory_space<vmem>>) dst(%dma_wait3A_187 : memref<208x128xf32, #tpu.memory_space<vmem_shared>>)
      tpu.yield
    }) : () -> ()
    %mul3A_143 = arith.constant 624 : i32
    %mul3A_144 = arith.muli %arg1, %mul3A_143 : i32
    %add3A_145 = arith.constant 416 : i32
    %add3A_146 = arith.addi %mul3A_144, %add3A_145 : i32
    "tpu.region"() ({
      %run_scoped3A_179 = tpu.sem_alloc : memref<!tpu.dma_semaphore, #tpu.memory_space<semaphore_mem>>
      %dma_start3A_180 = arith.constant 0 : i32
      %dma_start3A_181 = tpu.memref_slice %arg16[%add3A_146, %dma_start3A_180] : memref<10000x128xf32, #tpu.memory_space<vmem_shared>> -> memref<208x128xf32, #tpu.memory_space<vmem_shared>>
      %dma_start3A_182 = arith.constant 0 : i32
      %dma_start3A_183 = tpu.memref_slice %arg16[%add3A_146, %dma_start3A_182] : memref<10000x128xf32, #tpu.memory_space<vmem_shared>> -> memref<208x128xf32, #tpu.memory_space<vmem_shared>>
      tpu.enqueue_dma source(%arg15 : memref<208x128xf32, #tpu.memory_space<vmem>>) target(%dma_start3A_183 : memref<208x128xf32, #tpu.memory_space<vmem_shared>>) target_semaphore(%run_scoped3A_179 : memref<!tpu.dma_semaphore, #tpu.memory_space<semaphore_mem>>)
      %dma_wait3A_184 = arith.constant 0 : i32
      %dma_wait3A_185 = tpu.memref_slice %arg16[%add3A_146, %dma_wait3A_184] : memref<10000x128xf32, #tpu.memory_space<vmem_shared>> -> memref<208x128xf32, #tpu.memory_space<vmem_shared>>
      %dma_wait3A_186 = arith.constant 0 : i32
      %dma_wait3A_187 = tpu.memref_slice %arg16[%add3A_146, %dma_wait3A_186] : memref<10000x128xf32, #tpu.memory_space<vmem_shared>> -> memref<208x128xf32, #tpu.memory_space<vmem_shared>>
      tpu.wait_dma2 semaphore(%run_scoped3A_179 : memref<!tpu.dma_semaphore, #tpu.memory_space<semaphore_mem>>) src(%arg15 : memref<208x128xf32, #tpu.memory_space<vmem>>) dst(%dma_wait3A_187 : memref<208x128xf32, #tpu.memory_space<vmem_shared>>)
      tpu.yield
    }) : () -> ()
    %eq3A_147 = arith.constant 15 : i32
    %eq3A_148 = arith.cmpi eq, %arg1, %eq3A_147 : i32
    %convert_element_type3A_149 = arith.extui %eq3A_148 : i1 to i32
    %cond3A_150 = arith.constant 0 : i32
    %cond3A_151 = arith.cmpi ne, %convert_element_type3A_149, %cond3A_150 : i32
    scf.if %cond3A_151 {
      "tpu.region"() ({
        %run_scoped3A_179 = tpu.sem_alloc : memref<!tpu.dma_semaphore, #tpu.memory_space<semaphore_mem>>
        %dma_start3A_180 = arith.constant 0 : i32
        %dma_start3A_181 = arith.constant 0 : i32
        %dma_start3A_182 = tpu.memref_slice %arg15[%dma_start3A_180, %dma_start3A_181] : memref<208x128xf32, #tpu.memory_space<vmem>> -> memref<16x128xf32, #tpu.memory_space<vmem>>
        %dma_start3A_183 = arith.constant 9984 : i32
        %dma_start3A_184 = arith.constant 0 : i32
        %dma_start3A_185 = tpu.memref_slice %arg16[%dma_start3A_183, %dma_start3A_184] : memref<10000x128xf32, #tpu.memory_space<vmem_shared>> -> memref<16x128xf32, #tpu.memory_space<vmem_shared>>
        %dma_start3A_186 = arith.constant 9984 : i32
        %dma_start3A_187 = arith.constant 0 : i32
        %dma_start3A_188 = tpu.memref_slice %arg16[%dma_start3A_186, %dma_start3A_187] : memref<10000x128xf32, #tpu.memory_space<vmem_shared>> -> memref<16x128xf32, #tpu.memory_space<vmem_shared>>
        %dma_start3A_189 = arith.constant 0 : i32
        %dma_start3A_190 = arith.constant 0 : i32
        %dma_start3A_191 = tpu.memref_slice %arg15[%dma_start3A_189, %dma_start3A_190] : memref<208x128xf32, #tpu.memory_space<vmem>> -> memref<16x128xf32, #tpu.memory_space<vmem>>
        tpu.enqueue_dma source(%dma_start3A_191 : memref<16x128xf32, #tpu.memory_space<vmem>>) target(%dma_start3A_188 : memref<16x128xf32, #tpu.memory_space<vmem_shared>>) target_semaphore(%run_scoped3A_179 : memref<!tpu.dma_semaphore, #tpu.memory_space<semaphore_mem>>)
        %dma_wait3A_192 = arith.constant 0 : i32
        %dma_wait3A_193 = arith.constant 0 : i32
        %dma_wait3A_194 = tpu.memref_slice %arg15[%dma_wait3A_192, %dma_wait3A_193] : memref<208x128xf32, #tpu.memory_space<vmem>> -> memref<16x128xf32, #tpu.memory_space<vmem>>
        %dma_wait3A_195 = arith.constant 9984 : i32
        %dma_wait3A_196 = arith.constant 0 : i32
        %dma_wait3A_197 = tpu.memref_slice %arg16[%dma_wait3A_195, %dma_wait3A_196] : memref<10000x128xf32, #tpu.memory_space<vmem_shared>> -> memref<16x128xf32, #tpu.memory_space<vmem_shared>>
        %dma_wait3A_198 = arith.constant 9984 : i32
        %dma_wait3A_199 = arith.constant 0 : i32
        %dma_wait3A_200 = tpu.memref_slice %arg16[%dma_wait3A_198, %dma_wait3A_199] : memref<10000x128xf32, #tpu.memory_space<vmem_shared>> -> memref<16x128xf32, #tpu.memory_space<vmem_shared>>
        %dma_wait3A_201 = arith.constant 0 : i32
        %dma_wait3A_202 = arith.constant 0 : i32
        %dma_wait3A_203 = tpu.memref_slice %arg15[%dma_wait3A_201, %dma_wait3A_202] : memref<208x128xf32, #tpu.memory_space<vmem>> -> memref<16x128xf32, #tpu.memory_space<vmem>>
        tpu.wait_dma2 semaphore(%run_scoped3A_179 : memref<!tpu.dma_semaphore, #tpu.memory_space<semaphore_mem>>) src(%dma_wait3A_203 : memref<16x128xf32, #tpu.memory_space<vmem>>) dst(%dma_wait3A_200 : memref<16x128xf32, #tpu.memory_space<vmem_shared>>)
        tpu.yield
      }) : () -> ()
    } else {
    }
    %barrier3A_152 = arith.constant 0 : index
    tpu.barrier barrier_id(%barrier3A_152)
    %scan3A_153 = arith.constant 0 : i32
    %scan3A_154 = arith.constant 0 : i32
    %scan3A_155 = arith.constant 78 : i32
    %scan3A_156 = arith.addi %scan3A_154, %scan3A_155 : i32
    %scan3A_157 = arith.constant 1 : i32
    %scan3A_158 = scf.for %scan3A_179 = %scan3A_154 to %scan3A_156 step %scan3A_157 iter_args(%scan3A_180 = %scan3A_153) -> (i32)  : i32 {
      %mul3A_181 = arith.constant 128 : i32
      %mul3A_182 = arith.muli %scan3A_179, %mul3A_181 : i32
      %add3A_183 = arith.addi %mul3A_2, %mul3A_182 : i32
      "tpu.region"() ({
        %run_scoped3A_191 = tpu.sem_alloc : memref<!tpu.dma_semaphore, #tpu.memory_space<semaphore_mem>>
        %dma_start3A_192 = tpu.memref_slice %arg6[%add3A_183] : memref<320000xi32, #tpu.memory_space<hbm>> -> memref<128xi32, #tpu.memory_space<hbm>>
        %dma_start3A_193 = tpu.memref_slice %arg6[%add3A_183] : memref<320000xi32, #tpu.memory_space<hbm>> -> memref<128xi32, #tpu.memory_space<hbm>>
        tpu.enqueue_dma source(%dma_start3A_193 : memref<128xi32, #tpu.memory_space<hbm>>) target(%arg9 : memref<128xi32, #tpu.memory_space<vmem>>) target_semaphore(%run_scoped3A_191 : memref<!tpu.dma_semaphore, #tpu.memory_space<semaphore_mem>>)
        %dma_wait3A_194 = tpu.memref_slice %arg6[%add3A_183] : memref<320000xi32, #tpu.memory_space<hbm>> -> memref<128xi32, #tpu.memory_space<hbm>>
        %dma_wait3A_195 = tpu.memref_slice %arg6[%add3A_183] : memref<320000xi32, #tpu.memory_space<hbm>> -> memref<128xi32, #tpu.memory_space<hbm>>
        tpu.wait_dma2 semaphore(%run_scoped3A_191 : memref<!tpu.dma_semaphore, #tpu.memory_space<semaphore_mem>>) src(%dma_wait3A_195 : memref<128xi32, #tpu.memory_space<hbm>>) dst(%arg9 : memref<128xi32, #tpu.memory_space<vmem>>)
        tpu.yield
      }) : () -> ()
      "tpu.region"() ({
        %run_scoped3A_191 = tpu.sem_alloc : memref<!tpu.dma_semaphore, #tpu.memory_space<semaphore_mem>>
        %dma_start3A_192 = tpu.memref_slice %arg7[%add3A_183] : memref<320000xi32, #tpu.memory_space<hbm>> -> memref<128xi32, #tpu.memory_space<hbm>>
        %dma_start3A_193 = tpu.memref_slice %arg7[%add3A_183] : memref<320000xi32, #tpu.memory_space<hbm>> -> memref<128xi32, #tpu.memory_space<hbm>>
        tpu.enqueue_dma source(%dma_start3A_193 : memref<128xi32, #tpu.memory_space<hbm>>) target(%arg10 : memref<128xi32, #tpu.memory_space<vmem>>) target_semaphore(%run_scoped3A_191 : memref<!tpu.dma_semaphore, #tpu.memory_space<semaphore_mem>>)
        %dma_wait3A_194 = tpu.memref_slice %arg7[%add3A_183] : memref<320000xi32, #tpu.memory_space<hbm>> -> memref<128xi32, #tpu.memory_space<hbm>>
        %dma_wait3A_195 = tpu.memref_slice %arg7[%add3A_183] : memref<320000xi32, #tpu.memory_space<hbm>> -> memref<128xi32, #tpu.memory_space<hbm>>
        tpu.wait_dma2 semaphore(%run_scoped3A_191 : memref<!tpu.dma_semaphore, #tpu.memory_space<semaphore_mem>>) src(%dma_wait3A_195 : memref<128xi32, #tpu.memory_space<hbm>>) dst(%arg10 : memref<128xi32, #tpu.memory_space<vmem>>)
        tpu.yield
      }) : () -> ()
      %dma_start3A_184 = arith.constant 0 : i32
      %dma_start3A_185 = arith.constant 0 : i32
      %dma_start3A_186 = tpu.memref_slice %arg5[%dma_start3A_184, %dma_start3A_185] : memref<10000x128xf32, #tpu.memory_space<hbm>> -> memref<10000x128xf32, #tpu.memory_space<hbm>>
      tpu.enqueue_indirect_dma source(%dma_start3A_186 : memref<10000x128xf32, #tpu.memory_space<hbm>>) target(%arg11 : memref<128x128xf32, #tpu.memory_space<vmem>>) offsets(%arg9 : memref<128xi32, #tpu.memory_space<vmem>>) semaphore(%arg17 : memref<!tpu.dma_semaphore, #tpu.memory_space<semaphore_mem>>)
      %dma_wait3A_187 = arith.constant 0 : i32
      %dma_wait3A_188 = arith.constant 0 : i32
      %dma_wait3A_189 = tpu.memref_slice %arg5[%dma_wait3A_187, %dma_wait3A_188] : memref<10000x128xf32, #tpu.memory_space<hbm>> -> memref<10000x128xf32, #tpu.memory_space<hbm>>
      tpu.wait_indirect_dma semaphore(%arg17 : memref<!tpu.dma_semaphore, #tpu.memory_space<semaphore_mem>>) src(%dma_wait3A_189 : memref<10000x128xf32, #tpu.memory_space<hbm>>) dst(%arg11 : memref<128x128xf32, #tpu.memory_space<vmem>>)
      "tpu.region"() ({
        %run_scoped3A_191 = tpu.sem_alloc : memref<!tpu.dma_semaphore, #tpu.memory_space<semaphore_mem>>
        %dma_start3A_192 = arith.constant 0 : i32
        %dma_start3A_193 = arith.constant 0 : i32
        %dma_start3A_194 = tpu.memref_slice %arg16[%dma_start3A_192, %dma_start3A_193] : memref<10000x128xf32, #tpu.memory_space<vmem_shared>> -> memref<10000x128xf32, #tpu.memory_space<vmem_shared>>
        tpu.enqueue_indirect_dma source(%arg11 : memref<128x128xf32, #tpu.memory_space<vmem>>) target(%dma_start3A_194 : memref<10000x128xf32, #tpu.memory_space<vmem_shared>>) offsets(%arg10 : memref<128xi32, #tpu.memory_space<vmem>>) semaphore(%run_scoped3A_191 : memref<!tpu.dma_semaphore, #tpu.memory_space<semaphore_mem>>) {add = true}
        %dma_wait3A_195 = arith.constant 0 : i32
        %dma_wait3A_196 = arith.constant 0 : i32
        %dma_wait3A_197 = tpu.memref_slice %arg16[%dma_wait3A_195, %dma_wait3A_196] : memref<10000x128xf32, #tpu.memory_space<vmem_shared>> -> memref<10000x128xf32, #tpu.memory_space<vmem_shared>>
        tpu.wait_indirect_dma semaphore(%run_scoped3A_191 : memref<!tpu.dma_semaphore, #tpu.memory_space<semaphore_mem>>) src(%arg11 : memref<128x128xf32, #tpu.memory_space<vmem>>) dst(%dma_wait3A_197 : memref<10000x128xf32, #tpu.memory_space<vmem_shared>>)
        tpu.yield
      }) : () -> ()
      %scan3A_190 = arith.constant 0 : i32
      scf.yield %scan3A_190 : i32
    }
    %scan3A_159 = arith.constant 78 : i32
    %add3A_160 = arith.constant 9984 : i32
    %add3A_161 = arith.addi %mul3A_2, %add3A_160 : i32
    "tpu.region"() ({
      %run_scoped3A_179 = tpu.sem_alloc : memref<!tpu.dma_semaphore, #tpu.memory_space<semaphore_mem>>
      %dma_start3A_180 = tpu.memref_slice %arg6[%add3A_161] : memref<320000xi32, #tpu.memory_space<hbm>> -> memref<16xi32, #tpu.memory_space<hbm>>
      %dma_start3A_181 = tpu.memref_slice %arg6[%add3A_161] : memref<320000xi32, #tpu.memory_space<hbm>> -> memref<16xi32, #tpu.memory_space<hbm>>
      tpu.enqueue_dma source(%dma_start3A_181 : memref<16xi32, #tpu.memory_space<hbm>>) target(%arg12 : memref<16xi32, #tpu.memory_space<vmem>>) target_semaphore(%run_scoped3A_179 : memref<!tpu.dma_semaphore, #tpu.memory_space<semaphore_mem>>)
      %dma_wait3A_182 = tpu.memref_slice %arg6[%add3A_161] : memref<320000xi32, #tpu.memory_space<hbm>> -> memref<16xi32, #tpu.memory_space<hbm>>
      %dma_wait3A_183 = tpu.memref_slice %arg6[%add3A_161] : memref<320000xi32, #tpu.memory_space<hbm>> -> memref<16xi32, #tpu.memory_space<hbm>>
      tpu.wait_dma2 semaphore(%run_scoped3A_179 : memref<!tpu.dma_semaphore, #tpu.memory_space<semaphore_mem>>) src(%dma_wait3A_183 : memref<16xi32, #tpu.memory_space<hbm>>) dst(%arg12 : memref<16xi32, #tpu.memory_space<vmem>>)
      tpu.yield
    }) : () -> ()
    "tpu.region"() ({
      %run_scoped3A_179 = tpu.sem_alloc : memref<!tpu.dma_semaphore, #tpu.memory_space<semaphore_mem>>
      %dma_start3A_180 = tpu.memref_slice %arg7[%add3A_161] : memref<320000xi32, #tpu.memory_space<hbm>> -> memref<16xi32, #tpu.memory_space<hbm>>
      %dma_start3A_181 = tpu.memref_slice %arg7[%add3A_161] : memref<320000xi32, #tpu.memory_space<hbm>> -> memref<16xi32, #tpu.memory_space<hbm>>
      tpu.enqueue_dma source(%dma_start3A_181 : memref<16xi32, #tpu.memory_space<hbm>>) target(%arg13 : memref<16xi32, #tpu.memory_space<vmem>>) target_semaphore(%run_scoped3A_179 : memref<!tpu.dma_semaphore, #tpu.memory_space<semaphore_mem>>)
      %dma_wait3A_182 = tpu.memref_slice %arg7[%add3A_161] : memref<320000xi32, #tpu.memory_space<hbm>> -> memref<16xi32, #tpu.memory_space<hbm>>
      %dma_wait3A_183 = tpu.memref_slice %arg7[%add3A_161] : memref<320000xi32, #tpu.memory_space<hbm>> -> memref<16xi32, #tpu.memory_space<hbm>>
      tpu.wait_dma2 semaphore(%run_scoped3A_179 : memref<!tpu.dma_semaphore, #tpu.memory_space<semaphore_mem>>) src(%dma_wait3A_183 : memref<16xi32, #tpu.memory_space<hbm>>) dst(%arg13 : memref<16xi32, #tpu.memory_space<vmem>>)
      tpu.yield
    }) : () -> ()
    %dma_start3A_162 = arith.constant 0 : i32
    %dma_start3A_163 = arith.constant 0 : i32
    %dma_start3A_164 = tpu.memref_slice %arg5[%dma_start3A_162, %dma_start3A_163] : memref<10000x128xf32, #tpu.memory_space<hbm>> -> memref<10000x128xf32, #tpu.memory_space<hbm>>
    tpu.enqueue_indirect_dma source(%dma_start3A_164 : memref<10000x128xf32, #tpu.memory_space<hbm>>) target(%arg14 : memref<16x128xf32, #tpu.memory_space<vmem>>) offsets(%arg12 : memref<16xi32, #tpu.memory_space<vmem>>) semaphore(%arg17 : memref<!tpu.dma_semaphore, #tpu.memory_space<semaphore_mem>>)
    %dma_wait3A_165 = arith.constant 0 : i32
    %dma_wait3A_166 = arith.constant 0 : i32
    %dma_wait3A_167 = tpu.memref_slice %arg5[%dma_wait3A_165, %dma_wait3A_166] : memref<10000x128xf32, #tpu.memory_space<hbm>> -> memref<10000x128xf32, #tpu.memory_space<hbm>>
    tpu.wait_indirect_dma semaphore(%arg17 : memref<!tpu.dma_semaphore, #tpu.memory_space<semaphore_mem>>) src(%dma_wait3A_167 : memref<10000x128xf32, #tpu.memory_space<hbm>>) dst(%arg14 : memref<16x128xf32, #tpu.memory_space<vmem>>)
    "tpu.region"() ({
      %run_scoped3A_179 = tpu.sem_alloc : memref<!tpu.dma_semaphore, #tpu.memory_space<semaphore_mem>>
      %dma_start3A_180 = arith.constant 0 : i32
      %dma_start3A_181 = arith.constant 0 : i32
      %dma_start3A_182 = tpu.memref_slice %arg16[%dma_start3A_180, %dma_start3A_181] : memref<10000x128xf32, #tpu.memory_space<vmem_shared>> -> memref<10000x128xf32, #tpu.memory_space<vmem_shared>>
      tpu.enqueue_indirect_dma source(%arg14 : memref<16x128xf32, #tpu.memory_space<vmem>>) target(%dma_start3A_182 : memref<10000x128xf32, #tpu.memory_space<vmem_shared>>) offsets(%arg13 : memref<16xi32, #tpu.memory_space<vmem>>) semaphore(%run_scoped3A_179 : memref<!tpu.dma_semaphore, #tpu.memory_space<semaphore_mem>>) {add = true}
      %dma_wait3A_183 = arith.constant 0 : i32
      %dma_wait3A_184 = arith.constant 0 : i32
      %dma_wait3A_185 = tpu.memref_slice %arg16[%dma_wait3A_183, %dma_wait3A_184] : memref<10000x128xf32, #tpu.memory_space<vmem_shared>> -> memref<10000x128xf32, #tpu.memory_space<vmem_shared>>
      tpu.wait_indirect_dma semaphore(%run_scoped3A_179 : memref<!tpu.dma_semaphore, #tpu.memory_space<semaphore_mem>>) src(%arg14 : memref<16x128xf32, #tpu.memory_space<vmem>>) dst(%dma_wait3A_185 : memref<10000x128xf32, #tpu.memory_space<vmem_shared>>)
      tpu.yield
    }) : () -> ()
    %barrier3A_168 = arith.constant 0 : index
    tpu.barrier barrier_id(%barrier3A_168)
    %mul3A_169 = arith.constant 624 : i32
    %mul3A_170 = arith.muli %arg1, %mul3A_169 : i32
    %mul3A_171 = arith.constant 624 : i32
    %mul3A_172 = arith.muli %arg1, %mul3A_171 : i32
    %run_scoped3A_173 = arith.constant 3 : i32
    "tpu.region"() ({
      %run_scoped3A_179 = tpu.sem_alloc : memref<!tpu.dma_semaphore, #tpu.memory_space<semaphore_mem>>
      %dma_start3A_180 = arith.constant 0 : i32
      %dma_start3A_181 = tpu.memref_slice %arg8[%arg0, %run_scoped3A_173, %mul3A_172, %dma_start3A_180] : memref<2x4x10000x128xf32, #tpu.memory_space<hbm>> -> memref<1x1x624x128xf32, #tpu.memory_space<hbm>>
      %dma_start3A_182 = tpu.memref_squeeze %dma_start3A_181 : memref<1x1x624x128xf32, #tpu.memory_space<hbm>> -> memref<624x128xf32, #tpu.memory_space<hbm>>
      %dma_start3A_183 = arith.constant 0 : i32
      %dma_start3A_184 = tpu.memref_slice %arg16[%mul3A_170, %dma_start3A_183] : memref<10000x128xf32, #tpu.memory_space<vmem_shared>> -> memref<624x128xf32, #tpu.memory_space<vmem_shared>>
      tpu.enqueue_dma source(%dma_start3A_184 : memref<624x128xf32, #tpu.memory_space<vmem_shared>>) target(%dma_start3A_182 : memref<624x128xf32, #tpu.memory_space<hbm>>) target_semaphore(%run_scoped3A_179 : memref<!tpu.dma_semaphore, #tpu.memory_space<semaphore_mem>>)
      %dma_wait3A_185 = arith.constant 0 : i32
      %dma_wait3A_186 = tpu.memref_slice %arg8[%arg0, %run_scoped3A_173, %mul3A_172, %dma_wait3A_185] : memref<2x4x10000x128xf32, #tpu.memory_space<hbm>> -> memref<1x1x624x128xf32, #tpu.memory_space<hbm>>
      %dma_wait3A_187 = tpu.memref_squeeze %dma_wait3A_186 : memref<1x1x624x128xf32, #tpu.memory_space<hbm>> -> memref<624x128xf32, #tpu.memory_space<hbm>>
      %dma_wait3A_188 = arith.constant 0 : i32
      %dma_wait3A_189 = tpu.memref_slice %arg16[%mul3A_170, %dma_wait3A_188] : memref<10000x128xf32, #tpu.memory_space<vmem_shared>> -> memref<624x128xf32, #tpu.memory_space<vmem_shared>>
      tpu.wait_dma2 semaphore(%run_scoped3A_179 : memref<!tpu.dma_semaphore, #tpu.memory_space<semaphore_mem>>) src(%dma_wait3A_189 : memref<624x128xf32, #tpu.memory_space<vmem_shared>>) dst(%dma_wait3A_187 : memref<624x128xf32, #tpu.memory_space<hbm>>)
      tpu.yield
    }) : () -> ()
    %eq3A_174 = arith.constant 15 : i32
    %eq3A_175 = arith.cmpi eq, %arg1, %eq3A_174 : i32
    %convert_element_type3A_176 = arith.extui %eq3A_175 : i1 to i32
    %cond3A_177 = arith.constant 0 : i32
    %cond3A_178 = arith.cmpi ne, %convert_element_type3A_176, %cond3A_177 : i32
    scf.if %cond3A_178 {
      %run_scoped3A_179 = arith.constant 3 : i32
      "tpu.region"() ({
        %run_scoped3A_180 = tpu.sem_alloc : memref<!tpu.dma_semaphore, #tpu.memory_space<semaphore_mem>>
        %dma_start3A_181 = arith.constant 9984 : i32
        %dma_start3A_182 = arith.constant 0 : i32
        %dma_start3A_183 = tpu.memref_slice %arg8[%arg0, %run_scoped3A_179, %dma_start3A_181, %dma_start3A_182] : memref<2x4x10000x128xf32, #tpu.memory_space<hbm>> -> memref<1x1x16x128xf32, #tpu.memory_space<hbm>>
        %dma_start3A_184 = tpu.memref_squeeze %dma_start3A_183 : memref<1x1x16x128xf32, #tpu.memory_space<hbm>> -> memref<16x128xf32, #tpu.memory_space<hbm>>
        %dma_start3A_185 = arith.constant 9984 : i32
        %dma_start3A_186 = arith.constant 0 : i32
        %dma_start3A_187 = tpu.memref_slice %arg16[%dma_start3A_185, %dma_start3A_186] : memref<10000x128xf32, #tpu.memory_space<vmem_shared>> -> memref<16x128xf32, #tpu.memory_space<vmem_shared>>
        tpu.enqueue_dma source(%dma_start3A_187 : memref<16x128xf32, #tpu.memory_space<vmem_shared>>) target(%dma_start3A_184 : memref<16x128xf32, #tpu.memory_space<hbm>>) target_semaphore(%run_scoped3A_180 : memref<!tpu.dma_semaphore, #tpu.memory_space<semaphore_mem>>)
        %dma_wait3A_188 = arith.constant 9984 : i32
        %dma_wait3A_189 = arith.constant 0 : i32
        %dma_wait3A_190 = tpu.memref_slice %arg8[%arg0, %run_scoped3A_179, %dma_wait3A_188, %dma_wait3A_189] : memref<2x4x10000x128xf32, #tpu.memory_space<hbm>> -> memref<1x1x16x128xf32, #tpu.memory_space<hbm>>
        %dma_wait3A_191 = tpu.memref_squeeze %dma_wait3A_190 : memref<1x1x16x128xf32, #tpu.memory_space<hbm>> -> memref<16x128xf32, #tpu.memory_space<hbm>>
        %dma_wait3A_192 = arith.constant 9984 : i32
        %dma_wait3A_193 = arith.constant 0 : i32
        %dma_wait3A_194 = tpu.memref_slice %arg16[%dma_wait3A_192, %dma_wait3A_193] : memref<10000x128xf32, #tpu.memory_space<vmem_shared>> -> memref<16x128xf32, #tpu.memory_space<vmem_shared>>
        tpu.wait_dma2 semaphore(%run_scoped3A_180 : memref<!tpu.dma_semaphore, #tpu.memory_space<semaphore_mem>>) src(%dma_wait3A_194 : memref<16x128xf32, #tpu.memory_space<vmem_shared>>) dst(%dma_wait3A_191 : memref<16x128xf32, #tpu.memory_space<hbm>>)
        tpu.yield
      }) : () -> ()
    } else {
    }
    return
  }
}

module attributes {stable_mosaic.version = 14 : i64} {
  func.func @body(%arg0: i32, %arg1: memref<2x1x1000x128xf32, #tpu.memory_space<vmem>>, %arg2: memref<1000x1xf32, #tpu.memory_space<vmem>>, %arg3: memref<1000x128xf32, #tpu.memory_space<vmem>>, %arg4: memref<1x64xf32, #tpu.memory_space<vmem>>, %arg5: memref<64x128xf32, #tpu.memory_space<vmem>>, %arg6: memref<64x64xf32, #tpu.memory_space<vmem>>, %arg7: memref<1000x64xf32, #tpu.memory_space<vmem>>, %arg8: memref<1000x128xf32, #tpu.memory_space<vmem>>) attributes {dimension_semantics = [#tpu.dimension_semantics<arbitrary>], iteration_bounds = array<i64: 10>, scalar_prefetch = 0 : i64, scratch_operands = 0 : i64, tpu.core_type = #tpu.core_type<tc>, window_params = [{transform_indices = @transform_0, window_bounds = array<i64: 2, 1, 1000, 128>}, {transform_indices = @transform_1, window_bounds = array<i64: 1000, 1>}, {transform_indices = @transform_2, window_bounds = array<i64: 1000, 128>}, {pipeline_mode = #tpu.pipeline_mode<synchronous>, transform_indices = @transform_3, window_bounds = array<i64: 1, 64>}, {pipeline_mode = #tpu.pipeline_mode<synchronous>, transform_indices = @transform_4, window_bounds = array<i64: 64, 128>}, {pipeline_mode = #tpu.pipeline_mode<synchronous>, transform_indices = @transform_5, window_bounds = array<i64: 64, 64>}, {transform_indices = @transform_6, window_bounds = array<i64: 1000, 64>}, {transform_indices = @transform_7, window_bounds = array<i64: 1000, 128>}]} {
    %get3A = arith.constant 0 : index
    %get3A_0 = arith.constant 0 : index
    %get3A_1 = vector.load %arg2[%get3A, %get3A_0] : memref<1000x1xf32, #tpu.memory_space<vmem>>, vector<1000x1xf32>
    %get3A_2 = arith.constant 0 : index
    %get3A_3 = arith.constant 0 : index
    %get3A_4 = vector.load %arg3[%get3A_2, %get3A_3] : memref<1000x128xf32, #tpu.memory_space<vmem>>, vector<1000x128xf32>
    %get3A_5 = arith.constant 0 : index
    %get3A_6 = arith.constant 0 : index
    %get3A_7 = vector.load %arg5[%get3A_5, %get3A_6] : memref<64x128xf32, #tpu.memory_space<vmem>>, vector<64x128xf32>
    %dot_general3A = arith.constant dense<0.000000e+00> : vector<1000x64xf32>
    %dot_general3A_8 = tpu.matmul %get3A_4, %get3A_7, %dot_general3A {dimension_numbers = #tpu.dot_dimension_numbers<[1], [1], [0], [0], [0, 0, 1, 0], [], []>, transpose_lhs_hint = false} : vector<1000x128xf32>, vector<64x128xf32>, vector<1000x64xf32> -> vector<1000x64xf32>
    %get3A_9 = arith.constant 0 : index
    %get3A_10 = arith.constant 0 : index
    %get3A_11 = vector.load %arg4[%get3A_9, %get3A_10] : memref<1x64xf32, #tpu.memory_space<vmem>>, vector<1x64xf32>
    %add3A = vector.broadcast %get3A_11 : vector<1x64xf32> to vector<1000x64xf32>
    %add3A_12 = arith.addf %dot_general3A_8, %add3A : vector<1000x64xf32>
    %get3A_13 = arith.constant 0 : index
    %get3A_14 = arith.constant 0 : index
    %get3A_15 = arith.constant 0 : index
    %get3A_16 = arith.constant 0 : index
    %get3A_17 = vector.load %arg1[%get3A_13, %get3A_14, %get3A_15, %get3A_16] : memref<2x1x1000x128xf32, #tpu.memory_space<vmem>>, vector<1x1x1000x64xf32>
    %get3A_18 = vector.shape_cast %get3A_17 : vector<1x1x1000x64xf32> to vector<1000x64xf32>
    %get3A_19 = arith.constant 1 : index
    %get3A_20 = arith.constant 0 : index
    %get3A_21 = arith.constant 0 : index
    %get3A_22 = arith.constant 0 : index
    %get3A_23 = vector.load %arg1[%get3A_19, %get3A_20, %get3A_21, %get3A_22] : memref<2x1x1000x128xf32, #tpu.memory_space<vmem>>, vector<1x1x1000x64xf32>
    %get3A_24 = vector.shape_cast %get3A_23 : vector<1x1x1000x64xf32> to vector<1000x64xf32>
    %add3A_25 = arith.addf %get3A_18, %get3A_24 : vector<1000x64xf32>
    %mul3A = vector.broadcast %get3A_1 : vector<1000x1xf32> to vector<1000x64xf32>
    %mul3A_26 = arith.mulf %add3A_25, %mul3A : vector<1000x64xf32>
    %add3A_27 = arith.addf %add3A_12, %mul3A_26 : vector<1000x64xf32>
    %max3A = arith.constant 0.000000e+00 : f32
    %max3A_28 = vector.broadcast %max3A : f32 to vector<1000x64xf32>
    %max3A_29 = arith.maximumf %add3A_27, %max3A_28 : vector<1000x64xf32>
    %swap3A = arith.constant 0 : index
    %swap3A_30 = arith.constant 0 : index
    %swap3A_31 = vector.load %arg7[%swap3A, %swap3A_30] : memref<1000x64xf32, #tpu.memory_space<vmem>>, vector<1000x64xf32>
    tpu.vector_store %arg7[%swap3A, %swap3A_30], %max3A_29 {strides = array<i32>} : memref<1000x64xf32, #tpu.memory_space<vmem>>, vector<1000x64xf32>,
    %get3A_32 = arith.constant 0 : index
    %get3A_33 = arith.constant 0 : index
    %get3A_34 = vector.load %arg6[%get3A_32, %get3A_33] : memref<64x64xf32, #tpu.memory_space<vmem>>, vector<64x64xf32>
    %dot_general3A_35 = arith.constant dense<0.000000e+00> : vector<1000x64xf32>
    %dot_general3A_36 = tpu.matmul %max3A_29, %get3A_34, %dot_general3A_35 {dimension_numbers = #tpu.dot_dimension_numbers<[1], [1], [0], [0], [0, 0, 1, 0], [], []>, transpose_lhs_hint = false} : vector<1000x64xf32>, vector<64x64xf32>, vector<1000x64xf32> -> vector<1000x64xf32>
    %broadcast_in_dim3A = arith.constant 0.000000e+00 : f32
    %broadcast_in_dim3A_37 = vector.broadcast %broadcast_in_dim3A : f32 to vector<1000x64xf32>
    %concatenate3A = tpu.concatenate %dot_general3A_36, %broadcast_in_dim3A_37 in 1 : vector<1000x64xf32>, vector<1000x64xf32> -> vector<1000x128xf32>
    %swap3A_38 = arith.constant 0 : index
    %swap3A_39 = arith.constant 0 : index
    %swap3A_40 = vector.load %arg8[%swap3A_38, %swap3A_39] : memref<1000x128xf32, #tpu.memory_space<vmem>>, vector<1000x128xf32>
    tpu.vector_store %arg8[%swap3A_38, %swap3A_39], %concatenate3A {strides = array<i32>} : memref<1000x128xf32, #tpu.memory_space<vmem>>, vector<1000x128xf32>,
    return
  }
  func.func @transform_0(%arg0: i32) -> (i32, i32, i32, i32) {
    %c0_i32 = arith.constant 0 : i32
    %c0_i32_0 = arith.constant 0 : i32
    %c0_i32_1 = arith.constant 0 : i32
    %c0_i32_2 = arith.constant 0 : i32
    return %c0_i32, %c0_i32_0, %arg0, %c0_i32_1 : i32, i32, i32, i32
  }
  func.func @transform_1(%arg0: i32) -> (i32, i32) {
    %c0_i32 = arith.constant 0 : i32
    %c0_i32_0 = arith.constant 0 : i32
    return %arg0, %c0_i32 : i32, i32
  }
  func.func @transform_2(%arg0: i32) -> (i32, i32) {
    %c0_i32 = arith.constant 0 : i32
    %c0_i32_0 = arith.constant 0 : i32
    return %arg0, %c0_i32 : i32, i32
  }
  func.func @transform_3(%arg0: i32) -> (i32, i32) {
    %c0_i32 = arith.constant 0 : i32
    %c0_i32_0 = arith.constant 0 : i32
    %c0_i32_1 = arith.constant 0 : i32
    return %c0_i32, %c0_i32_0 : i32, i32
  }
  func.func @transform_4(%arg0: i32) -> (i32, i32) {
    %c0_i32 = arith.constant 0 : i32
    %c0_i32_0 = arith.constant 0 : i32
    %c0_i32_1 = arith.constant 0 : i32
    return %c0_i32, %c0_i32_0 : i32, i32
  }
  func.func @transform_5(%arg0: i32) -> (i32, i32) {
    %c0_i32 = arith.constant 0 : i32
    %c0_i32_0 = arith.constant 0 : i32
    %c0_i32_1 = arith.constant 0 : i32
    return %c0_i32, %c0_i32_0 : i32, i32
  }
  func.func @transform_6(%arg0: i32) -> (i32, i32) {
    %c0_i32 = arith.constant 0 : i32
    %c0_i32_0 = arith.constant 0 : i32
    return %arg0, %c0_i32 : i32, i32
  }
  func.func @transform_7(%arg0: i32) -> (i32, i32) {
    %c0_i32 = arith.constant 0 : i32
    %c0_i32_0 = arith.constant 0 : i32
    return %arg0, %c0_i32 : i32, i32
  }
}

module attributes {stable_mosaic.version = 14 : i64} {
  func.func @body(%arg0: i32, %arg1: memref<1000x128xf32, #tpu.memory_space<vmem>>, %arg2: memref<64x128xf32, #tpu.memory_space<vmem>>, %arg3: memref<1000x128xf32, #tpu.memory_space<vmem>>) attributes {dimension_semantics = [#tpu.dimension_semantics<arbitrary>], iteration_bounds = array<i64: 10>, scalar_prefetch = 0 : i64, scratch_operands = 0 : i64, tpu.core_type = #tpu.core_type<tc>, window_params = [{transform_indices = @transform_0, window_bounds = array<i64: 1000, 128>}, {pipeline_mode = #tpu.pipeline_mode<synchronous>, transform_indices = @transform_1, window_bounds = array<i64: 64, 128>}, {transform_indices = @transform_2, window_bounds = array<i64: 1000, 128>}]} {
    %get3A = arith.constant 0 : index
    %get3A_0 = arith.constant 0 : index
    %get3A_1 = vector.load %arg1[%get3A, %get3A_0] : memref<1000x128xf32, #tpu.memory_space<vmem>>, vector<1000x128xf32>
    %get3A_2 = arith.constant 0 : index
    %get3A_3 = arith.constant 0 : index
    %get3A_4 = vector.load %arg2[%get3A_2, %get3A_3] : memref<64x128xf32, #tpu.memory_space<vmem>>, vector<64x128xf32>
    %dot_general3A = arith.constant dense<0.000000e+00> : vector<1000x64xf32>
    %dot_general3A_5 = tpu.matmul %get3A_1, %get3A_4, %dot_general3A {dimension_numbers = #tpu.dot_dimension_numbers<[1], [1], [0], [0], [0, 0, 1, 0], [], []>, transpose_lhs_hint = false} : vector<1000x128xf32>, vector<64x128xf32>, vector<1000x64xf32> -> vector<1000x64xf32>
    %broadcast_in_dim3A = arith.constant 1.000000e+00 : f32
    %broadcast_in_dim3A_6 = vector.broadcast %broadcast_in_dim3A : f32 to vector<1000x64xf32>
    %concatenate3A = tpu.concatenate %dot_general3A_5, %broadcast_in_dim3A_6 in 1 : vector<1000x64xf32>, vector<1000x64xf32> -> vector<1000x128xf32>
    %swap3A = arith.constant 0 : index
    %swap3A_7 = arith.constant 0 : index
    %swap3A_8 = vector.load %arg3[%swap3A, %swap3A_7] : memref<1000x128xf32, #tpu.memory_space<vmem>>, vector<1000x128xf32>
    tpu.vector_store %arg3[%swap3A, %swap3A_7], %concatenate3A {strides = array<i32>} : memref<1000x128xf32, #tpu.memory_space<vmem>>, vector<1000x128xf32>,
    return
  }
  func.func @transform_0(%arg0: i32) -> (i32, i32) {
    %c0_i32 = arith.constant 0 : i32
    %c0_i32_0 = arith.constant 0 : i32
    return %arg0, %c0_i32 : i32, i32
  }
  func.func @transform_1(%arg0: i32) -> (i32, i32) {
    %c0_i32 = arith.constant 0 : i32
    %c0_i32_0 = arith.constant 0 : i32
    %c0_i32_1 = arith.constant 0 : i32
    return %c0_i32, %c0_i32_0 : i32, i32
  }
  func.func @transform_2(%arg0: i32) -> (i32, i32) {
    %c0_i32 = arith.constant 0 : i32
    %c0_i32_0 = arith.constant 0 : i32
    return %arg0, %c0_i32 : i32, i32
  }
}

module attributes {stable_mosaic.version = 14 : i64} {
  func.func @body(%arg0: i32, %arg1: memref<2x1x1000x128xf32, #tpu.memory_space<vmem>>, %arg2: memref<1000x1xf32, #tpu.memory_space<vmem>>) attributes {dimension_semantics = [#tpu.dimension_semantics<arbitrary>], iteration_bounds = array<i64: 10>, scalar_prefetch = 0 : i64, scratch_operands = 0 : i64, tpu.core_type = #tpu.core_type<tc>, window_params = [{transform_indices = @transform_0, window_bounds = array<i64: 2, 1, 1000, 128>}, {transform_indices = @transform_1, window_bounds = array<i64: 1000, 1>}]} {
    %get3A = arith.constant 0 : index
    %get3A_0 = arith.constant 0 : index
    %get3A_1 = arith.constant 0 : index
    %get3A_2 = arith.constant 64 : index
    %get3A_3 = vector.load %arg1[%get3A, %get3A_0, %get3A_1, %get3A_2] : memref<2x1x1000x128xf32, #tpu.memory_space<vmem>>, vector<1x1x1000x1xf32>
    %get3A_4 = vector.shape_cast %get3A_3 : vector<1x1x1000x1xf32> to vector<1000xf32>
    %get3A_5 = arith.constant 1 : index
    %get3A_6 = arith.constant 0 : index
    %get3A_7 = arith.constant 0 : index
    %get3A_8 = arith.constant 64 : index
    %get3A_9 = vector.load %arg1[%get3A_5, %get3A_6, %get3A_7, %get3A_8] : memref<2x1x1000x128xf32, #tpu.memory_space<vmem>>, vector<1x1x1000x1xf32>
    %get3A_10 = vector.shape_cast %get3A_9 : vector<1x1x1000x1xf32> to vector<1000xf32>
    %add3A = arith.addf %get3A_4, %get3A_10 : vector<1000xf32>
    %max3A = arith.constant 1.000000e+00 : f32
    %max3A_11 = vector.broadcast %max3A : f32 to vector<1000xf32>
    %max3A_12 = arith.maximumf %add3A, %max3A_11 : vector<1000xf32>
    %div3A = arith.constant 1.000000e+00 : f32
    %div3A_13 = vector.broadcast %div3A : f32 to vector<1000xf32>
    %div3A_14 = arith.divf %div3A_13, %max3A_12 : vector<1000xf32>
    %broadcast_in_dim3A = vector.shape_cast %div3A_14 : vector<1000xf32> to vector<1000x1xf32>
    %swap3A = arith.constant 0 : index
    %swap3A_15 = arith.constant 0 : index
    %swap3A_16 = vector.load %arg2[%swap3A, %swap3A_15] : memref<1000x1xf32, #tpu.memory_space<vmem>>, vector<1000x1xf32>
    tpu.vector_store %arg2[%swap3A, %swap3A_15], %broadcast_in_dim3A {strides = array<i32>} : memref<1000x1xf32, #tpu.memory_space<vmem>>, vector<1000x1xf32>,
    return
  }
  func.func @transform_0(%arg0: i32) -> (i32, i32, i32, i32) {
    %c0_i32 = arith.constant 0 : i32
    %c0_i32_0 = arith.constant 0 : i32
    %c0_i32_1 = arith.constant 0 : i32
    %c0_i32_2 = arith.constant 0 : i32
    return %c0_i32, %c0_i32_0, %arg0, %c0_i32_1 : i32, i32, i32, i32
  }
  func.func @transform_1(%arg0: i32) -> (i32, i32) {
    %c0_i32 = arith.constant 0 : i32
    %c0_i32_0 = arith.constant 0 : i32
    return %arg0, %c0_i32 : i32, i32
  }
}

module attributes {stable_mosaic.version = 14 : i64} {
  func.func @body(%arg0: i32, %arg1: memref<2x1x1000x128xf32, #tpu.memory_space<vmem>>, %arg2: memref<1000x1xf32, #tpu.memory_space<vmem>>, %arg3: memref<1000x64xf32, #tpu.memory_space<vmem>>, %arg4: memref<1x64xf32, #tpu.memory_space<vmem>>, %arg5: memref<64x64xf32, #tpu.memory_space<vmem>>, %arg6: memref<1000x64xf32, #tpu.memory_space<vmem>>, %arg7: memref<1000x128xf32, #tpu.memory_space<vmem>>) attributes {dimension_semantics = [#tpu.dimension_semantics<arbitrary>], iteration_bounds = array<i64: 10>, scalar_prefetch = 0 : i64, scratch_operands = 0 : i64, tpu.core_type = #tpu.core_type<tc>, window_params = [{transform_indices = @transform_0, window_bounds = array<i64: 2, 1, 1000, 128>}, {transform_indices = @transform_1, window_bounds = array<i64: 1000, 1>}, {transform_indices = @transform_2, window_bounds = array<i64: 1000, 64>}, {pipeline_mode = #tpu.pipeline_mode<synchronous>, transform_indices = @transform_3, window_bounds = array<i64: 1, 64>}, {pipeline_mode = #tpu.pipeline_mode<synchronous>, transform_indices = @transform_4, window_bounds = array<i64: 64, 64>}, {transform_indices = @transform_5, window_bounds = array<i64: 1000, 64>}, {transform_indices = @transform_6, window_bounds = array<i64: 1000, 128>}]} {
    %get3A = arith.constant 0 : index
    %get3A_0 = arith.constant 0 : index
    %get3A_1 = vector.load %arg2[%get3A, %get3A_0] : memref<1000x1xf32, #tpu.memory_space<vmem>>, vector<1000x1xf32>
    %get3A_2 = arith.constant 0 : index
    %get3A_3 = arith.constant 0 : index
    %get3A_4 = vector.load %arg3[%get3A_2, %get3A_3] : memref<1000x64xf32, #tpu.memory_space<vmem>>, vector<1000x64xf32>
    %get3A_5 = arith.constant 0 : index
    %get3A_6 = arith.constant 0 : index
    %get3A_7 = vector.load %arg5[%get3A_5, %get3A_6] : memref<64x64xf32, #tpu.memory_space<vmem>>, vector<64x64xf32>
    %dot_general3A = arith.constant dense<0.000000e+00> : vector<1000x64xf32>
    %dot_general3A_8 = tpu.matmul %get3A_4, %get3A_7, %dot_general3A {dimension_numbers = #tpu.dot_dimension_numbers<[1], [1], [0], [0], [0, 0, 1, 0], [], []>, transpose_lhs_hint = false} : vector<1000x64xf32>, vector<64x64xf32>, vector<1000x64xf32> -> vector<1000x64xf32>
    %get3A_9 = arith.constant 0 : index
    %get3A_10 = arith.constant 0 : index
    %get3A_11 = vector.load %arg4[%get3A_9, %get3A_10] : memref<1x64xf32, #tpu.memory_space<vmem>>, vector<1x64xf32>
    %add3A = vector.broadcast %get3A_11 : vector<1x64xf32> to vector<1000x64xf32>
    %add3A_12 = arith.addf %dot_general3A_8, %add3A : vector<1000x64xf32>
    %get3A_13 = arith.constant 0 : index
    %get3A_14 = arith.constant 0 : index
    %get3A_15 = arith.constant 0 : index
    %get3A_16 = arith.constant 0 : index
    %get3A_17 = vector.load %arg1[%get3A_13, %get3A_14, %get3A_15, %get3A_16] : memref<2x1x1000x128xf32, #tpu.memory_space<vmem>>, vector<1x1x1000x64xf32>
    %get3A_18 = vector.shape_cast %get3A_17 : vector<1x1x1000x64xf32> to vector<1000x64xf32>
    %get3A_19 = arith.constant 1 : index
    %get3A_20 = arith.constant 0 : index
    %get3A_21 = arith.constant 0 : index
    %get3A_22 = arith.constant 0 : index
    %get3A_23 = vector.load %arg1[%get3A_19, %get3A_20, %get3A_21, %get3A_22] : memref<2x1x1000x128xf32, #tpu.memory_space<vmem>>, vector<1x1x1000x64xf32>
    %get3A_24 = vector.shape_cast %get3A_23 : vector<1x1x1000x64xf32> to vector<1000x64xf32>
    %add3A_25 = arith.addf %get3A_18, %get3A_24 : vector<1000x64xf32>
    %mul3A = vector.broadcast %get3A_1 : vector<1000x1xf32> to vector<1000x64xf32>
    %mul3A_26 = arith.mulf %add3A_25, %mul3A : vector<1000x64xf32>
    %add3A_27 = arith.addf %add3A_12, %mul3A_26 : vector<1000x64xf32>
    %ge3A = arith.constant 0.000000e+00 : f32
    %ge3A_28 = vector.broadcast %ge3A : f32 to vector<1000x64xf32>
    %ge3A_29 = arith.cmpf oge, %add3A_27, %ge3A_28 : vector<1000x64xf32>
    %mul3A_30 = arith.constant 1.000000e-01 : f32
    %mul3A_31 = vector.broadcast %mul3A_30 : f32 to vector<1000x64xf32>
    %mul3A_32 = arith.mulf %mul3A_31, %add3A_27 : vector<1000x64xf32>
    %select_n3A = arith.select %ge3A_29, %add3A_27, %mul3A_32 : vector<1000x64xi1>, vector<1000x64xf32>
    %swap3A = arith.constant 0 : index
    %swap3A_33 = arith.constant 0 : index
    %swap3A_34 = vector.load %arg6[%swap3A, %swap3A_33] : memref<1000x64xf32, #tpu.memory_space<vmem>>, vector<1000x64xf32>
    tpu.vector_store %arg6[%swap3A, %swap3A_33], %select_n3A {strides = array<i32>} : memref<1000x64xf32, #tpu.memory_space<vmem>>, vector<1000x64xf32>,
    %broadcast_in_dim3A = arith.constant 0.000000e+00 : f32
    %broadcast_in_dim3A_35 = vector.broadcast %broadcast_in_dim3A : f32 to vector<1000x64xf32>
    %concatenate3A = tpu.concatenate %select_n3A, %broadcast_in_dim3A_35 in 1 : vector<1000x64xf32>, vector<1000x64xf32> -> vector<1000x128xf32>
    %swap3A_36 = arith.constant 0 : index
    %swap3A_37 = arith.constant 0 : index
    %swap3A_38 = vector.load %arg7[%swap3A_36, %swap3A_37] : memref<1000x128xf32, #tpu.memory_space<vmem>>, vector<1000x128xf32>
    tpu.vector_store %arg7[%swap3A_36, %swap3A_37], %concatenate3A {strides = array<i32>} : memref<1000x128xf32, #tpu.memory_space<vmem>>, vector<1000x128xf32>,
    return
  }
  func.func @transform_0(%arg0: i32) -> (i32, i32, i32, i32) {
    %c0_i32 = arith.constant 0 : i32
    %c0_i32_0 = arith.constant 0 : i32
    %c0_i32_1 = arith.constant 0 : i32
    %c0_i32_2 = arith.constant 0 : i32
    return %c0_i32, %c0_i32_0, %arg0, %c0_i32_1 : i32, i32, i32, i32
  }
  func.func @transform_1(%arg0: i32) -> (i32, i32) {
    %c0_i32 = arith.constant 0 : i32
    %c0_i32_0 = arith.constant 0 : i32
    return %arg0, %c0_i32 : i32, i32
  }
  func.func @transform_2(%arg0: i32) -> (i32, i32) {
    %c0_i32 = arith.constant 0 : i32
    %c0_i32_0 = arith.constant 0 : i32
    return %arg0, %c0_i32 : i32, i32
  }
  func.func @transform_3(%arg0: i32) -> (i32, i32) {
    %c0_i32 = arith.constant 0 : i32
    %c0_i32_0 = arith.constant 0 : i32
    %c0_i32_1 = arith.constant 0 : i32
    return %c0_i32, %c0_i32_0 : i32, i32
  }
  func.func @transform_4(%arg0: i32) -> (i32, i32) {
    %c0_i32 = arith.constant 0 : i32
    %c0_i32_0 = arith.constant 0 : i32
    %c0_i32_1 = arith.constant 0 : i32
    return %c0_i32, %c0_i32_0 : i32, i32
  }
  func.func @transform_5(%arg0: i32) -> (i32, i32) {
    %c0_i32 = arith.constant 0 : i32
    %c0_i32_0 = arith.constant 0 : i32
    return %arg0, %c0_i32 : i32, i32
  }
  func.func @transform_6(%arg0: i32) -> (i32, i32) {
    %c0_i32 = arith.constant 0 : i32
    %c0_i32_0 = arith.constant 0 : i32
    return %arg0, %c0_i32 : i32, i32
  }
}

module attributes {stable_mosaic.version = 14 : i64} {
  func.func @body(%arg0: i32, %arg1: memref<2x2x1000x128xf32, #tpu.memory_space<vmem>>, %arg2: memref<1000x1xf32, #tpu.memory_space<vmem>>, %arg3: memref<1000x256xf32, #tpu.memory_space<vmem>>, %arg4: memref<1x256xf32, #tpu.memory_space<vmem>>, %arg5: memref<256x256xf32, #tpu.memory_space<vmem>>, %arg6: memref<1000x256xf32, #tpu.memory_space<vmem>>, %arg7: memref<1000x128xf32, #tpu.memory_space<vmem>>, %arg8: memref<1000x128xf32, #tpu.memory_space<vmem>>) attributes {dimension_semantics = [#tpu.dimension_semantics<arbitrary>], iteration_bounds = array<i64: 10>, scalar_prefetch = 0 : i64, scratch_operands = 0 : i64, tpu.core_type = #tpu.core_type<tc>, window_params = [{transform_indices = @transform_0, window_bounds = array<i64: 2, 2, 1000, 128>}, {transform_indices = @transform_1, window_bounds = array<i64: 1000, 1>}, {transform_indices = @transform_2, window_bounds = array<i64: 1000, 256>}, {pipeline_mode = #tpu.pipeline_mode<synchronous>, transform_indices = @transform_3, window_bounds = array<i64: 1, 256>}, {pipeline_mode = #tpu.pipeline_mode<synchronous>, transform_indices = @transform_4, window_bounds = array<i64: 256, 256>}, {transform_indices = @transform_5, window_bounds = array<i64: 1000, 256>}, {transform_indices = @transform_6, window_bounds = array<i64: 1000, 128>}, {transform_indices = @transform_7, window_bounds = array<i64: 1000, 128>}]} {
    %get3A = arith.constant 0 : index
    %get3A_0 = arith.constant 0 : index
    %get3A_1 = vector.load %arg2[%get3A, %get3A_0] : memref<1000x1xf32, #tpu.memory_space<vmem>>, vector<1000x1xf32>
    %get3A_2 = arith.constant 0 : index
    %get3A_3 = arith.constant 0 : index
    %get3A_4 = vector.load %arg3[%get3A_2, %get3A_3] : memref<1000x256xf32, #tpu.memory_space<vmem>>, vector<1000x256xf32>
    %get3A_5 = arith.constant 0 : index
    %get3A_6 = arith.constant 0 : index
    %get3A_7 = vector.load %arg5[%get3A_5, %get3A_6] : memref<256x256xf32, #tpu.memory_space<vmem>>, vector<256x256xf32>
    %dot_general3A = arith.constant dense<0.000000e+00> : vector<1000x256xf32>
    %dot_general3A_8 = tpu.matmul %get3A_4, %get3A_7, %dot_general3A {dimension_numbers = #tpu.dot_dimension_numbers<[1], [1], [0], [0], [0, 0, 1, 0], [], []>, transpose_lhs_hint = false} : vector<1000x256xf32>, vector<256x256xf32>, vector<1000x256xf32> -> vector<1000x256xf32>
    %get3A_9 = arith.constant 0 : index
    %get3A_10 = arith.constant 0 : index
    %get3A_11 = vector.load %arg4[%get3A_9, %get3A_10] : memref<1x256xf32, #tpu.memory_space<vmem>>, vector<1x256xf32>
    %add3A = vector.broadcast %get3A_11 : vector<1x256xf32> to vector<1000x256xf32>
    %add3A_12 = arith.addf %dot_general3A_8, %add3A : vector<1000x256xf32>
    %get3A_13 = arith.constant 0 : index
    %get3A_14 = arith.constant 0 : index
    %get3A_15 = arith.constant 0 : index
    %get3A_16 = arith.constant 0 : index
    %get3A_17 = vector.load %arg1[%get3A_13, %get3A_14, %get3A_15, %get3A_16] : memref<2x2x1000x128xf32, #tpu.memory_space<vmem>>, vector<1x1x1000x128xf32>
    %get3A_18 = vector.shape_cast %get3A_17 : vector<1x1x1000x128xf32> to vector<1000x128xf32>
    %get3A_19 = arith.constant 1 : index
    %get3A_20 = arith.constant 0 : index
    %get3A_21 = arith.constant 0 : index
    %get3A_22 = arith.constant 0 : index
    %get3A_23 = vector.load %arg1[%get3A_19, %get3A_20, %get3A_21, %get3A_22] : memref<2x2x1000x128xf32, #tpu.memory_space<vmem>>, vector<1x1x1000x128xf32>
    %get3A_24 = vector.shape_cast %get3A_23 : vector<1x1x1000x128xf32> to vector<1000x128xf32>
    %add3A_25 = arith.addf %get3A_18, %get3A_24 : vector<1000x128xf32>
    %mul3A = vector.broadcast %get3A_1 : vector<1000x1xf32> to vector<1000x128xf32>
    %mul3A_26 = arith.mulf %add3A_25, %mul3A : vector<1000x128xf32>
    %slice3A = vector.extract_strided_slice %add3A_12 {offsets = [0, 0], sizes = [1000, 128], strides = [1, 1]} : vector<1000x256xf32> to vector<1000x128xf32>
    %add3A_27 = arith.addf %slice3A, %mul3A_26 : vector<1000x128xf32>
    %get3A_28 = arith.constant 0 : index
    %get3A_29 = arith.constant 1 : index
    %get3A_30 = arith.constant 0 : index
    %get3A_31 = arith.constant 0 : index
    %get3A_32 = vector.load %arg1[%get3A_28, %get3A_29, %get3A_30, %get3A_31] : memref<2x2x1000x128xf32, #tpu.memory_space<vmem>>, vector<1x1x1000x128xf32>
    %get3A_33 = vector.shape_cast %get3A_32 : vector<1x1x1000x128xf32> to vector<1000x128xf32>
    %get3A_34 = arith.constant 1 : index
    %get3A_35 = arith.constant 1 : index
    %get3A_36 = arith.constant 0 : index
    %get3A_37 = arith.constant 0 : index
    %get3A_38 = vector.load %arg1[%get3A_34, %get3A_35, %get3A_36, %get3A_37] : memref<2x2x1000x128xf32, #tpu.memory_space<vmem>>, vector<1x1x1000x128xf32>
    %get3A_39 = vector.shape_cast %get3A_38 : vector<1x1x1000x128xf32> to vector<1000x128xf32>
    %add3A_40 = arith.addf %get3A_33, %get3A_39 : vector<1000x128xf32>
    %mul3A_41 = vector.broadcast %get3A_1 : vector<1000x1xf32> to vector<1000x128xf32>
    %mul3A_42 = arith.mulf %add3A_40, %mul3A_41 : vector<1000x128xf32>
    %slice3A_43 = vector.extract_strided_slice %add3A_12 {offsets = [0, 128], sizes = [1000, 128], strides = [1, 1]} : vector<1000x256xf32> to vector<1000x128xf32>
    %add3A_44 = arith.addf %slice3A_43, %mul3A_42 : vector<1000x128xf32>
    %concatenate3A = tpu.concatenate %add3A_27, %add3A_44 in 1 : vector<1000x128xf32>, vector<1000x128xf32> -> vector<1000x256xf32>
    %ge3A = arith.constant 0.000000e+00 : f32
    %ge3A_45 = vector.broadcast %ge3A : f32 to vector<1000x256xf32>
    %ge3A_46 = arith.cmpf oge, %concatenate3A, %ge3A_45 : vector<1000x256xf32>
    %mul3A_47 = arith.constant 1.000000e-01 : f32
    %mul3A_48 = vector.broadcast %mul3A_47 : f32 to vector<1000x256xf32>
    %mul3A_49 = arith.mulf %mul3A_48, %concatenate3A : vector<1000x256xf32>
    %select_n3A = arith.select %ge3A_46, %concatenate3A, %mul3A_49 : vector<1000x256xi1>, vector<1000x256xf32>
    %swap3A = arith.constant 0 : index
    %swap3A_50 = arith.constant 0 : index
    %swap3A_51 = vector.load %arg6[%swap3A, %swap3A_50] : memref<1000x256xf32, #tpu.memory_space<vmem>>, vector<1000x256xf32>
    tpu.vector_store %arg6[%swap3A, %swap3A_50], %select_n3A {strides = array<i32>} : memref<1000x256xf32, #tpu.memory_space<vmem>>, vector<1000x256xf32>,
    %slice3A_52 = vector.extract_strided_slice %select_n3A {offsets = [0, 0], sizes = [1000, 128], strides = [1, 1]} : vector<1000x256xf32> to vector<1000x128xf32>
    %slice3A_53 = vector.extract_strided_slice %select_n3A {offsets = [0, 128], sizes = [1000, 128], strides = [1, 1]} : vector<1000x256xf32> to vector<1000x128xf32>
    %swap3A_54 = arith.constant 0 : index
    %swap3A_55 = arith.constant 0 : index
    %swap3A_56 = vector.load %arg7[%swap3A_54, %swap3A_55] : memref<1000x128xf32, #tpu.memory_space<vmem>>, vector<1000x128xf32>
    tpu.vector_store %arg7[%swap3A_54, %swap3A_55], %slice3A_52 {strides = array<i32>} : memref<1000x128xf32, #tpu.memory_space<vmem>>, vector<1000x128xf32>,
    %swap3A_57 = arith.constant 0 : index
    %swap3A_58 = arith.constant 0 : index
    %swap3A_59 = vector.load %arg8[%swap3A_57, %swap3A_58] : memref<1000x128xf32, #tpu.memory_space<vmem>>, vector<1000x128xf32>
    tpu.vector_store %arg8[%swap3A_57, %swap3A_58], %slice3A_53 {strides = array<i32>} : memref<1000x128xf32, #tpu.memory_space<vmem>>, vector<1000x128xf32>,
    return
  }
  func.func @transform_0(%arg0: i32) -> (i32, i32, i32, i32) {
    %c0_i32 = arith.constant 0 : i32
    %c0_i32_0 = arith.constant 0 : i32
    %c0_i32_1 = arith.constant 0 : i32
    %c0_i32_2 = arith.constant 0 : i32
    return %c0_i32, %c0_i32_0, %arg0, %c0_i32_1 : i32, i32, i32, i32
  }
  func.func @transform_1(%arg0: i32) -> (i32, i32) {
    %c0_i32 = arith.constant 0 : i32
    %c0_i32_0 = arith.constant 0 : i32
    return %arg0, %c0_i32 : i32, i32
  }
  func.func @transform_2(%arg0: i32) -> (i32, i32) {
    %c0_i32 = arith.constant 0 : i32
    %c0_i32_0 = arith.constant 0 : i32
    return %arg0, %c0_i32 : i32, i32
  }
  func.func @transform_3(%arg0: i32) -> (i32, i32) {
    %c0_i32 = arith.constant 0 : i32
    %c0_i32_0 = arith.constant 0 : i32
    %c0_i32_1 = arith.constant 0 : i32
    return %c0_i32, %c0_i32_0 : i32, i32
  }
  func.func @transform_4(%arg0: i32) -> (i32, i32) {
    %c0_i32 = arith.constant 0 : i32
    %c0_i32_0 = arith.constant 0 : i32
    %c0_i32_1 = arith.constant 0 : i32
    return %c0_i32, %c0_i32_0 : i32, i32
  }
  func.func @transform_5(%arg0: i32) -> (i32, i32) {
    %c0_i32 = arith.constant 0 : i32
    %c0_i32_0 = arith.constant 0 : i32
    return %arg0, %c0_i32 : i32, i32
  }
  func.func @transform_6(%arg0: i32) -> (i32, i32) {
    %c0_i32 = arith.constant 0 : i32
    %c0_i32_0 = arith.constant 0 : i32
    return %arg0, %c0_i32 : i32, i32
  }
  func.func @transform_7(%arg0: i32) -> (i32, i32) {
    %c0_i32 = arith.constant 0 : i32
    %c0_i32_0 = arith.constant 0 : i32
    return %arg0, %c0_i32 : i32, i32
  }
}

module attributes {stable_mosaic.version = 14 : i64} {
  func.func @body(%arg0: i32, %arg1: memref<2x1x1000x128xf32, #tpu.memory_space<vmem>>, %arg2: memref<1000x1xf32, #tpu.memory_space<vmem>>, %arg3: memref<1000x64xf32, #tpu.memory_space<vmem>>, %arg4: memref<1x256xf32, #tpu.memory_space<vmem>>, %arg5: memref<256x64xf32, #tpu.memory_space<vmem>>, %arg6: memref<256x64xf32, #tpu.memory_space<vmem>>, %arg7: memref<256x256xf32, #tpu.memory_space<vmem>>, %arg8: memref<1000x256xf32, #tpu.memory_space<vmem>>, %arg9: memref<1000x128xf32, #tpu.memory_space<vmem>>, %arg10: memref<1000x128xf32, #tpu.memory_space<vmem>>) attributes {dimension_semantics = [#tpu.dimension_semantics<arbitrary>], iteration_bounds = array<i64: 10>, scalar_prefetch = 0 : i64, scratch_operands = 0 : i64, tpu.core_type = #tpu.core_type<tc>, window_params = [{transform_indices = @transform_0, window_bounds = array<i64: 2, 1, 1000, 128>}, {transform_indices = @transform_1, window_bounds = array<i64: 1000, 1>}, {transform_indices = @transform_2, window_bounds = array<i64: 1000, 64>}, {pipeline_mode = #tpu.pipeline_mode<synchronous>, transform_indices = @transform_3, window_bounds = array<i64: 1, 256>}, {pipeline_mode = #tpu.pipeline_mode<synchronous>, transform_indices = @transform_4, window_bounds = array<i64: 256, 64>}, {pipeline_mode = #tpu.pipeline_mode<synchronous>, transform_indices = @transform_5, window_bounds = array<i64: 256, 64>}, {pipeline_mode = #tpu.pipeline_mode<synchronous>, transform_indices = @transform_6, window_bounds = array<i64: 256, 256>}, {transform_indices = @transform_7, window_bounds = array<i64: 1000, 256>}, {transform_indices = @transform_8, window_bounds = array<i64: 1000, 128>}, {transform_indices = @transform_9, window_bounds = array<i64: 1000, 128>}]} {
    %get3A = arith.constant 0 : index
    %get3A_0 = arith.constant 0 : index
    %get3A_1 = vector.load %arg2[%get3A, %get3A_0] : memref<1000x1xf32, #tpu.memory_space<vmem>>, vector<1000x1xf32>
    %get3A_2 = arith.constant 0 : index
    %get3A_3 = arith.constant 0 : index
    %get3A_4 = vector.load %arg3[%get3A_2, %get3A_3] : memref<1000x64xf32, #tpu.memory_space<vmem>>, vector<1000x64xf32>
    %get3A_5 = arith.constant 0 : index
    %get3A_6 = arith.constant 0 : index
    %get3A_7 = vector.load %arg5[%get3A_5, %get3A_6] : memref<256x64xf32, #tpu.memory_space<vmem>>, vector<256x64xf32>
    %dot_general3A = arith.constant dense<0.000000e+00> : vector<1000x256xf32>
    %dot_general3A_8 = tpu.matmul %get3A_4, %get3A_7, %dot_general3A {dimension_numbers = #tpu.dot_dimension_numbers<[1], [1], [0], [0], [0, 0, 1, 0], [], []>, transpose_lhs_hint = false} : vector<1000x64xf32>, vector<256x64xf32>, vector<1000x256xf32> -> vector<1000x256xf32>
    %get3A_9 = arith.constant 0 : index
    %get3A_10 = arith.constant 0 : index
    %get3A_11 = vector.load %arg4[%get3A_9, %get3A_10] : memref<1x256xf32, #tpu.memory_space<vmem>>, vector<1x256xf32>
    %add3A = vector.broadcast %get3A_11 : vector<1x256xf32> to vector<1000x256xf32>
    %add3A_12 = arith.addf %dot_general3A_8, %add3A : vector<1000x256xf32>
    %get3A_13 = arith.constant 0 : index
    %get3A_14 = arith.constant 0 : index
    %get3A_15 = vector.load %arg6[%get3A_13, %get3A_14] : memref<256x64xf32, #tpu.memory_space<vmem>>, vector<256x64xf32>
    %get3A_16 = arith.constant 0 : index
    %get3A_17 = arith.constant 0 : index
    %get3A_18 = arith.constant 0 : index
    %get3A_19 = arith.constant 0 : index
    %get3A_20 = vector.load %arg1[%get3A_16, %get3A_17, %get3A_18, %get3A_19] : memref<2x1x1000x128xf32, #tpu.memory_space<vmem>>, vector<1x1x1000x64xf32>
    %get3A_21 = vector.shape_cast %get3A_20 : vector<1x1x1000x64xf32> to vector<1000x64xf32>
    %get3A_22 = arith.constant 1 : index
    %get3A_23 = arith.constant 0 : index
    %get3A_24 = arith.constant 0 : index
    %get3A_25 = arith.constant 0 : index
    %get3A_26 = vector.load %arg1[%get3A_22, %get3A_23, %get3A_24, %get3A_25] : memref<2x1x1000x128xf32, #tpu.memory_space<vmem>>, vector<1x1x1000x64xf32>
    %get3A_27 = vector.shape_cast %get3A_26 : vector<1x1x1000x64xf32> to vector<1000x64xf32>
    %add3A_28 = arith.addf %get3A_21, %get3A_27 : vector<1000x64xf32>
    %mul3A = vector.broadcast %get3A_1 : vector<1000x1xf32> to vector<1000x64xf32>
    %mul3A_29 = arith.mulf %add3A_28, %mul3A : vector<1000x64xf32>
    %dot_general3A_30 = arith.constant dense<0.000000e+00> : vector<1000x256xf32>
    %dot_general3A_31 = tpu.matmul %mul3A_29, %get3A_15, %dot_general3A_30 {dimension_numbers = #tpu.dot_dimension_numbers<[1], [1], [0], [0], [0, 0, 1, 0], [], []>, transpose_lhs_hint = false} : vector<1000x64xf32>, vector<256x64xf32>, vector<1000x256xf32> -> vector<1000x256xf32>
    %add3A_32 = arith.addf %add3A_12, %dot_general3A_31 : vector<1000x256xf32>
    %max3A = arith.constant 0.000000e+00 : f32
    %max3A_33 = vector.broadcast %max3A : f32 to vector<1000x256xf32>
    %max3A_34 = arith.maximumf %add3A_32, %max3A_33 : vector<1000x256xf32>
    %swap3A = arith.constant 0 : index
    %swap3A_35 = arith.constant 0 : index
    %swap3A_36 = vector.load %arg8[%swap3A, %swap3A_35] : memref<1000x256xf32, #tpu.memory_space<vmem>>, vector<1000x256xf32>
    tpu.vector_store %arg8[%swap3A, %swap3A_35], %max3A_34 {strides = array<i32>} : memref<1000x256xf32, #tpu.memory_space<vmem>>, vector<1000x256xf32>,
    %get3A_37 = arith.constant 0 : index
    %get3A_38 = arith.constant 0 : index
    %get3A_39 = vector.load %arg7[%get3A_37, %get3A_38] : memref<256x256xf32, #tpu.memory_space<vmem>>, vector<256x256xf32>
    %dot_general3A_40 = arith.constant dense<0.000000e+00> : vector<1000x256xf32>
    %dot_general3A_41 = tpu.matmul %max3A_34, %get3A_39, %dot_general3A_40 {dimension_numbers = #tpu.dot_dimension_numbers<[1], [1], [0], [0], [0, 0, 1, 0], [], []>, transpose_lhs_hint = false} : vector<1000x256xf32>, vector<256x256xf32>, vector<1000x256xf32> -> vector<1000x256xf32>
    %slice3A = vector.extract_strided_slice %dot_general3A_41 {offsets = [0, 0], sizes = [1000, 128], strides = [1, 1]} : vector<1000x256xf32> to vector<1000x128xf32>
    %slice3A_42 = vector.extract_strided_slice %dot_general3A_41 {offsets = [0, 128], sizes = [1000, 128], strides = [1, 1]} : vector<1000x256xf32> to vector<1000x128xf32>
    %swap3A_43 = arith.constant 0 : index
    %swap3A_44 = arith.constant 0 : index
    %swap3A_45 = vector.load %arg9[%swap3A_43, %swap3A_44] : memref<1000x128xf32, #tpu.memory_space<vmem>>, vector<1000x128xf32>
    tpu.vector_store %arg9[%swap3A_43, %swap3A_44], %slice3A {strides = array<i32>} : memref<1000x128xf32, #tpu.memory_space<vmem>>, vector<1000x128xf32>,
    %swap3A_46 = arith.constant 0 : index
    %swap3A_47 = arith.constant 0 : index
    %swap3A_48 = vector.load %arg10[%swap3A_46, %swap3A_47] : memref<1000x128xf32, #tpu.memory_space<vmem>>, vector<1000x128xf32>
    tpu.vector_store %arg10[%swap3A_46, %swap3A_47], %slice3A_42 {strides = array<i32>} : memref<1000x128xf32, #tpu.memory_space<vmem>>, vector<1000x128xf32>,
    return
  }
  func.func @transform_0(%arg0: i32) -> (i32, i32, i32, i32) {
    %c0_i32 = arith.constant 0 : i32
    %c0_i32_0 = arith.constant 0 : i32
    %c0_i32_1 = arith.constant 0 : i32
    %c0_i32_2 = arith.constant 0 : i32
    return %c0_i32, %c0_i32_0, %arg0, %c0_i32_1 : i32, i32, i32, i32
  }
  func.func @transform_1(%arg0: i32) -> (i32, i32) {
    %c0_i32 = arith.constant 0 : i32
    %c0_i32_0 = arith.constant 0 : i32
    return %arg0, %c0_i32 : i32, i32
  }
  func.func @transform_2(%arg0: i32) -> (i32, i32) {
    %c0_i32 = arith.constant 0 : i32
    %c0_i32_0 = arith.constant 0 : i32
    return %arg0, %c0_i32 : i32, i32
  }
  func.func @transform_3(%arg0: i32) -> (i32, i32) {
    %c0_i32 = arith.constant 0 : i32
    %c0_i32_0 = arith.constant 0 : i32
    %c0_i32_1 = arith.constant 0 : i32
    return %c0_i32, %c0_i32_0 : i32, i32
  }
  func.func @transform_4(%arg0: i32) -> (i32, i32) {
    %c0_i32 = arith.constant 0 : i32
    %c0_i32_0 = arith.constant 0 : i32
    %c0_i32_1 = arith.constant 0 : i32
    return %c0_i32, %c0_i32_0 : i32, i32
  }
  func.func @transform_5(%arg0: i32) -> (i32, i32) {
    %c0_i32 = arith.constant 0 : i32
    %c0_i32_0 = arith.constant 0 : i32
    %c0_i32_1 = arith.constant 0 : i32
    return %c0_i32, %c0_i32_0 : i32, i32
  }
  func.func @transform_6(%arg0: i32) -> (i32, i32) {
    %c0_i32 = arith.constant 0 : i32
    %c0_i32_0 = arith.constant 0 : i32
    %c0_i32_1 = arith.constant 0 : i32
    return %c0_i32, %c0_i32_0 : i32, i32
  }
  func.func @transform_7(%arg0: i32) -> (i32, i32) {
    %c0_i32 = arith.constant 0 : i32
    %c0_i32_0 = arith.constant 0 : i32
    return %arg0, %c0_i32 : i32, i32
  }
  func.func @transform_8(%arg0: i32) -> (i32, i32) {
    %c0_i32 = arith.constant 0 : i32
    %c0_i32_0 = arith.constant 0 : i32
    return %arg0, %c0_i32 : i32, i32
  }
  func.func @transform_9(%arg0: i32) -> (i32, i32) {
    %c0_i32 = arith.constant 0 : i32
    %c0_i32_0 = arith.constant 0 : i32
    return %arg0, %c0_i32 : i32, i32
  }
}

module attributes {stable_mosaic.version = 14 : i64} {
  func.func @body(%arg0: i32, %arg1: memref<2x2x1000x128xf32, #tpu.memory_space<vmem>>, %arg2: memref<1000x1xf32, #tpu.memory_space<vmem>>, %arg3: memref<1000x256xf32, #tpu.memory_space<vmem>>, %arg4: memref<1x512xf32, #tpu.memory_space<vmem>>, %arg5: memref<512x256xf32, #tpu.memory_space<vmem>>, %arg6: memref<512x256xf32, #tpu.memory_space<vmem>>, %arg7: memref<512x512xf32, #tpu.memory_space<vmem>>, %arg8: memref<1000x512xf32, #tpu.memory_space<vmem>>, %arg9: memref<1000x128xf32, #tpu.memory_space<vmem>>, %arg10: memref<1000x128xf32, #tpu.memory_space<vmem>>, %arg11: memref<1000x128xf32, #tpu.memory_space<vmem>>, %arg12: memref<1000x128xf32, #tpu.memory_space<vmem>>) attributes {dimension_semantics = [#tpu.dimension_semantics<arbitrary>], iteration_bounds = array<i64: 10>, scalar_prefetch = 0 : i64, scratch_operands = 0 : i64, tpu.core_type = #tpu.core_type<tc>, window_params = [{transform_indices = @transform_0, window_bounds = array<i64: 2, 2, 1000, 128>}, {transform_indices = @transform_1, window_bounds = array<i64: 1000, 1>}, {transform_indices = @transform_2, window_bounds = array<i64: 1000, 256>}, {pipeline_mode = #tpu.pipeline_mode<synchronous>, transform_indices = @transform_3, window_bounds = array<i64: 1, 512>}, {pipeline_mode = #tpu.pipeline_mode<synchronous>, transform_indices = @transform_4, window_bounds = array<i64: 512, 256>}, {pipeline_mode = #tpu.pipeline_mode<synchronous>, transform_indices = @transform_5, window_bounds = array<i64: 512, 256>}, {pipeline_mode = #tpu.pipeline_mode<synchronous>, transform_indices = @transform_6, window_bounds = array<i64: 512, 512>}, {transform_indices = @transform_7, window_bounds = array<i64: 1000, 512>}, {transform_indices = @transform_8, window_bounds = array<i64: 1000, 128>}, {transform_indices = @transform_9, window_bounds = array<i64: 1000, 128>}, {transform_indices = @transform_10, window_bounds = array<i64: 1000, 128>}, {transform_indices = @transform_11, window_bounds = array<i64: 1000, 128>}]} {
    %get3A = arith.constant 0 : index
    %get3A_0 = arith.constant 0 : index
    %get3A_1 = vector.load %arg2[%get3A, %get3A_0] : memref<1000x1xf32, #tpu.memory_space<vmem>>, vector<1000x1xf32>
    %get3A_2 = arith.constant 0 : index
    %get3A_3 = arith.constant 0 : index
    %get3A_4 = vector.load %arg3[%get3A_2, %get3A_3] : memref<1000x256xf32, #tpu.memory_space<vmem>>, vector<1000x256xf32>
    %get3A_5 = arith.constant 0 : index
    %get3A_6 = arith.constant 0 : index
    %get3A_7 = vector.load %arg5[%get3A_5, %get3A_6] : memref<512x256xf32, #tpu.memory_space<vmem>>, vector<512x256xf32>
    %dot_general3A = arith.constant dense<0.000000e+00> : vector<1000x512xf32>
    %dot_general3A_8 = tpu.matmul %get3A_4, %get3A_7, %dot_general3A {dimension_numbers = #tpu.dot_dimension_numbers<[1], [1], [0], [0], [0, 0, 1, 0], [], []>, transpose_lhs_hint = false} : vector<1000x256xf32>, vector<512x256xf32>, vector<1000x512xf32> -> vector<1000x512xf32>
    %get3A_9 = arith.constant 0 : index
    %get3A_10 = arith.constant 0 : index
    %get3A_11 = vector.load %arg4[%get3A_9, %get3A_10] : memref<1x512xf32, #tpu.memory_space<vmem>>, vector<1x512xf32>
    %add3A = vector.broadcast %get3A_11 : vector<1x512xf32> to vector<1000x512xf32>
    %add3A_12 = arith.addf %dot_general3A_8, %add3A : vector<1000x512xf32>
    %get3A_13 = arith.constant 0 : index
    %get3A_14 = arith.constant 0 : index
    %get3A_15 = vector.load %arg6[%get3A_13, %get3A_14] : memref<512x256xf32, #tpu.memory_space<vmem>>, vector<512x256xf32>
    %get3A_16 = arith.constant 0 : index
    %get3A_17 = arith.constant 0 : index
    %get3A_18 = arith.constant 0 : index
    %get3A_19 = arith.constant 0 : index
    %get3A_20 = vector.load %arg1[%get3A_16, %get3A_17, %get3A_18, %get3A_19] : memref<2x2x1000x128xf32, #tpu.memory_space<vmem>>, vector<1x1x1000x128xf32>
    %get3A_21 = vector.shape_cast %get3A_20 : vector<1x1x1000x128xf32> to vector<1000x128xf32>
    %get3A_22 = arith.constant 1 : index
    %get3A_23 = arith.constant 0 : index
    %get3A_24 = arith.constant 0 : index
    %get3A_25 = arith.constant 0 : index
    %get3A_26 = vector.load %arg1[%get3A_22, %get3A_23, %get3A_24, %get3A_25] : memref<2x2x1000x128xf32, #tpu.memory_space<vmem>>, vector<1x1x1000x128xf32>
    %get3A_27 = vector.shape_cast %get3A_26 : vector<1x1x1000x128xf32> to vector<1000x128xf32>
    %add3A_28 = arith.addf %get3A_21, %get3A_27 : vector<1000x128xf32>
    %mul3A = vector.broadcast %get3A_1 : vector<1000x1xf32> to vector<1000x128xf32>
    %mul3A_29 = arith.mulf %add3A_28, %mul3A : vector<1000x128xf32>
    %slice3A = vector.extract_strided_slice %get3A_15 {offsets = [0, 0], sizes = [512, 128], strides = [1, 1]} : vector<512x256xf32> to vector<512x128xf32>
    %dot_general3A_30 = arith.constant dense<0.000000e+00> : vector<1000x512xf32>
    %dot_general3A_31 = tpu.matmul %mul3A_29, %slice3A, %dot_general3A_30 {dimension_numbers = #tpu.dot_dimension_numbers<[1], [1], [0], [0], [0, 0, 1, 0], [], []>, transpose_lhs_hint = false} : vector<1000x128xf32>, vector<512x128xf32>, vector<1000x512xf32> -> vector<1000x512xf32>
    %add3A_32 = arith.addf %add3A_12, %dot_general3A_31 : vector<1000x512xf32>
    %get3A_33 = arith.constant 0 : index
    %get3A_34 = arith.constant 1 : index
    %get3A_35 = arith.constant 0 : index
    %get3A_36 = arith.constant 0 : index
    %get3A_37 = vector.load %arg1[%get3A_33, %get3A_34, %get3A_35, %get3A_36] : memref<2x2x1000x128xf32, #tpu.memory_space<vmem>>, vector<1x1x1000x128xf32>
    %get3A_38 = vector.shape_cast %get3A_37 : vector<1x1x1000x128xf32> to vector<1000x128xf32>
    %get3A_39 = arith.constant 1 : index
    %get3A_40 = arith.constant 1 : index
    %get3A_41 = arith.constant 0 : index
    %get3A_42 = arith.constant 0 : index
    %get3A_43 = vector.load %arg1[%get3A_39, %get3A_40, %get3A_41, %get3A_42] : memref<2x2x1000x128xf32, #tpu.memory_space<vmem>>, vector<1x1x1000x128xf32>
    %get3A_44 = vector.shape_cast %get3A_43 : vector<1x1x1000x128xf32> to vector<1000x128xf32>
    %add3A_45 = arith.addf %get3A_38, %get3A_44 : vector<1000x128xf32>
    %mul3A_46 = vector.broadcast %get3A_1 : vector<1000x1xf32> to vector<1000x128xf32>
    %mul3A_47 = arith.mulf %add3A_45, %mul3A_46 : vector<1000x128xf32>
    %slice3A_48 = vector.extract_strided_slice %get3A_15 {offsets = [0, 128], sizes = [512, 128], strides = [1, 1]} : vector<512x256xf32> to vector<512x128xf32>
    %dot_general3A_49 = arith.constant dense<0.000000e+00> : vector<1000x512xf32>
    %dot_general3A_50 = tpu.matmul %mul3A_47, %slice3A_48, %dot_general3A_49 {dimension_numbers = #tpu.dot_dimension_numbers<[1], [1], [0], [0], [0, 0, 1, 0], [], []>, transpose_lhs_hint = false} : vector<1000x128xf32>, vector<512x128xf32>, vector<1000x512xf32> -> vector<1000x512xf32>
    %add3A_51 = arith.addf %add3A_32, %dot_general3A_50 : vector<1000x512xf32>
    %max3A = arith.constant 0.000000e+00 : f32
    %max3A_52 = vector.broadcast %max3A : f32 to vector<1000x512xf32>
    %max3A_53 = arith.maximumf %add3A_51, %max3A_52 : vector<1000x512xf32>
    %swap3A = arith.constant 0 : index
    %swap3A_54 = arith.constant 0 : index
    %swap3A_55 = vector.load %arg8[%swap3A, %swap3A_54] : memref<1000x512xf32, #tpu.memory_space<vmem>>, vector<1000x512xf32>
    tpu.vector_store %arg8[%swap3A, %swap3A_54], %max3A_53 {strides = array<i32>} : memref<1000x512xf32, #tpu.memory_space<vmem>>, vector<1000x512xf32>,
    %get3A_56 = arith.constant 0 : index
    %get3A_57 = arith.constant 0 : index
    %get3A_58 = vector.load %arg7[%get3A_56, %get3A_57] : memref<512x512xf32, #tpu.memory_space<vmem>>, vector<512x512xf32>
    %dot_general3A_59 = arith.constant dense<0.000000e+00> : vector<1000x512xf32>
    %dot_general3A_60 = tpu.matmul %max3A_53, %get3A_58, %dot_general3A_59 {dimension_numbers = #tpu.dot_dimension_numbers<[1], [1], [0], [0], [0, 0, 1, 0], [], []>, transpose_lhs_hint = false} : vector<1000x512xf32>, vector<512x512xf32>, vector<1000x512xf32> -> vector<1000x512xf32>
    %slice3A_61 = vector.extract_strided_slice %dot_general3A_60 {offsets = [0, 0], sizes = [1000, 128], strides = [1, 1]} : vector<1000x512xf32> to vector<1000x128xf32>
    %slice3A_62 = vector.extract_strided_slice %dot_general3A_60 {offsets = [0, 128], sizes = [1000, 128], strides = [1, 1]} : vector<1000x512xf32> to vector<1000x128xf32>
    %slice3A_63 = vector.extract_strided_slice %dot_general3A_60 {offsets = [0, 256], sizes = [1000, 128], strides = [1, 1]} : vector<1000x512xf32> to vector<1000x128xf32>
    %slice3A_64 = vector.extract_strided_slice %dot_general3A_60 {offsets = [0, 384], sizes = [1000, 128], strides = [1, 1]} : vector<1000x512xf32> to vector<1000x128xf32>
    %swap3A_65 = arith.constant 0 : index
    %swap3A_66 = arith.constant 0 : index
    %swap3A_67 = vector.load %arg9[%swap3A_65, %swap3A_66] : memref<1000x128xf32, #tpu.memory_space<vmem>>, vector<1000x128xf32>
    tpu.vector_store %arg9[%swap3A_65, %swap3A_66], %slice3A_61 {strides = array<i32>} : memref<1000x128xf32, #tpu.memory_space<vmem>>, vector<1000x128xf32>,
    %swap3A_68 = arith.constant 0 : index
    %swap3A_69 = arith.constant 0 : index
    %swap3A_70 = vector.load %arg10[%swap3A_68, %swap3A_69] : memref<1000x128xf32, #tpu.memory_space<vmem>>, vector<1000x128xf32>
    tpu.vector_store %arg10[%swap3A_68, %swap3A_69], %slice3A_62 {strides = array<i32>} : memref<1000x128xf32, #tpu.memory_space<vmem>>, vector<1000x128xf32>,
    %swap3A_71 = arith.constant 0 : index
    %swap3A_72 = arith.constant 0 : index
    %swap3A_73 = vector.load %arg11[%swap3A_71, %swap3A_72] : memref<1000x128xf32, #tpu.memory_space<vmem>>, vector<1000x128xf32>
    tpu.vector_store %arg11[%swap3A_71, %swap3A_72], %slice3A_63 {strides = array<i32>} : memref<1000x128xf32, #tpu.memory_space<vmem>>, vector<1000x128xf32>,
    %swap3A_74 = arith.constant 0 : index
    %swap3A_75 = arith.constant 0 : index
    %swap3A_76 = vector.load %arg12[%swap3A_74, %swap3A_75] : memref<1000x128xf32, #tpu.memory_space<vmem>>, vector<1000x128xf32>
    tpu.vector_store %arg12[%swap3A_74, %swap3A_75], %slice3A_64 {strides = array<i32>} : memref<1000x128xf32, #tpu.memory_space<vmem>>, vector<1000x128xf32>,
    return
  }
  func.func @transform_0(%arg0: i32) -> (i32, i32, i32, i32) {
    %c0_i32 = arith.constant 0 : i32
    %c0_i32_0 = arith.constant 0 : i32
    %c0_i32_1 = arith.constant 0 : i32
    %c0_i32_2 = arith.constant 0 : i32
    return %c0_i32, %c0_i32_0, %arg0, %c0_i32_1 : i32, i32, i32, i32
  }
  func.func @transform_1(%arg0: i32) -> (i32, i32) {
    %c0_i32 = arith.constant 0 : i32
    %c0_i32_0 = arith.constant 0 : i32
    return %arg0, %c0_i32 : i32, i32
  }
  func.func @transform_2(%arg0: i32) -> (i32, i32) {
    %c0_i32 = arith.constant 0 : i32
    %c0_i32_0 = arith.constant 0 : i32
    return %arg0, %c0_i32 : i32, i32
  }
  func.func @transform_3(%arg0: i32) -> (i32, i32) {
    %c0_i32 = arith.constant 0 : i32
    %c0_i32_0 = arith.constant 0 : i32
    %c0_i32_1 = arith.constant 0 : i32
    return %c0_i32, %c0_i32_0 : i32, i32
  }
  func.func @transform_4(%arg0: i32) -> (i32, i32) {
    %c0_i32 = arith.constant 0 : i32
    %c0_i32_0 = arith.constant 0 : i32
    %c0_i32_1 = arith.constant 0 : i32
    return %c0_i32, %c0_i32_0 : i32, i32
  }
  func.func @transform_5(%arg0: i32) -> (i32, i32) {
    %c0_i32 = arith.constant 0 : i32
    %c0_i32_0 = arith.constant 0 : i32
    %c0_i32_1 = arith.constant 0 : i32
    return %c0_i32, %c0_i32_0 : i32, i32
  }
  func.func @transform_6(%arg0: i32) -> (i32, i32) {
    %c0_i32 = arith.constant 0 : i32
    %c0_i32_0 = arith.constant 0 : i32
    %c0_i32_1 = arith.constant 0 : i32
    return %c0_i32, %c0_i32_0 : i32, i32
  }
  func.func @transform_7(%arg0: i32) -> (i32, i32) {
    %c0_i32 = arith.constant 0 : i32
    %c0_i32_0 = arith.constant 0 : i32
    return %arg0, %c0_i32 : i32, i32
  }
  func.func @transform_8(%arg0: i32) -> (i32, i32) {
    %c0_i32 = arith.constant 0 : i32
    %c0_i32_0 = arith.constant 0 : i32
    return %arg0, %c0_i32 : i32, i32
  }
  func.func @transform_9(%arg0: i32) -> (i32, i32) {
    %c0_i32 = arith.constant 0 : i32
    %c0_i32_0 = arith.constant 0 : i32
    return %arg0, %c0_i32 : i32, i32
  }
  func.func @transform_10(%arg0: i32) -> (i32, i32) {
    %c0_i32 = arith.constant 0 : i32
    %c0_i32_0 = arith.constant 0 : i32
    return %arg0, %c0_i32 : i32, i32
  }
  func.func @transform_11(%arg0: i32) -> (i32, i32) {
    %c0_i32 = arith.constant 0 : i32
    %c0_i32_0 = arith.constant 0 : i32
    return %arg0, %c0_i32 : i32, i32
  }
}

module attributes {stable_mosaic.version = 14 : i64} {
  func.func @body(%arg0: i32, %arg1: memref<2x4x1000x128xf32, #tpu.memory_space<vmem>>, %arg2: memref<1000x1xf32, #tpu.memory_space<vmem>>, %arg3: memref<1000x512xf32, #tpu.memory_space<vmem>>, %arg4: memref<1x512xf32, #tpu.memory_space<vmem>>, %arg5: memref<512x512xf32, #tpu.memory_space<vmem>>, %arg6: memref<1000x512xf32, #tpu.memory_space<vmem>>) attributes {dimension_semantics = [#tpu.dimension_semantics<arbitrary>], iteration_bounds = array<i64: 10>, scalar_prefetch = 0 : i64, scratch_operands = 0 : i64, tpu.core_type = #tpu.core_type<tc>, window_params = [{transform_indices = @transform_0, window_bounds = array<i64: 2, 4, 1000, 128>}, {transform_indices = @transform_1, window_bounds = array<i64: 1000, 1>}, {transform_indices = @transform_2, window_bounds = array<i64: 1000, 512>}, {pipeline_mode = #tpu.pipeline_mode<synchronous>, transform_indices = @transform_3, window_bounds = array<i64: 1, 512>}, {pipeline_mode = #tpu.pipeline_mode<synchronous>, transform_indices = @transform_4, window_bounds = array<i64: 512, 512>}, {transform_indices = @transform_5, window_bounds = array<i64: 1000, 512>}]} {
    %get3A = arith.constant 0 : index
    %get3A_0 = arith.constant 0 : index
    %get3A_1 = vector.load %arg2[%get3A, %get3A_0] : memref<1000x1xf32, #tpu.memory_space<vmem>>, vector<1000x1xf32>
    %get3A_2 = arith.constant 0 : index
    %get3A_3 = arith.constant 0 : index
    %get3A_4 = vector.load %arg3[%get3A_2, %get3A_3] : memref<1000x512xf32, #tpu.memory_space<vmem>>, vector<1000x512xf32>
    %get3A_5 = arith.constant 0 : index
    %get3A_6 = arith.constant 0 : index
    %get3A_7 = vector.load %arg5[%get3A_5, %get3A_6] : memref<512x512xf32, #tpu.memory_space<vmem>>, vector<512x512xf32>
    %dot_general3A = arith.constant dense<0.000000e+00> : vector<1000x512xf32>
    %dot_general3A_8 = tpu.matmul %get3A_4, %get3A_7, %dot_general3A {dimension_numbers = #tpu.dot_dimension_numbers<[1], [1], [0], [0], [0, 0, 1, 0], [], []>, transpose_lhs_hint = false} : vector<1000x512xf32>, vector<512x512xf32>, vector<1000x512xf32> -> vector<1000x512xf32>
    %get3A_9 = arith.constant 0 : index
    %get3A_10 = arith.constant 0 : index
    %get3A_11 = vector.load %arg4[%get3A_9, %get3A_10] : memref<1x512xf32, #tpu.memory_space<vmem>>, vector<1x512xf32>
    %add3A = vector.broadcast %get3A_11 : vector<1x512xf32> to vector<1000x512xf32>
    %add3A_12 = arith.addf %dot_general3A_8, %add3A : vector<1000x512xf32>
    %get3A_13 = arith.constant 0 : index
    %get3A_14 = arith.constant 0 : index
    %get3A_15 = arith.constant 0 : index
    %get3A_16 = arith.constant 0 : index
    %get3A_17 = vector.load %arg1[%get3A_13, %get3A_14, %get3A_15, %get3A_16] : memref<2x4x1000x128xf32, #tpu.memory_space<vmem>>, vector<1x1x1000x128xf32>
    %get3A_18 = vector.shape_cast %get3A_17 : vector<1x1x1000x128xf32> to vector<1000x128xf32>
    %get3A_19 = arith.constant 1 : index
    %get3A_20 = arith.constant 0 : index
    %get3A_21 = arith.constant 0 : index
    %get3A_22 = arith.constant 0 : index
    %get3A_23 = vector.load %arg1[%get3A_19, %get3A_20, %get3A_21, %get3A_22] : memref<2x4x1000x128xf32, #tpu.memory_space<vmem>>, vector<1x1x1000x128xf32>
    %get3A_24 = vector.shape_cast %get3A_23 : vector<1x1x1000x128xf32> to vector<1000x128xf32>
    %add3A_25 = arith.addf %get3A_18, %get3A_24 : vector<1000x128xf32>
    %mul3A = vector.broadcast %get3A_1 : vector<1000x1xf32> to vector<1000x128xf32>
    %mul3A_26 = arith.mulf %add3A_25, %mul3A : vector<1000x128xf32>
    %slice3A = vector.extract_strided_slice %add3A_12 {offsets = [0, 0], sizes = [1000, 128], strides = [1, 1]} : vector<1000x512xf32> to vector<1000x128xf32>
    %add3A_27 = arith.addf %slice3A, %mul3A_26 : vector<1000x128xf32>
    %get3A_28 = arith.constant 0 : index
    %get3A_29 = arith.constant 1 : index
    %get3A_30 = arith.constant 0 : index
    %get3A_31 = arith.constant 0 : index
    %get3A_32 = vector.load %arg1[%get3A_28, %get3A_29, %get3A_30, %get3A_31] : memref<2x4x1000x128xf32, #tpu.memory_space<vmem>>, vector<1x1x1000x128xf32>
    %get3A_33 = vector.shape_cast %get3A_32 : vector<1x1x1000x128xf32> to vector<1000x128xf32>
    %get3A_34 = arith.constant 1 : index
    %get3A_35 = arith.constant 1 : index
    %get3A_36 = arith.constant 0 : index
    %get3A_37 = arith.constant 0 : index
    %get3A_38 = vector.load %arg1[%get3A_34, %get3A_35, %get3A_36, %get3A_37] : memref<2x4x1000x128xf32, #tpu.memory_space<vmem>>, vector<1x1x1000x128xf32>
    %get3A_39 = vector.shape_cast %get3A_38 : vector<1x1x1000x128xf32> to vector<1000x128xf32>
    %add3A_40 = arith.addf %get3A_33, %get3A_39 : vector<1000x128xf32>
    %mul3A_41 = vector.broadcast %get3A_1 : vector<1000x1xf32> to vector<1000x128xf32>
    %mul3A_42 = arith.mulf %add3A_40, %mul3A_41 : vector<1000x128xf32>
    %slice3A_43 = vector.extract_strided_slice %add3A_12 {offsets = [0, 128], sizes = [1000, 128], strides = [1, 1]} : vector<1000x512xf32> to vector<1000x128xf32>
    %add3A_44 = arith.addf %slice3A_43, %mul3A_42 : vector<1000x128xf32>
    %get3A_45 = arith.constant 0 : index
    %get3A_46 = arith.constant 2 : index
    %get3A_47 = arith.constant 0 : index
    %get3A_48 = arith.constant 0 : index
    %get3A_49 = vector.load %arg1[%get3A_45, %get3A_46, %get3A_47, %get3A_48] : memref<2x4x1000x128xf32, #tpu.memory_space<vmem>>, vector<1x1x1000x128xf32>
    %get3A_50 = vector.shape_cast %get3A_49 : vector<1x1x1000x128xf32> to vector<1000x128xf32>
    %get3A_51 = arith.constant 1 : index
    %get3A_52 = arith.constant 2 : index
    %get3A_53 = arith.constant 0 : index
    %get3A_54 = arith.constant 0 : index
    %get3A_55 = vector.load %arg1[%get3A_51, %get3A_52, %get3A_53, %get3A_54] : memref<2x4x1000x128xf32, #tpu.memory_space<vmem>>, vector<1x1x1000x128xf32>
    %get3A_56 = vector.shape_cast %get3A_55 : vector<1x1x1000x128xf32> to vector<1000x128xf32>
    %add3A_57 = arith.addf %get3A_50, %get3A_56 : vector<1000x128xf32>
    %mul3A_58 = vector.broadcast %get3A_1 : vector<1000x1xf32> to vector<1000x128xf32>
    %mul3A_59 = arith.mulf %add3A_57, %mul3A_58 : vector<1000x128xf32>
    %slice3A_60 = vector.extract_strided_slice %add3A_12 {offsets = [0, 256], sizes = [1000, 128], strides = [1, 1]} : vector<1000x512xf32> to vector<1000x128xf32>
    %add3A_61 = arith.addf %slice3A_60, %mul3A_59 : vector<1000x128xf32>
    %get3A_62 = arith.constant 0 : index
    %get3A_63 = arith.constant 3 : index
    %get3A_64 = arith.constant 0 : index
    %get3A_65 = arith.constant 0 : index
    %get3A_66 = vector.load %arg1[%get3A_62, %get3A_63, %get3A_64, %get3A_65] : memref<2x4x1000x128xf32, #tpu.memory_space<vmem>>, vector<1x1x1000x128xf32>
    %get3A_67 = vector.shape_cast %get3A_66 : vector<1x1x1000x128xf32> to vector<1000x128xf32>
    %get3A_68 = arith.constant 1 : index
    %get3A_69 = arith.constant 3 : index
    %get3A_70 = arith.constant 0 : index
    %get3A_71 = arith.constant 0 : index
    %get3A_72 = vector.load %arg1[%get3A_68, %get3A_69, %get3A_70, %get3A_71] : memref<2x4x1000x128xf32, #tpu.memory_space<vmem>>, vector<1x1x1000x128xf32>
    %get3A_73 = vector.shape_cast %get3A_72 : vector<1x1x1000x128xf32> to vector<1000x128xf32>
    %add3A_74 = arith.addf %get3A_67, %get3A_73 : vector<1000x128xf32>
    %mul3A_75 = vector.broadcast %get3A_1 : vector<1000x1xf32> to vector<1000x128xf32>
    %mul3A_76 = arith.mulf %add3A_74, %mul3A_75 : vector<1000x128xf32>
    %slice3A_77 = vector.extract_strided_slice %add3A_12 {offsets = [0, 384], sizes = [1000, 128], strides = [1, 1]} : vector<1000x512xf32> to vector<1000x128xf32>
    %add3A_78 = arith.addf %slice3A_77, %mul3A_76 : vector<1000x128xf32>
    %concatenate3A = tpu.concatenate %add3A_27, %add3A_44, %add3A_61, %add3A_78 in 1 : vector<1000x128xf32>, vector<1000x128xf32>, vector<1000x128xf32>, vector<1000x128xf32> -> vector<1000x512xf32>
    %ge3A = arith.constant 0.000000e+00 : f32
    %ge3A_79 = vector.broadcast %ge3A : f32 to vector<1000x512xf32>
    %ge3A_80 = arith.cmpf oge, %concatenate3A, %ge3A_79 : vector<1000x512xf32>
    %mul3A_81 = arith.constant 1.000000e-01 : f32
    %mul3A_82 = vector.broadcast %mul3A_81 : f32 to vector<1000x512xf32>
    %mul3A_83 = arith.mulf %mul3A_82, %concatenate3A : vector<1000x512xf32>
    %select_n3A = arith.select %ge3A_80, %concatenate3A, %mul3A_83 : vector<1000x512xi1>, vector<1000x512xf32>
    %swap3A = arith.constant 0 : index
    %swap3A_84 = arith.constant 0 : index
    %swap3A_85 = vector.load %arg6[%swap3A, %swap3A_84] : memref<1000x512xf32, #tpu.memory_space<vmem>>, vector<1000x512xf32>
    tpu.vector_store %arg6[%swap3A, %swap3A_84], %select_n3A {strides = array<i32>} : memref<1000x512xf32, #tpu.memory_space<vmem>>, vector<1000x512xf32>,
    return
  }
  func.func @transform_0(%arg0: i32) -> (i32, i32, i32, i32) {
    %c0_i32 = arith.constant 0 : i32
    %c0_i32_0 = arith.constant 0 : i32
    %c0_i32_1 = arith.constant 0 : i32
    %c0_i32_2 = arith.constant 0 : i32
    return %c0_i32, %c0_i32_0, %arg0, %c0_i32_1 : i32, i32, i32, i32
  }
  func.func @transform_1(%arg0: i32) -> (i32, i32) {
    %c0_i32 = arith.constant 0 : i32
    %c0_i32_0 = arith.constant 0 : i32
    return %arg0, %c0_i32 : i32, i32
  }
  func.func @transform_2(%arg0: i32) -> (i32, i32) {
    %c0_i32 = arith.constant 0 : i32
    %c0_i32_0 = arith.constant 0 : i32
    return %arg0, %c0_i32 : i32, i32
  }
  func.func @transform_3(%arg0: i32) -> (i32, i32) {
    %c0_i32 = arith.constant 0 : i32
    %c0_i32_0 = arith.constant 0 : i32
    %c0_i32_1 = arith.constant 0 : i32
    return %c0_i32, %c0_i32_0 : i32, i32
  }
  func.func @transform_4(%arg0: i32) -> (i32, i32) {
    %c0_i32 = arith.constant 0 : i32
    %c0_i32_0 = arith.constant 0 : i32
    %c0_i32_1 = arith.constant 0 : i32
    return %c0_i32, %c0_i32_0 : i32, i32
  }
  func.func @transform_5(%arg0: i32) -> (i32, i32) {
    %c0_i32 = arith.constant 0 : i32
    %c0_i32_0 = arith.constant 0 : i32
    return %arg0, %c0_i32 : i32, i32
  }
}

module attributes {stable_mosaic.version = 14 : i64} {
  func.func @body(%arg0: i32, %arg1: memref<100x6400xf32, #tpu.memory_space<vmem>>, %arg2: memref<100x6400xf32, #tpu.memory_space<vmem>>, %arg3: memref<1x100xf32, #tpu.memory_space<vmem>>, %arg4: memref<100x100xf32, #tpu.memory_space<vmem>>) attributes {dimension_semantics = [#tpu.dimension_semantics<arbitrary>], iteration_bounds = array<i64: 8>, scalar_prefetch = 0 : i64, scratch_operands = 0 : i64, tpu.core_type = #tpu.core_type<tc>, window_params = [{transform_indices = @transform_0, window_bounds = array<i64: 100, 6400>}, {transform_indices = @transform_1, window_bounds = array<i64: 100, 6400>}, {pipeline_mode = #tpu.pipeline_mode<synchronous>, transform_indices = @transform_2, window_bounds = array<i64: 1, 100>}, {pipeline_mode = #tpu.pipeline_mode<synchronous>, transform_indices = @transform_3, window_bounds = array<i64: 100, 100>}]} {
    %eq3A = arith.constant 0 : i32
    %eq3A_0 = arith.cmpi eq, %arg0, %eq3A : i32
    %convert_element_type3A = arith.extui %eq3A_0 : i1 to i32
    %cond3A = arith.constant 0 : i32
    %cond3A_1 = arith.cmpi ne, %convert_element_type3A, %cond3A : i32
    scf.if %cond3A_1 {
      %get3A_18 = arith.constant 0 : index
      %get3A_19 = arith.constant 0 : index
      %get3A_20 = vector.load %arg3[%get3A_18, %get3A_19] : memref<1x100xf32, #tpu.memory_space<vmem>>, vector<1x100xf32>
      %broadcast_in_dim3A = vector.shape_cast %get3A_20 : vector<1x100xf32> to vector<1x100xf32>
      %broadcast_in_dim3A_21 = vector.broadcast %broadcast_in_dim3A : vector<1x100xf32> to vector<100x100xf32>
      %swap3A_22 = arith.constant 0 : index
      %swap3A_23 = arith.constant 0 : index
      %swap3A_24 = vector.load %arg4[%swap3A_22, %swap3A_23] : memref<100x100xf32, #tpu.memory_space<vmem>>, vector<100x100xf32>
      tpu.vector_store %arg4[%swap3A_22, %swap3A_23], %broadcast_in_dim3A_21 {strides = array<i32>} : memref<100x100xf32, #tpu.memory_space<vmem>>, vector<100x100xf32>,
    } else {
    }
    %get3A = arith.constant 0 : index
    %get3A_2 = arith.constant 0 : index
    %get3A_3 = vector.load %arg4[%get3A, %get3A_2] : memref<100x100xf32, #tpu.memory_space<vmem>>, vector<100x100xf32>
    %get3A_4 = arith.constant 0 : index
    %get3A_5 = arith.constant 0 : index
    %get3A_6 = vector.load %arg1[%get3A_4, %get3A_5] : memref<100x6400xf32, #tpu.memory_space<vmem>>, vector<100x6400xf32>
    %get3A_7 = arith.constant 0 : index
    %get3A_8 = arith.constant 0 : index
    %get3A_9 = vector.load %arg2[%get3A_7, %get3A_8] : memref<100x6400xf32, #tpu.memory_space<vmem>>, vector<100x6400xf32>
    %dot_general3A = arith.constant dense<0.000000e+00> : vector<100x100xf32>
    %dot_general3A_10 = tpu.matmul %get3A_6, %get3A_9, %dot_general3A {dimension_numbers = #tpu.dot_dimension_numbers<[1], [1], [0], [0], [0, 0, 1, 0], [], []>, transpose_lhs_hint = false} : vector<100x6400xf32>, vector<100x6400xf32>, vector<100x100xf32> -> vector<100x100xf32>
    %add3A = arith.addf %get3A_3, %dot_general3A_10 : vector<100x100xf32>
    %swap3A = arith.constant 0 : index
    %swap3A_11 = arith.constant 0 : index
    %swap3A_12 = vector.load %arg4[%swap3A, %swap3A_11] : memref<100x100xf32, #tpu.memory_space<vmem>>, vector<100x100xf32>
    tpu.vector_store %arg4[%swap3A, %swap3A_11], %add3A {strides = array<i32>} : memref<100x100xf32, #tpu.memory_space<vmem>>, vector<100x100xf32>,
    %eq3A_13 = arith.constant 7 : i32
    %eq3A_14 = arith.cmpi eq, %arg0, %eq3A_13 : i32
    %convert_element_type3A_15 = arith.extui %eq3A_14 : i1 to i32
    %cond3A_16 = arith.constant 0 : i32
    %cond3A_17 = arith.cmpi ne, %convert_element_type3A_15, %cond3A_16 : i32
    scf.if %cond3A_17 {
      %get3A_18 = arith.constant 0 : index
      %get3A_19 = arith.constant 0 : index
      %get3A_20 = vector.load %arg4[%get3A_18, %get3A_19] : memref<100x100xf32, #tpu.memory_space<vmem>>, vector<100x100xf32>
      %max3A = arith.constant 0.000000e+00 : f32
      %max3A_21 = vector.broadcast %max3A : f32 to vector<100x100xf32>
      %max3A_22 = arith.maximumf %get3A_20, %max3A_21 : vector<100x100xf32>
      %swap3A_23 = arith.constant 0 : index
      %swap3A_24 = arith.constant 0 : index
      %swap3A_25 = vector.load %arg4[%swap3A_23, %swap3A_24] : memref<100x100xf32, #tpu.memory_space<vmem>>, vector<100x100xf32>
      tpu.vector_store %arg4[%swap3A_23, %swap3A_24], %max3A_22 {strides = array<i32>} : memref<100x100xf32, #tpu.memory_space<vmem>>, vector<100x100xf32>,
    } else {
    }
    return
  }
  func.func @transform_0(%arg0: i32) -> (i32, i32) {
    %c0_i32 = arith.constant 0 : i32
    %c0_i32_0 = arith.constant 0 : i32
    return %c0_i32, %arg0 : i32, i32
  }
  func.func @transform_1(%arg0: i32) -> (i32, i32) {
    %c0_i32 = arith.constant 0 : i32
    %c0_i32_0 = arith.constant 0 : i32
    return %c0_i32, %arg0 : i32, i32
  }
  func.func @transform_2(%arg0: i32) -> (i32, i32) {
    %c0_i32 = arith.constant 0 : i32
    %c0_i32_0 = arith.constant 0 : i32
    %c0_i32_1 = arith.constant 0 : i32
    return %c0_i32, %c0_i32_0 : i32, i32
  }
  func.func @transform_3(%arg0: i32) -> (i32, i32) {
    %c0_i32 = arith.constant 0 : i32
    %c0_i32_0 = arith.constant 0 : i32
    %c0_i32_1 = arith.constant 0 : i32
    return %c0_i32, %c0_i32_0 : i32, i32
  }
}

</mosaic_0001>

<sc_bundles>
// kernel: kernel.17.cloned.1.call-start
scs
__scs_entry_jumppad:
0x0: {  	(pc) =	sbr.rel $0x88, $3  }
0x1: {  	(tag) =	ssettag $0x0;
	lr =	simm.s32 $0x1  }
0x2: {  	[smem:$0x3F8B] =	sst lr;
	_ =	strace $0xD0000000  }
0x3: {  	_ = 	snop  }
0x4: {  	_ = 	snop  }
0x5: {  	_ = 	snop  }
0x6: {  	_ = 	snop  }
0x7: {  	_ = 	snop  }
__scs_overlays_trampoline_lowered:
0x8: {  	[smem:$0x3F9A] =	sst s0  }
0x9: {  	[smem:$0x3F9B] =	sst s1  }
0xa: {  	[smem:$0x3F9C] =	sst s2  }
0xb: {  	[smem:$0x3F9D] =	sst s3  }
0xc: {  	[smem:$0x3F9E] =	sst s4  }
0xd: {  	[smem:$0x3F9F] =	sst s5  }
0xe: {  	[smem:$0x3FA0] =	sst s6  }
0xf: {  	[smem:$0x3FA1] =	sst s7  }
0x10: {  	[smem:$0x3FA2] =	sst s8  }
0x11: {  	[smem:$0x3FA3] =	sst s9;
	s0 =	simm.s32 @!p0 $0x0  }
0x12: {  	s1 =	sld [smem:$0x3F89];
	s0 =	simm.s32 @p0 $0x1  }
0x13: {  	[smem:$0x3FA4] =	sst s0;
	s0 =	simm.s32 @!p1 $0x0  }
0x14: {  	s2 =	sld [smem:$0x3F88];
	s0 =	simm.s32 @p1 $0x1  }
0x15: {  	[smem:$0x3FA5] =	sst s0;
	s0 =	simm.s32 @!p2 $0x0  }
0x16: {  	s3 =	sld [smem:$0x3FDB];
	s0 =	simm.s32 @p2 $0x1  }
0x17: {  	s4 =	simm.s32 $0x1BF5;
	[smem:$0x3FA7] =	sst s0  }
0x18: {  	s0 =	sld [smem:$0x3F8A];
	_ =	swait.ge [sflag:s4], $0x0  }
0x19: {  	s7 =	sld [smem:$0x3F8B]  }
0x1a: {  	s8 =	sadd.s32 $0xFFFFE003, lr  }
0x1b: {  	s9 =	sadd.s32 $0xFFFFFEF7, lr;
	s5 =	simm.s32 $0xFFFFFFFF;
	p2 =	slt.u32 s8, $0xFFFFF086  }
0x1c: {  	p1 =	slt.u32 s9, $0xF7A;
	s5 =	simm.s32 @!p2 $0x0  }
0x1d: {  	s5 =	simm.s32 @p1 $0x1;
	p0 =	seq.s32 s7, s2  }
0x1e: {  	s7 =	smul.u32 @!p0 $0xF7A, s2;
	p2 =	seq.s32 @!p0 s5, $0x0  }
0x1f: {  	s9 =	smul.u32 $0xF7A, s1;
	s8 =	simm.s32 @!p0 $0x1BF5;
	p2 =	por !p2, p0  }
0x20: {  	[sflag:s8] =	ssyncset.s32 @!p0 $0xFFFFF086;
	s6 =	sadd.s32 @!p0 s3, s7;
	s7 =	simm.s32 @!p0 $0x108  }
0x21: {  	s3 =	sadd.s32 s3, s9;
	s6 =	sadd.s32 @!p0 $0x88, s6;
	s7 =	simm.s32 @p2 $0x1082  }
0x22: {  	[simem:s7], [sflag:s8] =	dma.local @!p0 [hbm:s6], $0xF7A  }
0x23: {  	s9 =	sor.u32 $0xD0000000, s2;
	s6 =	simm.s32 $0x108;
	_ =	swait.ge @!p0 [sflag:s8], $0x0  }
0x24: {  	s3 =	sadd.s32 $0x88, s3;
	s6 =	simm.s32 @!p1 $0x1082;
	[sflag:s4] =	ssyncset.s32 $0xFFFFF086  }
0x25: {  	[simem:s6], [sflag:s4] =	dma.local [hbm:s3], $0xF7A  }
0x26: {  	[smem:$0x3F8B] =	sst s1;
	(tag) =	ssettag s2;
	_ =	strace s9  }
0x27: {  	s1 =	sld [smem:$0x3F9B]  }
0x28: {  	s2 =	sld [smem:$0x3F9C]  }
0x29: {  	s4 =	sld [smem:$0x3F9E]  }
0x2a: {  	p0 =	seq.s32 s5, $0x0;
	s5 =	sld [smem:$0x3F9F]  }
0x2b: {  	s6 =	sld [smem:$0x3FA0]  }
0x2c: {  	s7 =	sld [smem:$0x3FA1]  }
0x2d: {  	s3 =	simm.s32 $0x108;
	s8 =	sld [smem:$0x3FA2]  }
0x2e: {  	s3 =	simm.s32 @!p0 $0x1082;
	s9 =	sld [smem:$0x3FA3]  }
0x2f: {  	lr =	sadd.s32 s0, s3;
	s0 =	sld [smem:$0x3F9A]  }
0x30: {  	s3 =	sld [smem:$0x3F9D]  }
0x31: {  	[smem:$0x3FA6] =	sst s10  }
0x32: {  	s10 =	sld [smem:$0x3FA4];
	_ =	sdelay $0x3  }
0x33: {  	p0 =	seq.s32 s10, $0x1;
	s10 =	sld [smem:$0x3FA6];
	_ =	sdelay $0x3  }
0x34: {  	[smem:$0x3FA6] =	sst s10  }
0x35: {  	s10 =	sld [smem:$0x3FA5];
	_ =	sdelay $0x3  }
0x36: {  	p1 =	seq.s32 s10, $0x1;
	s10 =	sld [smem:$0x3FA6];
	_ =	sdelay $0x3  }
0x37: {  	[smem:$0x3FA6] =	sst s10  }
0x38: {  	s10 =	sld [smem:$0x3FA7]  }
0x39: {  	_ = 	snop;
	(pc) =	sbr.ind lr, $3  }
0x3a: {  	_ = 	snop  }
0x3b: {  	_ = 	snop  }
0x3c: {  	p2 =	seq.s32 s10, $0x1;
	s10 =	sld [smem:$0x3FA6]  }
0x3d: {  	_ =	shalt  }
0x3e: {  	_ =	shalt  }
0x3f: {  	_ =	shalt  }
0x40: {  	_ =	shalt  }
0x41: {  	_ =	shalt  }
0x42: {  	_ =	shalt  }
0x43: {  	_ =	shalt  }
0x44: {  	_ =	shalt  }
0x45: {  	_ =	shalt  }
0x46: {  	_ =	shalt  }
0x47: {  	_ =	shalt  }
0x48: {  	_ =	shalt  }
0x49: {  	_ =	shalt  }
0x4a: {  	_ =	shalt  }
0x4b: {  	_ =	shalt  }
0x4c: {  	_ =	shalt  }
0x4d: {  	_ =	shalt  }
0x4e: {  	_ =	shalt  }
0x4f: {  	_ =	shalt  }
0x50: {  	_ =	shalt  }
0x51: {  	_ =	shalt  }
0x52: {  	_ =	shalt  }
0x53: {  	_ =	shalt  }
0x54: {  	_ =	shalt  }
0x55: {  	_ =	shalt  }
0x56: {  	_ =	shalt  }
0x57: {  	_ =	shalt  }
0x58: {  	_ =	shalt  }
0x59: {  	_ =	shalt  }
0x5a: {  	_ =	shalt  }
0x5b: {  	_ =	shalt  }
0x5c: {  	_ =	shalt  }
0x5d: {  	_ =	shalt  }
0x5e: {  	_ =	shalt  }
0x5f: {  	_ =	shalt  }
0x60: {  	_ =	shalt  }
0x61: {  	_ =	shalt  }
0x62: {  	_ =	shalt  }
0x63: {  	_ =	shalt  }
0x64: {  	_ =	shalt  }
0x65: {  	_ =	shalt  }
0x66: {  	_ =	shalt  }
0x67: {  	_ =	shalt  }
0x68: {  	_ =	shalt  }
0x69: {  	_ =	shalt  }
0x6a: {  	_ =	shalt  }
0x6b: {  	_ =	shalt  }
0x6c: {  	_ =	shalt  }
0x6d: {  	_ =	shalt  }
0x6e: {  	_ =	shalt  }
0x6f: {  	_ =	shalt  }
0x70: {  	_ =	shalt  }
0x71: {  	_ =	shalt  }
0x72: {  	_ =	shalt  }
0x73: {  	_ =	shalt  }
0x74: {  	_ =	shalt  }
0x75: {  	_ =	shalt  }
0x76: {  	_ =	shalt  }
0x77: {  	_ =	shalt  }
0x78: {  	_ =	shalt  }
0x79: {  	_ =	shalt  }
0x7a: {  	_ =	shalt  }
0x7b: {  	_ =	shalt  }
0x7c: {  	_ =	shalt  }
0x7d: {  	_ =	shalt  }
0x7e: {  	_ =	shalt  }
0x7f: {  	_ =	shalt  }
0x80: {  	_ =	shalt  }
0x81: {  	_ =	shalt  }
0x82: {  	_ =	shalt  }
0x83: {  	_ =	shalt  }
0x84: {  	_ =	shalt  }
0x85: {  	_ =	shalt  }
0x86: {  	_ =	shalt  }
0x87: {  	_ =	shalt  }
.Lfunc_end0:
.L_simem_size_0:
called_computation_lowered:
.L_overlay_start_0:
0x88: {  	s2 =	sld [smem:$0x3FD9]  }
0x89: {  	s3 =	sld [smem:$0x3FFE];
	_ =	sdelay $0x1  }
0x8a: {  	s1 =	srdreg.scid  }
0x8b: {  	s0 =	sand.u32 $0x1, s1  }
0x8c: {  	s16 =	sshll.u32 s0, $0xA;
	s2 =	sadd.s32 s3, s2  }
0x8d: {  	s2 =	sadd.s32 s2, s16  }
0x8e: {  	[smem:$0x3FB2] =	sst s2  }
0x8f: {  	_ = 	snop  }
0x90: {  	(tm) =	ssettm $0x1  }
0x91: {  	s17 =	sld [smem:$0x3FFB];
	_ =	sdelay $0x3  }
0x92: {  	_ =	strace s17  }
0x93: {  	s2 =	sld [smem:$0x3FFC];
	_ =	sdelay $0x3  }
0x94: {  	_ =	strace s2  }
0x95: {  	s2 =	sld [smem:$0x3FFD];
	_ =	sdelay $0x3  }
0x96: {  	_ =	strace s2  }
0x97: {  	_ =	strace $0x8FFFFFFF  }
0x98: {  	s18 =	sld [smem:$0x3FDB];
	_ =	sdelay $0x1  }
0x99: {  	s19 =	simm.s32 $_scs_section_size  }
0x9a: {  	s4 =	simm.s32 $_size__tile_overlayer_lowered;
	s5 =	simm.s32 $_tile_overlayer_lowered  }
0x9b: {  	s22 =	simm.s32 $0x1BFF;
	s21 =	sshll.u32 s5, $0x1;
	s2 =	sadd.s32 s19, s18  }
0x9c: {  	s6 =	simm.s32 $0x0;
	s20 =	sshll.u32 s4, $0x1;
	s4 =	sadd.s32 s21, s2  }
0x9d: {  	[timem:s6], [sflag:s22] =	dma.local [hbm:s4], s20  }
0x9e: {  	_ =	swait.ge [sflag:s22], s20  }
0x9f: {  	s3 =	ssub.s32 $0x0, s20;
	[sflag:s22] =	ssyncset.done $0x0  }
0xa0: {  	[sflag:s22] =	ssyncadd.s32 s3;
	_ =	sdelay $0x1  }
0xa1: {  	s23 =	simm.s32 $0x1B8B  }
0xa2: {  	_ =	swait.ge [sflag:s23], $0x1  }
0xa3: {  	[sflag:s23] =	ssyncset.done $0x0  }
0xa4: {  	s25 =	simm.s32 $0x1B8E;
	s24 =	sld [smem:$0x3FFE];
	[sflag:s23] =	ssyncadd.s32 $0xFFFFFFFF  }
0xa5: {  	s26 =	simm.s32 $execute0_lowered;
	[smem:$0x3FD2] =	sst s25  }
0xa6: {  	s4 =	sshll.u32 s26, $0x1;
	_ =	strace $0x80000046;
	[dreg:$0x1] =	wrdreg $0xFFFFFFFF  }
0xa7: {  	s28 =	simm.s32 $_size_execute0_lowered;
	s2 =	sadd.s32 s2, s4;
	[dreg:$0x0] =	wrdreg $0x0  }
0xa8: {  	s4 =	sshll.u32 s28, $0x1;
	[dreg:$0x2] =	wrdreg s2  }
0xa9: {  	[dreg:$0x3] =	wrdreg s4  }
0xaa: {  	[dreg:$0x4] =	wrdreg $0xC0  }
0xab: {  	_ =	task [dreg:s6], $0x5FFFF  }
0xac: {  	[dreg:$0x1] =	wrdreg $0xFFFFFFFF  }
0xad: {  	[dreg:$0x0] =	wrdreg $0x60  }
0xae: {  	[dreg:$0x2] =	wrdreg s24  }
0xaf: {  	[dreg:$0x3] =	wrdreg $0xB2000  }
0xb0: {  	[dreg:$0x4] =	wrdreg $0x9  }
0xb1: {  	_ =	task.clear_ibuf [dreg:s6], $0x5FFFF;
	_ =	strace $0x90000046  }
0xb2: {  	s29 =	simm.s32 $0x9;
	_ =	strace $0x80000048  }
0xb3: {  	_ =	swait.ge [sflag:s29], $0x1  }
0xb4: {  	[sflag:s29] =	ssyncadd.s32 $0xFFFFFFFF  }
0xb5: {  	_ =	strace $0x90000048  }
0xb6: {  	_ =	sfence  }
0xb7: {  	s30 =	sld [smem:$0x0];
	_ =	sdelay $0x2  }
0xb8: {  	s31 =	sshll.u32 s1, $0xD;
	s1 =	sshrl.u32 s1, $0x2  }
0xb9: {  	s3 =	sand.u32 $0x4000, s31;
	s1 =	sadd.s32 s1, s30  }
0xba: {  	s0 =	sor.u32 s3, s0;
	s1 =	sshll.u32 s1, $0x11  }
0xbb: {  	s0 =	sor.u32 s1, s0  }
0xbc: {  	s0 =	sadd.s32 $0x8F2B, s0  }
0xbd: {  	[sflag:s0] =	ssyncadd.remote.s32 $0x1  }
0xbe: {  	_ =	sfence.sel $0xFFFF  }
0xbf: {  	[dreg:$0x0] =	wrdreg $0xFFFFFFFF;
	(pc) =	sbr.abs _section_cstart, $3  }
0xc0: {  	[dreg:$0x1] =	wrdreg $0xFFFFFFFF  }
0xc1: {  	_ =	task.clear_ibuf [dreg:s6], $0x2FFFF;
	_ =	strace $0x9FFFFFFF  }
0xc2: {  	(tm) =	ssettm $0x7FFFFFFF  }
0xc3: {  	_ =	shalt  }
tec
execute0_lowered:
.L_overlay_start_1:
0x0: {  	(tag) =	ssettag $0x1  }
0x1: {  	s5 =	rddreg [dreg:$0x0]  }
0x2: {  	s1 =	rddreg [dreg:$0x1]  }
0x3: {  	s0 =	rddreg [dreg:$0x2];
	s2 =	simm.s32 $0x0  }
0x4: {  	s6 =	srdreg.scid;
	s3 =	stileid.u32;
	s20 =	simm.s32 $0x1  }
0x5: {  	s21 =	simm.s32 $0x4100;
	s22 =	simm.s32 $0x4180;
	s23 =	simm.s32 $0x10  }
0x6: {  	s24 =	simm.s32 $0x4200;
	s25 =	simm.s32 $0x0;
	[smem:$0x7FF] =	sst s2  }
0x7: {  	s4 =	sadd.s32 $0x1A000, s5;
	s8 =	sand.u32 $0x1, s6;
	s7 =	smul.u32 $0x4E000, s3  }
0x8: {  	s15 =	sadd.s32 $0x10200, s5;
	s14 =	sadd.s32 $0x6400, s5;
	s16 =	smul.u32 $0x13800, s3  }
0x9: {  	s12 =	sadd.s32 $0x41200, s5;
	s18 =	smul.u32 $0x2710, s3;
	p0 =	sne.s32 s3, $0xF  }
0xa: {  	_ =	strace $0x80000047;
	s6 =	sshll.u32 s8, $0x4;
	s11 =	smul.u32 $0x138800, s8  }
0xb: {  	s28 =	ssub.s32 $0x2, s8;
	s17 =	smul.u32 $0x27100, s8;
	s8 =	sadd.s32 $0x138000, s1  }
0xc: {  	s26 =	sor.u32 s3, s6;
	s29 =	sshrl.u32 s7, $0x2;
	s30 =	sshrl.u32 s28, $0x1  }
0xd: {  	s9 =	smul.u32 $0x2710, s26;
	s5 =	sadd.s32 s29, s1;
	s13 =	ssub.s32 s28, s30  }
0xe: {  	s16 =	sadd.s32 s16, s11;
	s19 =	sshrl.u32 s11, $0x3;
	s17 =	sadd.s32 s18, s17  }
0xf: {  	s18 =	simm.s32 $0x80;
	s6 =	sadd.s32 $0x6800, s5;
	s7 =	sadd.s32 $0xD000, s5  }
0x10: {  	s16 =	sshrl.u32 s16, $0x3;
	s31 =	sshrl.u32 s17, $0x3;
	s13 =	smax.u32 s13, $0x1  }
0x11: {  	s17 =	simm.s32 $0x2;
	s9 =	sshrl.u32 s9, $0x3;
	s11 =	sadd.s32 s12, s16  }
0x12: {  	s12 =	sadd.s32 s12, s19;
	s16 =	simm.s32 $0x4A00;
	s10 =	sadd.s32 $0x4E0, s9  }
0x13: {  	s19 =	simm.s32 $0x100;
	s12 =	sadd.s32 $0x27000, s12;
	s9 =	sadd.s32 s15, s10  }
0x14: {  	v0 =	vimm.f32 $0.0e+00;
	s10 =	sadd.s32 s14, s10;
	s14 =	sadd.s32 s31, s14;
	s15 =	sadd.s32 s31, s15  }
.LBB2_1:
0x15: {  	s26 =	simm.s32 $0x70;
	s28 =	simm.s32 $0x3C0  }
.LBB2_2:
0x16: {  	p1 =	sne.s32 s28, $0x19FC0;
	[tilespmem:s26+$0x4A00] =	vst v0  }
0x17: {  	[tilespmem:s26+$0x4990] =	vst v0  }
0x18: {  	[tilespmem:s26+$0x49A0] =	vst v0  }
.Ltmp0:
0x19: {  	[tilespmem:s26+$0x49B0] =	vst v0;
	(pc) =	sbr.rel @p1 .LBB2_2-.Ltmp0, $4  }
0x1a: {  	[tilespmem:s26+$0x49C0] =	vst v0  }
0x1b: {  	[tilespmem:s26+$0x49D0] =	vst v0  }
0x1c: {  	[tilespmem:s26+$0x49E0] =	vst v0  }
0x1d: {  	[tilespmem:s26+$0x49F0] =	vst v0;
	s26 =	sshra.s32 s28, $0x2;
	s28 =	sadd.s32 $0x200, s28  }
0x1e: {  	[tilespmem:s26+$0x4A00] =	vst v0  }
0x1f: {  	[tilespmem:s26+$0x4990] =	vst v0  }
0x20: {  	[tilespmem:s26+$0x49A0] =	vst v0  }
0x21: {  	[tilespmem:s26+$0x49B0] =	vst v0  }
0x22: {  	[tilespmem:s26+$0x49C0] =	vst v0  }
0x23: {  	[tilespmem:s26+$0x49D0] =	vst v0  }
0x24: {  	[tilespmem:s26+$0x49E0] =	vst v0  }
0x25: {  	[tilespmem:s26+$0x49F0] =	vst v0  }
0x26: {  	[spmem:s5] =	stream.linear.scatter [tilespmem:s16], [sflag:$0x2], $0x6800, $0x38;
	[tilespmem:$0x1EA80] =	vst v63  }
0x27: {  	_ =	swait.ge [sflag:s17], $0x6800  }
0x28: {  	[sflag:s17] =	ssyncset.done $0x0  }
0x29: {  	[sflag:s17] =	ssyncadd.s32 $0xFFFF9800  }
0x2a: {  	[spmem:s6] =	stream.linear.scatter [tilespmem:s16], [sflag:$0x2], $0x6800, $0x38;
	[tilespmem:$0x1EA80] =	vst v63  }
0x2b: {  	_ =	swait.ge [sflag:s17], $0x6800  }
0x2c: {  	[sflag:s17] =	ssyncset.done $0x0  }
0x2d: {  	[sflag:s17] =	ssyncadd.s32 $0xFFFF9800  }
0x2e: {  	[spmem:s7] =	stream.linear.scatter [tilespmem:s16], [sflag:$0x2], $0x6800, $0x38;
	[tilespmem:$0x1EA80] =	vst v63  }
0x2f: {  	_ =	swait.ge [sflag:s17], $0x6800  }
0x30: {  	[sflag:s17] =	ssyncset.done $0x0  }
0x31: {  	s26 =	simm.s32 @!p0 $0x4A00;
	[sflag:s17] =	ssyncadd.s32 $0xFFFF9800  }
0x32: {  	[spmem:s8] =	stream.linear.scatter @!p0 [tilespmem:s26], [sflag:$0x2], $0x800, $0x38;
	[tilespmem:$0x1EA80] =	vst v63  }
0x33: {  	s26 =	simm.s32 @!p0 $0x2  }
0x34: {  	_ =	swait.ge @!p0 [sflag:s26], $0x800  }
0x35: {  	[sflag:s26] =	ssyncset.done @!p0 $0x0  }
0x36: {  	[sflag:s26] =	ssyncadd.s32 @!p0 $0xFFFFF800  }
0x37: {  	s30 =	sadd.s32 $0x0, s15;
	[bflag:$0x0] =	sbarrier.arrive $0xFFFF  }
0x38: {  	[tilespmem:s2], [sflag:$0x2] =	stream.linear.gather [hbm4b:s30+s2], $0x80, $0x38;
	[tilespmem:$0x1EA80] =	vst v63  }
0x39: {  	_ =	swait.ge [sflag:s17], $0x80  }
0x3a: {  	[sflag:s17] =	ssyncset.done $0x0  }
0x3b: {  	s31 =	sadd.s32 $0x0, s14;
	[sflag:s17] =	ssyncadd.s32 $0xFFFFFF80  }
0x3c: {  	[tilespmem:s18], [sflag:$0x2] =	stream.linear.gather [hbm4b:s31+s2], $0x80, $0x38;
	[tilespmem:$0x1EA80] =	vst v63  }
0x3d: {  	_ =	swait.ge [sflag:s17], $0x80  }
0x3e: {  	[sflag:s17] =	ssyncset.done $0x0  }
0x3f: {  	[sflag:s17] =	ssyncadd.s32 $0xFFFFFF80  }
0x40: {  	[tilespmem:s19], [sflag:$0x1] =	stream.indirect.gather [hbm4b:s4+s18], $0x80, s2, s18, $0xb8;
	[tilespmem:$0x1EA80] =	vst v63  }
0x41: {  	_ =	swait.ge [sflag:s20], $0x4000  }
0x42: {  	[sflag:s20] =	ssyncset.done $0x0  }
0x43: {  	[sflag:s20] =	ssyncadd.s32 $0xFFFFC000  }
0x44: {  	[spmem:s1] =	stream.indirect.scatter.add.f32 [tilespmem:s19], [sflag:$0x2], $0x80, s18, s18, $0xb8;
	[tilespmem:$0x1EA80] =	vst v63  }
0x45: {  	_ =	swait.ge [sflag:s17], $0x4000  }
0x46: {  	s28 =	simm.s32 $0x20;
	s26 =	simm.s32 $0x10;
	[sflag:s17] =	ssyncset.done $0x0  }
.LBB2_4:
0x47: {  	s29 =	sadd.s32 s26, s15  }
0x48: {  	[sflag:s17] =	ssyncadd.s32 $0xFFFFC000;
	s30 =	smov.u32 s28;
	s31 =	sadd.s32 $0x10, s28  }
0x49: {  	[tilespmem:s2], [sflag:$0x2] =	stream.linear.gather [hbm4b:s29+s2], $0x80, $0x38;
	[tilespmem:$0x1EA80] =	vst v63  }
0x4a: {  	p1 =	sne.s32 s28, $0x4D0;
	_ =	swait.ge [sflag:s17], $0x80  }
0x4b: {  	[sflag:s17] =	ssyncset.done $0x0  }
0x4c: {  	s28 =	sadd.s32 s26, s14;
	s26 =	smov.u32 s30;
	[sflag:s17] =	ssyncadd.s32 $0xFFFFFF80  }
0x4d: {  	[tilespmem:s18], [sflag:$0x2] =	stream.linear.gather [hbm4b:s28+s2], $0x80, $0x38;
	[tilespmem:$0x1EA80] =	vst v63  }
0x4e: {  	_ =	swait.ge [sflag:s17], $0x80  }
0x4f: {  	[sflag:s17] =	ssyncset.done $0x0  }
0x50: {  	[sflag:s17] =	ssyncadd.s32 $0xFFFFFF80  }
0x51: {  	[tilespmem:s19], [sflag:$0x1] =	stream.indirect.gather [hbm4b:s4+s18], $0x80, s2, s18, $0xb8;
	[tilespmem:$0x1EA80] =	vst v63  }
0x52: {  	_ =	swait.ge [sflag:s20], $0x4000  }
.Ltmp1:
0x53: {  	[sflag:s20] =	ssyncset.done $0x0;
	(pc) =	sbr.rel @p1 .LBB2_4-.Ltmp1, $4  }
0x54: {  	[sflag:s20] =	ssyncadd.s32 $0xFFFFC000  }
0x55: {  	[spmem:s1] =	stream.indirect.scatter.add.f32 [tilespmem:s19], [sflag:$0x2], $0x80, s18, s18, $0xb8;
	[tilespmem:$0x1EA80] =	vst v63  }
0x56: {  	_ =	swait.ge [sflag:s17], $0x4000  }
0x57: {  	s28 =	smov.u32 s31;
	[sflag:s17] =	ssyncset.done $0x0  }
0x58: {  	s28 =	sadd.s32 s26, s15;
	[sflag:s17] =	ssyncadd.s32 $0xFFFFC000  }
0x59: {  	[tilespmem:s2], [sflag:$0x2] =	stream.linear.gather [hbm4b:s28+s2], $0x80, $0x38;
	[tilespmem:$0x1EA80] =	vst v63  }
0x5a: {  	_ =	swait.ge [sflag:s17], $0x80  }
0x5b: {  	[sflag:s17] =	ssyncset.done $0x0  }
0x5c: {  	s29 =	sadd.s32 s26, s14;
	[sflag:s17] =	ssyncadd.s32 $0xFFFFFF80  }
0x5d: {  	[tilespmem:s18], [sflag:$0x2] =	stream.linear.gather [hbm4b:s29+s2], $0x80, $0x38;
	[tilespmem:$0x1EA80] =	vst v63  }
0x5e: {  	_ =	swait.ge [sflag:s17], $0x80  }
0x5f: {  	[sflag:s17] =	ssyncset.done $0x0  }
0x60: {  	[sflag:s17] =	ssyncadd.s32 $0xFFFFFF80  }
0x61: {  	[tilespmem:s19], [sflag:$0x1] =	stream.indirect.gather [hbm4b:s4+s18], $0x80, s2, s18, $0xb8;
	[tilespmem:$0x1EA80] =	vst v63  }
0x62: {  	_ =	swait.ge [sflag:s20], $0x4000  }
0x63: {  	[sflag:s20] =	ssyncset.done $0x0  }
0x64: {  	[sflag:s20] =	ssyncadd.s32 $0xFFFFC000  }
0x65: {  	[spmem:s1] =	stream.indirect.scatter.add.f32 [tilespmem:s19], [sflag:$0x2], $0x80, s18, s18, $0xb8;
	[tilespmem:$0x1EA80] =	vst v63  }
0x66: {  	_ =	swait.ge [sflag:s17], $0x4000  }
0x67: {  	[sflag:s17] =	ssyncset.done $0x0  }
0x68: {  	[sflag:s17] =	ssyncadd.s32 $0xFFFFC000  }
0x69: {  	[tilespmem:s21], [sflag:$0x2] =	stream.linear.gather [hbm4b:s9+s2], $0x10, $0x38;
	[tilespmem:$0x1EA80] =	vst v63  }
0x6a: {  	_ =	swait.ge [sflag:s17], $0x10  }
0x6b: {  	[sflag:s17] =	ssyncset.done $0x0  }
0x6c: {  	[sflag:s17] =	ssyncadd.s32 $0xFFFFFFF0  }
0x6d: {  	[tilespmem:s22], [sflag:$0x2] =	stream.linear.gather [hbm4b:s10+s2], $0x10, $0x38;
	[tilespmem:$0x1EA80] =	vst v63  }
0x6e: {  	_ =	swait.ge [sflag:s17], $0x10  }
0x6f: {  	[sflag:s17] =	ssyncset.done $0x0  }
0x70: {  	[sflag:s17] =	ssyncadd.s32 $0xFFFFFFF0  }
0x71: {  	[tilespmem:s24], [sflag:$0x1] =	stream.indirect.gather [hbm4b:s4+s23], $0x80, s21, s23, $0xb8;
	[tilespmem:$0x1EA80] =	vst v63  }
0x72: {  	_ =	swait.ge [sflag:s20], $0x800  }
0x73: {  	[sflag:s20] =	ssyncset.done $0x0  }
0x74: {  	[sflag:s20] =	ssyncadd.s32 $0xFFFFF800  }
0x75: {  	[spmem:s1] =	stream.indirect.scatter.add.f32 [tilespmem:s24], [sflag:$0x2], $0x80, s22, s23, $0xb8;
	[tilespmem:$0x1EA80] =	vst v63  }
0x76: {  	_ =	swait.ge [sflag:s17], $0x800  }
0x77: {  	[sflag:s17] =	ssyncset.done $0x0  }
0x78: {  	s30 =	sshll.u32 s3, $0x6;
	[sflag:s17] =	ssyncadd.s32 $0xFFFFF800  }
0x79: {  	s31 =	sshrl.u32 s5, $0x3;
	s26 =	sor.u32 $0x1C02, s30;
	[bflag:$0x0] =	sbarrier.arrive $0xFFFF  }
0x7a: {  	[hbm:s11], [sflag:s26] =	dma.local [spmem:s31], $0x2700  }
0x7b: {  	_ =	swait.ge [sflag:s17], $0x2700  }
0x7c: {  	s25 =	sadd.s32 $0x1, s25;
	[sflag:s17] =	ssyncset.done $0x0  }
0x7d: {  	s28 =	sshrl.u32 @!p0 s8, $0x3;
	p1 =	sne.s32 s25, s13;
	[sflag:s17] =	ssyncadd.s32 $0xFFFFD900  }
0x7e: {  	[hbm:s12], [sflag:s26] =	dma.local @!p0 [spmem:s28], $0x100  }
.Ltmp2:
0x7f: {  	_ = 	snop;
	(pc) =	sbr.rel @p1 .LBB2_1-.Ltmp2, $4  }
0x80: {  	s26 =	simm.s32 @!p0 $0x2  }
0x81: {  	_ =	swait.ge @!p0 [sflag:s26], $0x100  }
0x82: {  	[sflag:s26] =	ssyncset.done @!p0 $0x0  }
0x83: {  	[sflag:s26] =	ssyncadd.s32 @!p0 $0xFFFFFF00  }
0x84: {  	_ =	sfence.sel $0x180000  }
0x85: {  	[bflag:$0x0] =	sbarrier.arrive $0xFFFF  }
0x86: {  	p0 =	sne.s32 s3, $0x0;
	_ =	strace $0x90000047  }
0x87: {  	s0 =	sadd.s32 @!p0 $0x100000, s0;
	[bflag:$0x2] =	sbarrier.arrive $0xFFFF  }
0x88: {  	[sflag:s0] =	ssyncadd.tile.s32 @!p0 $0x1;
	_ =	shalt  }
.Lfunc_end2:
_tile_overlayer_lowered:
.L_overlay_start_2:
0x89: {  	(tag) =	ssettag $0x2  }
0x8a: {  	s0 =	rddreg [dreg:$0x0];
	s2 =	stileid.u32  }
0x8b: {  	s1 =	rddreg [dreg:$0x1];
	p0 =	sne.s32 s2, $0x0  }
0x8c: {  	s3 =	rddreg [dreg:$0x2];
	[bflag:$0x3] =	sbarrier.arrive $0xFFFF;
	s2 =	simm.s32 @!p0 $0x1C02  }
0x8d: {  	[timem:s3], [sflag:s2] =	dma.local @!p0 [hbm:s0], s1  }
0x8e: {  	s0 =	simm.s32 @!p0 $0x2  }
0x8f: {  	_ =	swait.ge @!p0 [sflag:s0], s1  }
0x90: {  	s1 =	ssub.s32 @!p0 $0x0, s1;
	[sflag:s0] =	ssyncset.done @!p0 $0x0  }
0x91: {  	[sflag:s0] =	ssyncadd.s32 @!p0 s1  }
0x92: {  	[bflag:$0x3] =	sbarrier.arrive $0xFFFF  }
0x93: {  	_ =	shalt  }

// kernel: kernel.20.cloned.1.call-start
scs
__scs_entry_jumppad:
0x0: {  	(pc) =	sbr.rel $0x88, $3  }
0x1: {  	(tag) =	ssettag $0x0;
	lr =	simm.s32 $0x1  }
0x2: {  	[smem:$0x3F8B] =	sst lr;
	_ =	strace $0xD0000000  }
0x3: {  	_ = 	snop  }
0x4: {  	_ = 	snop  }
0x5: {  	_ = 	snop  }
0x6: {  	_ = 	snop  }
0x7: {  	_ = 	snop  }
__scs_overlays_trampoline_lowered:
0x8: {  	[smem:$0x3F9A] =	sst s0  }
0x9: {  	[smem:$0x3F9B] =	sst s1  }
0xa: {  	[smem:$0x3F9C] =	sst s2  }
0xb: {  	[smem:$0x3F9D] =	sst s3  }
0xc: {  	[smem:$0x3F9E] =	sst s4  }
0xd: {  	[smem:$0x3F9F] =	sst s5  }
0xe: {  	[smem:$0x3FA0] =	sst s6  }
0xf: {  	[smem:$0x3FA1] =	sst s7  }
0x10: {  	[smem:$0x3FA2] =	sst s8  }
0x11: {  	[smem:$0x3FA3] =	sst s9;
	s0 =	simm.s32 @!p0 $0x0  }
0x12: {  	s1 =	sld [smem:$0x3F89];
	s0 =	simm.s32 @p0 $0x1  }
0x13: {  	[smem:$0x3FA4] =	sst s0;
	s0 =	simm.s32 @!p1 $0x0  }
0x14: {  	s2 =	sld [smem:$0x3F88];
	s0 =	simm.s32 @p1 $0x1  }
0x15: {  	[smem:$0x3FA5] =	sst s0;
	s0 =	simm.s32 @!p2 $0x0  }
0x16: {  	s3 =	sld [smem:$0x3FDB];
	s0 =	simm.s32 @p2 $0x1  }
0x17: {  	s4 =	simm.s32 $0x1BF5;
	[smem:$0x3FA7] =	sst s0  }
0x18: {  	s0 =	sld [smem:$0x3F8A];
	_ =	swait.ge [sflag:s4], $0x0  }
0x19: {  	s7 =	sld [smem:$0x3F8B]  }
0x1a: {  	s8 =	sadd.s32 $0xFFFFE003, lr  }
0x1b: {  	s9 =	sadd.s32 $0xFFFFFEF7, lr;
	s5 =	simm.s32 $0xFFFFFFFF;
	p2 =	slt.u32 s8, $0xFFFFF086  }
0x1c: {  	p1 =	slt.u32 s9, $0xF7A;
	s5 =	simm.s32 @!p2 $0x0  }
0x1d: {  	s5 =	simm.s32 @p1 $0x1;
	p0 =	seq.s32 s7, s2  }
0x1e: {  	s7 =	smul.u32 @!p0 $0xF7A, s2;
	p2 =	seq.s32 @!p0 s5, $0x0  }
0x1f: {  	s9 =	smul.u32 $0xF7A, s1;
	s8 =	simm.s32 @!p0 $0x1BF5;
	p2 =	por !p2, p0  }
0x20: {  	[sflag:s8] =	ssyncset.s32 @!p0 $0xFFFFF086;
	s6 =	sadd.s32 @!p0 s3, s7;
	s7 =	simm.s32 @!p0 $0x108  }
0x21: {  	s3 =	sadd.s32 s3, s9;
	s6 =	sadd.s32 @!p0 $0x88, s6;
	s7 =	simm.s32 @p2 $0x1082  }
0x22: {  	[simem:s7], [sflag:s8] =	dma.local @!p0 [hbm:s6], $0xF7A  }
0x23: {  	s9 =	sor.u32 $0xD0000000, s2;
	s6 =	simm.s32 $0x108;
	_ =	swait.ge @!p0 [sflag:s8], $0x0  }
0x24: {  	s3 =	sadd.s32 $0x88, s3;
	s6 =	simm.s32 @!p1 $0x1082;
	[sflag:s4] =	ssyncset.s32 $0xFFFFF086  }
0x25: {  	[simem:s6], [sflag:s4] =	dma.local [hbm:s3], $0xF7A  }
0x26: {  	[smem:$0x3F8B] =	sst s1;
	(tag) =	ssettag s2;
	_ =	strace s9  }
0x27: {  	s1 =	sld [smem:$0x3F9B]  }
0x28: {  	s2 =	sld [smem:$0x3F9C]  }
0x29: {  	s4 =	sld [smem:$0x3F9E]  }
0x2a: {  	p0 =	seq.s32 s5, $0x0;
	s5 =	sld [smem:$0x3F9F]  }
0x2b: {  	s6 =	sld [smem:$0x3FA0]  }
0x2c: {  	s7 =	sld [smem:$0x3FA1]  }
0x2d: {  	s3 =	simm.s32 $0x108;
	s8 =	sld [smem:$0x3FA2]  }
0x2e: {  	s3 =	simm.s32 @!p0 $0x1082;
	s9 =	sld [smem:$0x3FA3]  }
0x2f: {  	lr =	sadd.s32 s0, s3;
	s0 =	sld [smem:$0x3F9A]  }
0x30: {  	s3 =	sld [smem:$0x3F9D]  }
0x31: {  	[smem:$0x3FA6] =	sst s10  }
0x32: {  	s10 =	sld [smem:$0x3FA4];
	_ =	sdelay $0x3  }
0x33: {  	p0 =	seq.s32 s10, $0x1;
	s10 =	sld [smem:$0x3FA6];
	_ =	sdelay $0x3  }
0x34: {  	[smem:$0x3FA6] =	sst s10  }
0x35: {  	s10 =	sld [smem:$0x3FA5];
	_ =	sdelay $0x3  }
0x36: {  	p1 =	seq.s32 s10, $0x1;
	s10 =	sld [smem:$0x3FA6];
	_ =	sdelay $0x3  }
0x37: {  	[smem:$0x3FA6] =	sst s10  }
0x38: {  	s10 =	sld [smem:$0x3FA7]  }
0x39: {  	_ = 	snop;
	(pc) =	sbr.ind lr, $3  }
0x3a: {  	_ = 	snop  }
0x3b: {  	_ = 	snop  }
0x3c: {  	p2 =	seq.s32 s10, $0x1;
	s10 =	sld [smem:$0x3FA6]  }
0x3d: {  	_ =	shalt  }
0x3e: {  	_ =	shalt  }
0x3f: {  	_ =	shalt  }
0x40: {  	_ =	shalt  }
0x41: {  	_ =	shalt  }
0x42: {  	_ =	shalt  }
0x43: {  	_ =	shalt  }
0x44: {  	_ =	shalt  }
0x45: {  	_ =	shalt  }
0x46: {  	_ =	shalt  }
0x47: {  	_ =	shalt  }
0x48: {  	_ =	shalt  }
0x49: {  	_ =	shalt  }
0x4a: {  	_ =	shalt  }
0x4b: {  	_ =	shalt  }
0x4c: {  	_ =	shalt  }
0x4d: {  	_ =	shalt  }
0x4e: {  	_ =	shalt  }
0x4f: {  	_ =	shalt  }
0x50: {  	_ =	shalt  }
0x51: {  	_ =	shalt  }
0x52: {  	_ =	shalt  }
0x53: {  	_ =	shalt  }
0x54: {  	_ =	shalt  }
0x55: {  	_ =	shalt  }
0x56: {  	_ =	shalt  }
0x57: {  	_ =	shalt  }
0x58: {  	_ =	shalt  }
0x59: {  	_ =	shalt  }
0x5a: {  	_ =	shalt  }
0x5b: {  	_ =	shalt  }
0x5c: {  	_ =	shalt  }
0x5d: {  	_ =	shalt  }
0x5e: {  	_ =	shalt  }
0x5f: {  	_ =	shalt  }
0x60: {  	_ =	shalt  }
0x61: {  	_ =	shalt  }
0x62: {  	_ =	shalt  }
0x63: {  	_ =	shalt  }
0x64: {  	_ =	shalt  }
0x65: {  	_ =	shalt  }
0x66: {  	_ =	shalt  }
0x67: {  	_ =	shalt  }
0x68: {  	_ =	shalt  }
0x69: {  	_ =	shalt  }
0x6a: {  	_ =	shalt  }
0x6b: {  	_ =	shalt  }
0x6c: {  	_ =	shalt  }
0x6d: {  	_ =	shalt  }
0x6e: {  	_ =	shalt  }
0x6f: {  	_ =	shalt  }
0x70: {  	_ =	shalt  }
0x71: {  	_ =	shalt  }
0x72: {  	_ =	shalt  }
0x73: {  	_ =	shalt  }
0x74: {  	_ =	shalt  }
0x75: {  	_ =	shalt  }
0x76: {  	_ =	shalt  }
0x77: {  	_ =	shalt  }
0x78: {  	_ =	shalt  }
0x79: {  	_ =	shalt  }
0x7a: {  	_ =	shalt  }
0x7b: {  	_ =	shalt  }
0x7c: {  	_ =	shalt  }
0x7d: {  	_ =	shalt  }
0x7e: {  	_ =	shalt  }
0x7f: {  	_ =	shalt  }
0x80: {  	_ =	shalt  }
0x81: {  	_ =	shalt  }
0x82: {  	_ =	shalt  }
0x83: {  	_ =	shalt  }
0x84: {  	_ =	shalt  }
0x85: {  	_ =	shalt  }
0x86: {  	_ =	shalt  }
0x87: {  	_ =	shalt  }
.Lfunc_end0:
.L_simem_size_0:
called_computation.1_lowered:
.L_overlay_start_0:
0x88: {  	s2 =	sld [smem:$0x3FD9]  }
0x89: {  	s3 =	sld [smem:$0x3FFE];
	_ =	sdelay $0x1  }
0x8a: {  	s1 =	srdreg.scid  }
0x8b: {  	s0 =	sand.u32 $0x1, s1  }
0x8c: {  	s16 =	sshll.u32 s0, $0xA;
	s2 =	sadd.s32 s3, s2  }
0x8d: {  	s2 =	sadd.s32 s2, s16  }
0x8e: {  	[smem:$0x3FB2] =	sst s2  }
0x8f: {  	_ = 	snop  }
0x90: {  	(tm) =	ssettm $0x1  }
0x91: {  	s17 =	sld [smem:$0x3FFB];
	_ =	sdelay $0x3  }
0x92: {  	_ =	strace s17  }
0x93: {  	s2 =	sld [smem:$0x3FFC];
	_ =	sdelay $0x3  }
0x94: {  	_ =	strace s2  }
0x95: {  	s2 =	sld [smem:$0x3FFD];
	_ =	sdelay $0x3  }
0x96: {  	_ =	strace s2  }
0x97: {  	_ =	strace $0x8FFFFFFF  }
0x98: {  	s18 =	sld [smem:$0x3FDB];
	_ =	sdelay $0x1  }
0x99: {  	s19 =	simm.s32 $_scs_section_size  }
0x9a: {  	s4 =	simm.s32 $_size__tile_overlayer_lowered;
	s5 =	simm.s32 $_tile_overlayer_lowered  }
0x9b: {  	s22 =	simm.s32 $0x1BFF;
	s21 =	sshll.u32 s5, $0x1;
	s2 =	sadd.s32 s19, s18  }
0x9c: {  	s6 =	simm.s32 $0x0;
	s20 =	sshll.u32 s4, $0x1;
	s4 =	sadd.s32 s21, s2  }
0x9d: {  	[timem:s6], [sflag:s22] =	dma.local [hbm:s4], s20  }
0x9e: {  	_ =	swait.ge [sflag:s22], s20  }
0x9f: {  	s3 =	ssub.s32 $0x0, s20;
	[sflag:s22] =	ssyncset.done $0x0  }
0xa0: {  	[sflag:s22] =	ssyncadd.s32 s3;
	_ =	sdelay $0x1  }
0xa1: {  	s23 =	simm.s32 $0x1B8B  }
0xa2: {  	_ =	swait.ge [sflag:s23], $0x1  }
0xa3: {  	[sflag:s23] =	ssyncset.done $0x0  }
0xa4: {  	s25 =	simm.s32 $0x1B8E;
	s24 =	sld [smem:$0x3FFE];
	[sflag:s23] =	ssyncadd.s32 $0xFFFFFFFF  }
0xa5: {  	s26 =	simm.s32 $execute0_lowered;
	[smem:$0x3FD2] =	sst s25  }
0xa6: {  	s4 =	sshll.u32 s26, $0x1;
	_ =	strace $0x80000049;
	[dreg:$0x1] =	wrdreg $0xFFFFFFFF  }
0xa7: {  	s28 =	simm.s32 $_size_execute0_lowered;
	s2 =	sadd.s32 s2, s4;
	[dreg:$0x0] =	wrdreg $0x0  }
0xa8: {  	s4 =	sshll.u32 s28, $0x1;
	[dreg:$0x2] =	wrdreg s2  }
0xa9: {  	[dreg:$0x3] =	wrdreg s4  }
0xaa: {  	[dreg:$0x4] =	wrdreg $0xC0  }
0xab: {  	_ =	task [dreg:s6], $0x5FFFF  }
0xac: {  	[dreg:$0x1] =	wrdreg $0xFFFFFFFF  }
0xad: {  	[dreg:$0x0] =	wrdreg $0x60  }
0xae: {  	[dreg:$0x2] =	wrdreg s24  }
0xaf: {  	[dreg:$0x3] =	wrdreg $0xB2000  }
0xb0: {  	[dreg:$0x4] =	wrdreg $0x9  }
0xb1: {  	_ =	task.clear_ibuf [dreg:s6], $0x5FFFF;
	_ =	strace $0x90000049  }
0xb2: {  	s29 =	simm.s32 $0x9;
	_ =	strace $0x8000004B  }
0xb3: {  	_ =	swait.ge [sflag:s29], $0x1  }
0xb4: {  	[sflag:s29] =	ssyncadd.s32 $0xFFFFFFFF  }
0xb5: {  	_ =	strace $0x9000004B  }
0xb6: {  	_ =	sfence  }
0xb7: {  	s30 =	sld [smem:$0x0];
	_ =	sdelay $0x2  }
0xb8: {  	s31 =	sshll.u32 s1, $0xD;
	s1 =	sshrl.u32 s1, $0x2  }
0xb9: {  	s3 =	sand.u32 $0x4000, s31;
	s1 =	sadd.s32 s1, s30  }
0xba: {  	s0 =	sor.u32 s3, s0;
	s1 =	sshll.u32 s1, $0x11  }
0xbb: {  	s0 =	sor.u32 s1, s0  }
0xbc: {  	s0 =	sadd.s32 $0x8F2B, s0  }
0xbd: {  	[sflag:s0] =	ssyncadd.remote.s32 $0x1  }
0xbe: {  	_ =	sfence.sel $0xFFFF  }
0xbf: {  	[dreg:$0x0] =	wrdreg $0xFFFFFFFF;
	(pc) =	sbr.abs _section_cstart, $3  }
0xc0: {  	[dreg:$0x1] =	wrdreg $0xFFFFFFFF  }
0xc1: {  	_ =	task.clear_ibuf [dreg:s6], $0x2FFFF;
	_ =	strace $0x9FFFFFFF  }
0xc2: {  	(tm) =	ssettm $0x7FFFFFFF  }
0xc3: {  	_ =	shalt  }
tec
execute0_lowered:
.L_overlay_start_1:
0x0: {  	(tag) =	ssettag $0x1  }
0x1: {  	s5 =	rddreg [dreg:$0x0]  }
0x2: {  	s1 =	rddreg [dreg:$0x1]  }
0x3: {  	s0 =	rddreg [dreg:$0x2];
	s2 =	simm.s32 $0x0  }
0x4: {  	s6 =	srdreg.scid;
	s3 =	stileid.u32;
	s20 =	simm.s32 $0x1  }
0x5: {  	s21 =	simm.s32 $0x4100;
	s22 =	simm.s32 $0x4180;
	s23 =	simm.s32 $0x10  }
0x6: {  	s24 =	simm.s32 $0x4200;
	s25 =	simm.s32 $0x0;
	[smem:$0x7FF] =	sst s2  }
0x7: {  	s4 =	sadd.s32 $0x41200, s5;
	s8 =	sand.u32 $0x1, s6;
	s7 =	smul.u32 $0x4E000, s3  }
0x8: {  	s15 =	sadd.s32 $0x10200, s5;
	s14 =	sadd.s32 $0x6400, s5;
	s16 =	smul.u32 $0x13800, s3  }
0x9: {  	s12 =	sadd.s32 $0x68400, s5;
	s18 =	smul.u32 $0x2710, s3;
	p0 =	sne.s32 s3, $0xF  }
0xa: {  	_ =	strace $0x8000004A;
	s6 =	sshll.u32 s8, $0x4;
	s11 =	smul.u32 $0x138800, s8  }
0xb: {  	s28 =	ssub.s32 $0x2, s8;
	s17 =	smul.u32 $0x27100, s8;
	s8 =	sadd.s32 $0x138000, s1  }
0xc: {  	s26 =	sor.u32 s3, s6;
	s29 =	sshrl.u32 s7, $0x2;
	s30 =	sshrl.u32 s28, $0x1  }
0xd: {  	s9 =	smul.u32 $0x2710, s26;
	s5 =	sadd.s32 s29, s1;
	s13 =	ssub.s32 s28, s30  }
0xe: {  	s16 =	sadd.s32 s16, s11;
	s19 =	sshrl.u32 s11, $0x3;
	s17 =	sadd.s32 s18, s17  }
0xf: {  	s18 =	simm.s32 $0x80;
	s6 =	sadd.s32 $0x6800, s5;
	s7 =	sadd.s32 $0xD000, s5  }
0x10: {  	s16 =	sshrl.u32 s16, $0x3;
	s31 =	sshrl.u32 s17, $0x3;
	s13 =	smax.u32 s13, $0x1  }
0x11: {  	s17 =	simm.s32 $0x2;
	s9 =	sshrl.u32 s9, $0x3;
	s11 =	sadd.s32 s12, s16  }
0x12: {  	s12 =	sadd.s32 s12, s19;
	s16 =	simm.s32 $0x4A00;
	s10 =	sadd.s32 $0x4E0, s9  }
0x13: {  	s19 =	simm.s32 $0x100;
	s12 =	sadd.s32 $0x27000, s12;
	s9 =	sadd.s32 s15, s10  }
0x14: {  	v0 =	vimm.f32 $0.0e+00;
	s10 =	sadd.s32 s14, s10;
	s14 =	sadd.s32 s31, s14;
	s15 =	sadd.s32 s31, s15  }
.LBB2_1:
0x15: {  	s26 =	simm.s32 $0x70;
	s28 =	simm.s32 $0x3C0  }
.LBB2_2:
0x16: {  	p1 =	sne.s32 s28, $0x19FC0;
	[tilespmem:s26+$0x4A00] =	vst v0  }
0x17: {  	[tilespmem:s26+$0x4990] =	vst v0  }
0x18: {  	[tilespmem:s26+$0x49A0] =	vst v0  }
.Ltmp0:
0x19: {  	[tilespmem:s26+$0x49B0] =	vst v0;
	(pc) =	sbr.rel @p1 .LBB2_2-.Ltmp0, $4  }
0x1a: {  	[tilespmem:s26+$0x49C0] =	vst v0  }
0x1b: {  	[tilespmem:s26+$0x49D0] =	vst v0  }
0x1c: {  	[tilespmem:s26+$0x49E0] =	vst v0  }
0x1d: {  	[tilespmem:s26+$0x49F0] =	vst v0;
	s26 =	sshra.s32 s28, $0x2;
	s28 =	sadd.s32 $0x200, s28  }
0x1e: {  	[tilespmem:s26+$0x4A00] =	vst v0  }
0x1f: {  	[tilespmem:s26+$0x4990] =	vst v0  }
0x20: {  	[tilespmem:s26+$0x49A0] =	vst v0  }
0x21: {  	[tilespmem:s26+$0x49B0] =	vst v0  }
0x22: {  	[tilespmem:s26+$0x49C0] =	vst v0  }
0x23: {  	[tilespmem:s26+$0x49D0] =	vst v0  }
0x24: {  	[tilespmem:s26+$0x49E0] =	vst v0  }
0x25: {  	[tilespmem:s26+$0x49F0] =	vst v0  }
0x26: {  	[spmem:s5] =	stream.linear.scatter [tilespmem:s16], [sflag:$0x2], $0x6800, $0x38;
	[tilespmem:$0x1EA80] =	vst v63  }
0x27: {  	_ =	swait.ge [sflag:s17], $0x6800  }
0x28: {  	[sflag:s17] =	ssyncset.done $0x0  }
0x29: {  	[sflag:s17] =	ssyncadd.s32 $0xFFFF9800  }
0x2a: {  	[spmem:s6] =	stream.linear.scatter [tilespmem:s16], [sflag:$0x2], $0x6800, $0x38;
	[tilespmem:$0x1EA80] =	vst v63  }
0x2b: {  	_ =	swait.ge [sflag:s17], $0x6800  }
0x2c: {  	[sflag:s17] =	ssyncset.done $0x0  }
0x2d: {  	[sflag:s17] =	ssyncadd.s32 $0xFFFF9800  }
0x2e: {  	[spmem:s7] =	stream.linear.scatter [tilespmem:s16], [sflag:$0x2], $0x6800, $0x38;
	[tilespmem:$0x1EA80] =	vst v63  }
0x2f: {  	_ =	swait.ge [sflag:s17], $0x6800  }
0x30: {  	[sflag:s17] =	ssyncset.done $0x0  }
0x31: {  	s26 =	simm.s32 @!p0 $0x4A00;
	[sflag:s17] =	ssyncadd.s32 $0xFFFF9800  }
0x32: {  	[spmem:s8] =	stream.linear.scatter @!p0 [tilespmem:s26], [sflag:$0x2], $0x800, $0x38;
	[tilespmem:$0x1EA80] =	vst v63  }
0x33: {  	s26 =	simm.s32 @!p0 $0x2  }
0x34: {  	_ =	swait.ge @!p0 [sflag:s26], $0x800  }
0x35: {  	[sflag:s26] =	ssyncset.done @!p0 $0x0  }
0x36: {  	[sflag:s26] =	ssyncadd.s32 @!p0 $0xFFFFF800  }
0x37: {  	s30 =	sadd.s32 $0x0, s15;
	[bflag:$0x0] =	sbarrier.arrive $0xFFFF  }
0x38: {  	[tilespmem:s2], [sflag:$0x2] =	stream.linear.gather [hbm4b:s30+s2], $0x80, $0x38;
	[tilespmem:$0x1EA80] =	vst v63  }
0x39: {  	_ =	swait.ge [sflag:s17], $0x80  }
0x3a: {  	[sflag:s17] =	ssyncset.done $0x0  }
0x3b: {  	s31 =	sadd.s32 $0x0, s14;
	[sflag:s17] =	ssyncadd.s32 $0xFFFFFF80  }
0x3c: {  	[tilespmem:s18], [sflag:$0x2] =	stream.linear.gather [hbm4b:s31+s2], $0x80, $0x38;
	[tilespmem:$0x1EA80] =	vst v63  }
0x3d: {  	_ =	swait.ge [sflag:s17], $0x80  }
0x3e: {  	[sflag:s17] =	ssyncset.done $0x0  }
0x3f: {  	[sflag:s17] =	ssyncadd.s32 $0xFFFFFF80  }
0x40: {  	[tilespmem:s19], [sflag:$0x1] =	stream.indirect.gather [hbm4b:s4+s18], $0x80, s2, s18, $0xb8;
	[tilespmem:$0x1EA80] =	vst v63  }
0x41: {  	_ =	swait.ge [sflag:s20], $0x4000  }
0x42: {  	[sflag:s20] =	ssyncset.done $0x0  }
0x43: {  	[sflag:s20] =	ssyncadd.s32 $0xFFFFC000  }
0x44: {  	[spmem:s1] =	stream.indirect.scatter.add.f32 [tilespmem:s19], [sflag:$0x2], $0x80, s18, s18, $0xb8;
	[tilespmem:$0x1EA80] =	vst v63  }
0x45: {  	_ =	swait.ge [sflag:s17], $0x4000  }
0x46: {  	s28 =	simm.s32 $0x20;
	s26 =	simm.s32 $0x10;
	[sflag:s17] =	ssyncset.done $0x0  }
.LBB2_4:
0x47: {  	s29 =	sadd.s32 s26, s15  }
0x48: {  	[sflag:s17] =	ssyncadd.s32 $0xFFFFC000;
	s30 =	smov.u32 s28;
	s31 =	sadd.s32 $0x10, s28  }
0x49: {  	[tilespmem:s2], [sflag:$0x2] =	stream.linear.gather [hbm4b:s29+s2], $0x80, $0x38;
	[tilespmem:$0x1EA80] =	vst v63  }
0x4a: {  	p1 =	sne.s32 s28, $0x4D0;
	_ =	swait.ge [sflag:s17], $0x80  }
0x4b: {  	[sflag:s17] =	ssyncset.done $0x0  }
0x4c: {  	s28 =	sadd.s32 s26, s14;
	s26 =	smov.u32 s30;
	[sflag:s17] =	ssyncadd.s32 $0xFFFFFF80  }
0x4d: {  	[tilespmem:s18], [sflag:$0x2] =	stream.linear.gather [hbm4b:s28+s2], $0x80, $0x38;
	[tilespmem:$0x1EA80] =	vst v63  }
0x4e: {  	_ =	swait.ge [sflag:s17], $0x80  }
0x4f: {  	[sflag:s17] =	ssyncset.done $0x0  }
0x50: {  	[sflag:s17] =	ssyncadd.s32 $0xFFFFFF80  }
0x51: {  	[tilespmem:s19], [sflag:$0x1] =	stream.indirect.gather [hbm4b:s4+s18], $0x80, s2, s18, $0xb8;
	[tilespmem:$0x1EA80] =	vst v63  }
0x52: {  	_ =	swait.ge [sflag:s20], $0x4000  }
.Ltmp1:
0x53: {  	[sflag:s20] =	ssyncset.done $0x0;
	(pc) =	sbr.rel @p1 .LBB2_4-.Ltmp1, $4  }
0x54: {  	[sflag:s20] =	ssyncadd.s32 $0xFFFFC000  }
0x55: {  	[spmem:s1] =	stream.indirect.scatter.add.f32 [tilespmem:s19], [sflag:$0x2], $0x80, s18, s18, $0xb8;
	[tilespmem:$0x1EA80] =	vst v63  }
0x56: {  	_ =	swait.ge [sflag:s17], $0x4000  }
0x57: {  	s28 =	smov.u32 s31;
	[sflag:s17] =	ssyncset.done $0x0  }
0x58: {  	s28 =	sadd.s32 s26, s15;
	[sflag:s17] =	ssyncadd.s32 $0xFFFFC000  }
0x59: {  	[tilespmem:s2], [sflag:$0x2] =	stream.linear.gather [hbm4b:s28+s2], $0x80, $0x38;
	[tilespmem:$0x1EA80] =	vst v63  }
0x5a: {  	_ =	swait.ge [sflag:s17], $0x80  }
0x5b: {  	[sflag:s17] =	ssyncset.done $0x0  }
0x5c: {  	s29 =	sadd.s32 s26, s14;
	[sflag:s17] =	ssyncadd.s32 $0xFFFFFF80  }
0x5d: {  	[tilespmem:s18], [sflag:$0x2] =	stream.linear.gather [hbm4b:s29+s2], $0x80, $0x38;
	[tilespmem:$0x1EA80] =	vst v63  }
0x5e: {  	_ =	swait.ge [sflag:s17], $0x80  }
0x5f: {  	[sflag:s17] =	ssyncset.done $0x0  }
0x60: {  	[sflag:s17] =	ssyncadd.s32 $0xFFFFFF80  }
0x61: {  	[tilespmem:s19], [sflag:$0x1] =	stream.indirect.gather [hbm4b:s4+s18], $0x80, s2, s18, $0xb8;
	[tilespmem:$0x1EA80] =	vst v63  }
0x62: {  	_ =	swait.ge [sflag:s20], $0x4000  }
0x63: {  	[sflag:s20] =	ssyncset.done $0x0  }
0x64: {  	[sflag:s20] =	ssyncadd.s32 $0xFFFFC000  }
0x65: {  	[spmem:s1] =	stream.indirect.scatter.add.f32 [tilespmem:s19], [sflag:$0x2], $0x80, s18, s18, $0xb8;
	[tilespmem:$0x1EA80] =	vst v63  }
0x66: {  	_ =	swait.ge [sflag:s17], $0x4000  }
0x67: {  	[sflag:s17] =	ssyncset.done $0x0  }
0x68: {  	[sflag:s17] =	ssyncadd.s32 $0xFFFFC000  }
0x69: {  	[tilespmem:s21], [sflag:$0x2] =	stream.linear.gather [hbm4b:s9+s2], $0x10, $0x38;
	[tilespmem:$0x1EA80] =	vst v63  }
0x6a: {  	_ =	swait.ge [sflag:s17], $0x10  }
0x6b: {  	[sflag:s17] =	ssyncset.done $0x0  }
0x6c: {  	[sflag:s17] =	ssyncadd.s32 $0xFFFFFFF0  }
0x6d: {  	[tilespmem:s22], [sflag:$0x2] =	stream.linear.gather [hbm4b:s10+s2], $0x10, $0x38;
	[tilespmem:$0x1EA80] =	vst v63  }
0x6e: {  	_ =	swait.ge [sflag:s17], $0x10  }
0x6f: {  	[sflag:s17] =	ssyncset.done $0x0  }
0x70: {  	[sflag:s17] =	ssyncadd.s32 $0xFFFFFFF0  }
0x71: {  	[tilespmem:s24], [sflag:$0x1] =	stream.indirect.gather [hbm4b:s4+s23], $0x80, s21, s23, $0xb8;
	[tilespmem:$0x1EA80] =	vst v63  }
0x72: {  	_ =	swait.ge [sflag:s20], $0x800  }
0x73: {  	[sflag:s20] =	ssyncset.done $0x0  }
0x74: {  	[sflag:s20] =	ssyncadd.s32 $0xFFFFF800  }
0x75: {  	[spmem:s1] =	stream.indirect.scatter.add.f32 [tilespmem:s24], [sflag:$0x2], $0x80, s22, s23, $0xb8;
	[tilespmem:$0x1EA80] =	vst v63  }
0x76: {  	_ =	swait.ge [sflag:s17], $0x800  }
0x77: {  	[sflag:s17] =	ssyncset.done $0x0  }
0x78: {  	s30 =	sshll.u32 s3, $0x6;
	[sflag:s17] =	ssyncadd.s32 $0xFFFFF800  }
0x79: {  	s31 =	sshrl.u32 s5, $0x3;
	s26 =	sor.u32 $0x1C02, s30;
	[bflag:$0x0] =	sbarrier.arrive $0xFFFF  }
0x7a: {  	[hbm:s11], [sflag:s26] =	dma.local [spmem:s31], $0x2700  }
0x7b: {  	_ =	swait.ge [sflag:s17], $0x2700  }
0x7c: {  	s25 =	sadd.s32 $0x1, s25;
	[sflag:s17] =	ssyncset.done $0x0  }
0x7d: {  	s28 =	sshrl.u32 @!p0 s8, $0x3;
	p1 =	sne.s32 s25, s13;
	[sflag:s17] =	ssyncadd.s32 $0xFFFFD900  }
0x7e: {  	[hbm:s12], [sflag:s26] =	dma.local @!p0 [spmem:s28], $0x100  }
.Ltmp2:
0x7f: {  	_ = 	snop;
	(pc) =	sbr.rel @p1 .LBB2_1-.Ltmp2, $4  }
0x80: {  	s26 =	simm.s32 @!p0 $0x2  }
0x81: {  	_ =	swait.ge @!p0 [sflag:s26], $0x100  }
0x82: {  	[sflag:s26] =	ssyncset.done @!p0 $0x0  }
0x83: {  	[sflag:s26] =	ssyncadd.s32 @!p0 $0xFFFFFF00  }
0x84: {  	_ =	sfence.sel $0x180000  }
0x85: {  	[bflag:$0x0] =	sbarrier.arrive $0xFFFF  }
0x86: {  	p0 =	sne.s32 s3, $0x0;
	_ =	strace $0x9000004A  }
0x87: {  	s0 =	sadd.s32 @!p0 $0x100000, s0;
	[bflag:$0x2] =	sbarrier.arrive $0xFFFF  }
0x88: {  	[sflag:s0] =	ssyncadd.tile.s32 @!p0 $0x1;
	_ =	shalt  }
.Lfunc_end2:
_tile_overlayer_lowered:
.L_overlay_start_2:
0x89: {  	(tag) =	ssettag $0x2  }
0x8a: {  	s0 =	rddreg [dreg:$0x0];
	s2 =	stileid.u32  }
0x8b: {  	s1 =	rddreg [dreg:$0x1];
	p0 =	sne.s32 s2, $0x0  }
0x8c: {  	s3 =	rddreg [dreg:$0x2];
	[bflag:$0x3] =	sbarrier.arrive $0xFFFF;
	s2 =	simm.s32 @!p0 $0x1C02  }
0x8d: {  	[timem:s3], [sflag:s2] =	dma.local @!p0 [hbm:s0], s1  }
0x8e: {  	s0 =	simm.s32 @!p0 $0x2  }
0x8f: {  	_ =	swait.ge @!p0 [sflag:s0], s1  }
0x90: {  	s1 =	ssub.s32 @!p0 $0x0, s1;
	[sflag:s0] =	ssyncset.done @!p0 $0x0  }
0x91: {  	[sflag:s0] =	ssyncadd.s32 @!p0 s1  }
0x92: {  	[bflag:$0x3] =	sbarrier.arrive $0xFFFF  }
0x93: {  	_ =	shalt  }

// kernel: kernel.23.cloned.1.call-start
scs
__scs_entry_jumppad:
0x0: {  	(pc) =	sbr.rel $0x88, $3  }
0x1: {  	(tag) =	ssettag $0x0;
	lr =	simm.s32 $0x1  }
0x2: {  	[smem:$0x3F8B] =	sst lr;
	_ =	strace $0xD0000000  }
0x3: {  	_ = 	snop  }
0x4: {  	_ = 	snop  }
0x5: {  	_ = 	snop  }
0x6: {  	_ = 	snop  }
0x7: {  	_ = 	snop  }
__scs_overlays_trampoline_lowered:
0x8: {  	[smem:$0x3F9A] =	sst s0  }
0x9: {  	[smem:$0x3F9B] =	sst s1  }
0xa: {  	[smem:$0x3F9C] =	sst s2  }
0xb: {  	[smem:$0x3F9D] =	sst s3  }
0xc: {  	[smem:$0x3F9E] =	sst s4  }
0xd: {  	[smem:$0x3F9F] =	sst s5  }
0xe: {  	[smem:$0x3FA0] =	sst s6  }
0xf: {  	[smem:$0x3FA1] =	sst s7  }
0x10: {  	[smem:$0x3FA2] =	sst s8  }
0x11: {  	[smem:$0x3FA3] =	sst s9;
	s0 =	simm.s32 @!p0 $0x0  }
0x12: {  	s1 =	sld [smem:$0x3F89];
	s0 =	simm.s32 @p0 $0x1  }
0x13: {  	[smem:$0x3FA4] =	sst s0;
	s0 =	simm.s32 @!p1 $0x0  }
0x14: {  	s2 =	sld [smem:$0x3F88];
	s0 =	simm.s32 @p1 $0x1  }
0x15: {  	[smem:$0x3FA5] =	sst s0;
	s0 =	simm.s32 @!p2 $0x0  }
0x16: {  	s3 =	sld [smem:$0x3FDB];
	s0 =	simm.s32 @p2 $0x1  }
0x17: {  	s4 =	simm.s32 $0x1BF5;
	[smem:$0x3FA7] =	sst s0  }
0x18: {  	s0 =	sld [smem:$0x3F8A];
	_ =	swait.ge [sflag:s4], $0x0  }
0x19: {  	s7 =	sld [smem:$0x3F8B]  }
0x1a: {  	s8 =	sadd.s32 $0xFFFFE003, lr  }
0x1b: {  	s9 =	sadd.s32 $0xFFFFFEF7, lr;
	s5 =	simm.s32 $0xFFFFFFFF;
	p2 =	slt.u32 s8, $0xFFFFF086  }
0x1c: {  	p1 =	slt.u32 s9, $0xF7A;
	s5 =	simm.s32 @!p2 $0x0  }
0x1d: {  	s5 =	simm.s32 @p1 $0x1;
	p0 =	seq.s32 s7, s2  }
0x1e: {  	s7 =	smul.u32 @!p0 $0xF7A, s2;
	p2 =	seq.s32 @!p0 s5, $0x0  }
0x1f: {  	s9 =	smul.u32 $0xF7A, s1;
	s8 =	simm.s32 @!p0 $0x1BF5;
	p2 =	por !p2, p0  }
0x20: {  	[sflag:s8] =	ssyncset.s32 @!p0 $0xFFFFF086;
	s6 =	sadd.s32 @!p0 s3, s7;
	s7 =	simm.s32 @!p0 $0x108  }
0x21: {  	s3 =	sadd.s32 s3, s9;
	s6 =	sadd.s32 @!p0 $0x88, s6;
	s7 =	simm.s32 @p2 $0x1082  }
0x22: {  	[simem:s7], [sflag:s8] =	dma.local @!p0 [hbm:s6], $0xF7A  }
0x23: {  	s9 =	sor.u32 $0xD0000000, s2;
	s6 =	simm.s32 $0x108;
	_ =	swait.ge @!p0 [sflag:s8], $0x0  }
0x24: {  	s3 =	sadd.s32 $0x88, s3;
	s6 =	simm.s32 @!p1 $0x1082;
	[sflag:s4] =	ssyncset.s32 $0xFFFFF086  }
0x25: {  	[simem:s6], [sflag:s4] =	dma.local [hbm:s3], $0xF7A  }
0x26: {  	[smem:$0x3F8B] =	sst s1;
	(tag) =	ssettag s2;
	_ =	strace s9  }
0x27: {  	s1 =	sld [smem:$0x3F9B]  }
0x28: {  	s2 =	sld [smem:$0x3F9C]  }
0x29: {  	s4 =	sld [smem:$0x3F9E]  }
0x2a: {  	p0 =	seq.s32 s5, $0x0;
	s5 =	sld [smem:$0x3F9F]  }
0x2b: {  	s6 =	sld [smem:$0x3FA0]  }
0x2c: {  	s7 =	sld [smem:$0x3FA1]  }
0x2d: {  	s3 =	simm.s32 $0x108;
	s8 =	sld [smem:$0x3FA2]  }
0x2e: {  	s3 =	simm.s32 @!p0 $0x1082;
	s9 =	sld [smem:$0x3FA3]  }
0x2f: {  	lr =	sadd.s32 s0, s3;
	s0 =	sld [smem:$0x3F9A]  }
0x30: {  	s3 =	sld [smem:$0x3F9D]  }
0x31: {  	[smem:$0x3FA6] =	sst s10  }
0x32: {  	s10 =	sld [smem:$0x3FA4];
	_ =	sdelay $0x3  }
0x33: {  	p0 =	seq.s32 s10, $0x1;
	s10 =	sld [smem:$0x3FA6];
	_ =	sdelay $0x3  }
0x34: {  	[smem:$0x3FA6] =	sst s10  }
0x35: {  	s10 =	sld [smem:$0x3FA5];
	_ =	sdelay $0x3  }
0x36: {  	p1 =	seq.s32 s10, $0x1;
	s10 =	sld [smem:$0x3FA6];
	_ =	sdelay $0x3  }
0x37: {  	[smem:$0x3FA6] =	sst s10  }
0x38: {  	s10 =	sld [smem:$0x3FA7]  }
0x39: {  	_ = 	snop;
	(pc) =	sbr.ind lr, $3  }
0x3a: {  	_ = 	snop  }
0x3b: {  	_ = 	snop  }
0x3c: {  	p2 =	seq.s32 s10, $0x1;
	s10 =	sld [smem:$0x3FA6]  }
0x3d: {  	_ =	shalt  }
0x3e: {  	_ =	shalt  }
0x3f: {  	_ =	shalt  }
0x40: {  	_ =	shalt  }
0x41: {  	_ =	shalt  }
0x42: {  	_ =	shalt  }
0x43: {  	_ =	shalt  }
0x44: {  	_ =	shalt  }
0x45: {  	_ =	shalt  }
0x46: {  	_ =	shalt  }
0x47: {  	_ =	shalt  }
0x48: {  	_ =	shalt  }
0x49: {  	_ =	shalt  }
0x4a: {  	_ =	shalt  }
0x4b: {  	_ =	shalt  }
0x4c: {  	_ =	shalt  }
0x4d: {  	_ =	shalt  }
0x4e: {  	_ =	shalt  }
0x4f: {  	_ =	shalt  }
0x50: {  	_ =	shalt  }
0x51: {  	_ =	shalt  }
0x52: {  	_ =	shalt  }
0x53: {  	_ =	shalt  }
0x54: {  	_ =	shalt  }
0x55: {  	_ =	shalt  }
0x56: {  	_ =	shalt  }
0x57: {  	_ =	shalt  }
0x58: {  	_ =	shalt  }
0x59: {  	_ =	shalt  }
0x5a: {  	_ =	shalt  }
0x5b: {  	_ =	shalt  }
0x5c: {  	_ =	shalt  }
0x5d: {  	_ =	shalt  }
0x5e: {  	_ =	shalt  }
0x5f: {  	_ =	shalt  }
0x60: {  	_ =	shalt  }
0x61: {  	_ =	shalt  }
0x62: {  	_ =	shalt  }
0x63: {  	_ =	shalt  }
0x64: {  	_ =	shalt  }
0x65: {  	_ =	shalt  }
0x66: {  	_ =	shalt  }
0x67: {  	_ =	shalt  }
0x68: {  	_ =	shalt  }
0x69: {  	_ =	shalt  }
0x6a: {  	_ =	shalt  }
0x6b: {  	_ =	shalt  }
0x6c: {  	_ =	shalt  }
0x6d: {  	_ =	shalt  }
0x6e: {  	_ =	shalt  }
0x6f: {  	_ =	shalt  }
0x70: {  	_ =	shalt  }
0x71: {  	_ =	shalt  }
0x72: {  	_ =	shalt  }
0x73: {  	_ =	shalt  }
0x74: {  	_ =	shalt  }
0x75: {  	_ =	shalt  }
0x76: {  	_ =	shalt  }
0x77: {  	_ =	shalt  }
0x78: {  	_ =	shalt  }
0x79: {  	_ =	shalt  }
0x7a: {  	_ =	shalt  }
0x7b: {  	_ =	shalt  }
0x7c: {  	_ =	shalt  }
0x7d: {  	_ =	shalt  }
0x7e: {  	_ =	shalt  }
0x7f: {  	_ =	shalt  }
0x80: {  	_ =	shalt  }
0x81: {  	_ =	shalt  }
0x82: {  	_ =	shalt  }
0x83: {  	_ =	shalt  }
0x84: {  	_ =	shalt  }
0x85: {  	_ =	shalt  }
0x86: {  	_ =	shalt  }
0x87: {  	_ =	shalt  }
.Lfunc_end0:
.L_simem_size_0:
called_computation.2_lowered:
.L_overlay_start_0:
0x88: {  	s2 =	sld [smem:$0x3FD9]  }
0x89: {  	s3 =	sld [smem:$0x3FFE];
	_ =	sdelay $0x1  }
0x8a: {  	s1 =	srdreg.scid  }
0x8b: {  	s0 =	sand.u32 $0x1, s1  }
0x8c: {  	s16 =	sshll.u32 s0, $0xA;
	s2 =	sadd.s32 s3, s2  }
0x8d: {  	s2 =	sadd.s32 s2, s16  }
0x8e: {  	[smem:$0x3FB2] =	sst s2  }
0x8f: {  	_ = 	snop  }
0x90: {  	(tm) =	ssettm $0x1  }
0x91: {  	s17 =	sld [smem:$0x3FFB];
	_ =	sdelay $0x3  }
0x92: {  	_ =	strace s17  }
0x93: {  	s2 =	sld [smem:$0x3FFC];
	_ =	sdelay $0x3  }
0x94: {  	_ =	strace s2  }
0x95: {  	s2 =	sld [smem:$0x3FFD];
	_ =	sdelay $0x3  }
0x96: {  	_ =	strace s2  }
0x97: {  	_ =	strace $0x8FFFFFFF  }
0x98: {  	s18 =	sld [smem:$0x3FDB];
	_ =	sdelay $0x1  }
0x99: {  	s19 =	simm.s32 $_scs_section_size  }
0x9a: {  	s4 =	simm.s32 $_size__tile_overlayer_lowered;
	s5 =	simm.s32 $_tile_overlayer_lowered  }
0x9b: {  	s22 =	simm.s32 $0x1BFF;
	s21 =	sshll.u32 s5, $0x1;
	s2 =	sadd.s32 s19, s18  }
0x9c: {  	s6 =	simm.s32 $0x0;
	s20 =	sshll.u32 s4, $0x1;
	s4 =	sadd.s32 s21, s2  }
0x9d: {  	[timem:s6], [sflag:s22] =	dma.local [hbm:s4], s20  }
0x9e: {  	_ =	swait.ge [sflag:s22], s20  }
0x9f: {  	s3 =	ssub.s32 $0x0, s20;
	[sflag:s22] =	ssyncset.done $0x0  }
0xa0: {  	[sflag:s22] =	ssyncadd.s32 s3;
	_ =	sdelay $0x1  }
0xa1: {  	s23 =	simm.s32 $0x1B8B  }
0xa2: {  	_ =	swait.ge [sflag:s23], $0x1  }
0xa3: {  	[sflag:s23] =	ssyncset.done $0x0  }
0xa4: {  	s25 =	simm.s32 $0x1B8E;
	s24 =	sld [smem:$0x3FFE];
	[sflag:s23] =	ssyncadd.s32 $0xFFFFFFFF  }
0xa5: {  	s26 =	simm.s32 $execute0_lowered;
	[smem:$0x3FD2] =	sst s25  }
0xa6: {  	s4 =	sshll.u32 s26, $0x1;
	_ =	strace $0x8000004C;
	[dreg:$0x1] =	wrdreg $0xFFFFFFFF  }
0xa7: {  	s28 =	simm.s32 $_size_execute0_lowered;
	s2 =	sadd.s32 s2, s4;
	[dreg:$0x0] =	wrdreg $0x0  }
0xa8: {  	s4 =	sshll.u32 s28, $0x1;
	[dreg:$0x2] =	wrdreg s2  }
0xa9: {  	[dreg:$0x3] =	wrdreg s4  }
0xaa: {  	[dreg:$0x4] =	wrdreg $0xC0  }
0xab: {  	_ =	task [dreg:s6], $0x5FFFF  }
0xac: {  	[dreg:$0x1] =	wrdreg $0xFFFFFFFF  }
0xad: {  	[dreg:$0x0] =	wrdreg $0x60  }
0xae: {  	[dreg:$0x2] =	wrdreg s24  }
0xaf: {  	[dreg:$0x3] =	wrdreg $0xB2000  }
0xb0: {  	[dreg:$0x4] =	wrdreg $0x9  }
0xb1: {  	_ =	task.clear_ibuf [dreg:s6], $0x5FFFF;
	_ =	strace $0x9000004C  }
0xb2: {  	s29 =	simm.s32 $0x9;
	_ =	strace $0x8000004E  }
0xb3: {  	_ =	swait.ge [sflag:s29], $0x1  }
0xb4: {  	[sflag:s29] =	ssyncadd.s32 $0xFFFFFFFF  }
0xb5: {  	_ =	strace $0x9000004E  }
0xb6: {  	_ =	sfence  }
0xb7: {  	s30 =	sld [smem:$0x0];
	_ =	sdelay $0x2  }
0xb8: {  	s31 =	sshll.u32 s1, $0xD;
	s1 =	sshrl.u32 s1, $0x2  }
0xb9: {  	s3 =	sand.u32 $0x4000, s31;
	s1 =	sadd.s32 s1, s30  }
0xba: {  	s0 =	sor.u32 s3, s0;
	s1 =	sshll.u32 s1, $0x11  }
0xbb: {  	s0 =	sor.u32 s1, s0  }
0xbc: {  	s0 =	sadd.s32 $0x8F2B, s0  }
0xbd: {  	[sflag:s0] =	ssyncadd.remote.s32 $0x1  }
0xbe: {  	_ =	sfence.sel $0xFFFF  }
0xbf: {  	[dreg:$0x0] =	wrdreg $0xFFFFFFFF;
	(pc) =	sbr.abs _section_cstart, $3  }
0xc0: {  	[dreg:$0x1] =	wrdreg $0xFFFFFFFF  }
0xc1: {  	_ =	task.clear_ibuf [dreg:s6], $0x2FFFF;
	_ =	strace $0x9FFFFFFF  }
0xc2: {  	(tm) =	ssettm $0x7FFFFFFF  }
0xc3: {  	_ =	shalt  }
tec
execute0_lowered:
.L_overlay_start_1:
0x0: {  	(tag) =	ssettag $0x1  }
0x1: {  	s5 =	rddreg [dreg:$0x0]  }
0x2: {  	s1 =	rddreg [dreg:$0x1]  }
0x3: {  	s0 =	rddreg [dreg:$0x2];
	s2 =	simm.s32 $0x0  }
0x4: {  	s6 =	srdreg.scid;
	s3 =	stileid.u32;
	s20 =	simm.s32 $0x1  }
0x5: {  	s21 =	simm.s32 $0x4100;
	s22 =	simm.s32 $0x4180;
	s23 =	simm.s32 $0x10  }
0x6: {  	s24 =	simm.s32 $0x4200;
	s25 =	simm.s32 $0x0;
	[smem:$0x7FF] =	sst s2  }
0x7: {  	s4 =	sadd.s32 $0x41200, s5;
	s8 =	sand.u32 $0x1, s6;
	s7 =	smul.u32 $0x4E000, s3  }
0x8: {  	s15 =	sadd.s32 $0x10200, s5;
	s14 =	sadd.s32 $0x6400, s5;
	s16 =	smul.u32 $0x13800, s3  }
0x9: {  	s12 =	sadd.s32 $0x68400, s5;
	s18 =	smul.u32 $0x2710, s3;
	p0 =	sne.s32 s3, $0xF  }
0xa: {  	_ =	strace $0x8000004D;
	s6 =	sshll.u32 s8, $0x4;
	s11 =	smul.u32 $0x138800, s8  }
0xb: {  	s28 =	ssub.s32 $0x2, s8;
	s17 =	smul.u32 $0x27100, s8;
	s8 =	sadd.s32 $0x138000, s1  }
0xc: {  	s26 =	sor.u32 s3, s6;
	s29 =	sshrl.u32 s7, $0x2;
	s30 =	sshrl.u32 s28, $0x1  }
0xd: {  	s9 =	smul.u32 $0x2710, s26;
	s5 =	sadd.s32 s29, s1;
	s13 =	ssub.s32 s28, s30  }
0xe: {  	s16 =	sadd.s32 s16, s11;
	s19 =	sshrl.u32 s11, $0x3;
	s17 =	sadd.s32 s18, s17  }
0xf: {  	s18 =	simm.s32 $0x80;
	s6 =	sadd.s32 $0x6800, s5;
	s7 =	sadd.s32 $0xD000, s5  }
0x10: {  	s16 =	sshrl.u32 s16, $0x3;
	s31 =	sshrl.u32 s17, $0x3;
	s13 =	smax.u32 s13, $0x1  }
0x11: {  	s17 =	simm.s32 $0x2;
	s9 =	sshrl.u32 s9, $0x3;
	s11 =	sadd.s32 s12, s16  }
0x12: {  	s12 =	sadd.s32 s12, s19;
	s16 =	simm.s32 $0x4A00;
	s10 =	sadd.s32 $0x4E0, s9  }
0x13: {  	s19 =	simm.s32 $0x100;
	s12 =	sadd.s32 $0x27000, s12;
	s9 =	sadd.s32 s15, s10  }
0x14: {  	v0 =	vimm.f32 $0.0e+00;
	s10 =	sadd.s32 s14, s10;
	s14 =	sadd.s32 s31, s14;
	s15 =	sadd.s32 s31, s15  }
.LBB2_1:
0x15: {  	s26 =	simm.s32 $0x70;
	s28 =	simm.s32 $0x3C0  }
.LBB2_2:
0x16: {  	p1 =	sne.s32 s28, $0x19FC0;
	[tilespmem:s26+$0x4A00] =	vst v0  }
0x17: {  	[tilespmem:s26+$0x4990] =	vst v0  }
0x18: {  	[tilespmem:s26+$0x49A0] =	vst v0  }
.Ltmp0:
0x19: {  	[tilespmem:s26+$0x49B0] =	vst v0;
	(pc) =	sbr.rel @p1 .LBB2_2-.Ltmp0, $4  }
0x1a: {  	[tilespmem:s26+$0x49C0] =	vst v0  }
0x1b: {  	[tilespmem:s26+$0x49D0] =	vst v0  }
0x1c: {  	[tilespmem:s26+$0x49E0] =	vst v0  }
0x1d: {  	[tilespmem:s26+$0x49F0] =	vst v0;
	s26 =	sshra.s32 s28, $0x2;
	s28 =	sadd.s32 $0x200, s28  }
0x1e: {  	[tilespmem:s26+$0x4A00] =	vst v0  }
0x1f: {  	[tilespmem:s26+$0x4990] =	vst v0  }
0x20: {  	[tilespmem:s26+$0x49A0] =	vst v0  }
0x21: {  	[tilespmem:s26+$0x49B0] =	vst v0  }
0x22: {  	[tilespmem:s26+$0x49C0] =	vst v0  }
0x23: {  	[tilespmem:s26+$0x49D0] =	vst v0  }
0x24: {  	[tilespmem:s26+$0x49E0] =	vst v0  }
0x25: {  	[tilespmem:s26+$0x49F0] =	vst v0  }
0x26: {  	[spmem:s5] =	stream.linear.scatter [tilespmem:s16], [sflag:$0x2], $0x6800, $0x38;
	[tilespmem:$0x1EA80] =	vst v63  }
0x27: {  	_ =	swait.ge [sflag:s17], $0x6800  }
0x28: {  	[sflag:s17] =	ssyncset.done $0x0  }
0x29: {  	[sflag:s17] =	ssyncadd.s32 $0xFFFF9800  }
0x2a: {  	[spmem:s6] =	stream.linear.scatter [tilespmem:s16], [sflag:$0x2], $0x6800, $0x38;
	[tilespmem:$0x1EA80] =	vst v63  }
0x2b: {  	_ =	swait.ge [sflag:s17], $0x6800  }
0x2c: {  	[sflag:s17] =	ssyncset.done $0x0  }
0x2d: {  	[sflag:s17] =	ssyncadd.s32 $0xFFFF9800  }
0x2e: {  	[spmem:s7] =	stream.linear.scatter [tilespmem:s16], [sflag:$0x2], $0x6800, $0x38;
	[tilespmem:$0x1EA80] =	vst v63  }
0x2f: {  	_ =	swait.ge [sflag:s17], $0x6800  }
0x30: {  	[sflag:s17] =	ssyncset.done $0x0  }
0x31: {  	s26 =	simm.s32 @!p0 $0x4A00;
	[sflag:s17] =	ssyncadd.s32 $0xFFFF9800  }
0x32: {  	[spmem:s8] =	stream.linear.scatter @!p0 [tilespmem:s26], [sflag:$0x2], $0x800, $0x38;
	[tilespmem:$0x1EA80] =	vst v63  }
0x33: {  	s26 =	simm.s32 @!p0 $0x2  }
0x34: {  	_ =	swait.ge @!p0 [sflag:s26], $0x800  }
0x35: {  	[sflag:s26] =	ssyncset.done @!p0 $0x0  }
0x36: {  	[sflag:s26] =	ssyncadd.s32 @!p0 $0xFFFFF800  }
0x37: {  	s30 =	sadd.s32 $0x0, s15;
	[bflag:$0x0] =	sbarrier.arrive $0xFFFF  }
0x38: {  	[tilespmem:s2], [sflag:$0x2] =	stream.linear.gather [hbm4b:s30+s2], $0x80, $0x38;
	[tilespmem:$0x1EA80] =	vst v63  }
0x39: {  	_ =	swait.ge [sflag:s17], $0x80  }
0x3a: {  	[sflag:s17] =	ssyncset.done $0x0  }
0x3b: {  	s31 =	sadd.s32 $0x0, s14;
	[sflag:s17] =	ssyncadd.s32 $0xFFFFFF80  }
0x3c: {  	[tilespmem:s18], [sflag:$0x2] =	stream.linear.gather [hbm4b:s31+s2], $0x80, $0x38;
	[tilespmem:$0x1EA80] =	vst v63  }
0x3d: {  	_ =	swait.ge [sflag:s17], $0x80  }
0x3e: {  	[sflag:s17] =	ssyncset.done $0x0  }
0x3f: {  	[sflag:s17] =	ssyncadd.s32 $0xFFFFFF80  }
0x40: {  	[tilespmem:s19], [sflag:$0x1] =	stream.indirect.gather [hbm4b:s4+s18], $0x80, s2, s18, $0xb8;
	[tilespmem:$0x1EA80] =	vst v63  }
0x41: {  	_ =	swait.ge [sflag:s20], $0x4000  }
0x42: {  	[sflag:s20] =	ssyncset.done $0x0  }
0x43: {  	[sflag:s20] =	ssyncadd.s32 $0xFFFFC000  }
0x44: {  	[spmem:s1] =	stream.indirect.scatter.add.f32 [tilespmem:s19], [sflag:$0x2], $0x80, s18, s18, $0xb8;
	[tilespmem:$0x1EA80] =	vst v63  }
0x45: {  	_ =	swait.ge [sflag:s17], $0x4000  }
0x46: {  	s28 =	simm.s32 $0x20;
	s26 =	simm.s32 $0x10;
	[sflag:s17] =	ssyncset.done $0x0  }
.LBB2_4:
0x47: {  	s29 =	sadd.s32 s26, s15  }
0x48: {  	[sflag:s17] =	ssyncadd.s32 $0xFFFFC000;
	s30 =	smov.u32 s28;
	s31 =	sadd.s32 $0x10, s28  }
0x49: {  	[tilespmem:s2], [sflag:$0x2] =	stream.linear.gather [hbm4b:s29+s2], $0x80, $0x38;
	[tilespmem:$0x1EA80] =	vst v63  }
0x4a: {  	p1 =	sne.s32 s28, $0x4D0;
	_ =	swait.ge [sflag:s17], $0x80  }
0x4b: {  	[sflag:s17] =	ssyncset.done $0x0  }
0x4c: {  	s28 =	sadd.s32 s26, s14;
	s26 =	smov.u32 s30;
	[sflag:s17] =	ssyncadd.s32 $0xFFFFFF80  }
0x4d: {  	[tilespmem:s18], [sflag:$0x2] =	stream.linear.gather [hbm4b:s28+s2], $0x80, $0x38;
	[tilespmem:$0x1EA80] =	vst v63  }
0x4e: {  	_ =	swait.ge [sflag:s17], $0x80  }
0x4f: {  	[sflag:s17] =	ssyncset.done $0x0  }
0x50: {  	[sflag:s17] =	ssyncadd.s32 $0xFFFFFF80  }
0x51: {  	[tilespmem:s19], [sflag:$0x1] =	stream.indirect.gather [hbm4b:s4+s18], $0x80, s2, s18, $0xb8;
	[tilespmem:$0x1EA80] =	vst v63  }
0x52: {  	_ =	swait.ge [sflag:s20], $0x4000  }
.Ltmp1:
0x53: {  	[sflag:s20] =	ssyncset.done $0x0;
	(pc) =	sbr.rel @p1 .LBB2_4-.Ltmp1, $4  }
0x54: {  	[sflag:s20] =	ssyncadd.s32 $0xFFFFC000  }
0x55: {  	[spmem:s1] =	stream.indirect.scatter.add.f32 [tilespmem:s19], [sflag:$0x2], $0x80, s18, s18, $0xb8;
	[tilespmem:$0x1EA80] =	vst v63  }
0x56: {  	_ =	swait.ge [sflag:s17], $0x4000  }
0x57: {  	s28 =	smov.u32 s31;
	[sflag:s17] =	ssyncset.done $0x0  }
0x58: {  	s28 =	sadd.s32 s26, s15;
	[sflag:s17] =	ssyncadd.s32 $0xFFFFC000  }
0x59: {  	[tilespmem:s2], [sflag:$0x2] =	stream.linear.gather [hbm4b:s28+s2], $0x80, $0x38;
	[tilespmem:$0x1EA80] =	vst v63  }
0x5a: {  	_ =	swait.ge [sflag:s17], $0x80  }
0x5b: {  	[sflag:s17] =	ssyncset.done $0x0  }
0x5c: {  	s29 =	sadd.s32 s26, s14;
	[sflag:s17] =	ssyncadd.s32 $0xFFFFFF80  }
0x5d: {  	[tilespmem:s18], [sflag:$0x2] =	stream.linear.gather [hbm4b:s29+s2], $0x80, $0x38;
	[tilespmem:$0x1EA80] =	vst v63  }
0x5e: {  	_ =	swait.ge [sflag:s17], $0x80  }
0x5f: {  	[sflag:s17] =	ssyncset.done $0x0  }
0x60: {  	[sflag:s17] =	ssyncadd.s32 $0xFFFFFF80  }
0x61: {  	[tilespmem:s19], [sflag:$0x1] =	stream.indirect.gather [hbm4b:s4+s18], $0x80, s2, s18, $0xb8;
	[tilespmem:$0x1EA80] =	vst v63  }
0x62: {  	_ =	swait.ge [sflag:s20], $0x4000  }
0x63: {  	[sflag:s20] =	ssyncset.done $0x0  }
0x64: {  	[sflag:s20] =	ssyncadd.s32 $0xFFFFC000  }
0x65: {  	[spmem:s1] =	stream.indirect.scatter.add.f32 [tilespmem:s19], [sflag:$0x2], $0x80, s18, s18, $0xb8;
	[tilespmem:$0x1EA80] =	vst v63  }
0x66: {  	_ =	swait.ge [sflag:s17], $0x4000  }
0x67: {  	[sflag:s17] =	ssyncset.done $0x0  }
0x68: {  	[sflag:s17] =	ssyncadd.s32 $0xFFFFC000  }
0x69: {  	[tilespmem:s21], [sflag:$0x2] =	stream.linear.gather [hbm4b:s9+s2], $0x10, $0x38;
	[tilespmem:$0x1EA80] =	vst v63  }
0x6a: {  	_ =	swait.ge [sflag:s17], $0x10  }
0x6b: {  	[sflag:s17] =	ssyncset.done $0x0  }
0x6c: {  	[sflag:s17] =	ssyncadd.s32 $0xFFFFFFF0  }
0x6d: {  	[tilespmem:s22], [sflag:$0x2] =	stream.linear.gather [hbm4b:s10+s2], $0x10, $0x38;
	[tilespmem:$0x1EA80] =	vst v63  }
0x6e: {  	_ =	swait.ge [sflag:s17], $0x10  }
0x6f: {  	[sflag:s17] =	ssyncset.done $0x0  }
0x70: {  	[sflag:s17] =	ssyncadd.s32 $0xFFFFFFF0  }
0x71: {  	[tilespmem:s24], [sflag:$0x1] =	stream.indirect.gather [hbm4b:s4+s23], $0x80, s21, s23, $0xb8;
	[tilespmem:$0x1EA80] =	vst v63  }
0x72: {  	_ =	swait.ge [sflag:s20], $0x800  }
0x73: {  	[sflag:s20] =	ssyncset.done $0x0  }
0x74: {  	[sflag:s20] =	ssyncadd.s32 $0xFFFFF800  }
0x75: {  	[spmem:s1] =	stream.indirect.scatter.add.f32 [tilespmem:s24], [sflag:$0x2], $0x80, s22, s23, $0xb8;
	[tilespmem:$0x1EA80] =	vst v63  }
0x76: {  	_ =	swait.ge [sflag:s17], $0x800  }
0x77: {  	[sflag:s17] =	ssyncset.done $0x0  }
0x78: {  	s30 =	sshll.u32 s3, $0x6;
	[sflag:s17] =	ssyncadd.s32 $0xFFFFF800  }
0x79: {  	s31 =	sshrl.u32 s5, $0x3;
	s26 =	sor.u32 $0x1C02, s30;
	[bflag:$0x0] =	sbarrier.arrive $0xFFFF  }
0x7a: {  	[hbm:s11], [sflag:s26] =	dma.local [spmem:s31], $0x2700  }
0x7b: {  	_ =	swait.ge [sflag:s17], $0x2700  }
0x7c: {  	s25 =	sadd.s32 $0x1, s25;
	[sflag:s17] =	ssyncset.done $0x0  }
0x7d: {  	s28 =	sshrl.u32 @!p0 s8, $0x3;
	p1 =	sne.s32 s25, s13;
	[sflag:s17] =	ssyncadd.s32 $0xFFFFD900  }
0x7e: {  	[hbm:s12], [sflag:s26] =	dma.local @!p0 [spmem:s28], $0x100  }
.Ltmp2:
0x7f: {  	_ = 	snop;
	(pc) =	sbr.rel @p1 .LBB2_1-.Ltmp2, $4  }
0x80: {  	s26 =	simm.s32 @!p0 $0x2  }
0x81: {  	_ =	swait.ge @!p0 [sflag:s26], $0x100  }
0x82: {  	[sflag:s26] =	ssyncset.done @!p0 $0x0  }
0x83: {  	[sflag:s26] =	ssyncadd.s32 @!p0 $0xFFFFFF00  }
0x84: {  	_ =	sfence.sel $0x180000  }
0x85: {  	[bflag:$0x0] =	sbarrier.arrive $0xFFFF  }
0x86: {  	p0 =	sne.s32 s3, $0x0;
	_ =	strace $0x9000004D  }
0x87: {  	s0 =	sadd.s32 @!p0 $0x100000, s0;
	[bflag:$0x2] =	sbarrier.arrive $0xFFFF  }
0x88: {  	[sflag:s0] =	ssyncadd.tile.s32 @!p0 $0x1;
	_ =	shalt  }
.Lfunc_end2:
_tile_overlayer_lowered:
.L_overlay_start_2:
0x89: {  	(tag) =	ssettag $0x2  }
0x8a: {  	s0 =	rddreg [dreg:$0x0];
	s2 =	stileid.u32  }
0x8b: {  	s1 =	rddreg [dreg:$0x1];
	p0 =	sne.s32 s2, $0x0  }
0x8c: {  	s3 =	rddreg [dreg:$0x2];
	[bflag:$0x3] =	sbarrier.arrive $0xFFFF;
	s2 =	simm.s32 @!p0 $0x1C02  }
0x8d: {  	[timem:s3], [sflag:s2] =	dma.local @!p0 [hbm:s0], s1  }
0x8e: {  	s0 =	simm.s32 @!p0 $0x2  }
0x8f: {  	_ =	swait.ge @!p0 [sflag:s0], s1  }
0x90: {  	s1 =	ssub.s32 @!p0 $0x0, s1;
	[sflag:s0] =	ssyncset.done @!p0 $0x0  }
0x91: {  	[sflag:s0] =	ssyncadd.s32 @!p0 s1  }
0x92: {  	[bflag:$0x3] =	sbarrier.arrive $0xFFFF  }
0x93: {  	_ =	shalt  }

// kernel: kernel.26.cloned.1.call-start
scs
__scs_entry_jumppad:
0x0: {  	(pc) =	sbr.rel $0x88, $3  }
0x1: {  	(tag) =	ssettag $0x0;
	lr =	simm.s32 $0x1  }
0x2: {  	[smem:$0x3F8B] =	sst lr;
	_ =	strace $0xD0000000  }
0x3: {  	_ = 	snop  }
0x4: {  	_ = 	snop  }
0x5: {  	_ = 	snop  }
0x6: {  	_ = 	snop  }
0x7: {  	_ = 	snop  }
__scs_overlays_trampoline_lowered:
0x8: {  	[smem:$0x3F9A] =	sst s0  }
0x9: {  	[smem:$0x3F9B] =	sst s1  }
0xa: {  	[smem:$0x3F9C] =	sst s2  }
0xb: {  	[smem:$0x3F9D] =	sst s3  }
0xc: {  	[smem:$0x3F9E] =	sst s4  }
0xd: {  	[smem:$0x3F9F] =	sst s5  }
0xe: {  	[smem:$0x3FA0] =	sst s6  }
0xf: {  	[smem:$0x3FA1] =	sst s7  }
0x10: {  	[smem:$0x3FA2] =	sst s8  }
0x11: {  	[smem:$0x3FA3] =	sst s9;
	s0 =	simm.s32 @!p0 $0x0  }
0x12: {  	s1 =	sld [smem:$0x3F89];
	s0 =	simm.s32 @p0 $0x1  }
0x13: {  	[smem:$0x3FA4] =	sst s0;
	s0 =	simm.s32 @!p1 $0x0  }
0x14: {  	s2 =	sld [smem:$0x3F88];
	s0 =	simm.s32 @p1 $0x1  }
0x15: {  	[smem:$0x3FA5] =	sst s0;
	s0 =	simm.s32 @!p2 $0x0  }
0x16: {  	s3 =	sld [smem:$0x3FDB];
	s0 =	simm.s32 @p2 $0x1  }
0x17: {  	s4 =	simm.s32 $0x1BF5;
	[smem:$0x3FA7] =	sst s0  }
0x18: {  	s0 =	sld [smem:$0x3F8A];
	_ =	swait.ge [sflag:s4], $0x0  }
0x19: {  	s7 =	sld [smem:$0x3F8B]  }
0x1a: {  	s8 =	sadd.s32 $0xFFFFE003, lr  }
0x1b: {  	s9 =	sadd.s32 $0xFFFFFEF7, lr;
	s5 =	simm.s32 $0xFFFFFFFF;
	p2 =	slt.u32 s8, $0xFFFFF086  }
0x1c: {  	p1 =	slt.u32 s9, $0xF7A;
	s5 =	simm.s32 @!p2 $0x0  }
0x1d: {  	s5 =	simm.s32 @p1 $0x1;
	p0 =	seq.s32 s7, s2  }
0x1e: {  	s7 =	smul.u32 @!p0 $0xF7A, s2;
	p2 =	seq.s32 @!p0 s5, $0x0  }
0x1f: {  	s9 =	smul.u32 $0xF7A, s1;
	s8 =	simm.s32 @!p0 $0x1BF5;
	p2 =	por !p2, p0  }
0x20: {  	[sflag:s8] =	ssyncset.s32 @!p0 $0xFFFFF086;
	s6 =	sadd.s32 @!p0 s3, s7;
	s7 =	simm.s32 @!p0 $0x108  }
0x21: {  	s3 =	sadd.s32 s3, s9;
	s6 =	sadd.s32 @!p0 $0x88, s6;
	s7 =	simm.s32 @p2 $0x1082  }
0x22: {  	[simem:s7], [sflag:s8] =	dma.local @!p0 [hbm:s6], $0xF7A  }
0x23: {  	s9 =	sor.u32 $0xD0000000, s2;
	s6 =	simm.s32 $0x108;
	_ =	swait.ge @!p0 [sflag:s8], $0x0  }
0x24: {  	s3 =	sadd.s32 $0x88, s3;
	s6 =	simm.s32 @!p1 $0x1082;
	[sflag:s4] =	ssyncset.s32 $0xFFFFF086  }
0x25: {  	[simem:s6], [sflag:s4] =	dma.local [hbm:s3], $0xF7A  }
0x26: {  	[smem:$0x3F8B] =	sst s1;
	(tag) =	ssettag s2;
	_ =	strace s9  }
0x27: {  	s1 =	sld [smem:$0x3F9B]  }
0x28: {  	s2 =	sld [smem:$0x3F9C]  }
0x29: {  	s4 =	sld [smem:$0x3F9E]  }
0x2a: {  	p0 =	seq.s32 s5, $0x0;
	s5 =	sld [smem:$0x3F9F]  }
0x2b: {  	s6 =	sld [smem:$0x3FA0]  }
0x2c: {  	s7 =	sld [smem:$0x3FA1]  }
0x2d: {  	s3 =	simm.s32 $0x108;
	s8 =	sld [smem:$0x3FA2]  }
0x2e: {  	s3 =	simm.s32 @!p0 $0x1082;
	s9 =	sld [smem:$0x3FA3]  }
0x2f: {  	lr =	sadd.s32 s0, s3;
	s0 =	sld [smem:$0x3F9A]  }
0x30: {  	s3 =	sld [smem:$0x3F9D]  }
0x31: {  	[smem:$0x3FA6] =	sst s10  }
0x32: {  	s10 =	sld [smem:$0x3FA4];
	_ =	sdelay $0x3  }
0x33: {  	p0 =	seq.s32 s10, $0x1;
	s10 =	sld [smem:$0x3FA6];
	_ =	sdelay $0x3  }
0x34: {  	[smem:$0x3FA6] =	sst s10  }
0x35: {  	s10 =	sld [smem:$0x3FA5];
	_ =	sdelay $0x3  }
0x36: {  	p1 =	seq.s32 s10, $0x1;
	s10 =	sld [smem:$0x3FA6];
	_ =	sdelay $0x3  }
0x37: {  	[smem:$0x3FA6] =	sst s10  }
0x38: {  	s10 =	sld [smem:$0x3FA7]  }
0x39: {  	_ = 	snop;
	(pc) =	sbr.ind lr, $3  }
0x3a: {  	_ = 	snop  }
0x3b: {  	_ = 	snop  }
0x3c: {  	p2 =	seq.s32 s10, $0x1;
	s10 =	sld [smem:$0x3FA6]  }
0x3d: {  	_ =	shalt  }
0x3e: {  	_ =	shalt  }
0x3f: {  	_ =	shalt  }
0x40: {  	_ =	shalt  }
0x41: {  	_ =	shalt  }
0x42: {  	_ =	shalt  }
0x43: {  	_ =	shalt  }
0x44: {  	_ =	shalt  }
0x45: {  	_ =	shalt  }
0x46: {  	_ =	shalt  }
0x47: {  	_ =	shalt  }
0x48: {  	_ =	shalt  }
0x49: {  	_ =	shalt  }
0x4a: {  	_ =	shalt  }
0x4b: {  	_ =	shalt  }
0x4c: {  	_ =	shalt  }
0x4d: {  	_ =	shalt  }
0x4e: {  	_ =	shalt  }
0x4f: {  	_ =	shalt  }
0x50: {  	_ =	shalt  }
0x51: {  	_ =	shalt  }
0x52: {  	_ =	shalt  }
0x53: {  	_ =	shalt  }
0x54: {  	_ =	shalt  }
0x55: {  	_ =	shalt  }
0x56: {  	_ =	shalt  }
0x57: {  	_ =	shalt  }
0x58: {  	_ =	shalt  }
0x59: {  	_ =	shalt  }
0x5a: {  	_ =	shalt  }
0x5b: {  	_ =	shalt  }
0x5c: {  	_ =	shalt  }
0x5d: {  	_ =	shalt  }
0x5e: {  	_ =	shalt  }
0x5f: {  	_ =	shalt  }
0x60: {  	_ =	shalt  }
0x61: {  	_ =	shalt  }
0x62: {  	_ =	shalt  }
0x63: {  	_ =	shalt  }
0x64: {  	_ =	shalt  }
0x65: {  	_ =	shalt  }
0x66: {  	_ =	shalt  }
0x67: {  	_ =	shalt  }
0x68: {  	_ =	shalt  }
0x69: {  	_ =	shalt  }
0x6a: {  	_ =	shalt  }
0x6b: {  	_ =	shalt  }
0x6c: {  	_ =	shalt  }
0x6d: {  	_ =	shalt  }
0x6e: {  	_ =	shalt  }
0x6f: {  	_ =	shalt  }
0x70: {  	_ =	shalt  }
0x71: {  	_ =	shalt  }
0x72: {  	_ =	shalt  }
0x73: {  	_ =	shalt  }
0x74: {  	_ =	shalt  }
0x75: {  	_ =	shalt  }
0x76: {  	_ =	shalt  }
0x77: {  	_ =	shalt  }
0x78: {  	_ =	shalt  }
0x79: {  	_ =	shalt  }
0x7a: {  	_ =	shalt  }
0x7b: {  	_ =	shalt  }
0x7c: {  	_ =	shalt  }
0x7d: {  	_ =	shalt  }
0x7e: {  	_ =	shalt  }
0x7f: {  	_ =	shalt  }
0x80: {  	_ =	shalt  }
0x81: {  	_ =	shalt  }
0x82: {  	_ =	shalt  }
0x83: {  	_ =	shalt  }
0x84: {  	_ =	shalt  }
0x85: {  	_ =	shalt  }
0x86: {  	_ =	shalt  }
0x87: {  	_ =	shalt  }
.Lfunc_end0:
.L_simem_size_0:
called_computation.3_lowered:
.L_overlay_start_0:
0x88: {  	s2 =	sld [smem:$0x3FD9]  }
0x89: {  	s3 =	sld [smem:$0x3FFE];
	_ =	sdelay $0x1  }
0x8a: {  	s1 =	srdreg.scid  }
0x8b: {  	s0 =	sand.u32 $0x1, s1  }
0x8c: {  	s16 =	sshll.u32 s0, $0xA;
	s2 =	sadd.s32 s3, s2  }
0x8d: {  	s2 =	sadd.s32 s2, s16  }
0x8e: {  	[smem:$0x3FB2] =	sst s2  }
0x8f: {  	_ = 	snop  }
0x90: {  	(tm) =	ssettm $0x1  }
0x91: {  	s17 =	sld [smem:$0x3FFB];
	_ =	sdelay $0x3  }
0x92: {  	_ =	strace s17  }
0x93: {  	s2 =	sld [smem:$0x3FFC];
	_ =	sdelay $0x3  }
0x94: {  	_ =	strace s2  }
0x95: {  	s2 =	sld [smem:$0x3FFD];
	_ =	sdelay $0x3  }
0x96: {  	_ =	strace s2  }
0x97: {  	_ =	strace $0x8FFFFFFF  }
0x98: {  	s18 =	sld [smem:$0x3FDB];
	_ =	sdelay $0x1  }
0x99: {  	s19 =	simm.s32 $_scs_section_size  }
0x9a: {  	s4 =	simm.s32 $_size__tile_overlayer_lowered;
	s5 =	simm.s32 $_tile_overlayer_lowered  }
0x9b: {  	s22 =	simm.s32 $0x1BFF;
	s21 =	sshll.u32 s5, $0x1;
	s2 =	sadd.s32 s19, s18  }
0x9c: {  	s6 =	simm.s32 $0x0;
	s20 =	sshll.u32 s4, $0x1;
	s4 =	sadd.s32 s21, s2  }
0x9d: {  	[timem:s6], [sflag:s22] =	dma.local [hbm:s4], s20  }
0x9e: {  	_ =	swait.ge [sflag:s22], s20  }
0x9f: {  	s3 =	ssub.s32 $0x0, s20;
	[sflag:s22] =	ssyncset.done $0x0  }
0xa0: {  	[sflag:s22] =	ssyncadd.s32 s3;
	_ =	sdelay $0x1  }
0xa1: {  	s23 =	simm.s32 $0x1B8B  }
0xa2: {  	_ =	swait.ge [sflag:s23], $0x1  }
0xa3: {  	[sflag:s23] =	ssyncset.done $0x0  }
0xa4: {  	s25 =	simm.s32 $0x1B8E;
	s24 =	sld [smem:$0x3FFE];
	[sflag:s23] =	ssyncadd.s32 $0xFFFFFFFF  }
0xa5: {  	s26 =	simm.s32 $execute0_lowered;
	[smem:$0x3FD2] =	sst s25  }
0xa6: {  	s4 =	sshll.u32 s26, $0x1;
	_ =	strace $0x8000004F;
	[dreg:$0x1] =	wrdreg $0xFFFFFFFF  }
0xa7: {  	s28 =	simm.s32 $_size_execute0_lowered;
	s2 =	sadd.s32 s2, s4;
	[dreg:$0x0] =	wrdreg $0x0  }
0xa8: {  	s4 =	sshll.u32 s28, $0x1;
	[dreg:$0x2] =	wrdreg s2  }
0xa9: {  	[dreg:$0x3] =	wrdreg s4  }
0xaa: {  	[dreg:$0x4] =	wrdreg $0xC0  }
0xab: {  	_ =	task [dreg:s6], $0x5FFFF  }
0xac: {  	[dreg:$0x1] =	wrdreg $0xFFFFFFFF  }
0xad: {  	[dreg:$0x0] =	wrdreg $0x60  }
0xae: {  	[dreg:$0x2] =	wrdreg s24  }
0xaf: {  	[dreg:$0x3] =	wrdreg $0xB2000  }
0xb0: {  	[dreg:$0x4] =	wrdreg $0x9  }
0xb1: {  	_ =	task.clear_ibuf [dreg:s6], $0x5FFFF;
	_ =	strace $0x9000004F  }
0xb2: {  	s29 =	simm.s32 $0x9;
	_ =	strace $0x80000051  }
0xb3: {  	_ =	swait.ge [sflag:s29], $0x1  }
0xb4: {  	[sflag:s29] =	ssyncadd.s32 $0xFFFFFFFF  }
0xb5: {  	_ =	strace $0x90000051  }
0xb6: {  	_ =	sfence  }
0xb7: {  	s30 =	sld [smem:$0x0];
	_ =	sdelay $0x2  }
0xb8: {  	s31 =	sshll.u32 s1, $0xD;
	s1 =	sshrl.u32 s1, $0x2  }
0xb9: {  	s3 =	sand.u32 $0x4000, s31;
	s1 =	sadd.s32 s1, s30  }
0xba: {  	s0 =	sor.u32 s3, s0;
	s1 =	sshll.u32 s1, $0x11  }
0xbb: {  	s0 =	sor.u32 s1, s0  }
0xbc: {  	s0 =	sadd.s32 $0x8F2B, s0  }
0xbd: {  	[sflag:s0] =	ssyncadd.remote.s32 $0x1  }
0xbe: {  	_ =	sfence.sel $0xFFFF  }
0xbf: {  	[dreg:$0x0] =	wrdreg $0xFFFFFFFF;
	(pc) =	sbr.abs _section_cstart, $3  }
0xc0: {  	[dreg:$0x1] =	wrdreg $0xFFFFFFFF  }
0xc1: {  	_ =	task.clear_ibuf [dreg:s6], $0x2FFFF;
	_ =	strace $0x9FFFFFFF  }
0xc2: {  	(tm) =	ssettm $0x7FFFFFFF  }
0xc3: {  	_ =	shalt  }
tec
execute0_lowered:
.L_overlay_start_1:
0x0: {  	(tag) =	ssettag $0x1  }
0x1: {  	s0 =	rddreg [dreg:$0x0]  }
0x2: {  	s1 =	rddreg [dreg:$0x1];
	s2 =	simm.s32 $0x0;
	s3 =	srdreg.scid  }
0x3: {  	s19 =	stileid.u32;
	s20 =	simm.s32 $0x2;
	s21 =	simm.s32 $0x80  }
0x4: {  	s22 =	simm.s32 $0x100;
	s23 =	simm.s32 $0x1;
	s28 =	simm.s32 $0x4200  }
0x5: {  	s29 =	simm.s32 $0x0;
	[smem:$0x7FF] =	sst s2;
	s4 =	sadd.s32 $0x41200, s0  }
0x6: {  	s5 =	sadd.s32 $0x68400, s0;
	s13 =	sadd.s32 $0x10200, s0;
	s6 =	smul.u32 $0x4E000, s19  }
0x7: {  	s3 =	sand.u32 $0x1, s3;
	s17 =	sadd.s32 $0x6400, s0;
	s11 =	smul.u32 $0x13800, s19  }
0x8: {  	s0 =	sadd.s32 $0x104800, s0;
	s18 =	smul.u32 $0x2710, s19;
	p0 =	sne.s32 s19, $0xF  }
0x9: {  	_ =	strace $0x80000050;
	s7 =	sshll.u32 s3, $0x4;
	s12 =	smul.u32 $0x271000, s3  }
0xa: {  	s8 =	ssub.s32 $0x2, s3;
	s3 =	smul.u32 $0x27100, s3;
	s7 =	sor.u32 s19, s7  }
0xb: {  	s6 =	sshrl.u32 s6, $0x2;
	s9 =	sshrl.u32 s8, $0x1;
	s19 =	simm.s32 $0x4A00  }
0xc: {  	s10 =	smul.u32 $0x2710, s7;
	s6 =	sadd.s32 s6, s1;
	s16 =	ssub.s32 s8, s9  }
0xd: {  	s9 =	sadd.s32 $0x138000, s1;
	s15 =	sadd.s32 s11, s12;
	s25 =	sshrl.u32 s12, $0x3  }
0xe: {  	s3 =	sadd.s32 s18, s3;
	s7 =	sadd.s32 $0x6800, s6;
	s8 =	sadd.s32 $0xD000, s6  }
0xf: {  	s24 =	sshrl.u32 s15, $0x3;
	s3 =	sshrl.u32 s3, $0x3;
	s31 =	smax.u32 s16, $0x1  }
0x10: {  	s10 =	sshrl.u32 s10, $0x3;
	s12 =	sadd.s32 s0, s24;
	s0 =	sadd.s32 s0, s25  }
0x11: {  	[dreg:$0x6] =	wrdreg s31;
	s18 =	sadd.s32 s3, s13;
	s24 =	simm.s32 $0x4100  }
0x12: {  	s25 =	simm.s32 $0x4180;
	s14 =	sadd.s32 $0x4E0, s10;
	s26 =	sadd.s32 $0x27000, s0  }
0x13: {  	s30 =	sadd.s32 $0x27100, s12;
	s0 =	sadd.s32 $0x4E100, s0;
	[dreg:$0x3] =	wrdreg s26  }
0x14: {  	s10 =	sadd.s32 s13, s14;
	s11 =	sadd.s32 s17, s14;
	[dreg:$0x4] =	wrdreg s30  }
0x15: {  	v0 =	vimm.f32 $0.0e+00;
	[dreg:$0x5] =	wrdreg s0;
	s17 =	sadd.s32 s3, s17;
	s26 =	simm.s32 $0x10  }
.LBB2_1:
0x16: {  	s0 =	simm.s32 $0x70;
	s3 =	simm.s32 $0x3C0  }
.LBB2_2:
0x17: {  	p1 =	sne.s32 s3, $0x19FC0;
	[tilespmem:s0+$0x4A00] =	vst v0  }
0x18: {  	[tilespmem:s0+$0x4990] =	vst v0  }
0x19: {  	[tilespmem:s0+$0x49A0] =	vst v0  }
.Ltmp0:
0x1a: {  	[tilespmem:s0+$0x49B0] =	vst v0;
	(pc) =	sbr.rel @p1 .LBB2_2-.Ltmp0, $4  }
0x1b: {  	[tilespmem:s0+$0x49C0] =	vst v0  }
0x1c: {  	[tilespmem:s0+$0x49D0] =	vst v0  }
0x1d: {  	[tilespmem:s0+$0x49E0] =	vst v0  }
0x1e: {  	[tilespmem:s0+$0x49F0] =	vst v0;
	s0 =	sshra.s32 s3, $0x2;
	s3 =	sadd.s32 $0x200, s3  }
0x1f: {  	[tilespmem:s0+$0x4A00] =	vst v0  }
0x20: {  	[tilespmem:s0+$0x4990] =	vst v0  }
0x21: {  	[tilespmem:s0+$0x49A0] =	vst v0  }
0x22: {  	[tilespmem:s0+$0x49B0] =	vst v0  }
0x23: {  	[tilespmem:s0+$0x49C0] =	vst v0  }
0x24: {  	[tilespmem:s0+$0x49D0] =	vst v0  }
0x25: {  	[tilespmem:s0+$0x49E0] =	vst v0  }
0x26: {  	[tilespmem:s0+$0x49F0] =	vst v0  }
0x27: {  	[spmem:s6] =	stream.linear.scatter [tilespmem:s19], [sflag:$0x2], $0x6800, $0x38;
	[tilespmem:$0x1EA80] =	vst v63  }
0x28: {  	_ =	swait.ge [sflag:s20], $0x6800  }
0x29: {  	[sflag:s20] =	ssyncset.done $0x0  }
0x2a: {  	[sflag:s20] =	ssyncadd.s32 $0xFFFF9800  }
0x2b: {  	[spmem:s7] =	stream.linear.scatter [tilespmem:s19], [sflag:$0x2], $0x6800, $0x38;
	[tilespmem:$0x1EA80] =	vst v63  }
0x2c: {  	_ =	swait.ge [sflag:s20], $0x6800  }
0x2d: {  	[sflag:s20] =	ssyncset.done $0x0  }
0x2e: {  	[sflag:s20] =	ssyncadd.s32 $0xFFFF9800  }
0x2f: {  	[spmem:s8] =	stream.linear.scatter [tilespmem:s19], [sflag:$0x2], $0x6800, $0x38;
	[tilespmem:$0x1EA80] =	vst v63  }
0x30: {  	_ =	swait.ge [sflag:s20], $0x6800  }
0x31: {  	[sflag:s20] =	ssyncset.done $0x0  }
0x32: {  	s0 =	simm.s32 @!p0 $0x4A00;
	[sflag:s20] =	ssyncadd.s32 $0xFFFF9800  }
0x33: {  	[spmem:s9] =	stream.linear.scatter @!p0 [tilespmem:s0], [sflag:$0x2], $0x800, $0x38;
	[tilespmem:$0x1EA80] =	vst v63  }
0x34: {  	s0 =	simm.s32 @!p0 $0x2  }
0x35: {  	_ =	swait.ge @!p0 [sflag:s0], $0x800  }
0x36: {  	[sflag:s0] =	ssyncset.done @!p0 $0x0  }
0x37: {  	[sflag:s0] =	ssyncadd.s32 @!p0 $0xFFFFF800  }
0x38: {  	s30 =	sadd.s32 $0x0, s18;
	[bflag:$0x0] =	sbarrier.arrive $0xFFFF  }
0x39: {  	[tilespmem:s2], [sflag:$0x2] =	stream.linear.gather [hbm4b:s30+s2], $0x80, $0x38;
	[tilespmem:$0x1EA80] =	vst v63  }
0x3a: {  	_ =	swait.ge [sflag:s20], $0x80  }
0x3b: {  	[sflag:s20] =	ssyncset.done $0x0  }
0x3c: {  	s31 =	sadd.s32 $0x0, s17;
	[sflag:s20] =	ssyncadd.s32 $0xFFFFFF80  }
0x3d: {  	[tilespmem:s21], [sflag:$0x2] =	stream.linear.gather [hbm4b:s31+s2], $0x80, $0x38;
	[tilespmem:$0x1EA80] =	vst v63  }
0x3e: {  	_ =	swait.ge [sflag:s20], $0x80  }
0x3f: {  	[sflag:s20] =	ssyncset.done $0x0  }
0x40: {  	[sflag:s20] =	ssyncadd.s32 $0xFFFFFF80  }
0x41: {  	[tilespmem:s22], [sflag:$0x1] =	stream.indirect.gather [hbm4b:s4+s21], $0x80, s2, s21, $0xb8;
	[tilespmem:$0x1EA80] =	vst v63  }
0x42: {  	_ =	swait.ge [sflag:s23], $0x4000  }
0x43: {  	[sflag:s23] =	ssyncset.done $0x0  }
0x44: {  	[sflag:s23] =	ssyncadd.s32 $0xFFFFC000  }
0x45: {  	[spmem:s1] =	stream.indirect.scatter.add.f32 [tilespmem:s22], [sflag:$0x2], $0x80, s21, s21, $0xb8;
	[tilespmem:$0x1EA80] =	vst v63  }
0x46: {  	_ =	swait.ge [sflag:s20], $0x4000  }
0x47: {  	s3 =	simm.s32 $0x20;
	s0 =	simm.s32 $0x10;
	[sflag:s20] =	ssyncset.done $0x0  }
.LBB2_4:
0x48: {  	s13 =	sadd.s32 s0, s18  }
0x49: {  	[sflag:s20] =	ssyncadd.s32 $0xFFFFC000;
	s30 =	smov.u32 s3;
	s31 =	sadd.s32 $0x10, s3  }
0x4a: {  	[tilespmem:s2], [sflag:$0x2] =	stream.linear.gather [hbm4b:s13+s2], $0x80, $0x38;
	[tilespmem:$0x1EA80] =	vst v63  }
0x4b: {  	p1 =	sne.s32 s3, $0x4D0;
	_ =	swait.ge [sflag:s20], $0x80  }
0x4c: {  	[sflag:s20] =	ssyncset.done $0x0  }
0x4d: {  	s3 =	sadd.s32 s0, s17;
	s0 =	smov.u32 s30;
	[sflag:s20] =	ssyncadd.s32 $0xFFFFFF80  }
0x4e: {  	[tilespmem:s21], [sflag:$0x2] =	stream.linear.gather [hbm4b:s3+s2], $0x80, $0x38;
	[tilespmem:$0x1EA80] =	vst v63  }
0x4f: {  	_ =	swait.ge [sflag:s20], $0x80  }
0x50: {  	[sflag:s20] =	ssyncset.done $0x0  }
0x51: {  	[sflag:s20] =	ssyncadd.s32 $0xFFFFFF80  }
0x52: {  	[tilespmem:s22], [sflag:$0x1] =	stream.indirect.gather [hbm4b:s4+s21], $0x80, s2, s21, $0xb8;
	[tilespmem:$0x1EA80] =	vst v63  }
0x53: {  	_ =	swait.ge [sflag:s23], $0x4000  }
.Ltmp1:
0x54: {  	[sflag:s23] =	ssyncset.done $0x0;
	(pc) =	sbr.rel @p1 .LBB2_4-.Ltmp1, $4  }
0x55: {  	[sflag:s23] =	ssyncadd.s32 $0xFFFFC000  }
0x56: {  	[spmem:s1] =	stream.indirect.scatter.add.f32 [tilespmem:s22], [sflag:$0x2], $0x80, s21, s21, $0xb8;
	[tilespmem:$0x1EA80] =	vst v63  }
0x57: {  	_ =	swait.ge [sflag:s20], $0x4000  }
0x58: {  	s3 =	smov.u32 s31;
	[sflag:s20] =	ssyncset.done $0x0  }
0x59: {  	s3 =	sadd.s32 s0, s18;
	[sflag:s20] =	ssyncadd.s32 $0xFFFFC000  }
0x5a: {  	[tilespmem:s2], [sflag:$0x2] =	stream.linear.gather [hbm4b:s3+s2], $0x80, $0x38;
	[tilespmem:$0x1EA80] =	vst v63  }
0x5b: {  	_ =	swait.ge [sflag:s20], $0x80  }
0x5c: {  	[sflag:s20] =	ssyncset.done $0x0  }
0x5d: {  	s13 =	sadd.s32 s0, s17;
	[sflag:s20] =	ssyncadd.s32 $0xFFFFFF80  }
0x5e: {  	[tilespmem:s21], [sflag:$0x2] =	stream.linear.gather [hbm4b:s13+s2], $0x80, $0x38;
	[tilespmem:$0x1EA80] =	vst v63  }
0x5f: {  	_ =	swait.ge [sflag:s20], $0x80  }
0x60: {  	[sflag:s20] =	ssyncset.done $0x0  }
0x61: {  	[sflag:s20] =	ssyncadd.s32 $0xFFFFFF80  }
0x62: {  	[tilespmem:s22], [sflag:$0x1] =	stream.indirect.gather [hbm4b:s4+s21], $0x80, s2, s21, $0xb8;
	[tilespmem:$0x1EA80] =	vst v63  }
0x63: {  	_ =	swait.ge [sflag:s23], $0x4000  }
0x64: {  	[sflag:s23] =	ssyncset.done $0x0  }
0x65: {  	[sflag:s23] =	ssyncadd.s32 $0xFFFFC000  }
0x66: {  	[spmem:s1] =	stream.indirect.scatter.add.f32 [tilespmem:s22], [sflag:$0x2], $0x80, s21, s21, $0xb8;
	[tilespmem:$0x1EA80] =	vst v63  }
0x67: {  	_ =	swait.ge [sflag:s20], $0x4000  }
0x68: {  	[sflag:s20] =	ssyncset.done $0x0  }
0x69: {  	[sflag:s20] =	ssyncadd.s32 $0xFFFFC000  }
0x6a: {  	[tilespmem:s24], [sflag:$0x2] =	stream.linear.gather [hbm4b:s10+s2], $0x10, $0x38;
	[tilespmem:$0x1EA80] =	vst v63  }
0x6b: {  	_ =	swait.ge [sflag:s20], $0x10  }
0x6c: {  	[sflag:s20] =	ssyncset.done $0x0  }
0x6d: {  	[sflag:s20] =	ssyncadd.s32 $0xFFFFFFF0  }
0x6e: {  	[tilespmem:s25], [sflag:$0x2] =	stream.linear.gather [hbm4b:s11+s2], $0x10, $0x38;
	[tilespmem:$0x1EA80] =	vst v63  }
0x6f: {  	_ =	swait.ge [sflag:s20], $0x10  }
0x70: {  	[sflag:s20] =	ssyncset.done $0x0  }
0x71: {  	[sflag:s20] =	ssyncadd.s32 $0xFFFFFFF0  }
0x72: {  	[tilespmem:s28], [sflag:$0x1] =	stream.indirect.gather [hbm4b:s4+s26], $0x80, s24, s26, $0xb8;
	[tilespmem:$0x1EA80] =	vst v63  }
0x73: {  	_ =	swait.ge [sflag:s23], $0x800  }
0x74: {  	[sflag:s23] =	ssyncset.done $0x0  }
0x75: {  	[sflag:s23] =	ssyncadd.s32 $0xFFFFF800  }
0x76: {  	[spmem:s1] =	stream.indirect.scatter.add.f32 [tilespmem:s28], [sflag:$0x2], $0x80, s25, s26, $0xb8;
	[tilespmem:$0x1EA80] =	vst v63  }
0x77: {  	_ =	swait.ge [sflag:s20], $0x800  }
0x78: {  	s14 =	stileid.u32;
	[sflag:s20] =	ssyncset.done $0x0  }
0x79: {  	s0 =	sshll.u32 s14, $0x6;
	[sflag:s20] =	ssyncadd.s32 $0xFFFFF800  }
0x7a: {  	s31 =	sshrl.u32 s6, $0x3;
	s30 =	sor.u32 $0x1C02, s0;
	[bflag:$0x0] =	sbarrier.arrive $0xFFFF  }
0x7b: {  	[hbm:s12], [sflag:s30] =	dma.local [spmem:s31], $0x2700  }
0x7c: {  	_ =	swait.ge [sflag:s20], $0x2700  }
0x7d: {  	[sflag:s20] =	ssyncset.done $0x0  }
0x7e: {  	s0 =	sshrl.u32 @!p0 s9, $0x3;
	s3 =	rddreg [dreg:$0x3];
	[sflag:s20] =	ssyncadd.s32 $0xFFFFD900  }
0x7f: {  	[hbm:s3], [sflag:s30] =	dma.local @!p0 [spmem:s0], $0x100  }
0x80: {  	s3 =	simm.s32 @!p0 $0x2  }
0x81: {  	_ =	swait.ge @!p0 [sflag:s3], $0x100  }
0x82: {  	[sflag:s3] =	ssyncset.done @!p0 $0x0  }
0x83: {  	[sflag:s3] =	ssyncadd.s32 @!p0 $0xFFFFFF00  }
0x84: {  	[spmem:s6] =	stream.linear.scatter [tilespmem:s19], [sflag:$0x2], $0x6800, $0x38;
	[tilespmem:$0x1EA80] =	vst v63  }
0x85: {  	_ =	swait.ge [sflag:s20], $0x6800  }
0x86: {  	[sflag:s20] =	ssyncset.done $0x0  }
0x87: {  	[sflag:s20] =	ssyncadd.s32 $0xFFFF9800  }
0x88: {  	[spmem:s7] =	stream.linear.scatter [tilespmem:s19], [sflag:$0x2], $0x6800, $0x38;
	[tilespmem:$0x1EA80] =	vst v63  }
0x89: {  	_ =	swait.ge [sflag:s20], $0x6800  }
0x8a: {  	[sflag:s20] =	ssyncset.done $0x0  }
0x8b: {  	[sflag:s20] =	ssyncadd.s32 $0xFFFF9800  }
0x8c: {  	[spmem:s8] =	stream.linear.scatter [tilespmem:s19], [sflag:$0x2], $0x6800, $0x38;
	[tilespmem:$0x1EA80] =	vst v63  }
0x8d: {  	_ =	swait.ge [sflag:s20], $0x6800  }
0x8e: {  	[sflag:s20] =	ssyncset.done $0x0  }
0x8f: {  	s13 =	simm.s32 @!p0 $0x4A00;
	[sflag:s20] =	ssyncadd.s32 $0xFFFF9800  }
0x90: {  	[spmem:s9] =	stream.linear.scatter @!p0 [tilespmem:s13], [sflag:$0x2], $0x800, $0x38;
	[tilespmem:$0x1EA80] =	vst v63  }
0x91: {  	_ =	swait.ge @!p0 [sflag:s3], $0x800  }
0x92: {  	[sflag:s3] =	ssyncset.done @!p0 $0x0  }
0x93: {  	[sflag:s3] =	ssyncadd.s32 @!p0 $0xFFFFF800  }
0x94: {  	s15 =	sadd.s32 $0x0, s18;
	[bflag:$0x0] =	sbarrier.arrive $0xFFFF  }
0x95: {  	[tilespmem:s2], [sflag:$0x2] =	stream.linear.gather [hbm4b:s15+s2], $0x80, $0x38;
	[tilespmem:$0x1EA80] =	vst v63  }
0x96: {  	_ =	swait.ge [sflag:s20], $0x80  }
0x97: {  	[sflag:s20] =	ssyncset.done $0x0  }
0x98: {  	s16 =	sadd.s32 $0x0, s17;
	[sflag:s20] =	ssyncadd.s32 $0xFFFFFF80  }
0x99: {  	[tilespmem:s21], [sflag:$0x2] =	stream.linear.gather [hbm4b:s16+s2], $0x80, $0x38;
	[tilespmem:$0x1EA80] =	vst v63  }
0x9a: {  	_ =	swait.ge [sflag:s20], $0x80  }
0x9b: {  	[sflag:s20] =	ssyncset.done $0x0  }
0x9c: {  	[sflag:s20] =	ssyncadd.s32 $0xFFFFFF80  }
0x9d: {  	[tilespmem:s22], [sflag:$0x1] =	stream.indirect.gather [hbm4b:s5+s21], $0x80, s2, s21, $0xb8;
	[tilespmem:$0x1EA80] =	vst v63  }
0x9e: {  	_ =	swait.ge [sflag:s23], $0x4000  }
0x9f: {  	[sflag:s23] =	ssyncset.done $0x0  }
0xa0: {  	[sflag:s23] =	ssyncadd.s32 $0xFFFFC000  }
0xa1: {  	[spmem:s1] =	stream.indirect.scatter.add.f32 [tilespmem:s22], [sflag:$0x2], $0x80, s21, s21, $0xb8;
	[tilespmem:$0x1EA80] =	vst v63  }
0xa2: {  	_ =	swait.ge [sflag:s20], $0x4000  }
0xa3: {  	s13 =	simm.s32 $0x20;
	s3 =	simm.s32 $0x10;
	[sflag:s20] =	ssyncset.done $0x0  }
.LBB2_6:
0xa4: {  	s14 =	sadd.s32 s3, s18  }
0xa5: {  	[sflag:s20] =	ssyncadd.s32 $0xFFFFC000;
	s15 =	smov.u32 s13;
	s16 =	sadd.s32 $0x10, s13  }
0xa6: {  	[tilespmem:s2], [sflag:$0x2] =	stream.linear.gather [hbm4b:s14+s2], $0x80, $0x38;
	[tilespmem:$0x1EA80] =	vst v63  }
0xa7: {  	p1 =	sne.s32 s13, $0x4D0;
	_ =	swait.ge [sflag:s20], $0x80  }
0xa8: {  	[sflag:s20] =	ssyncset.done $0x0  }
0xa9: {  	s13 =	sadd.s32 s3, s17;
	s3 =	smov.u32 s15;
	[sflag:s20] =	ssyncadd.s32 $0xFFFFFF80  }
0xaa: {  	[tilespmem:s21], [sflag:$0x2] =	stream.linear.gather [hbm4b:s13+s2], $0x80, $0x38;
	[tilespmem:$0x1EA80] =	vst v63  }
0xab: {  	_ =	swait.ge [sflag:s20], $0x80  }
0xac: {  	[sflag:s20] =	ssyncset.done $0x0  }
0xad: {  	[sflag:s20] =	ssyncadd.s32 $0xFFFFFF80  }
0xae: {  	[tilespmem:s22], [sflag:$0x1] =	stream.indirect.gather [hbm4b:s5+s21], $0x80, s2, s21, $0xb8;
	[tilespmem:$0x1EA80] =	vst v63  }
0xaf: {  	_ =	swait.ge [sflag:s23], $0x4000  }
.Ltmp2:
0xb0: {  	[sflag:s23] =	ssyncset.done $0x0;
	(pc) =	sbr.rel @p1 .LBB2_6-.Ltmp2, $4  }
0xb1: {  	[sflag:s23] =	ssyncadd.s32 $0xFFFFC000  }
0xb2: {  	[spmem:s1] =	stream.indirect.scatter.add.f32 [tilespmem:s22], [sflag:$0x2], $0x80, s21, s21, $0xb8;
	[tilespmem:$0x1EA80] =	vst v63  }
0xb3: {  	_ =	swait.ge [sflag:s20], $0x4000  }
0xb4: {  	s13 =	smov.u32 s16;
	[sflag:s20] =	ssyncset.done $0x0  }
0xb5: {  	s13 =	sadd.s32 s3, s18;
	[sflag:s20] =	ssyncadd.s32 $0xFFFFC000  }
0xb6: {  	[tilespmem:s2], [sflag:$0x2] =	stream.linear.gather [hbm4b:s13+s2], $0x80, $0x38;
	[tilespmem:$0x1EA80] =	vst v63  }
0xb7: {  	_ =	swait.ge [sflag:s20], $0x80  }
0xb8: {  	[sflag:s20] =	ssyncset.done $0x0  }
0xb9: {  	s15 =	sadd.s32 s3, s17;
	[sflag:s20] =	ssyncadd.s32 $0xFFFFFF80  }
0xba: {  	[tilespmem:s21], [sflag:$0x2] =	stream.linear.gather [hbm4b:s15+s2], $0x80, $0x38;
	[tilespmem:$0x1EA80] =	vst v63  }
0xbb: {  	_ =	swait.ge [sflag:s20], $0x80  }
0xbc: {  	[sflag:s20] =	ssyncset.done $0x0  }
0xbd: {  	[sflag:s20] =	ssyncadd.s32 $0xFFFFFF80  }
0xbe: {  	[tilespmem:s22], [sflag:$0x1] =	stream.indirect.gather [hbm4b:s5+s21], $0x80, s2, s21, $0xb8;
	[tilespmem:$0x1EA80] =	vst v63  }
0xbf: {  	_ =	swait.ge [sflag:s23], $0x4000  }
0xc0: {  	[sflag:s23] =	ssyncset.done $0x0  }
0xc1: {  	[sflag:s23] =	ssyncadd.s32 $0xFFFFC000  }
0xc2: {  	[spmem:s1] =	stream.indirect.scatter.add.f32 [tilespmem:s22], [sflag:$0x2], $0x80, s21, s21, $0xb8;
	[tilespmem:$0x1EA80] =	vst v63  }
0xc3: {  	_ =	swait.ge [sflag:s20], $0x4000  }
0xc4: {  	[sflag:s20] =	ssyncset.done $0x0  }
0xc5: {  	[sflag:s20] =	ssyncadd.s32 $0xFFFFC000  }
0xc6: {  	[tilespmem:s24], [sflag:$0x2] =	stream.linear.gather [hbm4b:s10+s2], $0x10, $0x38;
	[tilespmem:$0x1EA80] =	vst v63  }
0xc7: {  	_ =	swait.ge [sflag:s20], $0x10  }
0xc8: {  	[sflag:s20] =	ssyncset.done $0x0  }
0xc9: {  	[sflag:s20] =	ssyncadd.s32 $0xFFFFFFF0  }
0xca: {  	[tilespmem:s25], [sflag:$0x2] =	stream.linear.gather [hbm4b:s11+s2], $0x10, $0x38;
	[tilespmem:$0x1EA80] =	vst v63  }
0xcb: {  	_ =	swait.ge [sflag:s20], $0x10  }
0xcc: {  	[sflag:s20] =	ssyncset.done $0x0  }
0xcd: {  	[sflag:s20] =	ssyncadd.s32 $0xFFFFFFF0  }
0xce: {  	[tilespmem:s28], [sflag:$0x1] =	stream.indirect.gather [hbm4b:s5+s26], $0x80, s24, s26, $0xb8;
	[tilespmem:$0x1EA80] =	vst v63  }
0xcf: {  	_ =	swait.ge [sflag:s23], $0x800  }
0xd0: {  	[sflag:s23] =	ssyncset.done $0x0  }
0xd1: {  	[sflag:s23] =	ssyncadd.s32 $0xFFFFF800  }
0xd2: {  	[spmem:s1] =	stream.indirect.scatter.add.f32 [tilespmem:s28], [sflag:$0x2], $0x80, s25, s26, $0xb8;
	[tilespmem:$0x1EA80] =	vst v63  }
0xd3: {  	_ =	swait.ge [sflag:s20], $0x800  }
0xd4: {  	[sflag:s20] =	ssyncset.done $0x0  }
0xd5: {  	[sflag:s20] =	ssyncadd.s32 $0xFFFFF800  }
0xd6: {  	[bflag:$0x0] =	sbarrier.arrive $0xFFFF  }
0xd7: {  	s16 =	rddreg [dreg:$0x4]  }
0xd8: {  	[hbm:s16], [sflag:s30] =	dma.local [spmem:s31], $0x2700  }
0xd9: {  	_ =	swait.ge [sflag:s20], $0x2700  }
0xda: {  	[sflag:s20] =	ssyncset.done $0x0  }
0xdb: {  	s3 =	rddreg [dreg:$0x5];
	[sflag:s20] =	ssyncadd.s32 $0xFFFFD900  }
0xdc: {  	[hbm:s3], [sflag:s30] =	dma.local @!p0 [spmem:s0], $0x100  }
0xdd: {  	s0 =	simm.s32 @!p0 $0x2  }
0xde: {  	_ =	swait.ge @!p0 [sflag:s0], $0x100  }
0xdf: {  	s29 =	sadd.s32 $0x1, s29;
	s31 =	rddreg [dreg:$0x6]  }
0xe0: {  	p1 =	sne.s32 s29, s31  }
.Ltmp3:
0xe1: {  	_ = 	snop;
	(pc) =	sbr.rel @p1 .LBB2_1-.Ltmp3, $3  }
0xe2: {  	_ =	sdelay $0x1  }
0xe3: {  	[sflag:s0] =	ssyncset.done @!p0 $0x0  }
0xe4: {  	[sflag:s0] =	ssyncadd.s32 @!p0 $0xFFFFFF00  }
0xe5: {  	_ =	sfence.sel $0x180000  }
0xe6: {  	[bflag:$0x0] =	sbarrier.arrive $0xFFFF  }
0xe7: {  	_ =	strace $0x90000050  }
0xe8: {  	s0 =	stileid.u32;
	[bflag:$0x2] =	sbarrier.arrive $0xFFFF  }
0xe9: {  	p0 =	sne.s32 s0, $0x0;
	s0 =	rddreg [dreg:$0x2]  }
0xea: {  	s0 =	sadd.s32 @!p0 $0x100000, s0  }
0xeb: {  	[sflag:s0] =	ssyncadd.tile.s32 @!p0 $0x1;
	_ =	shalt  }
.Lfunc_end2:
_tile_overlayer_lowered:
.L_overlay_start_2:
0xec: {  	(tag) =	ssettag $0x2  }
0xed: {  	s0 =	rddreg [dreg:$0x0];
	s2 =	stileid.u32  }
0xee: {  	s1 =	rddreg [dreg:$0x1];
	p0 =	sne.s32 s2, $0x0  }
0xef: {  	s3 =	rddreg [dreg:$0x2];
	[bflag:$0x3] =	sbarrier.arrive $0xFFFF;
	s2 =	simm.s32 @!p0 $0x1C02  }
0xf0: {  	[timem:s3], [sflag:s2] =	dma.local @!p0 [hbm:s0], s1  }
0xf1: {  	s0 =	simm.s32 @!p0 $0x2  }
0xf2: {  	_ =	swait.ge @!p0 [sflag:s0], s1  }
0xf3: {  	s1 =	ssub.s32 @!p0 $0x0, s1;
	[sflag:s0] =	ssyncset.done @!p0 $0x0  }
0xf4: {  	[sflag:s0] =	ssyncadd.s32 @!p0 s1  }
0xf5: {  	[bflag:$0x3] =	sbarrier.arrive $0xFFFF  }
0xf6: {  	_ =	shalt  }

// kernel: kernel.29.cloned.1.call-start
scs
__scs_entry_jumppad:
0x0: {  	(pc) =	sbr.rel $0x88, $3  }
0x1: {  	(tag) =	ssettag $0x0;
	lr =	simm.s32 $0x1  }
0x2: {  	[smem:$0x3F8B] =	sst lr;
	_ =	strace $0xD0000000  }
0x3: {  	_ = 	snop  }
0x4: {  	_ = 	snop  }
0x5: {  	_ = 	snop  }
0x6: {  	_ = 	snop  }
0x7: {  	_ = 	snop  }
__scs_overlays_trampoline_lowered:
0x8: {  	[smem:$0x3F9A] =	sst s0  }
0x9: {  	[smem:$0x3F9B] =	sst s1  }
0xa: {  	[smem:$0x3F9C] =	sst s2  }
0xb: {  	[smem:$0x3F9D] =	sst s3  }
0xc: {  	[smem:$0x3F9E] =	sst s4  }
0xd: {  	[smem:$0x3F9F] =	sst s5  }
0xe: {  	[smem:$0x3FA0] =	sst s6  }
0xf: {  	[smem:$0x3FA1] =	sst s7  }
0x10: {  	[smem:$0x3FA2] =	sst s8  }
0x11: {  	[smem:$0x3FA3] =	sst s9;
	s0 =	simm.s32 @!p0 $0x0  }
0x12: {  	s1 =	sld [smem:$0x3F89];
	s0 =	simm.s32 @p0 $0x1  }
0x13: {  	[smem:$0x3FA4] =	sst s0;
	s0 =	simm.s32 @!p1 $0x0  }
0x14: {  	s2 =	sld [smem:$0x3F88];
	s0 =	simm.s32 @p1 $0x1  }
0x15: {  	[smem:$0x3FA5] =	sst s0;
	s0 =	simm.s32 @!p2 $0x0  }
0x16: {  	s3 =	sld [smem:$0x3FDB];
	s0 =	simm.s32 @p2 $0x1  }
0x17: {  	s4 =	simm.s32 $0x1BF5;
	[smem:$0x3FA7] =	sst s0  }
0x18: {  	s0 =	sld [smem:$0x3F8A];
	_ =	swait.ge [sflag:s4], $0x0  }
0x19: {  	s7 =	sld [smem:$0x3F8B]  }
0x1a: {  	s8 =	sadd.s32 $0xFFFFE003, lr  }
0x1b: {  	s9 =	sadd.s32 $0xFFFFFEF7, lr;
	s5 =	simm.s32 $0xFFFFFFFF;
	p2 =	slt.u32 s8, $0xFFFFF086  }
0x1c: {  	p1 =	slt.u32 s9, $0xF7A;
	s5 =	simm.s32 @!p2 $0x0  }
0x1d: {  	s5 =	simm.s32 @p1 $0x1;
	p0 =	seq.s32 s7, s2  }
0x1e: {  	s7 =	smul.u32 @!p0 $0xF7A, s2;
	p2 =	seq.s32 @!p0 s5, $0x0  }
0x1f: {  	s9 =	smul.u32 $0xF7A, s1;
	s8 =	simm.s32 @!p0 $0x1BF5;
	p2 =	por !p2, p0  }
0x20: {  	[sflag:s8] =	ssyncset.s32 @!p0 $0xFFFFF086;
	s6 =	sadd.s32 @!p0 s3, s7;
	s7 =	simm.s32 @!p0 $0x108  }
0x21: {  	s3 =	sadd.s32 s3, s9;
	s6 =	sadd.s32 @!p0 $0x88, s6;
	s7 =	simm.s32 @p2 $0x1082  }
0x22: {  	[simem:s7], [sflag:s8] =	dma.local @!p0 [hbm:s6], $0xF7A  }
0x23: {  	s9 =	sor.u32 $0xD0000000, s2;
	s6 =	simm.s32 $0x108;
	_ =	swait.ge @!p0 [sflag:s8], $0x0  }
0x24: {  	s3 =	sadd.s32 $0x88, s3;
	s6 =	simm.s32 @!p1 $0x1082;
	[sflag:s4] =	ssyncset.s32 $0xFFFFF086  }
0x25: {  	[simem:s6], [sflag:s4] =	dma.local [hbm:s3], $0xF7A  }
0x26: {  	[smem:$0x3F8B] =	sst s1;
	(tag) =	ssettag s2;
	_ =	strace s9  }
0x27: {  	s1 =	sld [smem:$0x3F9B]  }
0x28: {  	s2 =	sld [smem:$0x3F9C]  }
0x29: {  	s4 =	sld [smem:$0x3F9E]  }
0x2a: {  	p0 =	seq.s32 s5, $0x0;
	s5 =	sld [smem:$0x3F9F]  }
0x2b: {  	s6 =	sld [smem:$0x3FA0]  }
0x2c: {  	s7 =	sld [smem:$0x3FA1]  }
0x2d: {  	s3 =	simm.s32 $0x108;
	s8 =	sld [smem:$0x3FA2]  }
0x2e: {  	s3 =	simm.s32 @!p0 $0x1082;
	s9 =	sld [smem:$0x3FA3]  }
0x2f: {  	lr =	sadd.s32 s0, s3;
	s0 =	sld [smem:$0x3F9A]  }
0x30: {  	s3 =	sld [smem:$0x3F9D]  }
0x31: {  	[smem:$0x3FA6] =	sst s10  }
0x32: {  	s10 =	sld [smem:$0x3FA4];
	_ =	sdelay $0x3  }
0x33: {  	p0 =	seq.s32 s10, $0x1;
	s10 =	sld [smem:$0x3FA6];
	_ =	sdelay $0x3  }
0x34: {  	[smem:$0x3FA6] =	sst s10  }
0x35: {  	s10 =	sld [smem:$0x3FA5];
	_ =	sdelay $0x3  }
0x36: {  	p1 =	seq.s32 s10, $0x1;
	s10 =	sld [smem:$0x3FA6];
	_ =	sdelay $0x3  }
0x37: {  	[smem:$0x3FA6] =	sst s10  }
0x38: {  	s10 =	sld [smem:$0x3FA7]  }
0x39: {  	_ = 	snop;
	(pc) =	sbr.ind lr, $3  }
0x3a: {  	_ = 	snop  }
0x3b: {  	_ = 	snop  }
0x3c: {  	p2 =	seq.s32 s10, $0x1;
	s10 =	sld [smem:$0x3FA6]  }
0x3d: {  	_ =	shalt  }
0x3e: {  	_ =	shalt  }
0x3f: {  	_ =	shalt  }
0x40: {  	_ =	shalt  }
0x41: {  	_ =	shalt  }
0x42: {  	_ =	shalt  }
0x43: {  	_ =	shalt  }
0x44: {  	_ =	shalt  }
0x45: {  	_ =	shalt  }
0x46: {  	_ =	shalt  }
0x47: {  	_ =	shalt  }
0x48: {  	_ =	shalt  }
0x49: {  	_ =	shalt  }
0x4a: {  	_ =	shalt  }
0x4b: {  	_ =	shalt  }
0x4c: {  	_ =	shalt  }
0x4d: {  	_ =	shalt  }
0x4e: {  	_ =	shalt  }
0x4f: {  	_ =	shalt  }
0x50: {  	_ =	shalt  }
0x51: {  	_ =	shalt  }
0x52: {  	_ =	shalt  }
0x53: {  	_ =	shalt  }
0x54: {  	_ =	shalt  }
0x55: {  	_ =	shalt  }
0x56: {  	_ =	shalt  }
0x57: {  	_ =	shalt  }
0x58: {  	_ =	shalt  }
0x59: {  	_ =	shalt  }
0x5a: {  	_ =	shalt  }
0x5b: {  	_ =	shalt  }
0x5c: {  	_ =	shalt  }
0x5d: {  	_ =	shalt  }
0x5e: {  	_ =	shalt  }
0x5f: {  	_ =	shalt  }
0x60: {  	_ =	shalt  }
0x61: {  	_ =	shalt  }
0x62: {  	_ =	shalt  }
0x63: {  	_ =	shalt  }
0x64: {  	_ =	shalt  }
0x65: {  	_ =	shalt  }
0x66: {  	_ =	shalt  }
0x67: {  	_ =	shalt  }
0x68: {  	_ =	shalt  }
0x69: {  	_ =	shalt  }
0x6a: {  	_ =	shalt  }
0x6b: {  	_ =	shalt  }
0x6c: {  	_ =	shalt  }
0x6d: {  	_ =	shalt  }
0x6e: {  	_ =	shalt  }
0x6f: {  	_ =	shalt  }
0x70: {  	_ =	shalt  }
0x71: {  	_ =	shalt  }
0x72: {  	_ =	shalt  }
0x73: {  	_ =	shalt  }
0x74: {  	_ =	shalt  }
0x75: {  	_ =	shalt  }
0x76: {  	_ =	shalt  }
0x77: {  	_ =	shalt  }
0x78: {  	_ =	shalt  }
0x79: {  	_ =	shalt  }
0x7a: {  	_ =	shalt  }
0x7b: {  	_ =	shalt  }
0x7c: {  	_ =	shalt  }
0x7d: {  	_ =	shalt  }
0x7e: {  	_ =	shalt  }
0x7f: {  	_ =	shalt  }
0x80: {  	_ =	shalt  }
0x81: {  	_ =	shalt  }
0x82: {  	_ =	shalt  }
0x83: {  	_ =	shalt  }
0x84: {  	_ =	shalt  }
0x85: {  	_ =	shalt  }
0x86: {  	_ =	shalt  }
0x87: {  	_ =	shalt  }
.Lfunc_end0:
.L_simem_size_0:
called_computation.4_lowered:
.L_overlay_start_0:
0x88: {  	s2 =	sld [smem:$0x3FD9]  }
0x89: {  	s3 =	sld [smem:$0x3FFE];
	_ =	sdelay $0x1  }
0x8a: {  	s1 =	srdreg.scid  }
0x8b: {  	s0 =	sand.u32 $0x1, s1  }
0x8c: {  	s16 =	sshll.u32 s0, $0xA;
	s2 =	sadd.s32 s3, s2  }
0x8d: {  	s2 =	sadd.s32 s2, s16  }
0x8e: {  	[smem:$0x3FB2] =	sst s2  }
0x8f: {  	_ = 	snop  }
0x90: {  	(tm) =	ssettm $0x1  }
0x91: {  	s17 =	sld [smem:$0x3FFB];
	_ =	sdelay $0x3  }
0x92: {  	_ =	strace s17  }
0x93: {  	s2 =	sld [smem:$0x3FFC];
	_ =	sdelay $0x3  }
0x94: {  	_ =	strace s2  }
0x95: {  	s2 =	sld [smem:$0x3FFD];
	_ =	sdelay $0x3  }
0x96: {  	_ =	strace s2  }
0x97: {  	_ =	strace $0x8FFFFFFF  }
0x98: {  	s18 =	sld [smem:$0x3FDB];
	_ =	sdelay $0x1  }
0x99: {  	s19 =	simm.s32 $_scs_section_size  }
0x9a: {  	s4 =	simm.s32 $_size__tile_overlayer_lowered;
	s5 =	simm.s32 $_tile_overlayer_lowered  }
0x9b: {  	s22 =	simm.s32 $0x1BFF;
	s21 =	sshll.u32 s5, $0x1;
	s2 =	sadd.s32 s19, s18  }
0x9c: {  	s6 =	simm.s32 $0x0;
	s20 =	sshll.u32 s4, $0x1;
	s4 =	sadd.s32 s21, s2  }
0x9d: {  	[timem:s6], [sflag:s22] =	dma.local [hbm:s4], s20  }
0x9e: {  	_ =	swait.ge [sflag:s22], s20  }
0x9f: {  	s3 =	ssub.s32 $0x0, s20;
	[sflag:s22] =	ssyncset.done $0x0  }
0xa0: {  	[sflag:s22] =	ssyncadd.s32 s3;
	_ =	sdelay $0x1  }
0xa1: {  	s23 =	simm.s32 $0x1B8B  }
0xa2: {  	_ =	swait.ge [sflag:s23], $0x1  }
0xa3: {  	[sflag:s23] =	ssyncset.done $0x0  }
0xa4: {  	s25 =	simm.s32 $0x1B8E;
	s24 =	sld [smem:$0x3FFE];
	[sflag:s23] =	ssyncadd.s32 $0xFFFFFFFF  }
0xa5: {  	s26 =	simm.s32 $execute0_lowered;
	[smem:$0x3FD2] =	sst s25  }
0xa6: {  	s4 =	sshll.u32 s26, $0x1;
	_ =	strace $0x80000052;
	[dreg:$0x1] =	wrdreg $0xFFFFFFFF  }
0xa7: {  	s28 =	simm.s32 $_size_execute0_lowered;
	s2 =	sadd.s32 s2, s4;
	[dreg:$0x0] =	wrdreg $0x0  }
0xa8: {  	s4 =	sshll.u32 s28, $0x1;
	[dreg:$0x2] =	wrdreg s2  }
0xa9: {  	[dreg:$0x3] =	wrdreg s4  }
0xaa: {  	[dreg:$0x4] =	wrdreg $0xC0  }
0xab: {  	_ =	task [dreg:s6], $0x5FFFF  }
0xac: {  	[dreg:$0x1] =	wrdreg $0xFFFFFFFF  }
0xad: {  	[dreg:$0x0] =	wrdreg $0x60  }
0xae: {  	[dreg:$0x2] =	wrdreg s24  }
0xaf: {  	[dreg:$0x3] =	wrdreg $0xB2000  }
0xb0: {  	[dreg:$0x4] =	wrdreg $0x9  }
0xb1: {  	_ =	task.clear_ibuf [dreg:s6], $0x5FFFF;
	_ =	strace $0x90000052  }
0xb2: {  	s29 =	simm.s32 $0x9;
	_ =	strace $0x80000054  }
0xb3: {  	_ =	swait.ge [sflag:s29], $0x1  }
0xb4: {  	[sflag:s29] =	ssyncadd.s32 $0xFFFFFFFF  }
0xb5: {  	_ =	strace $0x90000054  }
0xb6: {  	_ =	sfence  }
0xb7: {  	s30 =	sld [smem:$0x0];
	_ =	sdelay $0x2  }
0xb8: {  	s31 =	sshll.u32 s1, $0xD;
	s1 =	sshrl.u32 s1, $0x2  }
0xb9: {  	s3 =	sand.u32 $0x4000, s31;
	s1 =	sadd.s32 s1, s30  }
0xba: {  	s0 =	sor.u32 s3, s0;
	s1 =	sshll.u32 s1, $0x11  }
0xbb: {  	s0 =	sor.u32 s1, s0  }
0xbc: {  	s0 =	sadd.s32 $0x8F2B, s0  }
0xbd: {  	[sflag:s0] =	ssyncadd.remote.s32 $0x1  }
0xbe: {  	_ =	sfence.sel $0xFFFF  }
0xbf: {  	[dreg:$0x0] =	wrdreg $0xFFFFFFFF;
	(pc) =	sbr.abs _section_cstart, $3  }
0xc0: {  	[dreg:$0x1] =	wrdreg $0xFFFFFFFF  }
0xc1: {  	_ =	task.clear_ibuf [dreg:s6], $0x2FFFF;
	_ =	strace $0x9FFFFFFF  }
0xc2: {  	(tm) =	ssettm $0x7FFFFFFF  }
0xc3: {  	_ =	shalt  }
tec
execute0_lowered:
.L_overlay_start_1:
0x0: {  	(tag) =	ssettag $0x1  }
0x1: {  	s0 =	rddreg [dreg:$0x0]  }
0x2: {  	s1 =	rddreg [dreg:$0x1];
	s2 =	simm.s32 $0x0;
	s3 =	srdreg.scid  }
0x3: {  	s19 =	stileid.u32;
	s20 =	simm.s32 $0x2;
	s21 =	simm.s32 $0x80  }
0x4: {  	s22 =	simm.s32 $0x100;
	s23 =	simm.s32 $0x1;
	s28 =	simm.s32 $0x4200  }
0x5: {  	s29 =	simm.s32 $0x0;
	[smem:$0x7FF] =	sst s2;
	s4 =	sadd.s32 $0x8F400, s0  }
0x6: {  	s5 =	sadd.s32 $0xB6600, s0;
	s13 =	sadd.s32 $0x10200, s0;
	s6 =	smul.u32 $0x4E000, s19  }
0x7: {  	s3 =	sand.u32 $0x1, s3;
	s17 =	sadd.s32 $0x6400, s0;
	s11 =	smul.u32 $0x13800, s19  }
0x8: {  	s0 =	sadd.s32 $0xDD800, s0;
	s18 =	smul.u32 $0x2710, s19;
	p0 =	sne.s32 s19, $0xF  }
0x9: {  	_ =	strace $0x80000053;
	s7 =	sshll.u32 s3, $0x4;
	s12 =	smul.u32 $0x271000, s3  }
0xa: {  	s8 =	ssub.s32 $0x2, s3;
	s3 =	smul.u32 $0x27100, s3;
	s7 =	sor.u32 s19, s7  }
0xb: {  	s6 =	sshrl.u32 s6, $0x2;
	s9 =	sshrl.u32 s8, $0x1;
	s19 =	simm.s32 $0x4A00  }
0xc: {  	s10 =	smul.u32 $0x2710, s7;
	s6 =	sadd.s32 s6, s1;
	s16 =	ssub.s32 s8, s9  }
0xd: {  	s9 =	sadd.s32 $0x138000, s1;
	s15 =	sadd.s32 s11, s12;
	s25 =	sshrl.u32 s12, $0x3  }
0xe: {  	s3 =	sadd.s32 s18, s3;
	s7 =	sadd.s32 $0x6800, s6;
	s8 =	sadd.s32 $0xD000, s6  }
0xf: {  	s24 =	sshrl.u32 s15, $0x3;
	s3 =	sshrl.u32 s3, $0x3;
	s31 =	smax.u32 s16, $0x1  }
0x10: {  	s10 =	sshrl.u32 s10, $0x3;
	s12 =	sadd.s32 s0, s24;
	s0 =	sadd.s32 s0, s25  }
0x11: {  	[dreg:$0x6] =	wrdreg s31;
	s18 =	sadd.s32 s3, s13;
	s24 =	simm.s32 $0x4100  }
0x12: {  	s25 =	simm.s32 $0x4180;
	s14 =	sadd.s32 $0x4E0, s10;
	s26 =	sadd.s32 $0x27000, s0  }
0x13: {  	s30 =	sadd.s32 $0x27100, s12;
	s0 =	sadd.s32 $0x4E100, s0;
	[dreg:$0x3] =	wrdreg s26  }
0x14: {  	s10 =	sadd.s32 s13, s14;
	s11 =	sadd.s32 s17, s14;
	[dreg:$0x4] =	wrdreg s30  }
0x15: {  	v0 =	vimm.f32 $0.0e+00;
	[dreg:$0x5] =	wrdreg s0;
	s17 =	sadd.s32 s3, s17;
	s26 =	simm.s32 $0x10  }
.LBB2_1:
0x16: {  	s0 =	simm.s32 $0x70;
	s3 =	simm.s32 $0x3C0  }
.LBB2_2:
0x17: {  	p1 =	sne.s32 s3, $0x19FC0;
	[tilespmem:s0+$0x4A00] =	vst v0  }
0x18: {  	[tilespmem:s0+$0x4990] =	vst v0  }
0x19: {  	[tilespmem:s0+$0x49A0] =	vst v0  }
.Ltmp0:
0x1a: {  	[tilespmem:s0+$0x49B0] =	vst v0;
	(pc) =	sbr.rel @p1 .LBB2_2-.Ltmp0, $4  }
0x1b: {  	[tilespmem:s0+$0x49C0] =	vst v0  }
0x1c: {  	[tilespmem:s0+$0x49D0] =	vst v0  }
0x1d: {  	[tilespmem:s0+$0x49E0] =	vst v0  }
0x1e: {  	[tilespmem:s0+$0x49F0] =	vst v0;
	s0 =	sshra.s32 s3, $0x2;
	s3 =	sadd.s32 $0x200, s3  }
0x1f: {  	[tilespmem:s0+$0x4A00] =	vst v0  }
0x20: {  	[tilespmem:s0+$0x4990] =	vst v0  }
0x21: {  	[tilespmem:s0+$0x49A0] =	vst v0  }
0x22: {  	[tilespmem:s0+$0x49B0] =	vst v0  }
0x23: {  	[tilespmem:s0+$0x49C0] =	vst v0  }
0x24: {  	[tilespmem:s0+$0x49D0] =	vst v0  }
0x25: {  	[tilespmem:s0+$0x49E0] =	vst v0  }
0x26: {  	[tilespmem:s0+$0x49F0] =	vst v0  }
0x27: {  	[spmem:s6] =	stream.linear.scatter [tilespmem:s19], [sflag:$0x2], $0x6800, $0x38;
	[tilespmem:$0x1EA80] =	vst v63  }
0x28: {  	_ =	swait.ge [sflag:s20], $0x6800  }
0x29: {  	[sflag:s20] =	ssyncset.done $0x0  }
0x2a: {  	[sflag:s20] =	ssyncadd.s32 $0xFFFF9800  }
0x2b: {  	[spmem:s7] =	stream.linear.scatter [tilespmem:s19], [sflag:$0x2], $0x6800, $0x38;
	[tilespmem:$0x1EA80] =	vst v63  }
0x2c: {  	_ =	swait.ge [sflag:s20], $0x6800  }
0x2d: {  	[sflag:s20] =	ssyncset.done $0x0  }
0x2e: {  	[sflag:s20] =	ssyncadd.s32 $0xFFFF9800  }
0x2f: {  	[spmem:s8] =	stream.linear.scatter [tilespmem:s19], [sflag:$0x2], $0x6800, $0x38;
	[tilespmem:$0x1EA80] =	vst v63  }
0x30: {  	_ =	swait.ge [sflag:s20], $0x6800  }
0x31: {  	[sflag:s20] =	ssyncset.done $0x0  }
0x32: {  	s0 =	simm.s32 @!p0 $0x4A00;
	[sflag:s20] =	ssyncadd.s32 $0xFFFF9800  }
0x33: {  	[spmem:s9] =	stream.linear.scatter @!p0 [tilespmem:s0], [sflag:$0x2], $0x800, $0x38;
	[tilespmem:$0x1EA80] =	vst v63  }
0x34: {  	s0 =	simm.s32 @!p0 $0x2  }
0x35: {  	_ =	swait.ge @!p0 [sflag:s0], $0x800  }
0x36: {  	[sflag:s0] =	ssyncset.done @!p0 $0x0  }
0x37: {  	[sflag:s0] =	ssyncadd.s32 @!p0 $0xFFFFF800  }
0x38: {  	s30 =	sadd.s32 $0x0, s18;
	[bflag:$0x0] =	sbarrier.arrive $0xFFFF  }
0x39: {  	[tilespmem:s2], [sflag:$0x2] =	stream.linear.gather [hbm4b:s30+s2], $0x80, $0x38;
	[tilespmem:$0x1EA80] =	vst v63  }
0x3a: {  	_ =	swait.ge [sflag:s20], $0x80  }
0x3b: {  	[sflag:s20] =	ssyncset.done $0x0  }
0x3c: {  	s31 =	sadd.s32 $0x0, s17;
	[sflag:s20] =	ssyncadd.s32 $0xFFFFFF80  }
0x3d: {  	[tilespmem:s21], [sflag:$0x2] =	stream.linear.gather [hbm4b:s31+s2], $0x80, $0x38;
	[tilespmem:$0x1EA80] =	vst v63  }
0x3e: {  	_ =	swait.ge [sflag:s20], $0x80  }
0x3f: {  	[sflag:s20] =	ssyncset.done $0x0  }
0x40: {  	[sflag:s20] =	ssyncadd.s32 $0xFFFFFF80  }
0x41: {  	[tilespmem:s22], [sflag:$0x1] =	stream.indirect.gather [hbm4b:s4+s21], $0x80, s2, s21, $0xb8;
	[tilespmem:$0x1EA80] =	vst v63  }
0x42: {  	_ =	swait.ge [sflag:s23], $0x4000  }
0x43: {  	[sflag:s23] =	ssyncset.done $0x0  }
0x44: {  	[sflag:s23] =	ssyncadd.s32 $0xFFFFC000  }
0x45: {  	[spmem:s1] =	stream.indirect.scatter.add.f32 [tilespmem:s22], [sflag:$0x2], $0x80, s21, s21, $0xb8;
	[tilespmem:$0x1EA80] =	vst v63  }
0x46: {  	_ =	swait.ge [sflag:s20], $0x4000  }
0x47: {  	s3 =	simm.s32 $0x20;
	s0 =	simm.s32 $0x10;
	[sflag:s20] =	ssyncset.done $0x0  }
.LBB2_4:
0x48: {  	s13 =	sadd.s32 s0, s18  }
0x49: {  	[sflag:s20] =	ssyncadd.s32 $0xFFFFC000;
	s30 =	smov.u32 s3;
	s31 =	sadd.s32 $0x10, s3  }
0x4a: {  	[tilespmem:s2], [sflag:$0x2] =	stream.linear.gather [hbm4b:s13+s2], $0x80, $0x38;
	[tilespmem:$0x1EA80] =	vst v63  }
0x4b: {  	p1 =	sne.s32 s3, $0x4D0;
	_ =	swait.ge [sflag:s20], $0x80  }
0x4c: {  	[sflag:s20] =	ssyncset.done $0x0  }
0x4d: {  	s3 =	sadd.s32 s0, s17;
	s0 =	smov.u32 s30;
	[sflag:s20] =	ssyncadd.s32 $0xFFFFFF80  }
0x4e: {  	[tilespmem:s21], [sflag:$0x2] =	stream.linear.gather [hbm4b:s3+s2], $0x80, $0x38;
	[tilespmem:$0x1EA80] =	vst v63  }
0x4f: {  	_ =	swait.ge [sflag:s20], $0x80  }
0x50: {  	[sflag:s20] =	ssyncset.done $0x0  }
0x51: {  	[sflag:s20] =	ssyncadd.s32 $0xFFFFFF80  }
0x52: {  	[tilespmem:s22], [sflag:$0x1] =	stream.indirect.gather [hbm4b:s4+s21], $0x80, s2, s21, $0xb8;
	[tilespmem:$0x1EA80] =	vst v63  }
0x53: {  	_ =	swait.ge [sflag:s23], $0x4000  }
.Ltmp1:
0x54: {  	[sflag:s23] =	ssyncset.done $0x0;
	(pc) =	sbr.rel @p1 .LBB2_4-.Ltmp1, $4  }
0x55: {  	[sflag:s23] =	ssyncadd.s32 $0xFFFFC000  }
0x56: {  	[spmem:s1] =	stream.indirect.scatter.add.f32 [tilespmem:s22], [sflag:$0x2], $0x80, s21, s21, $0xb8;
	[tilespmem:$0x1EA80] =	vst v63  }
0x57: {  	_ =	swait.ge [sflag:s20], $0x4000  }
0x58: {  	s3 =	smov.u32 s31;
	[sflag:s20] =	ssyncset.done $0x0  }
0x59: {  	s3 =	sadd.s32 s0, s18;
	[sflag:s20] =	ssyncadd.s32 $0xFFFFC000  }
0x5a: {  	[tilespmem:s2], [sflag:$0x2] =	stream.linear.gather [hbm4b:s3+s2], $0x80, $0x38;
	[tilespmem:$0x1EA80] =	vst v63  }
0x5b: {  	_ =	swait.ge [sflag:s20], $0x80  }
0x5c: {  	[sflag:s20] =	ssyncset.done $0x0  }
0x5d: {  	s13 =	sadd.s32 s0, s17;
	[sflag:s20] =	ssyncadd.s32 $0xFFFFFF80  }
0x5e: {  	[tilespmem:s21], [sflag:$0x2] =	stream.linear.gather [hbm4b:s13+s2], $0x80, $0x38;
	[tilespmem:$0x1EA80] =	vst v63  }
0x5f: {  	_ =	swait.ge [sflag:s20], $0x80  }
0x60: {  	[sflag:s20] =	ssyncset.done $0x0  }
0x61: {  	[sflag:s20] =	ssyncadd.s32 $0xFFFFFF80  }
0x62: {  	[tilespmem:s22], [sflag:$0x1] =	stream.indirect.gather [hbm4b:s4+s21], $0x80, s2, s21, $0xb8;
	[tilespmem:$0x1EA80] =	vst v63  }
0x63: {  	_ =	swait.ge [sflag:s23], $0x4000  }
0x64: {  	[sflag:s23] =	ssyncset.done $0x0  }
0x65: {  	[sflag:s23] =	ssyncadd.s32 $0xFFFFC000  }
0x66: {  	[spmem:s1] =	stream.indirect.scatter.add.f32 [tilespmem:s22], [sflag:$0x2], $0x80, s21, s21, $0xb8;
	[tilespmem:$0x1EA80] =	vst v63  }
0x67: {  	_ =	swait.ge [sflag:s20], $0x4000  }
0x68: {  	[sflag:s20] =	ssyncset.done $0x0  }
0x69: {  	[sflag:s20] =	ssyncadd.s32 $0xFFFFC000  }
0x6a: {  	[tilespmem:s24], [sflag:$0x2] =	stream.linear.gather [hbm4b:s10+s2], $0x10, $0x38;
	[tilespmem:$0x1EA80] =	vst v63  }
0x6b: {  	_ =	swait.ge [sflag:s20], $0x10  }
0x6c: {  	[sflag:s20] =	ssyncset.done $0x0  }
0x6d: {  	[sflag:s20] =	ssyncadd.s32 $0xFFFFFFF0  }
0x6e: {  	[tilespmem:s25], [sflag:$0x2] =	stream.linear.gather [hbm4b:s11+s2], $0x10, $0x38;
	[tilespmem:$0x1EA80] =	vst v63  }
0x6f: {  	_ =	swait.ge [sflag:s20], $0x10  }
0x70: {  	[sflag:s20] =	ssyncset.done $0x0  }
0x71: {  	[sflag:s20] =	ssyncadd.s32 $0xFFFFFFF0  }
0x72: {  	[tilespmem:s28], [sflag:$0x1] =	stream.indirect.gather [hbm4b:s4+s26], $0x80, s24, s26, $0xb8;
	[tilespmem:$0x1EA80] =	vst v63  }
0x73: {  	_ =	swait.ge [sflag:s23], $0x800  }
0x74: {  	[sflag:s23] =	ssyncset.done $0x0  }
0x75: {  	[sflag:s23] =	ssyncadd.s32 $0xFFFFF800  }
0x76: {  	[spmem:s1] =	stream.indirect.scatter.add.f32 [tilespmem:s28], [sflag:$0x2], $0x80, s25, s26, $0xb8;
	[tilespmem:$0x1EA80] =	vst v63  }
0x77: {  	_ =	swait.ge [sflag:s20], $0x800  }
0x78: {  	s14 =	stileid.u32;
	[sflag:s20] =	ssyncset.done $0x0  }
0x79: {  	s0 =	sshll.u32 s14, $0x6;
	[sflag:s20] =	ssyncadd.s32 $0xFFFFF800  }
0x7a: {  	s31 =	sshrl.u32 s6, $0x3;
	s30 =	sor.u32 $0x1C02, s0;
	[bflag:$0x0] =	sbarrier.arrive $0xFFFF  }
0x7b: {  	[hbm:s12], [sflag:s30] =	dma.local [spmem:s31], $0x2700  }
0x7c: {  	_ =	swait.ge [sflag:s20], $0x2700  }
0x7d: {  	[sflag:s20] =	ssyncset.done $0x0  }
0x7e: {  	s0 =	sshrl.u32 @!p0 s9, $0x3;
	s3 =	rddreg [dreg:$0x3];
	[sflag:s20] =	ssyncadd.s32 $0xFFFFD900  }
0x7f: {  	[hbm:s3], [sflag:s30] =	dma.local @!p0 [spmem:s0], $0x100  }
0x80: {  	s3 =	simm.s32 @!p0 $0x2  }
0x81: {  	_ =	swait.ge @!p0 [sflag:s3], $0x100  }
0x82: {  	[sflag:s3] =	ssyncset.done @!p0 $0x0  }
0x83: {  	[sflag:s3] =	ssyncadd.s32 @!p0 $0xFFFFFF00  }
0x84: {  	[spmem:s6] =	stream.linear.scatter [tilespmem:s19], [sflag:$0x2], $0x6800, $0x38;
	[tilespmem:$0x1EA80] =	vst v63  }
0x85: {  	_ =	swait.ge [sflag:s20], $0x6800  }
0x86: {  	[sflag:s20] =	ssyncset.done $0x0  }
0x87: {  	[sflag:s20] =	ssyncadd.s32 $0xFFFF9800  }
0x88: {  	[spmem:s7] =	stream.linear.scatter [tilespmem:s19], [sflag:$0x2], $0x6800, $0x38;
	[tilespmem:$0x1EA80] =	vst v63  }
0x89: {  	_ =	swait.ge [sflag:s20], $0x6800  }
0x8a: {  	[sflag:s20] =	ssyncset.done $0x0  }
0x8b: {  	[sflag:s20] =	ssyncadd.s32 $0xFFFF9800  }
0x8c: {  	[spmem:s8] =	stream.linear.scatter [tilespmem:s19], [sflag:$0x2], $0x6800, $0x38;
	[tilespmem:$0x1EA80] =	vst v63  }
0x8d: {  	_ =	swait.ge [sflag:s20], $0x6800  }
0x8e: {  	[sflag:s20] =	ssyncset.done $0x0  }
0x8f: {  	s13 =	simm.s32 @!p0 $0x4A00;
	[sflag:s20] =	ssyncadd.s32 $0xFFFF9800  }
0x90: {  	[spmem:s9] =	stream.linear.scatter @!p0 [tilespmem:s13], [sflag:$0x2], $0x800, $0x38;
	[tilespmem:$0x1EA80] =	vst v63  }
0x91: {  	_ =	swait.ge @!p0 [sflag:s3], $0x800  }
0x92: {  	[sflag:s3] =	ssyncset.done @!p0 $0x0  }
0x93: {  	[sflag:s3] =	ssyncadd.s32 @!p0 $0xFFFFF800  }
0x94: {  	s15 =	sadd.s32 $0x0, s18;
	[bflag:$0x0] =	sbarrier.arrive $0xFFFF  }
0x95: {  	[tilespmem:s2], [sflag:$0x2] =	stream.linear.gather [hbm4b:s15+s2], $0x80, $0x38;
	[tilespmem:$0x1EA80] =	vst v63  }
0x96: {  	_ =	swait.ge [sflag:s20], $0x80  }
0x97: {  	[sflag:s20] =	ssyncset.done $0x0  }
0x98: {  	s16 =	sadd.s32 $0x0, s17;
	[sflag:s20] =	ssyncadd.s32 $0xFFFFFF80  }
0x99: {  	[tilespmem:s21], [sflag:$0x2] =	stream.linear.gather [hbm4b:s16+s2], $0x80, $0x38;
	[tilespmem:$0x1EA80] =	vst v63  }
0x9a: {  	_ =	swait.ge [sflag:s20], $0x80  }
0x9b: {  	[sflag:s20] =	ssyncset.done $0x0  }
0x9c: {  	[sflag:s20] =	ssyncadd.s32 $0xFFFFFF80  }
0x9d: {  	[tilespmem:s22], [sflag:$0x1] =	stream.indirect.gather [hbm4b:s5+s21], $0x80, s2, s21, $0xb8;
	[tilespmem:$0x1EA80] =	vst v63  }
0x9e: {  	_ =	swait.ge [sflag:s23], $0x4000  }
0x9f: {  	[sflag:s23] =	ssyncset.done $0x0  }
0xa0: {  	[sflag:s23] =	ssyncadd.s32 $0xFFFFC000  }
0xa1: {  	[spmem:s1] =	stream.indirect.scatter.add.f32 [tilespmem:s22], [sflag:$0x2], $0x80, s21, s21, $0xb8;
	[tilespmem:$0x1EA80] =	vst v63  }
0xa2: {  	_ =	swait.ge [sflag:s20], $0x4000  }
0xa3: {  	s13 =	simm.s32 $0x20;
	s3 =	simm.s32 $0x10;
	[sflag:s20] =	ssyncset.done $0x0  }
.LBB2_6:
0xa4: {  	s14 =	sadd.s32 s3, s18  }
0xa5: {  	[sflag:s20] =	ssyncadd.s32 $0xFFFFC000;
	s15 =	smov.u32 s13;
	s16 =	sadd.s32 $0x10, s13  }
0xa6: {  	[tilespmem:s2], [sflag:$0x2] =	stream.linear.gather [hbm4b:s14+s2], $0x80, $0x38;
	[tilespmem:$0x1EA80] =	vst v63  }
0xa7: {  	p1 =	sne.s32 s13, $0x4D0;
	_ =	swait.ge [sflag:s20], $0x80  }
0xa8: {  	[sflag:s20] =	ssyncset.done $0x0  }
0xa9: {  	s13 =	sadd.s32 s3, s17;
	s3 =	smov.u32 s15;
	[sflag:s20] =	ssyncadd.s32 $0xFFFFFF80  }
0xaa: {  	[tilespmem:s21], [sflag:$0x2] =	stream.linear.gather [hbm4b:s13+s2], $0x80, $0x38;
	[tilespmem:$0x1EA80] =	vst v63  }
0xab: {  	_ =	swait.ge [sflag:s20], $0x80  }
0xac: {  	[sflag:s20] =	ssyncset.done $0x0  }
0xad: {  	[sflag:s20] =	ssyncadd.s32 $0xFFFFFF80  }
0xae: {  	[tilespmem:s22], [sflag:$0x1] =	stream.indirect.gather [hbm4b:s5+s21], $0x80, s2, s21, $0xb8;
	[tilespmem:$0x1EA80] =	vst v63  }
0xaf: {  	_ =	swait.ge [sflag:s23], $0x4000  }
.Ltmp2:
0xb0: {  	[sflag:s23] =	ssyncset.done $0x0;
	(pc) =	sbr.rel @p1 .LBB2_6-.Ltmp2, $4  }
0xb1: {  	[sflag:s23] =	ssyncadd.s32 $0xFFFFC000  }
0xb2: {  	[spmem:s1] =	stream.indirect.scatter.add.f32 [tilespmem:s22], [sflag:$0x2], $0x80, s21, s21, $0xb8;
	[tilespmem:$0x1EA80] =	vst v63  }
0xb3: {  	_ =	swait.ge [sflag:s20], $0x4000  }
0xb4: {  	s13 =	smov.u32 s16;
	[sflag:s20] =	ssyncset.done $0x0  }
0xb5: {  	s13 =	sadd.s32 s3, s18;
	[sflag:s20] =	ssyncadd.s32 $0xFFFFC000  }
0xb6: {  	[tilespmem:s2], [sflag:$0x2] =	stream.linear.gather [hbm4b:s13+s2], $0x80, $0x38;
	[tilespmem:$0x1EA80] =	vst v63  }
0xb7: {  	_ =	swait.ge [sflag:s20], $0x80  }
0xb8: {  	[sflag:s20] =	ssyncset.done $0x0  }
0xb9: {  	s15 =	sadd.s32 s3, s17;
	[sflag:s20] =	ssyncadd.s32 $0xFFFFFF80  }
0xba: {  	[tilespmem:s21], [sflag:$0x2] =	stream.linear.gather [hbm4b:s15+s2], $0x80, $0x38;
	[tilespmem:$0x1EA80] =	vst v63  }
0xbb: {  	_ =	swait.ge [sflag:s20], $0x80  }
0xbc: {  	[sflag:s20] =	ssyncset.done $0x0  }
0xbd: {  	[sflag:s20] =	ssyncadd.s32 $0xFFFFFF80  }
0xbe: {  	[tilespmem:s22], [sflag:$0x1] =	stream.indirect.gather [hbm4b:s5+s21], $0x80, s2, s21, $0xb8;
	[tilespmem:$0x1EA80] =	vst v63  }
0xbf: {  	_ =	swait.ge [sflag:s23], $0x4000  }
0xc0: {  	[sflag:s23] =	ssyncset.done $0x0  }
0xc1: {  	[sflag:s23] =	ssyncadd.s32 $0xFFFFC000  }
0xc2: {  	[spmem:s1] =	stream.indirect.scatter.add.f32 [tilespmem:s22], [sflag:$0x2], $0x80, s21, s21, $0xb8;
	[tilespmem:$0x1EA80] =	vst v63  }
0xc3: {  	_ =	swait.ge [sflag:s20], $0x4000  }
0xc4: {  	[sflag:s20] =	ssyncset.done $0x0  }
0xc5: {  	[sflag:s20] =	ssyncadd.s32 $0xFFFFC000  }
0xc6: {  	[tilespmem:s24], [sflag:$0x2] =	stream.linear.gather [hbm4b:s10+s2], $0x10, $0x38;
	[tilespmem:$0x1EA80] =	vst v63  }
0xc7: {  	_ =	swait.ge [sflag:s20], $0x10  }
0xc8: {  	[sflag:s20] =	ssyncset.done $0x0  }
0xc9: {  	[sflag:s20] =	ssyncadd.s32 $0xFFFFFFF0  }
0xca: {  	[tilespmem:s25], [sflag:$0x2] =	stream.linear.gather [hbm4b:s11+s2], $0x10, $0x38;
	[tilespmem:$0x1EA80] =	vst v63  }
0xcb: {  	_ =	swait.ge [sflag:s20], $0x10  }
0xcc: {  	[sflag:s20] =	ssyncset.done $0x0  }
0xcd: {  	[sflag:s20] =	ssyncadd.s32 $0xFFFFFFF0  }
0xce: {  	[tilespmem:s28], [sflag:$0x1] =	stream.indirect.gather [hbm4b:s5+s26], $0x80, s24, s26, $0xb8;
	[tilespmem:$0x1EA80] =	vst v63  }
0xcf: {  	_ =	swait.ge [sflag:s23], $0x800  }
0xd0: {  	[sflag:s23] =	ssyncset.done $0x0  }
0xd1: {  	[sflag:s23] =	ssyncadd.s32 $0xFFFFF800  }
0xd2: {  	[spmem:s1] =	stream.indirect.scatter.add.f32 [tilespmem:s28], [sflag:$0x2], $0x80, s25, s26, $0xb8;
	[tilespmem:$0x1EA80] =	vst v63  }
0xd3: {  	_ =	swait.ge [sflag:s20], $0x800  }
0xd4: {  	[sflag:s20] =	ssyncset.done $0x0  }
0xd5: {  	[sflag:s20] =	ssyncadd.s32 $0xFFFFF800  }
0xd6: {  	[bflag:$0x0] =	sbarrier.arrive $0xFFFF  }
0xd7: {  	s16 =	rddreg [dreg:$0x4]  }
0xd8: {  	[hbm:s16], [sflag:s30] =	dma.local [spmem:s31], $0x2700  }
0xd9: {  	_ =	swait.ge [sflag:s20], $0x2700  }
0xda: {  	[sflag:s20] =	ssyncset.done $0x0  }
0xdb: {  	s3 =	rddreg [dreg:$0x5];
	[sflag:s20] =	ssyncadd.s32 $0xFFFFD900  }
0xdc: {  	[hbm:s3], [sflag:s30] =	dma.local @!p0 [spmem:s0], $0x100  }
0xdd: {  	s0 =	simm.s32 @!p0 $0x2  }
0xde: {  	_ =	swait.ge @!p0 [sflag:s0], $0x100  }
0xdf: {  	s29 =	sadd.s32 $0x1, s29;
	s31 =	rddreg [dreg:$0x6]  }
0xe0: {  	p1 =	sne.s32 s29, s31  }
.Ltmp3:
0xe1: {  	_ = 	snop;
	(pc) =	sbr.rel @p1 .LBB2_1-.Ltmp3, $3  }
0xe2: {  	_ =	sdelay $0x1  }
0xe3: {  	[sflag:s0] =	ssyncset.done @!p0 $0x0  }
0xe4: {  	[sflag:s0] =	ssyncadd.s32 @!p0 $0xFFFFFF00  }
0xe5: {  	_ =	sfence.sel $0x180000  }
0xe6: {  	[bflag:$0x0] =	sbarrier.arrive $0xFFFF  }
0xe7: {  	_ =	strace $0x90000053  }
0xe8: {  	s0 =	stileid.u32;
	[bflag:$0x2] =	sbarrier.arrive $0xFFFF  }
0xe9: {  	p0 =	sne.s32 s0, $0x0;
	s0 =	rddreg [dreg:$0x2]  }
0xea: {  	s0 =	sadd.s32 @!p0 $0x100000, s0  }
0xeb: {  	[sflag:s0] =	ssyncadd.tile.s32 @!p0 $0x1;
	_ =	shalt  }
.Lfunc_end2:
_tile_overlayer_lowered:
.L_overlay_start_2:
0xec: {  	(tag) =	ssettag $0x2  }
0xed: {  	s0 =	rddreg [dreg:$0x0];
	s2 =	stileid.u32  }
0xee: {  	s1 =	rddreg [dreg:$0x1];
	p0 =	sne.s32 s2, $0x0  }
0xef: {  	s3 =	rddreg [dreg:$0x2];
	[bflag:$0x3] =	sbarrier.arrive $0xFFFF;
	s2 =	simm.s32 @!p0 $0x1C02  }
0xf0: {  	[timem:s3], [sflag:s2] =	dma.local @!p0 [hbm:s0], s1  }
0xf1: {  	s0 =	simm.s32 @!p0 $0x2  }
0xf2: {  	_ =	swait.ge @!p0 [sflag:s0], s1  }
0xf3: {  	s1 =	ssub.s32 @!p0 $0x0, s1;
	[sflag:s0] =	ssyncset.done @!p0 $0x0  }
0xf4: {  	[sflag:s0] =	ssyncadd.s32 @!p0 s1  }
0xf5: {  	[bflag:$0x3] =	sbarrier.arrive $0xFFFF  }
0xf6: {  	_ =	shalt  }

// kernel: kernel.32.cloned.1.call-start
scs
__scs_entry_jumppad:
0x0: {  	(pc) =	sbr.rel $0x88, $3  }
0x1: {  	(tag) =	ssettag $0x0;
	lr =	simm.s32 $0x1  }
0x2: {  	[smem:$0x3F8B] =	sst lr;
	_ =	strace $0xD0000000  }
0x3: {  	_ = 	snop  }
0x4: {  	_ = 	snop  }
0x5: {  	_ = 	snop  }
0x6: {  	_ = 	snop  }
0x7: {  	_ = 	snop  }
__scs_overlays_trampoline_lowered:
0x8: {  	[smem:$0x3F9A] =	sst s0  }
0x9: {  	[smem:$0x3F9B] =	sst s1  }
0xa: {  	[smem:$0x3F9C] =	sst s2  }
0xb: {  	[smem:$0x3F9D] =	sst s3  }
0xc: {  	[smem:$0x3F9E] =	sst s4  }
0xd: {  	[smem:$0x3F9F] =	sst s5  }
0xe: {  	[smem:$0x3FA0] =	sst s6  }
0xf: {  	[smem:$0x3FA1] =	sst s7  }
0x10: {  	[smem:$0x3FA2] =	sst s8  }
0x11: {  	[smem:$0x3FA3] =	sst s9;
	s0 =	simm.s32 @!p0 $0x0  }
0x12: {  	s1 =	sld [smem:$0x3F89];
	s0 =	simm.s32 @p0 $0x1  }
0x13: {  	[smem:$0x3FA4] =	sst s0;
	s0 =	simm.s32 @!p1 $0x0  }
0x14: {  	s2 =	sld [smem:$0x3F88];
	s0 =	simm.s32 @p1 $0x1  }
0x15: {  	[smem:$0x3FA5] =	sst s0;
	s0 =	simm.s32 @!p2 $0x0  }
0x16: {  	s3 =	sld [smem:$0x3FDB];
	s0 =	simm.s32 @p2 $0x1  }
0x17: {  	s4 =	simm.s32 $0x1BF5;
	[smem:$0x3FA7] =	sst s0  }
0x18: {  	s0 =	sld [smem:$0x3F8A];
	_ =	swait.ge [sflag:s4], $0x0  }
0x19: {  	s7 =	sld [smem:$0x3F8B]  }
0x1a: {  	s8 =	sadd.s32 $0xFFFFE003, lr  }
0x1b: {  	s9 =	sadd.s32 $0xFFFFFEF7, lr;
	s5 =	simm.s32 $0xFFFFFFFF;
	p2 =	slt.u32 s8, $0xFFFFF086  }
0x1c: {  	p1 =	slt.u32 s9, $0xF7A;
	s5 =	simm.s32 @!p2 $0x0  }
0x1d: {  	s5 =	simm.s32 @p1 $0x1;
	p0 =	seq.s32 s7, s2  }
0x1e: {  	s7 =	smul.u32 @!p0 $0xF7A, s2;
	p2 =	seq.s32 @!p0 s5, $0x0  }
0x1f: {  	s9 =	smul.u32 $0xF7A, s1;
	s8 =	simm.s32 @!p0 $0x1BF5;
	p2 =	por !p2, p0  }
0x20: {  	[sflag:s8] =	ssyncset.s32 @!p0 $0xFFFFF086;
	s6 =	sadd.s32 @!p0 s3, s7;
	s7 =	simm.s32 @!p0 $0x108  }
0x21: {  	s3 =	sadd.s32 s3, s9;
	s6 =	sadd.s32 @!p0 $0x88, s6;
	s7 =	simm.s32 @p2 $0x1082  }
0x22: {  	[simem:s7], [sflag:s8] =	dma.local @!p0 [hbm:s6], $0xF7A  }
0x23: {  	s9 =	sor.u32 $0xD0000000, s2;
	s6 =	simm.s32 $0x108;
	_ =	swait.ge @!p0 [sflag:s8], $0x0  }
0x24: {  	s3 =	sadd.s32 $0x88, s3;
	s6 =	simm.s32 @!p1 $0x1082;
	[sflag:s4] =	ssyncset.s32 $0xFFFFF086  }
0x25: {  	[simem:s6], [sflag:s4] =	dma.local [hbm:s3], $0xF7A  }
0x26: {  	[smem:$0x3F8B] =	sst s1;
	(tag) =	ssettag s2;
	_ =	strace s9  }
0x27: {  	s1 =	sld [smem:$0x3F9B]  }
0x28: {  	s2 =	sld [smem:$0x3F9C]  }
0x29: {  	s4 =	sld [smem:$0x3F9E]  }
0x2a: {  	p0 =	seq.s32 s5, $0x0;
	s5 =	sld [smem:$0x3F9F]  }
0x2b: {  	s6 =	sld [smem:$0x3FA0]  }
0x2c: {  	s7 =	sld [smem:$0x3FA1]  }
0x2d: {  	s3 =	simm.s32 $0x108;
	s8 =	sld [smem:$0x3FA2]  }
0x2e: {  	s3 =	simm.s32 @!p0 $0x1082;
	s9 =	sld [smem:$0x3FA3]  }
0x2f: {  	lr =	sadd.s32 s0, s3;
	s0 =	sld [smem:$0x3F9A]  }
0x30: {  	s3 =	sld [smem:$0x3F9D]  }
0x31: {  	[smem:$0x3FA6] =	sst s10  }
0x32: {  	s10 =	sld [smem:$0x3FA4];
	_ =	sdelay $0x3  }
0x33: {  	p0 =	seq.s32 s10, $0x1;
	s10 =	sld [smem:$0x3FA6];
	_ =	sdelay $0x3  }
0x34: {  	[smem:$0x3FA6] =	sst s10  }
0x35: {  	s10 =	sld [smem:$0x3FA5];
	_ =	sdelay $0x3  }
0x36: {  	p1 =	seq.s32 s10, $0x1;
	s10 =	sld [smem:$0x3FA6];
	_ =	sdelay $0x3  }
0x37: {  	[smem:$0x3FA6] =	sst s10  }
0x38: {  	s10 =	sld [smem:$0x3FA7]  }
0x39: {  	_ = 	snop;
	(pc) =	sbr.ind lr, $3  }
0x3a: {  	_ = 	snop  }
0x3b: {  	_ = 	snop  }
0x3c: {  	p2 =	seq.s32 s10, $0x1;
	s10 =	sld [smem:$0x3FA6]  }
0x3d: {  	_ =	shalt  }
0x3e: {  	_ =	shalt  }
0x3f: {  	_ =	shalt  }
0x40: {  	_ =	shalt  }
0x41: {  	_ =	shalt  }
0x42: {  	_ =	shalt  }
0x43: {  	_ =	shalt  }
0x44: {  	_ =	shalt  }
0x45: {  	_ =	shalt  }
0x46: {  	_ =	shalt  }
0x47: {  	_ =	shalt  }
0x48: {  	_ =	shalt  }
0x49: {  	_ =	shalt  }
0x4a: {  	_ =	shalt  }
0x4b: {  	_ =	shalt  }
0x4c: {  	_ =	shalt  }
0x4d: {  	_ =	shalt  }
0x4e: {  	_ =	shalt  }
0x4f: {  	_ =	shalt  }
0x50: {  	_ =	shalt  }
0x51: {  	_ =	shalt  }
0x52: {  	_ =	shalt  }
0x53: {  	_ =	shalt  }
0x54: {  	_ =	shalt  }
0x55: {  	_ =	shalt  }
0x56: {  	_ =	shalt  }
0x57: {  	_ =	shalt  }
0x58: {  	_ =	shalt  }
0x59: {  	_ =	shalt  }
0x5a: {  	_ =	shalt  }
0x5b: {  	_ =	shalt  }
0x5c: {  	_ =	shalt  }
0x5d: {  	_ =	shalt  }
0x5e: {  	_ =	shalt  }
0x5f: {  	_ =	shalt  }
0x60: {  	_ =	shalt  }
0x61: {  	_ =	shalt  }
0x62: {  	_ =	shalt  }
0x63: {  	_ =	shalt  }
0x64: {  	_ =	shalt  }
0x65: {  	_ =	shalt  }
0x66: {  	_ =	shalt  }
0x67: {  	_ =	shalt  }
0x68: {  	_ =	shalt  }
0x69: {  	_ =	shalt  }
0x6a: {  	_ =	shalt  }
0x6b: {  	_ =	shalt  }
0x6c: {  	_ =	shalt  }
0x6d: {  	_ =	shalt  }
0x6e: {  	_ =	shalt  }
0x6f: {  	_ =	shalt  }
0x70: {  	_ =	shalt  }
0x71: {  	_ =	shalt  }
0x72: {  	_ =	shalt  }
0x73: {  	_ =	shalt  }
0x74: {  	_ =	shalt  }
0x75: {  	_ =	shalt  }
0x76: {  	_ =	shalt  }
0x77: {  	_ =	shalt  }
0x78: {  	_ =	shalt  }
0x79: {  	_ =	shalt  }
0x7a: {  	_ =	shalt  }
0x7b: {  	_ =	shalt  }
0x7c: {  	_ =	shalt  }
0x7d: {  	_ =	shalt  }
0x7e: {  	_ =	shalt  }
0x7f: {  	_ =	shalt  }
0x80: {  	_ =	shalt  }
0x81: {  	_ =	shalt  }
0x82: {  	_ =	shalt  }
0x83: {  	_ =	shalt  }
0x84: {  	_ =	shalt  }
0x85: {  	_ =	shalt  }
0x86: {  	_ =	shalt  }
0x87: {  	_ =	shalt  }
.Lfunc_end0:
.L_simem_size_0:
called_computation.5_lowered:
.L_overlay_start_0:
0x88: {  	s2 =	sld [smem:$0x3FD9]  }
0x89: {  	s3 =	sld [smem:$0x3FFE];
	_ =	sdelay $0x1  }
0x8a: {  	s1 =	srdreg.scid  }
0x8b: {  	s0 =	sand.u32 $0x1, s1  }
0x8c: {  	s16 =	sshll.u32 s0, $0xA;
	s2 =	sadd.s32 s3, s2  }
0x8d: {  	s2 =	sadd.s32 s2, s16  }
0x8e: {  	[smem:$0x3FB2] =	sst s2  }
0x8f: {  	_ = 	snop  }
0x90: {  	(tm) =	ssettm $0x1  }
0x91: {  	s17 =	sld [smem:$0x3FFB];
	_ =	sdelay $0x3  }
0x92: {  	_ =	strace s17  }
0x93: {  	s2 =	sld [smem:$0x3FFC];
	_ =	sdelay $0x3  }
0x94: {  	_ =	strace s2  }
0x95: {  	s2 =	sld [smem:$0x3FFD];
	_ =	sdelay $0x3  }
0x96: {  	_ =	strace s2  }
0x97: {  	_ =	strace $0x8FFFFFFF  }
0x98: {  	s18 =	sld [smem:$0x3FDB];
	_ =	sdelay $0x1  }
0x99: {  	s19 =	simm.s32 $_scs_section_size  }
0x9a: {  	s4 =	simm.s32 $_size__tile_overlayer_lowered;
	s5 =	simm.s32 $_tile_overlayer_lowered  }
0x9b: {  	s22 =	simm.s32 $0x1BFF;
	s21 =	sshll.u32 s5, $0x1;
	s2 =	sadd.s32 s19, s18  }
0x9c: {  	s6 =	simm.s32 $0x0;
	s20 =	sshll.u32 s4, $0x1;
	s4 =	sadd.s32 s21, s2  }
0x9d: {  	[timem:s6], [sflag:s22] =	dma.local [hbm:s4], s20  }
0x9e: {  	_ =	swait.ge [sflag:s22], s20  }
0x9f: {  	s3 =	ssub.s32 $0x0, s20;
	[sflag:s22] =	ssyncset.done $0x0  }
0xa0: {  	[sflag:s22] =	ssyncadd.s32 s3;
	_ =	sdelay $0x1  }
0xa1: {  	s23 =	simm.s32 $0x1B8B  }
0xa2: {  	_ =	swait.ge [sflag:s23], $0x1  }
0xa3: {  	[sflag:s23] =	ssyncset.done $0x0  }
0xa4: {  	s25 =	simm.s32 $0x1B8E;
	s24 =	sld [smem:$0x3FFE];
	[sflag:s23] =	ssyncadd.s32 $0xFFFFFFFF  }
0xa5: {  	s26 =	simm.s32 $execute0_lowered;
	[smem:$0x3FD2] =	sst s25  }
0xa6: {  	s4 =	sshll.u32 s26, $0x1;
	_ =	strace $0x80000055;
	[dreg:$0x1] =	wrdreg $0xFFFFFFFF  }
0xa7: {  	s28 =	simm.s32 $_size_execute0_lowered;
	s2 =	sadd.s32 s2, s4;
	[dreg:$0x0] =	wrdreg $0x0  }
0xa8: {  	s4 =	sshll.u32 s28, $0x1;
	[dreg:$0x2] =	wrdreg s2  }
0xa9: {  	[dreg:$0x3] =	wrdreg s4  }
0xaa: {  	[dreg:$0x4] =	wrdreg $0xC0  }
0xab: {  	_ =	task [dreg:s6], $0x5FFFF  }
0xac: {  	[dreg:$0x1] =	wrdreg $0xFFFFFFFF  }
0xad: {  	[dreg:$0x0] =	wrdreg $0x60  }
0xae: {  	[dreg:$0x2] =	wrdreg s24  }
0xaf: {  	[dreg:$0x3] =	wrdreg $0xB2000  }
0xb0: {  	[dreg:$0x4] =	wrdreg $0x9  }
0xb1: {  	_ =	task.clear_ibuf [dreg:s6], $0x5FFFF;
	_ =	strace $0x90000055  }
0xb2: {  	s29 =	simm.s32 $0x9;
	_ =	strace $0x80000057  }
0xb3: {  	_ =	swait.ge [sflag:s29], $0x1  }
0xb4: {  	[sflag:s29] =	ssyncadd.s32 $0xFFFFFFFF  }
0xb5: {  	_ =	strace $0x90000057  }
0xb6: {  	_ =	sfence  }
0xb7: {  	s30 =	sld [smem:$0x0];
	_ =	sdelay $0x2  }
0xb8: {  	s31 =	sshll.u32 s1, $0xD;
	s1 =	sshrl.u32 s1, $0x2  }
0xb9: {  	s3 =	sand.u32 $0x4000, s31;
	s1 =	sadd.s32 s1, s30  }
0xba: {  	s0 =	sor.u32 s3, s0;
	s1 =	sshll.u32 s1, $0x11  }
0xbb: {  	s0 =	sor.u32 s1, s0  }
0xbc: {  	s0 =	sadd.s32 $0x8F2B, s0  }
0xbd: {  	[sflag:s0] =	ssyncadd.remote.s32 $0x1  }
0xbe: {  	_ =	sfence.sel $0xFFFF  }
0xbf: {  	[dreg:$0x0] =	wrdreg $0xFFFFFFFF;
	(pc) =	sbr.abs _section_cstart, $3  }
0xc0: {  	[dreg:$0x1] =	wrdreg $0xFFFFFFFF  }
0xc1: {  	_ =	task.clear_ibuf [dreg:s6], $0x2FFFF;
	_ =	strace $0x9FFFFFFF  }
0xc2: {  	(tm) =	ssettm $0x7FFFFFFF  }
0xc3: {  	_ =	shalt  }
tec
execute0_lowered:
.L_overlay_start_1:
0x0: {  	(tag) =	ssettag $0x1  }
0x1: {  	s0 =	rddreg [dreg:$0x0]  }
0x2: {  	s1 =	rddreg [dreg:$0x1];
	s2 =	simm.s32 $0x0;
	s6 =	srdreg.scid  }
0x3: {  	s20 =	stileid.u32;
	s28 =	simm.s32 $0x80;
	s29 =	simm.s32 $0x100  }
0x4: {  	s30 =	simm.s32 $0x1;
	s31 =	simm.s32 $0x4100;
	[smem:$0x7FF] =	sst s2  }
0x5: {  	s3 =	sadd.s32 $0x41200, s0;
	s4 =	sadd.s32 $0x68400, s0;
	s5 =	sadd.s32 $0x8F600, s0  }
0x6: {  	s7 =	sadd.s32 $0xB6800, s0;
	s15 =	sadd.s32 $0x10200, s0;
	s10 =	smul.u32 $0x4E000, s20  }
0x7: {  	s6 =	sand.u32 $0x1, s6;
	s16 =	sadd.s32 $0x6400, s0;
	s14 =	smul.u32 $0x13800, s20  }
0x8: {  	s0 =	sadd.s32 $0x216000, s0;
	s26 =	smul.u32 $0x2710, s20;
	p0 =	sne.s32 s20, $0xF  }
0x9: {  	_ =	strace $0x80000056;
	s8 =	sshll.u32 s6, $0x4;
	s13 =	smul.u32 $0x4E2000, s6  }
0xa: {  	s9 =	ssub.s32 $0x2, s6;
	s6 =	smul.u32 $0x27100, s6;
	s8 =	sor.u32 s20, s8  }
0xb: {  	s11 =	sshrl.u32 s9, $0x1;
	s23 =	sshrl.u32 s10, $0x2;
	s12 =	smul.u32 $0x2710, s8  }
0xc: {  	s17 =	ssub.s32 s9, s11;
	s8 =	sadd.s32 s23, s1;
	s14 =	sadd.s32 s14, s13  }
0xd: {  	s19 =	sshrl.u32 s13, $0x3;
	s6 =	sadd.s32 s26, s6;
	s25 =	sadd.s32 $0x6800, s8  }
0xe: {  	s14 =	sshrl.u32 s14, $0x3;
	s26 =	smax.u32 s17, $0x1;
	[dreg:$0x3] =	wrdreg s25  }
0xf: {  	s9 =	sadd.s32 s0, s14;
	s0 =	sadd.s32 s0, s19;
	[dreg:$0xc] =	wrdreg s26  }
0x10: {  	s11 =	sadd.s32 $0x138000, s1;
	s21 =	sadd.s32 $0x27000, s0;
	[dreg:$0x4] =	wrdreg s9  }
0x11: {  	s10 =	sadd.s32 $0xD000, s8;
	s22 =	sadd.s32 $0x27100, s9;
	[dreg:$0x5] =	wrdreg s21  }
0x12: {  	s24 =	sshrl.u32 s12, $0x3;
	s23 =	sadd.s32 $0x4E100, s0;
	[dreg:$0x6] =	wrdreg s22  }
0x13: {  	s18 =	sadd.s32 $0x4E0, s24;
	s24 =	sadd.s32 $0x4E200, s9;
	[dreg:$0x7] =	wrdreg s23  }
0x14: {  	s6 =	sshrl.u32 s6, $0x3;
	s25 =	sadd.s32 $0x75200, s0;
	[dreg:$0x8] =	wrdreg s24  }
0x15: {  	s26 =	simm.s32 $0x2;
	s9 =	sadd.s32 $0x75300, s9;
	[dreg:$0x9] =	wrdreg s25  }
0x16: {  	s0 =	sadd.s32 $0x9C300, s0;
	s12 =	sadd.s32 s15, s18;
	[dreg:$0xa] =	wrdreg s9  }
0x17: {  	s14 =	sadd.s32 s16, s18;
	[dreg:$0xb] =	wrdreg s0;
	s23 =	sadd.s32 s6, s16  }
0x18: {  	s24 =	sadd.s32 s6, s15;
	s25 =	simm.s32 $0x4A00;
	s0 =	simm.s32 $0x4180  }
0x19: {  	v0 =	vimm.f32 $0.0e+00;
	s6 =	simm.s32 $0x10;
	s15 =	simm.s32 $0x4200;
	s16 =	simm.s32 $0x0  }
.LBB2_1:
0x1a: {  	s17 =	simm.s32 $0x70;
	s18 =	simm.s32 $0x3C0  }
.LBB2_2:
0x1b: {  	p1 =	sne.s32 s18, $0x19FC0;
	[tilespmem:s17+$0x4A00] =	vst v0  }
0x1c: {  	[tilespmem:s17+$0x4990] =	vst v0  }
0x1d: {  	[tilespmem:s17+$0x49A0] =	vst v0  }
.Ltmp0:
0x1e: {  	[tilespmem:s17+$0x49B0] =	vst v0;
	(pc) =	sbr.rel @p1 .LBB2_2-.Ltmp0, $4  }
0x1f: {  	[tilespmem:s17+$0x49C0] =	vst v0  }
0x20: {  	[tilespmem:s17+$0x49D0] =	vst v0  }
0x21: {  	[tilespmem:s17+$0x49E0] =	vst v0  }
0x22: {  	[tilespmem:s17+$0x49F0] =	vst v0;
	s17 =	sshra.s32 s18, $0x2;
	s18 =	sadd.s32 $0x200, s18  }
0x23: {  	[tilespmem:s17+$0x4A00] =	vst v0  }
0x24: {  	[tilespmem:s17+$0x4990] =	vst v0  }
0x25: {  	[tilespmem:s17+$0x49A0] =	vst v0  }
0x26: {  	[tilespmem:s17+$0x49B0] =	vst v0  }
0x27: {  	[tilespmem:s17+$0x49C0] =	vst v0  }
0x28: {  	[tilespmem:s17+$0x49D0] =	vst v0  }
0x29: {  	[tilespmem:s17+$0x49E0] =	vst v0  }
0x2a: {  	[tilespmem:s17+$0x49F0] =	vst v0  }
0x2b: {  	[spmem:s8] =	stream.linear.scatter [tilespmem:s25], [sflag:$0x2], $0x6800, $0x38;
	[tilespmem:$0x1EA80] =	vst v63  }
0x2c: {  	_ =	swait.ge [sflag:s26], $0x6800  }
0x2d: {  	[sflag:s26] =	ssyncset.done $0x0  }
0x2e: {  	s9 =	rddreg [dreg:$0x3];
	[sflag:s26] =	ssyncadd.s32 $0xFFFF9800  }
0x2f: {  	[spmem:s9] =	stream.linear.scatter [tilespmem:s25], [sflag:$0x2], $0x6800, $0x38;
	[tilespmem:$0x1EA80] =	vst v63  }
0x30: {  	_ =	swait.ge [sflag:s26], $0x6800  }
0x31: {  	[sflag:s26] =	ssyncset.done $0x0  }
0x32: {  	[sflag:s26] =	ssyncadd.s32 $0xFFFF9800  }
0x33: {  	[spmem:s10] =	stream.linear.scatter [tilespmem:s25], [sflag:$0x2], $0x6800, $0x38;
	[tilespmem:$0x1EA80] =	vst v63  }
0x34: {  	_ =	swait.ge [sflag:s26], $0x6800  }
0x35: {  	[sflag:s26] =	ssyncset.done $0x0  }
0x36: {  	s17 =	simm.s32 @!p0 $0x4A00;
	[sflag:s26] =	ssyncadd.s32 $0xFFFF9800  }
0x37: {  	[spmem:s11] =	stream.linear.scatter @!p0 [tilespmem:s17], [sflag:$0x2], $0x800, $0x38;
	[tilespmem:$0x1EA80] =	vst v63  }
0x38: {  	s17 =	simm.s32 @!p0 $0x2  }
0x39: {  	_ =	swait.ge @!p0 [sflag:s17], $0x800  }
0x3a: {  	[sflag:s17] =	ssyncset.done @!p0 $0x0  }
0x3b: {  	[sflag:s17] =	ssyncadd.s32 @!p0 $0xFFFFF800  }
0x3c: {  	s21 =	sadd.s32 $0x0, s24;
	[bflag:$0x0] =	sbarrier.arrive $0xFFFF  }
0x3d: {  	[tilespmem:s2], [sflag:$0x2] =	stream.linear.gather [hbm4b:s21+s2], $0x80, $0x38;
	[tilespmem:$0x1EA80] =	vst v63  }
0x3e: {  	_ =	swait.ge [sflag:s26], $0x80  }
0x3f: {  	[sflag:s26] =	ssyncset.done $0x0  }
0x40: {  	s22 =	sadd.s32 $0x0, s23;
	[sflag:s26] =	ssyncadd.s32 $0xFFFFFF80  }
0x41: {  	[tilespmem:s28], [sflag:$0x2] =	stream.linear.gather [hbm4b:s22+s2], $0x80, $0x38;
	[tilespmem:$0x1EA80] =	vst v63  }
0x42: {  	_ =	swait.ge [sflag:s26], $0x80  }
0x43: {  	[sflag:s26] =	ssyncset.done $0x0  }
0x44: {  	[sflag:s26] =	ssyncadd.s32 $0xFFFFFF80  }
0x45: {  	[tilespmem:s29], [sflag:$0x1] =	stream.indirect.gather [hbm4b:s3+s28], $0x80, s2, s28, $0xb8;
	[tilespmem:$0x1EA80] =	vst v63  }
0x46: {  	_ =	swait.ge [sflag:s30], $0x4000  }
0x47: {  	[sflag:s30] =	ssyncset.done $0x0  }
0x48: {  	[sflag:s30] =	ssyncadd.s32 $0xFFFFC000  }
0x49: {  	[spmem:s1] =	stream.indirect.scatter.add.f32 [tilespmem:s29], [sflag:$0x2], $0x80, s28, s28, $0xb8;
	[tilespmem:$0x1EA80] =	vst v63  }
0x4a: {  	_ =	swait.ge [sflag:s26], $0x4000  }
0x4b: {  	s18 =	simm.s32 $0x20;
	s17 =	simm.s32 $0x10;
	[sflag:s26] =	ssyncset.done $0x0  }
.LBB2_4:
0x4c: {  	s19 =	sadd.s32 s17, s24  }
0x4d: {  	[sflag:s26] =	ssyncadd.s32 $0xFFFFC000;
	s20 =	smov.u32 s18;
	s21 =	sadd.s32 $0x10, s18  }
0x4e: {  	[tilespmem:s2], [sflag:$0x2] =	stream.linear.gather [hbm4b:s19+s2], $0x80, $0x38;
	[tilespmem:$0x1EA80] =	vst v63  }
0x4f: {  	p1 =	sne.s32 s18, $0x4D0;
	_ =	swait.ge [sflag:s26], $0x80  }
0x50: {  	[sflag:s26] =	ssyncset.done $0x0  }
0x51: {  	s18 =	sadd.s32 s17, s23;
	s17 =	smov.u32 s20;
	[sflag:s26] =	ssyncadd.s32 $0xFFFFFF80  }
0x52: {  	[tilespmem:s28], [sflag:$0x2] =	stream.linear.gather [hbm4b:s18+s2], $0x80, $0x38;
	[tilespmem:$0x1EA80] =	vst v63  }
0x53: {  	_ =	swait.ge [sflag:s26], $0x80  }
0x54: {  	[sflag:s26] =	ssyncset.done $0x0  }
0x55: {  	[sflag:s26] =	ssyncadd.s32 $0xFFFFFF80  }
0x56: {  	[tilespmem:s29], [sflag:$0x1] =	stream.indirect.gather [hbm4b:s3+s28], $0x80, s2, s28, $0xb8;
	[tilespmem:$0x1EA80] =	vst v63  }
0x57: {  	_ =	swait.ge [sflag:s30], $0x4000  }
.Ltmp1:
0x58: {  	[sflag:s30] =	ssyncset.done $0x0;
	(pc) =	sbr.rel @p1 .LBB2_4-.Ltmp1, $4  }
0x59: {  	[sflag:s30] =	ssyncadd.s32 $0xFFFFC000  }
0x5a: {  	[spmem:s1] =	stream.indirect.scatter.add.f32 [tilespmem:s29], [sflag:$0x2], $0x80, s28, s28, $0xb8;
	[tilespmem:$0x1EA80] =	vst v63  }
0x5b: {  	_ =	swait.ge [sflag:s26], $0x4000  }
0x5c: {  	s18 =	smov.u32 s21;
	[sflag:s26] =	ssyncset.done $0x0  }
0x5d: {  	s18 =	sadd.s32 s17, s24;
	[sflag:s26] =	ssyncadd.s32 $0xFFFFC000  }
0x5e: {  	[tilespmem:s2], [sflag:$0x2] =	stream.linear.gather [hbm4b:s18+s2], $0x80, $0x38;
	[tilespmem:$0x1EA80] =	vst v63  }
0x5f: {  	_ =	swait.ge [sflag:s26], $0x80  }
0x60: {  	[sflag:s26] =	ssyncset.done $0x0  }
0x61: {  	s20 =	sadd.s32 s17, s23;
	[sflag:s26] =	ssyncadd.s32 $0xFFFFFF80  }
0x62: {  	[tilespmem:s28], [sflag:$0x2] =	stream.linear.gather [hbm4b:s20+s2], $0x80, $0x38;
	[tilespmem:$0x1EA80] =	vst v63  }
0x63: {  	_ =	swait.ge [sflag:s26], $0x80  }
0x64: {  	[sflag:s26] =	ssyncset.done $0x0  }
0x65: {  	[sflag:s26] =	ssyncadd.s32 $0xFFFFFF80  }
0x66: {  	[tilespmem:s29], [sflag:$0x1] =	stream.indirect.gather [hbm4b:s3+s28], $0x80, s2, s28, $0xb8;
	[tilespmem:$0x1EA80] =	vst v63  }
0x67: {  	_ =	swait.ge [sflag:s30], $0x4000  }
0x68: {  	[sflag:s30] =	ssyncset.done $0x0  }
0x69: {  	[sflag:s30] =	ssyncadd.s32 $0xFFFFC000  }
0x6a: {  	[spmem:s1] =	stream.indirect.scatter.add.f32 [tilespmem:s29], [sflag:$0x2], $0x80, s28, s28, $0xb8;
	[tilespmem:$0x1EA80] =	vst v63  }
0x6b: {  	_ =	swait.ge [sflag:s26], $0x4000  }
0x6c: {  	[sflag:s26] =	ssyncset.done $0x0  }
0x6d: {  	[sflag:s26] =	ssyncadd.s32 $0xFFFFC000  }
0x6e: {  	[tilespmem:s31], [sflag:$0x2] =	stream.linear.gather [hbm4b:s12+s2], $0x10, $0x38;
	[tilespmem:$0x1EA80] =	vst v63  }
0x6f: {  	_ =	swait.ge [sflag:s26], $0x10  }
0x70: {  	[sflag:s26] =	ssyncset.done $0x0  }
0x71: {  	[sflag:s26] =	ssyncadd.s32 $0xFFFFFFF0  }
0x72: {  	[tilespmem:s0], [sflag:$0x2] =	stream.linear.gather [hbm4b:s14+s2], $0x10, $0x38;
	[tilespmem:$0x1EA80] =	vst v63  }
0x73: {  	_ =	swait.ge [sflag:s26], $0x10  }
0x74: {  	[sflag:s26] =	ssyncset.done $0x0  }
0x75: {  	[sflag:s26] =	ssyncadd.s32 $0xFFFFFFF0  }
0x76: {  	[tilespmem:s15], [sflag:$0x1] =	stream.indirect.gather [hbm4b:s3+s6], $0x80, s31, s6, $0xb8;
	[tilespmem:$0x1EA80] =	vst v63  }
0x77: {  	_ =	swait.ge [sflag:s30], $0x800  }
0x78: {  	[sflag:s30] =	ssyncset.done $0x0  }
0x79: {  	[sflag:s30] =	ssyncadd.s32 $0xFFFFF800  }
0x7a: {  	[spmem:s1] =	stream.indirect.scatter.add.f32 [tilespmem:s15], [sflag:$0x2], $0x80, s0, s6, $0xb8;
	[tilespmem:$0x1EA80] =	vst v63  }
0x7b: {  	_ =	swait.ge [sflag:s26], $0x800  }
0x7c: {  	[sflag:s26] =	ssyncset.done $0x0  }
0x7d: {  	s9 =	stileid.u32;
	[sflag:s26] =	ssyncadd.s32 $0xFFFFF800  }
0x7e: {  	s21 =	sshll.u32 s9, $0x6;
	[bflag:$0x0] =	sbarrier.arrive $0xFFFF  }
0x7f: {  	s18 =	sshrl.u32 s8, $0x3;
	s17 =	sor.u32 $0x1C02, s21;
	s22 =	rddreg [dreg:$0x4]  }
0x80: {  	[hbm:s22], [sflag:s17] =	dma.local [spmem:s18], $0x2700  }
0x81: {  	_ =	swait.ge [sflag:s26], $0x2700  }
0x82: {  	s19 =	sshrl.u32 @!p0 s11, $0x3;
	[sflag:s26] =	ssyncset.done $0x0  }
0x83: {  	s20 =	simm.s32 @!p0 $0x2;
	s9 =	rddreg [dreg:$0x5];
	[sflag:s26] =	ssyncadd.s32 $0xFFFFD900  }
0x84: {  	[hbm:s9], [sflag:s17] =	dma.local @!p0 [spmem:s19], $0x100  }
0x85: {  	_ =	swait.ge @!p0 [sflag:s20], $0x100  }
0x86: {  	[sflag:s20] =	ssyncset.done @!p0 $0x0  }
0x87: {  	[sflag:s20] =	ssyncadd.s32 @!p0 $0xFFFFFF00  }
0x88: {  	[spmem:s8] =	stream.linear.scatter [tilespmem:s25], [sflag:$0x2], $0x6800, $0x38;
	[tilespmem:$0x1EA80] =	vst v63  }
0x89: {  	_ =	swait.ge [sflag:s26], $0x6800  }
0x8a: {  	[sflag:s26] =	ssyncset.done $0x0  }
0x8b: {  	s13 =	rddreg [dreg:$0x3];
	[sflag:s26] =	ssyncadd.s32 $0xFFFF9800  }
0x8c: {  	[spmem:s13] =	stream.linear.scatter [tilespmem:s25], [sflag:$0x2], $0x6800, $0x38;
	[tilespmem:$0x1EA80] =	vst v63  }
0x8d: {  	_ =	swait.ge [sflag:s26], $0x6800  }
0x8e: {  	[sflag:s26] =	ssyncset.done $0x0  }
0x8f: {  	[sflag:s26] =	ssyncadd.s32 $0xFFFF9800  }
0x90: {  	[spmem:s10] =	stream.linear.scatter [tilespmem:s25], [sflag:$0x2], $0x6800, $0x38;
	[tilespmem:$0x1EA80] =	vst v63  }
0x91: {  	_ =	swait.ge [sflag:s26], $0x6800  }
0x92: {  	[sflag:s26] =	ssyncset.done $0x0  }
0x93: {  	s21 =	simm.s32 @!p0 $0x4A00;
	[sflag:s26] =	ssyncadd.s32 $0xFFFF9800  }
0x94: {  	[spmem:s11] =	stream.linear.scatter @!p0 [tilespmem:s21], [sflag:$0x2], $0x800, $0x38;
	[tilespmem:$0x1EA80] =	vst v63  }
0x95: {  	_ =	swait.ge @!p0 [sflag:s20], $0x800  }
0x96: {  	[sflag:s20] =	ssyncset.done @!p0 $0x0  }
0x97: {  	[sflag:s20] =	ssyncadd.s32 @!p0 $0xFFFFF800  }
0x98: {  	s21 =	sadd.s32 $0x0, s24;
	[bflag:$0x0] =	sbarrier.arrive $0xFFFF  }
0x99: {  	[tilespmem:s2], [sflag:$0x2] =	stream.linear.gather [hbm4b:s21+s2], $0x80, $0x38;
	[tilespmem:$0x1EA80] =	vst v63  }
0x9a: {  	_ =	swait.ge [sflag:s26], $0x80  }
0x9b: {  	[sflag:s26] =	ssyncset.done $0x0  }
0x9c: {  	s22 =	sadd.s32 $0x0, s23;
	[sflag:s26] =	ssyncadd.s32 $0xFFFFFF80  }
0x9d: {  	[tilespmem:s28], [sflag:$0x2] =	stream.linear.gather [hbm4b:s22+s2], $0x80, $0x38;
	[tilespmem:$0x1EA80] =	vst v63  }
0x9e: {  	_ =	swait.ge [sflag:s26], $0x80  }
0x9f: {  	[sflag:s26] =	ssyncset.done $0x0  }
0xa0: {  	[sflag:s26] =	ssyncadd.s32 $0xFFFFFF80  }
0xa1: {  	[tilespmem:s29], [sflag:$0x1] =	stream.indirect.gather [hbm4b:s4+s28], $0x80, s2, s28, $0xb8;
	[tilespmem:$0x1EA80] =	vst v63  }
0xa2: {  	_ =	swait.ge [sflag:s30], $0x4000  }
0xa3: {  	[sflag:s30] =	ssyncset.done $0x0  }
0xa4: {  	[sflag:s30] =	ssyncadd.s32 $0xFFFFC000  }
0xa5: {  	[spmem:s1] =	stream.indirect.scatter.add.f32 [tilespmem:s29], [sflag:$0x2], $0x80, s28, s28, $0xb8;
	[tilespmem:$0x1EA80] =	vst v63  }
0xa6: {  	_ =	swait.ge [sflag:s26], $0x4000  }
0xa7: {  	s20 =	simm.s32 $0x10;
	s21 =	simm.s32 $0x20;
	[sflag:s26] =	ssyncset.done $0x0  }
.LBB2_6:
0xa8: {  	s22 =	sadd.s32 s20, s24  }
0xa9: {  	[sflag:s26] =	ssyncadd.s32 $0xFFFFC000;
	s13 =	smov.u32 s21;
	s9 =	sadd.s32 $0x10, s21  }
0xaa: {  	[tilespmem:s2], [sflag:$0x2] =	stream.linear.gather [hbm4b:s22+s2], $0x80, $0x38;
	[tilespmem:$0x1EA80] =	vst v63  }
0xab: {  	p1 =	sne.s32 s21, $0x4D0;
	_ =	swait.ge [sflag:s26], $0x80  }
0xac: {  	[sflag:s26] =	ssyncset.done $0x0  }
0xad: {  	s21 =	sadd.s32 s20, s23;
	s20 =	smov.u32 s13;
	[sflag:s26] =	ssyncadd.s32 $0xFFFFFF80  }
0xae: {  	[tilespmem:s28], [sflag:$0x2] =	stream.linear.gather [hbm4b:s21+s2], $0x80, $0x38;
	[tilespmem:$0x1EA80] =	vst v63  }
0xaf: {  	_ =	swait.ge [sflag:s26], $0x80  }
0xb0: {  	[sflag:s26] =	ssyncset.done $0x0  }
0xb1: {  	[sflag:s26] =	ssyncadd.s32 $0xFFFFFF80  }
0xb2: {  	[tilespmem:s29], [sflag:$0x1] =	stream.indirect.gather [hbm4b:s4+s28], $0x80, s2, s28, $0xb8;
	[tilespmem:$0x1EA80] =	vst v63  }
0xb3: {  	_ =	swait.ge [sflag:s30], $0x4000  }
.Ltmp2:
0xb4: {  	[sflag:s30] =	ssyncset.done $0x0;
	(pc) =	sbr.rel @p1 .LBB2_6-.Ltmp2, $4  }
0xb5: {  	[sflag:s30] =	ssyncadd.s32 $0xFFFFC000  }
0xb6: {  	[spmem:s1] =	stream.indirect.scatter.add.f32 [tilespmem:s29], [sflag:$0x2], $0x80, s28, s28, $0xb8;
	[tilespmem:$0x1EA80] =	vst v63  }
0xb7: {  	_ =	swait.ge [sflag:s26], $0x4000  }
0xb8: {  	s21 =	smov.u32 s9;
	[sflag:s26] =	ssyncset.done $0x0  }
0xb9: {  	s9 =	sadd.s32 s20, s24;
	[sflag:s26] =	ssyncadd.s32 $0xFFFFC000  }
0xba: {  	[tilespmem:s2], [sflag:$0x2] =	stream.linear.gather [hbm4b:s9+s2], $0x80, $0x38;
	[tilespmem:$0x1EA80] =	vst v63  }
0xbb: {  	_ =	swait.ge [sflag:s26], $0x80  }
0xbc: {  	[sflag:s26] =	ssyncset.done $0x0  }
0xbd: {  	s13 =	sadd.s32 s20, s23;
	[sflag:s26] =	ssyncadd.s32 $0xFFFFFF80  }
0xbe: {  	[tilespmem:s28], [sflag:$0x2] =	stream.linear.gather [hbm4b:s13+s2], $0x80, $0x38;
	[tilespmem:$0x1EA80] =	vst v63  }
0xbf: {  	_ =	swait.ge [sflag:s26], $0x80  }
0xc0: {  	[sflag:s26] =	ssyncset.done $0x0  }
0xc1: {  	[sflag:s26] =	ssyncadd.s32 $0xFFFFFF80  }
0xc2: {  	[tilespmem:s29], [sflag:$0x1] =	stream.indirect.gather [hbm4b:s4+s28], $0x80, s2, s28, $0xb8;
	[tilespmem:$0x1EA80] =	vst v63  }
0xc3: {  	_ =	swait.ge [sflag:s30], $0x4000  }
0xc4: {  	[sflag:s30] =	ssyncset.done $0x0  }
0xc5: {  	[sflag:s30] =	ssyncadd.s32 $0xFFFFC000  }
0xc6: {  	[spmem:s1] =	stream.indirect.scatter.add.f32 [tilespmem:s29], [sflag:$0x2], $0x80, s28, s28, $0xb8;
	[tilespmem:$0x1EA80] =	vst v63  }
0xc7: {  	_ =	swait.ge [sflag:s26], $0x4000  }
0xc8: {  	[sflag:s26] =	ssyncset.done $0x0  }
0xc9: {  	[sflag:s26] =	ssyncadd.s32 $0xFFFFC000  }
0xca: {  	[tilespmem:s31], [sflag:$0x2] =	stream.linear.gather [hbm4b:s12+s2], $0x10, $0x38;
	[tilespmem:$0x1EA80] =	vst v63  }
0xcb: {  	_ =	swait.ge [sflag:s26], $0x10  }
0xcc: {  	[sflag:s26] =	ssyncset.done $0x0  }
0xcd: {  	[sflag:s26] =	ssyncadd.s32 $0xFFFFFFF0  }
0xce: {  	[tilespmem:s0], [sflag:$0x2] =	stream.linear.gather [hbm4b:s14+s2], $0x10, $0x38;
	[tilespmem:$0x1EA80] =	vst v63  }
0xcf: {  	_ =	swait.ge [sflag:s26], $0x10  }
0xd0: {  	[sflag:s26] =	ssyncset.done $0x0  }
0xd1: {  	[sflag:s26] =	ssyncadd.s32 $0xFFFFFFF0  }
0xd2: {  	[tilespmem:s15], [sflag:$0x1] =	stream.indirect.gather [hbm4b:s4+s6], $0x80, s31, s6, $0xb8;
	[tilespmem:$0x1EA80] =	vst v63  }
0xd3: {  	_ =	swait.ge [sflag:s30], $0x800  }
0xd4: {  	[sflag:s30] =	ssyncset.done $0x0  }
0xd5: {  	[sflag:s30] =	ssyncadd.s32 $0xFFFFF800  }
0xd6: {  	[spmem:s1] =	stream.indirect.scatter.add.f32 [tilespmem:s15], [sflag:$0x2], $0x80, s0, s6, $0xb8;
	[tilespmem:$0x1EA80] =	vst v63  }
0xd7: {  	_ =	swait.ge [sflag:s26], $0x800  }
0xd8: {  	[sflag:s26] =	ssyncset.done $0x0  }
0xd9: {  	[sflag:s26] =	ssyncadd.s32 $0xFFFFF800  }
0xda: {  	[bflag:$0x0] =	sbarrier.arrive $0xFFFF  }
0xdb: {  	s20 =	rddreg [dreg:$0x6]  }
0xdc: {  	[hbm:s20], [sflag:s17] =	dma.local [spmem:s18], $0x2700  }
0xdd: {  	_ =	swait.ge [sflag:s26], $0x2700  }
0xde: {  	[sflag:s26] =	ssyncset.done $0x0  }
0xdf: {  	s9 =	rddreg [dreg:$0x7];
	[sflag:s26] =	ssyncadd.s32 $0xFFFFD900  }
0xe0: {  	[hbm:s9], [sflag:s17] =	dma.local @!p0 [spmem:s19], $0x100  }
0xe1: {  	s9 =	simm.s32 @!p0 $0x2  }
0xe2: {  	_ =	swait.ge @!p0 [sflag:s9], $0x100  }
0xe3: {  	[sflag:s9] =	ssyncset.done @!p0 $0x0  }
0xe4: {  	[sflag:s9] =	ssyncadd.s32 @!p0 $0xFFFFFF00  }
0xe5: {  	[spmem:s8] =	stream.linear.scatter [tilespmem:s25], [sflag:$0x2], $0x6800, $0x38;
	[tilespmem:$0x1EA80] =	vst v63  }
0xe6: {  	_ =	swait.ge [sflag:s26], $0x6800  }
0xe7: {  	[sflag:s26] =	ssyncset.done $0x0  }
0xe8: {  	s13 =	rddreg [dreg:$0x3];
	[sflag:s26] =	ssyncadd.s32 $0xFFFF9800  }
0xe9: {  	[spmem:s13] =	stream.linear.scatter [tilespmem:s25], [sflag:$0x2], $0x6800, $0x38;
	[tilespmem:$0x1EA80] =	vst v63  }
0xea: {  	_ =	swait.ge [sflag:s26], $0x6800  }
0xeb: {  	[sflag:s26] =	ssyncset.done $0x0  }
0xec: {  	[sflag:s26] =	ssyncadd.s32 $0xFFFF9800  }
0xed: {  	[spmem:s10] =	stream.linear.scatter [tilespmem:s25], [sflag:$0x2], $0x6800, $0x38;
	[tilespmem:$0x1EA80] =	vst v63  }
0xee: {  	_ =	swait.ge [sflag:s26], $0x6800  }
0xef: {  	[sflag:s26] =	ssyncset.done $0x0  }
0xf0: {  	s13 =	simm.s32 @!p0 $0x4A00;
	[sflag:s26] =	ssyncadd.s32 $0xFFFF9800  }
0xf1: {  	[spmem:s11] =	stream.linear.scatter @!p0 [tilespmem:s13], [sflag:$0x2], $0x800, $0x38;
	[tilespmem:$0x1EA80] =	vst v63  }
0xf2: {  	_ =	swait.ge @!p0 [sflag:s9], $0x800  }
0xf3: {  	[sflag:s9] =	ssyncset.done @!p0 $0x0  }
0xf4: {  	[sflag:s9] =	ssyncadd.s32 @!p0 $0xFFFFF800  }
0xf5: {  	s21 =	sadd.s32 $0x0, s24;
	[bflag:$0x0] =	sbarrier.arrive $0xFFFF  }
0xf6: {  	[tilespmem:s2], [sflag:$0x2] =	stream.linear.gather [hbm4b:s21+s2], $0x80, $0x38;
	[tilespmem:$0x1EA80] =	vst v63  }
0xf7: {  	_ =	swait.ge [sflag:s26], $0x80  }
0xf8: {  	[sflag:s26] =	ssyncset.done $0x0  }
0xf9: {  	s22 =	sadd.s32 $0x0, s23;
	[sflag:s26] =	ssyncadd.s32 $0xFFFFFF80  }
0xfa: {  	[tilespmem:s28], [sflag:$0x2] =	stream.linear.gather [hbm4b:s22+s2], $0x80, $0x38;
	[tilespmem:$0x1EA80] =	vst v63  }
0xfb: {  	_ =	swait.ge [sflag:s26], $0x80  }
0xfc: {  	[sflag:s26] =	ssyncset.done $0x0  }
0xfd: {  	[sflag:s26] =	ssyncadd.s32 $0xFFFFFF80  }
0xfe: {  	[tilespmem:s29], [sflag:$0x1] =	stream.indirect.gather [hbm4b:s5+s28], $0x80, s2, s28, $0xb8;
	[tilespmem:$0x1EA80] =	vst v63  }
0xff: {  	_ =	swait.ge [sflag:s30], $0x4000  }
0x100: {  	[sflag:s30] =	ssyncset.done $0x0  }
0x101: {  	[sflag:s30] =	ssyncadd.s32 $0xFFFFC000  }
0x102: {  	[spmem:s1] =	stream.indirect.scatter.add.f32 [tilespmem:s29], [sflag:$0x2], $0x80, s28, s28, $0xb8;
	[tilespmem:$0x1EA80] =	vst v63  }
0x103: {  	_ =	swait.ge [sflag:s26], $0x4000  }
0x104: {  	s20 =	simm.s32 $0x10;
	s21 =	simm.s32 $0x20;
	[sflag:s26] =	ssyncset.done $0x0  }
.LBB2_8:
0x105: {  	s9 =	sadd.s32 s20, s24  }
0x106: {  	[sflag:s26] =	ssyncadd.s32 $0xFFFFC000;
	s13 =	smov.u32 s21;
	s22 =	sadd.s32 $0x10, s21  }
0x107: {  	[tilespmem:s2], [sflag:$0x2] =	stream.linear.gather [hbm4b:s9+s2], $0x80, $0x38;
	[tilespmem:$0x1EA80] =	vst v63  }
0x108: {  	p1 =	sne.s32 s21, $0x4D0;
	_ =	swait.ge [sflag:s26], $0x80  }
0x109: {  	[sflag:s26] =	ssyncset.done $0x0  }
0x10a: {  	s9 =	sadd.s32 s20, s23;
	s20 =	smov.u32 s13;
	[sflag:s26] =	ssyncadd.s32 $0xFFFFFF80  }
0x10b: {  	[tilespmem:s28], [sflag:$0x2] =	stream.linear.gather [hbm4b:s9+s2], $0x80, $0x38;
	[tilespmem:$0x1EA80] =	vst v63  }
0x10c: {  	_ =	swait.ge [sflag:s26], $0x80  }
0x10d: {  	[sflag:s26] =	ssyncset.done $0x0  }
0x10e: {  	[sflag:s26] =	ssyncadd.s32 $0xFFFFFF80  }
0x10f: {  	[tilespmem:s29], [sflag:$0x1] =	stream.indirect.gather [hbm4b:s5+s28], $0x80, s2, s28, $0xb8;
	[tilespmem:$0x1EA80] =	vst v63  }
0x110: {  	_ =	swait.ge [sflag:s30], $0x4000  }
.Ltmp3:
0x111: {  	[sflag:s30] =	ssyncset.done $0x0;
	(pc) =	sbr.rel @p1 .LBB2_8-.Ltmp3, $4  }
0x112: {  	[sflag:s30] =	ssyncadd.s32 $0xFFFFC000  }
0x113: {  	[spmem:s1] =	stream.indirect.scatter.add.f32 [tilespmem:s29], [sflag:$0x2], $0x80, s28, s28, $0xb8;
	[tilespmem:$0x1EA80] =	vst v63  }
0x114: {  	_ =	swait.ge [sflag:s26], $0x4000  }
0x115: {  	s21 =	smov.u32 s22;
	[sflag:s26] =	ssyncset.done $0x0  }
0x116: {  	s9 =	sadd.s32 s20, s24;
	[sflag:s26] =	ssyncadd.s32 $0xFFFFC000  }
0x117: {  	[tilespmem:s2], [sflag:$0x2] =	stream.linear.gather [hbm4b:s9+s2], $0x80, $0x38;
	[tilespmem:$0x1EA80] =	vst v63  }
0x118: {  	_ =	swait.ge [sflag:s26], $0x80  }
0x119: {  	[sflag:s26] =	ssyncset.done $0x0  }
0x11a: {  	s13 =	sadd.s32 s20, s23;
	[sflag:s26] =	ssyncadd.s32 $0xFFFFFF80  }
0x11b: {  	[tilespmem:s28], [sflag:$0x2] =	stream.linear.gather [hbm4b:s13+s2], $0x80, $0x38;
	[tilespmem:$0x1EA80] =	vst v63  }
0x11c: {  	_ =	swait.ge [sflag:s26], $0x80  }
0x11d: {  	[sflag:s26] =	ssyncset.done $0x0  }
0x11e: {  	[sflag:s26] =	ssyncadd.s32 $0xFFFFFF80  }
0x11f: {  	[tilespmem:s29], [sflag:$0x1] =	stream.indirect.gather [hbm4b:s5+s28], $0x80, s2, s28, $0xb8;
	[tilespmem:$0x1EA80] =	vst v63  }
0x120: {  	_ =	swait.ge [sflag:s30], $0x4000  }
0x121: {  	[sflag:s30] =	ssyncset.done $0x0  }
0x122: {  	[sflag:s30] =	ssyncadd.s32 $0xFFFFC000  }
0x123: {  	[spmem:s1] =	stream.indirect.scatter.add.f32 [tilespmem:s29], [sflag:$0x2], $0x80, s28, s28, $0xb8;
	[tilespmem:$0x1EA80] =	vst v63  }
0x124: {  	_ =	swait.ge [sflag:s26], $0x4000  }
0x125: {  	[sflag:s26] =	ssyncset.done $0x0  }
0x126: {  	[sflag:s26] =	ssyncadd.s32 $0xFFFFC000  }
0x127: {  	[tilespmem:s31], [sflag:$0x2] =	stream.linear.gather [hbm4b:s12+s2], $0x10, $0x38;
	[tilespmem:$0x1EA80] =	vst v63  }
0x128: {  	_ =	swait.ge [sflag:s26], $0x10  }
0x129: {  	[sflag:s26] =	ssyncset.done $0x0  }
0x12a: {  	[sflag:s26] =	ssyncadd.s32 $0xFFFFFFF0  }
0x12b: {  	[tilespmem:s0], [sflag:$0x2] =	stream.linear.gather [hbm4b:s14+s2], $0x10, $0x38;
	[tilespmem:$0x1EA80] =	vst v63  }
0x12c: {  	_ =	swait.ge [sflag:s26], $0x10  }
0x12d: {  	[sflag:s26] =	ssyncset.done $0x0  }
0x12e: {  	[sflag:s26] =	ssyncadd.s32 $0xFFFFFFF0  }
0x12f: {  	[tilespmem:s15], [sflag:$0x1] =	stream.indirect.gather [hbm4b:s5+s6], $0x80, s31, s6, $0xb8;
	[tilespmem:$0x1EA80] =	vst v63  }
0x130: {  	_ =	swait.ge [sflag:s30], $0x800  }
0x131: {  	[sflag:s30] =	ssyncset.done $0x0  }
0x132: {  	[sflag:s30] =	ssyncadd.s32 $0xFFFFF800  }
0x133: {  	[spmem:s1] =	stream.indirect.scatter.add.f32 [tilespmem:s15], [sflag:$0x2], $0x80, s0, s6, $0xb8;
	[tilespmem:$0x1EA80] =	vst v63  }
0x134: {  	_ =	swait.ge [sflag:s26], $0x800  }
0x135: {  	[sflag:s26] =	ssyncset.done $0x0  }
0x136: {  	[sflag:s26] =	ssyncadd.s32 $0xFFFFF800  }
0x137: {  	[bflag:$0x0] =	sbarrier.arrive $0xFFFF  }
0x138: {  	s20 =	rddreg [dreg:$0x8]  }
0x139: {  	[hbm:s20], [sflag:s17] =	dma.local [spmem:s18], $0x2700  }
0x13a: {  	_ =	swait.ge [sflag:s26], $0x2700  }
0x13b: {  	[sflag:s26] =	ssyncset.done $0x0  }
0x13c: {  	s9 =	rddreg [dreg:$0x9];
	[sflag:s26] =	ssyncadd.s32 $0xFFFFD900  }
0x13d: {  	[hbm:s9], [sflag:s17] =	dma.local @!p0 [spmem:s19], $0x100  }
0x13e: {  	s9 =	simm.s32 @!p0 $0x2  }
0x13f: {  	_ =	swait.ge @!p0 [sflag:s9], $0x100  }
0x140: {  	[sflag:s9] =	ssyncset.done @!p0 $0x0  }
0x141: {  	[sflag:s9] =	ssyncadd.s32 @!p0 $0xFFFFFF00  }
0x142: {  	[spmem:s8] =	stream.linear.scatter [tilespmem:s25], [sflag:$0x2], $0x6800, $0x38;
	[tilespmem:$0x1EA80] =	vst v63  }
0x143: {  	_ =	swait.ge [sflag:s26], $0x6800  }
0x144: {  	[sflag:s26] =	ssyncset.done $0x0  }
0x145: {  	s13 =	rddreg [dreg:$0x3];
	[sflag:s26] =	ssyncadd.s32 $0xFFFF9800  }
0x146: {  	[spmem:s13] =	stream.linear.scatter [tilespmem:s25], [sflag:$0x2], $0x6800, $0x38;
	[tilespmem:$0x1EA80] =	vst v63  }
0x147: {  	_ =	swait.ge [sflag:s26], $0x6800  }
0x148: {  	[sflag:s26] =	ssyncset.done $0x0  }
0x149: {  	[sflag:s26] =	ssyncadd.s32 $0xFFFF9800  }
0x14a: {  	[spmem:s10] =	stream.linear.scatter [tilespmem:s25], [sflag:$0x2], $0x6800, $0x38;
	[tilespmem:$0x1EA80] =	vst v63  }
0x14b: {  	_ =	swait.ge [sflag:s26], $0x6800  }
0x14c: {  	[sflag:s26] =	ssyncset.done $0x0  }
0x14d: {  	s13 =	simm.s32 @!p0 $0x4A00;
	[sflag:s26] =	ssyncadd.s32 $0xFFFF9800  }
0x14e: {  	[spmem:s11] =	stream.linear.scatter @!p0 [tilespmem:s13], [sflag:$0x2], $0x800, $0x38;
	[tilespmem:$0x1EA80] =	vst v63  }
0x14f: {  	_ =	swait.ge @!p0 [sflag:s9], $0x800  }
0x150: {  	[sflag:s9] =	ssyncset.done @!p0 $0x0  }
0x151: {  	[sflag:s9] =	ssyncadd.s32 @!p0 $0xFFFFF800  }
0x152: {  	s21 =	sadd.s32 $0x0, s24;
	[bflag:$0x0] =	sbarrier.arrive $0xFFFF  }
0x153: {  	[tilespmem:s2], [sflag:$0x2] =	stream.linear.gather [hbm4b:s21+s2], $0x80, $0x38;
	[tilespmem:$0x1EA80] =	vst v63  }
0x154: {  	_ =	swait.ge [sflag:s26], $0x80  }
0x155: {  	[sflag:s26] =	ssyncset.done $0x0  }
0x156: {  	s22 =	sadd.s32 $0x0, s23;
	[sflag:s26] =	ssyncadd.s32 $0xFFFFFF80  }
0x157: {  	[tilespmem:s28], [sflag:$0x2] =	stream.linear.gather [hbm4b:s22+s2], $0x80, $0x38;
	[tilespmem:$0x1EA80] =	vst v63  }
0x158: {  	_ =	swait.ge [sflag:s26], $0x80  }
0x159: {  	[sflag:s26] =	ssyncset.done $0x0  }
0x15a: {  	[sflag:s26] =	ssyncadd.s32 $0xFFFFFF80  }
0x15b: {  	[tilespmem:s29], [sflag:$0x1] =	stream.indirect.gather [hbm4b:s7+s28], $0x80, s2, s28, $0xb8;
	[tilespmem:$0x1EA80] =	vst v63  }
0x15c: {  	_ =	swait.ge [sflag:s30], $0x4000  }
0x15d: {  	[sflag:s30] =	ssyncset.done $0x0  }
0x15e: {  	[sflag:s30] =	ssyncadd.s32 $0xFFFFC000  }
0x15f: {  	[spmem:s1] =	stream.indirect.scatter.add.f32 [tilespmem:s29], [sflag:$0x2], $0x80, s28, s28, $0xb8;
	[tilespmem:$0x1EA80] =	vst v63  }
0x160: {  	_ =	swait.ge [sflag:s26], $0x4000  }
0x161: {  	s20 =	simm.s32 $0x10;
	s21 =	simm.s32 $0x20;
	[sflag:s26] =	ssyncset.done $0x0  }
.LBB2_10:
0x162: {  	s9 =	sadd.s32 s20, s24  }
0x163: {  	[sflag:s26] =	ssyncadd.s32 $0xFFFFC000;
	s13 =	smov.u32 s21;
	s22 =	sadd.s32 $0x10, s21  }
0x164: {  	[tilespmem:s2], [sflag:$0x2] =	stream.linear.gather [hbm4b:s9+s2], $0x80, $0x38;
	[tilespmem:$0x1EA80] =	vst v63  }
0x165: {  	p1 =	sne.s32 s21, $0x4D0;
	_ =	swait.ge [sflag:s26], $0x80  }
0x166: {  	[sflag:s26] =	ssyncset.done $0x0  }
0x167: {  	s9 =	sadd.s32 s20, s23;
	s20 =	smov.u32 s13;
	[sflag:s26] =	ssyncadd.s32 $0xFFFFFF80  }
0x168: {  	[tilespmem:s28], [sflag:$0x2] =	stream.linear.gather [hbm4b:s9+s2], $0x80, $0x38;
	[tilespmem:$0x1EA80] =	vst v63  }
0x169: {  	_ =	swait.ge [sflag:s26], $0x80  }
0x16a: {  	[sflag:s26] =	ssyncset.done $0x0  }
0x16b: {  	[sflag:s26] =	ssyncadd.s32 $0xFFFFFF80  }
0x16c: {  	[tilespmem:s29], [sflag:$0x1] =	stream.indirect.gather [hbm4b:s7+s28], $0x80, s2, s28, $0xb8;
	[tilespmem:$0x1EA80] =	vst v63  }
0x16d: {  	_ =	swait.ge [sflag:s30], $0x4000  }
.Ltmp4:
0x16e: {  	[sflag:s30] =	ssyncset.done $0x0;
	(pc) =	sbr.rel @p1 .LBB2_10-.Ltmp4, $4  }
0x16f: {  	[sflag:s30] =	ssyncadd.s32 $0xFFFFC000  }
0x170: {  	[spmem:s1] =	stream.indirect.scatter.add.f32 [tilespmem:s29], [sflag:$0x2], $0x80, s28, s28, $0xb8;
	[tilespmem:$0x1EA80] =	vst v63  }
0x171: {  	_ =	swait.ge [sflag:s26], $0x4000  }
0x172: {  	s21 =	smov.u32 s22;
	[sflag:s26] =	ssyncset.done $0x0  }
0x173: {  	s9 =	sadd.s32 s20, s24;
	[sflag:s26] =	ssyncadd.s32 $0xFFFFC000  }
0x174: {  	[tilespmem:s2], [sflag:$0x2] =	stream.linear.gather [hbm4b:s9+s2], $0x80, $0x38;
	[tilespmem:$0x1EA80] =	vst v63  }
0x175: {  	_ =	swait.ge [sflag:s26], $0x80  }
0x176: {  	[sflag:s26] =	ssyncset.done $0x0  }
0x177: {  	s21 =	sadd.s32 s20, s23;
	[sflag:s26] =	ssyncadd.s32 $0xFFFFFF80  }
0x178: {  	[tilespmem:s28], [sflag:$0x2] =	stream.linear.gather [hbm4b:s21+s2], $0x80, $0x38;
	[tilespmem:$0x1EA80] =	vst v63  }
0x179: {  	_ =	swait.ge [sflag:s26], $0x80  }
0x17a: {  	[sflag:s26] =	ssyncset.done $0x0  }
0x17b: {  	[sflag:s26] =	ssyncadd.s32 $0xFFFFFF80  }
0x17c: {  	[tilespmem:s29], [sflag:$0x1] =	stream.indirect.gather [hbm4b:s7+s28], $0x80, s2, s28, $0xb8;
	[tilespmem:$0x1EA80] =	vst v63  }
0x17d: {  	_ =	swait.ge [sflag:s30], $0x4000  }
0x17e: {  	[sflag:s30] =	ssyncset.done $0x0  }
0x17f: {  	[sflag:s30] =	ssyncadd.s32 $0xFFFFC000  }
0x180: {  	[spmem:s1] =	stream.indirect.scatter.add.f32 [tilespmem:s29], [sflag:$0x2], $0x80, s28, s28, $0xb8;
	[tilespmem:$0x1EA80] =	vst v63  }
0x181: {  	_ =	swait.ge [sflag:s26], $0x4000  }
0x182: {  	[sflag:s26] =	ssyncset.done $0x0  }
0x183: {  	[sflag:s26] =	ssyncadd.s32 $0xFFFFC000  }
0x184: {  	[tilespmem:s31], [sflag:$0x2] =	stream.linear.gather [hbm4b:s12+s2], $0x10, $0x38;
	[tilespmem:$0x1EA80] =	vst v63  }
0x185: {  	_ =	swait.ge [sflag:s26], $0x10  }
0x186: {  	[sflag:s26] =	ssyncset.done $0x0  }
0x187: {  	[sflag:s26] =	ssyncadd.s32 $0xFFFFFFF0  }
0x188: {  	[tilespmem:s0], [sflag:$0x2] =	stream.linear.gather [hbm4b:s14+s2], $0x10, $0x38;
	[tilespmem:$0x1EA80] =	vst v63  }
0x189: {  	_ =	swait.ge [sflag:s26], $0x10  }
0x18a: {  	[sflag:s26] =	ssyncset.done $0x0  }
0x18b: {  	[sflag:s26] =	ssyncadd.s32 $0xFFFFFFF0  }
0x18c: {  	[tilespmem:s15], [sflag:$0x1] =	stream.indirect.gather [hbm4b:s7+s6], $0x80, s31, s6, $0xb8;
	[tilespmem:$0x1EA80] =	vst v63  }
0x18d: {  	_ =	swait.ge [sflag:s30], $0x800  }
0x18e: {  	[sflag:s30] =	ssyncset.done $0x0  }
0x18f: {  	[sflag:s30] =	ssyncadd.s32 $0xFFFFF800  }
0x190: {  	[spmem:s1] =	stream.indirect.scatter.add.f32 [tilespmem:s15], [sflag:$0x2], $0x80, s0, s6, $0xb8;
	[tilespmem:$0x1EA80] =	vst v63  }
0x191: {  	_ =	swait.ge [sflag:s26], $0x800  }
0x192: {  	[sflag:s26] =	ssyncset.done $0x0  }
0x193: {  	[sflag:s26] =	ssyncadd.s32 $0xFFFFF800  }
0x194: {  	[bflag:$0x0] =	sbarrier.arrive $0xFFFF  }
0x195: {  	s22 =	rddreg [dreg:$0xa]  }
0x196: {  	[hbm:s22], [sflag:s17] =	dma.local [spmem:s18], $0x2700  }
0x197: {  	_ =	swait.ge [sflag:s26], $0x2700  }
0x198: {  	[sflag:s26] =	ssyncset.done $0x0  }
0x199: {  	s9 =	rddreg [dreg:$0xb];
	[sflag:s26] =	ssyncadd.s32 $0xFFFFD900  }
0x19a: {  	[hbm:s9], [sflag:s17] =	dma.local @!p0 [spmem:s19], $0x100  }
0x19b: {  	s9 =	simm.s32 @!p0 $0x2  }
0x19c: {  	_ =	swait.ge @!p0 [sflag:s9], $0x100  }
0x19d: {  	s16 =	sadd.s32 $0x1, s16;
	s13 =	rddreg [dreg:$0xc]  }
0x19e: {  	p1 =	sne.s32 s16, s13  }
.Ltmp5:
0x19f: {  	_ = 	snop;
	(pc) =	sbr.rel @p1 .LBB2_1-.Ltmp5, $3  }
0x1a0: {  	_ =	sdelay $0x1  }
0x1a1: {  	[sflag:s9] =	ssyncset.done @!p0 $0x0  }
0x1a2: {  	[sflag:s9] =	ssyncadd.s32 @!p0 $0xFFFFFF00  }
0x1a3: {  	_ =	sfence.sel $0x180000  }
0x1a4: {  	[bflag:$0x0] =	sbarrier.arrive $0xFFFF  }
0x1a5: {  	_ =	strace $0x90000056  }
0x1a6: {  	s0 =	stileid.u32;
	[bflag:$0x2] =	sbarrier.arrive $0xFFFF  }
0x1a7: {  	p0 =	sne.s32 s0, $0x0;
	s0 =	rddreg [dreg:$0x2]  }
0x1a8: {  	s0 =	sadd.s32 @!p0 $0x100000, s0  }
0x1a9: {  	[sflag:s0] =	ssyncadd.tile.s32 @!p0 $0x1;
	_ =	shalt  }
.Lfunc_end2:
_tile_overlayer_lowered:
.L_overlay_start_2:
0x1aa: {  	(tag) =	ssettag $0x2  }
0x1ab: {  	s0 =	rddreg [dreg:$0x0];
	s2 =	stileid.u32  }
0x1ac: {  	s1 =	rddreg [dreg:$0x1];
	p0 =	sne.s32 s2, $0x0  }
0x1ad: {  	s3 =	rddreg [dreg:$0x2];
	[bflag:$0x3] =	sbarrier.arrive $0xFFFF;
	s2 =	simm.s32 @!p0 $0x1C02  }
0x1ae: {  	[timem:s3], [sflag:s2] =	dma.local @!p0 [hbm:s0], s1  }
0x1af: {  	s0 =	simm.s32 @!p0 $0x2  }
0x1b0: {  	_ =	swait.ge @!p0 [sflag:s0], s1  }
0x1b1: {  	s1 =	ssub.s32 @!p0 $0x0, s1;
	[sflag:s0] =	ssyncset.done @!p0 $0x0  }
0x1b2: {  	[sflag:s0] =	ssyncadd.s32 @!p0 s1  }
0x1b3: {  	[bflag:$0x3] =	sbarrier.arrive $0xFFFF  }
0x1b4: {  	_ =	shalt  }

</sc_bundles>
